<compile_context>
chip_gen: v7x
topology: tpu7x:2x2x1
jax: 0.10.2.dev20260603
libtpu: 0.0.44.dev20260713+nightly
codegen_flags: <defaults>
</compile_context>

<pallas_src>
import functools

import jax
import jax.numpy as jnp
from jax import lax
from jax.experimental import pallas as pl
from jax.experimental.pallas import tpu as pltpu
from jax.experimental.pallas import tpu_sc as plsc

N = 10000
NP = 10240
E = 160000
NT = 16
C = 128
K = 80
KH = K // 2
EPT = K * C
EP = NT * EPT
RPT = NP // NT
H = 128
F1, FH, FO = 256, 256, 128
R = 512


def _sc_mesh():
    return plsc.VectorSubcoreMesh(core_axis_name="c", subcore_axis_name="s")


def _deg_sc(dstf, zeros_np):

    @functools.partial(
        pl.kernel,
        out_type=jax.ShapeDtypeStruct((NP,), jnp.float32),
        mesh=_sc_mesh(),
        compiler_params=pltpu.CompilerParams(needs_layout_passes=False),
        scratch_types=[
            pltpu.VMEM((EPT,), jnp.int32),
            pltpu.VMEM((NP,), jnp.float32),
            pltpu.VMEM((NT, RPT), jnp.float32),
            pltpu.VMEM((RPT,), jnp.float32),
            pltpu.VMEM_SHARED((NT, NP), jnp.float32),
        ],
    )
    def k(dst_hbm, z_hbm, deg_hbm, dstv, dloc, tmp, tot, spall):
        c = lax.axis_index("c")
        s = lax.axis_index("s")
        pltpu.sync_copy(dst_hbm.at[s], dstv)
        pltpu.sync_copy(z_hbm, dloc)
        ones = jnp.ones((16,), jnp.float32)

        def body(i, carry):
            idx = dstv[pl.ds(i * 16, 16)]
            plsc.addupdate_scatter(dloc, [idx], ones)
            return carry

        lax.fori_loop(0, EPT // 16, body, 0)
        pltpu.sync_copy(dloc, spall.at[s])
        plsc.subcore_barrier()
        pltpu.sync_copy(spall.at[:, pl.ds(s * RPT, RPT)], tmp)

        def mbody(i, carry):
            v = tmp[0, pl.ds(i * 16, 16)]
            for t in range(1, NT):
                v = v + tmp[t, pl.ds(i * 16, 16)]
            tot[pl.ds(i * 16, 16)] = v
            return carry

        lax.fori_loop(0, RPT // 16, mbody, 0)

        @pl.when(c == 0)
        def _():
            pltpu.sync_copy(tot, deg_hbm.at[pl.ds(s * RPT, RPT)])

    return k(dstf, zeros_np)


def _prop_half_sc(init_a, init_b, hh_a, hh_b, src3h, dst3h):

    @functools.partial(
        pl.kernel,
        out_type=(
            jax.ShapeDtypeStruct((NP, H), jnp.float32),
            jax.ShapeDtypeStruct((NP, H), jnp.float32),
        ),
        mesh=_sc_mesh(),
        compiler_params=pltpu.CompilerParams(needs_layout_passes=False),
        scratch_types=[
            pltpu.VMEM((KH, C), jnp.int32),
            pltpu.VMEM((KH, C), jnp.int32),
            pltpu.VMEM((2, C, H), jnp.float32),
            pltpu.SemaphoreType.DMA((2,)),
            pltpu.VMEM_SHARED((NP, H), jnp.float32),
        ],
    )
    def k(ia, ib, ha, hb, s3, d3, oa, ob, srcv, dstv, buf, sems, acc):
        c = lax.axis_index("c")
        s = lax.axis_index("s")
        pltpu.sync_copy(s3.at[s], srcv)
        pltpu.sync_copy(d3.at[s], dstv)
        r0 = s * RPT

        def run(init, hh, out):
            pltpu.sync_copy(init.at[pl.ds(r0, RPT)], acc.at[pl.ds(r0, RPT)])
            plsc.subcore_barrier()
            pltpu.async_copy(hh.at[srcv.at[0]], buf.at[0], sems.at[0])
            pltpu.async_copy(hh.at[srcv.at[1]], buf.at[1], sems.at[1])

            def body(i, carry):
                for b in range(2):
                    kk = i * 2 + b
                    pltpu.make_async_copy(
                        hh.at[srcv.at[kk]], buf.at[b], sems.at[b]
                    ).wait()
                    pltpu.sync_copy(buf.at[b], acc.at[dstv.at[kk]], add=True)
                    nk = kk + 2

                    @pl.when(nk < KH)
                    def _():
                        pltpu.async_copy(hh.at[srcv.at[nk]], buf.at[b], sems.at[b])

                return carry

            lax.fori_loop(0, KH // 2, body, 0)
            plsc.subcore_barrier()
            pltpu.sync_copy(acc.at[pl.ds(r0, RPT)], out.at[pl.ds(r0, RPT)])

        @pl.when(c == 0)
        def _():
            run(ia, ha, oa)

        @pl.when(c == 1)
        def _():
            run(ib, hb, ob)

    return k(init_a, init_b, hh_a, hh_b, src3h, dst3h)


def _prop_sc(hh_a, hh_b, idx):
    s3a, d3a, s3b, d3b = idx
    p_a, p_b = _prop_half_sc(hh_a, hh_b, hh_a, hh_b, s3a, d3a)
    return _prop_half_sc(p_a, p_b, hh_a, hh_b, s3b, d3b)


def _tc_first(xp, deg2, W):

    def body(x_ref, deg_ref, w_ref, oa_ref, ob_ref):
        dinv = lax.rsqrt(deg_ref[...] + 1.0)
        m = jnp.dot(
            x_ref[...], w_ref[...],
            preferred_element_type=jnp.float32,
            precision=lax.Precision.HIGHEST,
        )
        hh = m * dinv
        oa_ref[...] = hh[:, :H]
        ob_ref[...] = hh[:, H:]

    return pl.pallas_call(
        body,
        grid=(NP // R,),
        in_specs=[
            pl.BlockSpec((R, F1), lambda i: (i, 0)),
            pl.BlockSpec((R, 1), lambda i: (i, 0)),
            pl.BlockSpec((F1, FH), lambda i: (0, 0)),
        ],
        out_specs=[
            pl.BlockSpec((R, H), lambda i: (i, 0)),
            pl.BlockSpec((R, H), lambda i: (i, 0)),
        ],
        out_shape=[jax.ShapeDtypeStruct((NP, H), jnp.float32)] * 2,
    )(xp, deg2, W)


def _tc_mid(aa, ab, deg2, bias_prev, W, Dout):
    Din = FH

    def body(aa_ref, ab_ref, deg_ref, b_ref, w_ref, oa_ref, ob_ref):
        dinv = lax.rsqrt(deg_ref[...] + 1.0)
        z = jnp.concatenate([aa_ref[...], ab_ref[...]], axis=1) * dinv + b_ref[...]
        t = jnp.maximum(z, 0.0)
        hh = jnp.dot(
            t, w_ref[...],
            preferred_element_type=jnp.float32,
            precision=lax.Precision.HIGHEST,
        ) * dinv
        if Dout < 2 * H:
            pad = jnp.zeros((R, H - Dout // 2), jnp.float32)
            oa_ref[...] = jnp.concatenate([hh[:, : Dout // 2], pad], axis=1)
            ob_ref[...] = jnp.concatenate([hh[:, Dout // 2 :], pad], axis=1)
        else:
            oa_ref[...] = hh[:, :H]
            ob_ref[...] = hh[:, H:]

    return pl.pallas_call(
        body,
        grid=(NP // R,),
        in_specs=[
            pl.BlockSpec((R, H), lambda i: (i, 0)),
            pl.BlockSpec((R, H), lambda i: (i, 0)),
            pl.BlockSpec((R, 1), lambda i: (i, 0)),
            pl.BlockSpec((1, Din), lambda i: (0, 0)),
            pl.BlockSpec((Din, Dout), lambda i: (0, 0)),
        ],
        out_specs=[
            pl.BlockSpec((R, H), lambda i: (i, 0)),
            pl.BlockSpec((R, H), lambda i: (i, 0)),
        ],
        out_shape=[jax.ShapeDtypeStruct((NP, H), jnp.float32)] * 2,
    )(aa, ab, deg2, bias_prev, W)


def _tc_final(aa, ab, deg2, bias):

    def body(aa_ref, ab_ref, deg_ref, b_ref, o_ref):
        dinv = lax.rsqrt(deg_ref[...] + 1.0)
        z = (
            jnp.concatenate(
                [aa_ref[...][:, : FO // 2], ab_ref[...][:, : FO // 2]], axis=1
            )
            * dinv
            + b_ref[...]
        )
        m = jnp.max(z, axis=1, keepdims=True)
        e = jnp.exp(z - m)
        ssum = jnp.sum(e, axis=1, keepdims=True)
        o_ref[...] = z - m - jnp.log(ssum)

    return pl.pallas_call(
        body,
        grid=(NP // R,),
        in_specs=[
            pl.BlockSpec((R, H), lambda i: (i, 0)),
            pl.BlockSpec((R, H), lambda i: (i, 0)),
            pl.BlockSpec((R, 1), lambda i: (i, 0)),
            pl.BlockSpec((1, FO), lambda i: (0, 0)),
        ],
        out_specs=pl.BlockSpec((R, FO), lambda i: (i, 0)),
        out_shape=jax.ShapeDtypeStruct((N, FO), jnp.float32),
    )(aa, ab, deg2, bias)


def kernel(x, edge_index, W1, b1, Wh, bh, W2, b2):
    ei = edge_index.astype(jnp.int32)
    padv = N + (jnp.arange(EP - E, dtype=jnp.int32) % (NP - N))
    src = jnp.concatenate([ei[0], padv])
    dst = jnp.concatenate([ei[1], padv])
    src3 = src.reshape(NT, K, C)
    dst3 = dst.reshape(NT, K, C)
    idx = (
        src3[:, :KH],
        dst3[:, :KH],
        src3[:, KH:],
        dst3[:, KH:],
    )
    dstf = dst.reshape(NT, EPT)
    xp = jnp.pad(x, ((0, NP - N), (0, 0)))
    zeros_np = jnp.zeros((NP,), jnp.float32)

    deg = _deg_sc(dstf, zeros_np)
    deg2 = deg.reshape(NP, 1)

    hh_a, hh_b = _tc_first(xp, deg2, W1)
    a1, a1b = _prop_sc(hh_a, hh_b, idx)
    hh_a, hh_b = _tc_mid(a1, a1b, deg2, b1.reshape(1, FH), Wh, FH)
    a2, a2b = _prop_sc(hh_a, hh_b, idx)
    hh_a, hh_b = _tc_mid(a2, a2b, deg2, bh.reshape(1, FH), W2, FO)
    a3, a3b = _prop_sc(hh_a, hh_b, idx)
    return _tc_final(a3, a3b, deg2, b2.reshape(1, FO))

# --- scband reference (transcript-rebuilt; emitter-appended) ---
"""Pipeline reference for scband-net-60919816126470 (READ-ONLY COPY).

The authoritative reference and input builder live on the scoring server;
editing this copy changes nothing except your own understanding.
"""

import jax, jax.numpy as jnp
import numpy as np

N_NODES = 10000


def gcn_conv(x, edge_index, W, b, num_nodes):
    # GCNConv with self-loops and symmetric normalization (PyG semantics)
    loop = jnp.arange(num_nodes, dtype=edge_index.dtype)
    src = jnp.concatenate([edge_index[0], loop])
    dst = jnp.concatenate([edge_index[1], loop])
    ones = jnp.ones(src.shape[0], dtype=x.dtype)
    deg = jax.ops.segment_sum(ones, dst, num_segments=num_nodes)
    dinv = jnp.where(deg > 0, 1.0 / jnp.sqrt(deg), 0.0)
    norm = dinv[src] * dinv[dst]
    h = x @ W
    msg = h[src] * norm[:, None]
    out = jax.ops.segment_sum(msg, dst, num_segments=num_nodes)
    return out + b


def setup_inputs(seed: int = 0) -> dict:
    key = jax.random.key(seed)
    ks = jax.random.split(key, 8)
    in_feats, hidden_feats, out_feats = 256, 256, 128
    x = jax.random.normal(ks[0], (N_NODES, in_feats), dtype=jnp.float32)
    edge_index = jax.random.randint(ks[1], (2, 160000), 0, N_NODES, dtype=jnp.int64)
    s1 = 1.0 / np.sqrt(in_feats)
    sh = 1.0 / np.sqrt(hidden_feats)
    W1 = jax.random.uniform(ks[2], (in_feats, hidden_feats), jnp.float32, -s1, s1)
    b1 = jnp.zeros((hidden_feats,), jnp.float32)
    Wh = jax.random.uniform(ks[3], (hidden_feats, hidden_feats), jnp.float32, -sh, sh)
    bh = jnp.zeros((hidden_feats,), jnp.float32)
    W2 = jax.random.uniform(ks[4], (hidden_feats, out_feats), jnp.float32, -sh, sh)
    b2 = jnp.zeros((out_feats,), jnp.float32)
    return {"x": x, "edge_index": edge_index, "W1": W1, "b1": b1, "Wh": Wh, "bh": bh, "W2": W2, "b2": b2}


def reference(x, edge_index, W1, b1, Wh, bh, W2, b2):
    # Net.forward with training=False (dropout is identity in eval mode)
    h = jax.nn.relu(gcn_conv(x, edge_index, W1, b1, N_NODES))
    h = jax.nn.relu(gcn_conv(h, edge_index, Wh, bh, N_NODES))
    h = gcn_conv(h, edge_index, W2, b2, N_NODES)
    return jax.nn.log_softmax(h, axis=1)

if __name__ == "__main__":
    import jax
    _d = setup_inputs()
    print(jax.jit(kernel)(*tuple(_d.values())))

</pallas_src>

<mosaic_0001>
#map = affine_map<(d0, d1) -> (0, 0)>
#map1 = affine_map<(d0, d1) -> (0)>
module attributes {stable_mosaic.version = 14 : i64} {
  func.func @k(%arg0: i32, %arg1: i32, %arg2: memref<16x10240xi32, #tpu.memory_space<hbm>>, %arg3: memref<10240xf32, #tpu.memory_space<hbm>>, %arg4: memref<10240xf32, #tpu.memory_space<hbm>>, %arg5: memref<10240xi32, #tpu.memory_space<vmem>>, %arg6: memref<10240xf32, #tpu.memory_space<vmem>>, %arg7: memref<16x640xf32, #tpu.memory_space<vmem>>, %arg8: memref<640xf32, #tpu.memory_space<vmem>>, %arg9: memref<16x10240xf32, #tpu.memory_space<vmem_shared>>) attributes {dimension_semantics = [#tpu.dimension_semantics<core_parallel>, #tpu.dimension_semantics<subcore_parallel>], iteration_bounds = array<i64: 2, 16>, scalar_prefetch = 0 : i64, scratch_operands = 5 : i64, tpu.core_type = #tpu.core_type<sc_vector_subcore>, window_params = [{transform_indices = #map}, {transform_indices = #map1}, {transform_indices = #map1}]} {
    "tpu.region"() ({
      %run_scoped3A = tpu.sem_alloc : memref<!tpu.dma_semaphore, #tpu.memory_space<semaphore_mem>>
      %dma_start3A = arith.constant 0 : i32
      %dma_start3A_15 = tpu.memref_slice %arg2[%arg1, %dma_start3A] : memref<16x10240xi32, #tpu.memory_space<hbm>> -> memref<1x10240xi32, #tpu.memory_space<hbm>>
      %dma_start3A_16 = tpu.memref_squeeze %dma_start3A_15 : memref<1x10240xi32, #tpu.memory_space<hbm>> -> memref<10240xi32, #tpu.memory_space<hbm>>
      %dma_start3A_17 = arith.constant 0 : i32
      %dma_start3A_18 = tpu.memref_slice %arg2[%arg1, %dma_start3A_17] : memref<16x10240xi32, #tpu.memory_space<hbm>> -> memref<1x10240xi32, #tpu.memory_space<hbm>>
      %dma_start3A_19 = tpu.memref_squeeze %dma_start3A_18 : memref<1x10240xi32, #tpu.memory_space<hbm>> -> memref<10240xi32, #tpu.memory_space<hbm>>
      tpu.enqueue_dma source(%dma_start3A_19 : memref<10240xi32, #tpu.memory_space<hbm>>) target(%arg5 : memref<10240xi32, #tpu.memory_space<vmem>>) target_semaphore(%run_scoped3A : memref<!tpu.dma_semaphore, #tpu.memory_space<semaphore_mem>>)
      %dma_wait3A = arith.constant 0 : i32
      %dma_wait3A_20 = tpu.memref_slice %arg2[%arg1, %dma_wait3A] : memref<16x10240xi32, #tpu.memory_space<hbm>> -> memref<1x10240xi32, #tpu.memory_space<hbm>>
      %dma_wait3A_21 = tpu.memref_squeeze %dma_wait3A_20 : memref<1x10240xi32, #tpu.memory_space<hbm>> -> memref<10240xi32, #tpu.memory_space<hbm>>
      %dma_wait3A_22 = arith.constant 0 : i32
      %dma_wait3A_23 = tpu.memref_slice %arg2[%arg1, %dma_wait3A_22] : memref<16x10240xi32, #tpu.memory_space<hbm>> -> memref<1x10240xi32, #tpu.memory_space<hbm>>
      %dma_wait3A_24 = tpu.memref_squeeze %dma_wait3A_23 : memref<1x10240xi32, #tpu.memory_space<hbm>> -> memref<10240xi32, #tpu.memory_space<hbm>>
      tpu.wait_dma2 semaphore(%run_scoped3A : memref<!tpu.dma_semaphore, #tpu.memory_space<semaphore_mem>>) src(%dma_wait3A_24 : memref<10240xi32, #tpu.memory_space<hbm>>) dst(%arg5 : memref<10240xi32, #tpu.memory_space<vmem>>)
      tpu.yield
    }) : () -> ()
    "tpu.region"() ({
      %run_scoped3A = tpu.sem_alloc : memref<!tpu.dma_semaphore, #tpu.memory_space<semaphore_mem>>
      tpu.enqueue_dma source(%arg3 : memref<10240xf32, #tpu.memory_space<hbm>>) target(%arg6 : memref<10240xf32, #tpu.memory_space<vmem>>) target_semaphore(%run_scoped3A : memref<!tpu.dma_semaphore, #tpu.memory_space<semaphore_mem>>)
      tpu.wait_dma2 semaphore(%run_scoped3A : memref<!tpu.dma_semaphore, #tpu.memory_space<semaphore_mem>>) src(%arg3 : memref<10240xf32, #tpu.memory_space<hbm>>) dst(%arg6 : memref<10240xf32, #tpu.memory_space<vmem>>)
      tpu.yield
    }) : () -> ()
    %broadcast_in_dim3A = arith.constant 1.000000e+00 : f32
    %broadcast_in_dim3A_0 = vector.broadcast %broadcast_in_dim3A : f32 to vector<16xf32>
    %scan3A = arith.constant 0 : i32
    %scan3A_1 = arith.constant 0 : i32
    %scan3A_2 = arith.constant 640 : i32
    %scan3A_3 = arith.addi %scan3A_1, %scan3A_2 : i32
    %scan3A_4 = arith.constant 1 : i32
    scf.for %scan3A_15 = %scan3A_1 to %scan3A_3 step %scan3A_4  : i32 {
      %mul3A_16 = arith.constant 16 : i32
      %mul3A_17 = arith.muli %scan3A_15, %mul3A_16 : i32
      %get3A = arith.index_cast %mul3A_17 : i32 to index
      %get3A_18 = tpu.vector_load %arg5[%get3A] {strides = array<i32>} : memref<10240xi32, #tpu.memory_space<vmem>>, vector<16xi32>,
      tpu.vector_store_idx %arg6[%get3A_18], %broadcast_in_dim3A_0 {add = true} : memref<10240xf32, #tpu.memory_space<vmem>>[vector<16xi32>], vector<16xf32>,
    }
    %scan3A_5 = arith.constant 640 : i32
    "tpu.region"() ({
      %run_scoped3A = tpu.sem_alloc : memref<!tpu.dma_semaphore, #tpu.memory_space<semaphore_mem>>
      %dma_start3A = arith.constant 0 : i32
      %dma_start3A_15 = tpu.memref_slice %arg9[%arg1, %dma_start3A] : memref<16x10240xf32, #tpu.memory_space<vmem_shared>> -> memref<1x10240xf32, #tpu.memory_space<vmem_shared>>
      %dma_start3A_16 = tpu.memref_squeeze %dma_start3A_15 : memref<1x10240xf32, #tpu.memory_space<vmem_shared>> -> memref<10240xf32, #tpu.memory_space<vmem_shared>>
      %dma_start3A_17 = arith.constant 0 : i32
      %dma_start3A_18 = tpu.memref_slice %arg9[%arg1, %dma_start3A_17] : memref<16x10240xf32, #tpu.memory_space<vmem_shared>> -> memref<1x10240xf32, #tpu.memory_space<vmem_shared>>
      %dma_start3A_19 = tpu.memref_squeeze %dma_start3A_18 : memref<1x10240xf32, #tpu.memory_space<vmem_shared>> -> memref<10240xf32, #tpu.memory_space<vmem_shared>>
      tpu.enqueue_dma source(%arg6 : memref<10240xf32, #tpu.memory_space<vmem>>) target(%dma_start3A_19 : memref<10240xf32, #tpu.memory_space<vmem_shared>>) target_semaphore(%run_scoped3A : memref<!tpu.dma_semaphore, #tpu.memory_space<semaphore_mem>>)
      %dma_wait3A = arith.constant 0 : i32
      %dma_wait3A_20 = tpu.memref_slice %arg9[%arg1, %dma_wait3A] : memref<16x10240xf32, #tpu.memory_space<vmem_shared>> -> memref<1x10240xf32, #tpu.memory_space<vmem_shared>>
      %dma_wait3A_21 = tpu.memref_squeeze %dma_wait3A_20 : memref<1x10240xf32, #tpu.memory_space<vmem_shared>> -> memref<10240xf32, #tpu.memory_space<vmem_shared>>
      %dma_wait3A_22 = arith.constant 0 : i32
      %dma_wait3A_23 = tpu.memref_slice %arg9[%arg1, %dma_wait3A_22] : memref<16x10240xf32, #tpu.memory_space<vmem_shared>> -> memref<1x10240xf32, #tpu.memory_space<vmem_shared>>
      %dma_wait3A_24 = tpu.memref_squeeze %dma_wait3A_23 : memref<1x10240xf32, #tpu.memory_space<vmem_shared>> -> memref<10240xf32, #tpu.memory_space<vmem_shared>>
      tpu.wait_dma2 semaphore(%run_scoped3A : memref<!tpu.dma_semaphore, #tpu.memory_space<semaphore_mem>>) src(%arg6 : memref<10240xf32, #tpu.memory_space<vmem>>) dst(%dma_wait3A_24 : memref<10240xf32, #tpu.memory_space<vmem_shared>>)
      tpu.yield
    }) : () -> ()
    %barrier3A = arith.constant 0 : index
    tpu.barrier barrier_id(%barrier3A)
    %mul3A = arith.constant 640 : i32
    %mul3A_6 = arith.muli %arg1, %mul3A : i32
    "tpu.region"() ({
      %run_scoped3A = tpu.sem_alloc : memref<!tpu.dma_semaphore, #tpu.memory_space<semaphore_mem>>
      %dma_start3A = arith.constant 0 : i32
      %dma_start3A_15 = tpu.memref_slice %arg9[%dma_start3A, %mul3A_6] : memref<16x10240xf32, #tpu.memory_space<vmem_shared>> -> memref<16x640xf32, #tpu.memory_space<vmem_shared>>
      %dma_start3A_16 = arith.constant 0 : i32
      %dma_start3A_17 = tpu.memref_slice %arg9[%dma_start3A_16, %mul3A_6] : memref<16x10240xf32, #tpu.memory_space<vmem_shared>> -> memref<16x640xf32, #tpu.memory_space<vmem_shared>>
      tpu.enqueue_dma source(%dma_start3A_17 : memref<16x640xf32, #tpu.memory_space<vmem_shared>>) target(%arg7 : memref<16x640xf32, #tpu.memory_space<vmem>>) target_semaphore(%run_scoped3A : memref<!tpu.dma_semaphore, #tpu.memory_space<semaphore_mem>>)
      %dma_wait3A = arith.constant 0 : i32
      %dma_wait3A_18 = tpu.memref_slice %arg9[%dma_wait3A, %mul3A_6] : memref<16x10240xf32, #tpu.memory_space<vmem_shared>> -> memref<16x640xf32, #tpu.memory_space<vmem_shared>>
      %dma_wait3A_19 = arith.constant 0 : i32
      %dma_wait3A_20 = tpu.memref_slice %arg9[%dma_wait3A_19, %mul3A_6] : memref<16x10240xf32, #tpu.memory_space<vmem_shared>> -> memref<16x640xf32, #tpu.memory_space<vmem_shared>>
      tpu.wait_dma2 semaphore(%run_scoped3A : memref<!tpu.dma_semaphore, #tpu.memory_space<semaphore_mem>>) src(%dma_wait3A_20 : memref<16x640xf32, #tpu.memory_space<vmem_shared>>) dst(%arg7 : memref<16x640xf32, #tpu.memory_space<vmem>>)
      tpu.yield
    }) : () -> ()
    %scan3A_7 = arith.constant 0 : i32
    %scan3A_8 = arith.constant 0 : i32
    %scan3A_9 = arith.constant 40 : i32
    %scan3A_10 = arith.addi %scan3A_8, %scan3A_9 : i32
    %scan3A_11 = arith.constant 1 : i32
    scf.for %scan3A_15 = %scan3A_8 to %scan3A_10 step %scan3A_11  : i32 {
      %mul3A_16 = arith.constant 16 : i32
      %mul3A_17 = arith.muli %scan3A_15, %mul3A_16 : i32
      %get3A = arith.constant 0 : i32
      %get3A_18 = arith.index_cast %get3A : i32 to index
      %get3A_19 = arith.index_cast %mul3A_17 : i32 to index
      %get3A_20 = tpu.vector_load %arg7[%get3A_18, %get3A_19] {strides = array<i32>} : memref<16x640xf32, #tpu.memory_space<vmem>>, vector<16xf32>,
      %mul3A_21 = arith.constant 16 : i32
      %mul3A_22 = arith.muli %scan3A_15, %mul3A_21 : i32
      %get3A_23 = arith.constant 1 : i32
      %get3A_24 = arith.index_cast %get3A_23 : i32 to index
      %get3A_25 = arith.index_cast %mul3A_22 : i32 to index
      %get3A_26 = tpu.vector_load %arg7[%get3A_24, %get3A_25] {strides = array<i32>} : memref<16x640xf32, #tpu.memory_space<vmem>>, vector<16xf32>,
      %add3A = arith.addf %get3A_20, %get3A_26 : vector<16xf32>
      %mul3A_27 = arith.constant 16 : i32
      %mul3A_28 = arith.muli %scan3A_15, %mul3A_27 : i32
      %get3A_29 = arith.constant 2 : i32
      %get3A_30 = arith.index_cast %get3A_29 : i32 to index
      %get3A_31 = arith.index_cast %mul3A_28 : i32 to index
      %get3A_32 = tpu.vector_load %arg7[%get3A_30, %get3A_31] {strides = array<i32>} : memref<16x640xf32, #tpu.memory_space<vmem>>, vector<16xf32>,
      %add3A_33 = arith.addf %add3A, %get3A_32 : vector<16xf32>
      %mul3A_34 = arith.constant 16 : i32
      %mul3A_35 = arith.muli %scan3A_15, %mul3A_34 : i32
      %get3A_36 = arith.constant 3 : i32
      %get3A_37 = arith.index_cast %get3A_36 : i32 to index
      %get3A_38 = arith.index_cast %mul3A_35 : i32 to index
      %get3A_39 = tpu.vector_load %arg7[%get3A_37, %get3A_38] {strides = array<i32>} : memref<16x640xf32, #tpu.memory_space<vmem>>, vector<16xf32>,
      %add3A_40 = arith.addf %add3A_33, %get3A_39 : vector<16xf32>
      %mul3A_41 = arith.constant 16 : i32
      %mul3A_42 = arith.muli %scan3A_15, %mul3A_41 : i32
      %get3A_43 = arith.constant 4 : i32
      %get3A_44 = arith.index_cast %get3A_43 : i32 to index
      %get3A_45 = arith.index_cast %mul3A_42 : i32 to index
      %get3A_46 = tpu.vector_load %arg7[%get3A_44, %get3A_45] {strides = array<i32>} : memref<16x640xf32, #tpu.memory_space<vmem>>, vector<16xf32>,
      %add3A_47 = arith.addf %add3A_40, %get3A_46 : vector<16xf32>
      %mul3A_48 = arith.constant 16 : i32
      %mul3A_49 = arith.muli %scan3A_15, %mul3A_48 : i32
      %get3A_50 = arith.constant 5 : i32
      %get3A_51 = arith.index_cast %get3A_50 : i32 to index
      %get3A_52 = arith.index_cast %mul3A_49 : i32 to index
      %get3A_53 = tpu.vector_load %arg7[%get3A_51, %get3A_52] {strides = array<i32>} : memref<16x640xf32, #tpu.memory_space<vmem>>, vector<16xf32>,
      %add3A_54 = arith.addf %add3A_47, %get3A_53 : vector<16xf32>
      %mul3A_55 = arith.constant 16 : i32
      %mul3A_56 = arith.muli %scan3A_15, %mul3A_55 : i32
      %get3A_57 = arith.constant 6 : i32
      %get3A_58 = arith.index_cast %get3A_57 : i32 to index
      %get3A_59 = arith.index_cast %mul3A_56 : i32 to index
      %get3A_60 = tpu.vector_load %arg7[%get3A_58, %get3A_59] {strides = array<i32>} : memref<16x640xf32, #tpu.memory_space<vmem>>, vector<16xf32>,
      %add3A_61 = arith.addf %add3A_54, %get3A_60 : vector<16xf32>
      %mul3A_62 = arith.constant 16 : i32
      %mul3A_63 = arith.muli %scan3A_15, %mul3A_62 : i32
      %get3A_64 = arith.constant 7 : i32
      %get3A_65 = arith.index_cast %get3A_64 : i32 to index
      %get3A_66 = arith.index_cast %mul3A_63 : i32 to index
      %get3A_67 = tpu.vector_load %arg7[%get3A_65, %get3A_66] {strides = array<i32>} : memref<16x640xf32, #tpu.memory_space<vmem>>, vector<16xf32>,
      %add3A_68 = arith.addf %add3A_61, %get3A_67 : vector<16xf32>
      %mul3A_69 = arith.constant 16 : i32
      %mul3A_70 = arith.muli %scan3A_15, %mul3A_69 : i32
      %get3A_71 = arith.constant 8 : i32
      %get3A_72 = arith.index_cast %get3A_71 : i32 to index
      %get3A_73 = arith.index_cast %mul3A_70 : i32 to index
      %get3A_74 = tpu.vector_load %arg7[%get3A_72, %get3A_73] {strides = array<i32>} : memref<16x640xf32, #tpu.memory_space<vmem>>, vector<16xf32>,
      %add3A_75 = arith.addf %add3A_68, %get3A_74 : vector<16xf32>
      %mul3A_76 = arith.constant 16 : i32
      %mul3A_77 = arith.muli %scan3A_15, %mul3A_76 : i32
      %get3A_78 = arith.constant 9 : i32
      %get3A_79 = arith.index_cast %get3A_78 : i32 to index
      %get3A_80 = arith.index_cast %mul3A_77 : i32 to index
      %get3A_81 = tpu.vector_load %arg7[%get3A_79, %get3A_80] {strides = array<i32>} : memref<16x640xf32, #tpu.memory_space<vmem>>, vector<16xf32>,
      %add3A_82 = arith.addf %add3A_75, %get3A_81 : vector<16xf32>
      %mul3A_83 = arith.constant 16 : i32
      %mul3A_84 = arith.muli %scan3A_15, %mul3A_83 : i32
      %get3A_85 = arith.constant 10 : i32
      %get3A_86 = arith.index_cast %get3A_85 : i32 to index
      %get3A_87 = arith.index_cast %mul3A_84 : i32 to index
      %get3A_88 = tpu.vector_load %arg7[%get3A_86, %get3A_87] {strides = array<i32>} : memref<16x640xf32, #tpu.memory_space<vmem>>, vector<16xf32>,
      %add3A_89 = arith.addf %add3A_82, %get3A_88 : vector<16xf32>
      %mul3A_90 = arith.constant 16 : i32
      %mul3A_91 = arith.muli %scan3A_15, %mul3A_90 : i32
      %get3A_92 = arith.constant 11 : i32
      %get3A_93 = arith.index_cast %get3A_92 : i32 to index
      %get3A_94 = arith.index_cast %mul3A_91 : i32 to index
      %get3A_95 = tpu.vector_load %arg7[%get3A_93, %get3A_94] {strides = array<i32>} : memref<16x640xf32, #tpu.memory_space<vmem>>, vector<16xf32>,
      %add3A_96 = arith.addf %add3A_89, %get3A_95 : vector<16xf32>
      %mul3A_97 = arith.constant 16 : i32
      %mul3A_98 = arith.muli %scan3A_15, %mul3A_97 : i32
      %get3A_99 = arith.constant 12 : i32
      %get3A_100 = arith.index_cast %get3A_99 : i32 to index
      %get3A_101 = arith.index_cast %mul3A_98 : i32 to index
      %get3A_102 = tpu.vector_load %arg7[%get3A_100, %get3A_101] {strides = array<i32>} : memref<16x640xf32, #tpu.memory_space<vmem>>, vector<16xf32>,
      %add3A_103 = arith.addf %add3A_96, %get3A_102 : vector<16xf32>
      %mul3A_104 = arith.constant 16 : i32
      %mul3A_105 = arith.muli %scan3A_15, %mul3A_104 : i32
      %get3A_106 = arith.constant 13 : i32
      %get3A_107 = arith.index_cast %get3A_106 : i32 to index
      %get3A_108 = arith.index_cast %mul3A_105 : i32 to index
      %get3A_109 = tpu.vector_load %arg7[%get3A_107, %get3A_108] {strides = array<i32>} : memref<16x640xf32, #tpu.memory_space<vmem>>, vector<16xf32>,
      %add3A_110 = arith.addf %add3A_103, %get3A_109 : vector<16xf32>
      %mul3A_111 = arith.constant 16 : i32
      %mul3A_112 = arith.muli %scan3A_15, %mul3A_111 : i32
      %get3A_113 = arith.constant 14 : i32
      %get3A_114 = arith.index_cast %get3A_113 : i32 to index
      %get3A_115 = arith.index_cast %mul3A_112 : i32 to index
      %get3A_116 = tpu.vector_load %arg7[%get3A_114, %get3A_115] {strides = array<i32>} : memref<16x640xf32, #tpu.memory_space<vmem>>, vector<16xf32>,
      %add3A_117 = arith.addf %add3A_110, %get3A_116 : vector<16xf32>
      %mul3A_118 = arith.constant 16 : i32
      %mul3A_119 = arith.muli %scan3A_15, %mul3A_118 : i32
      %get3A_120 = arith.constant 15 : i32
      %get3A_121 = arith.index_cast %get3A_120 : i32 to index
      %get3A_122 = arith.index_cast %mul3A_119 : i32 to index
      %get3A_123 = tpu.vector_load %arg7[%get3A_121, %get3A_122] {strides = array<i32>} : memref<16x640xf32, #tpu.memory_space<vmem>>, vector<16xf32>,
      %add3A_124 = arith.addf %add3A_117, %get3A_123 : vector<16xf32>
      %mul3A_125 = arith.constant 16 : i32
      %mul3A_126 = arith.muli %scan3A_15, %mul3A_125 : i32
      %swap3A = arith.index_cast %mul3A_126 : i32 to index
      %swap3A_127 = tpu.vector_load %arg8[%swap3A] {strides = array<i32>} : memref<640xf32, #tpu.memory_space<vmem>>, vector<16xf32>,
      tpu.vector_store %arg8[%swap3A], %add3A_124 {strides = array<i32>} : memref<640xf32, #tpu.memory_space<vmem>>, vector<16xf32>,
    }
    %scan3A_12 = arith.constant 40 : i32
    %eq3A = arith.constant 0 : i32
    %eq3A_13 = arith.cmpi eq, %arg0, %eq3A : i32
    %convert_element_type3A = arith.extui %eq3A_13 : i1 to i32
    %cond3A = arith.constant 0 : i32
    %cond3A_14 = arith.cmpi ne, %convert_element_type3A, %cond3A : i32
    scf.if %cond3A_14 {
      %mul3A_15 = arith.constant 640 : i32
      %mul3A_16 = arith.muli %arg1, %mul3A_15 : i32
      "tpu.region"() ({
        %run_scoped3A = tpu.sem_alloc : memref<!tpu.dma_semaphore, #tpu.memory_space<semaphore_mem>>
        %dma_start3A = tpu.memref_slice %arg4[%mul3A_16] : memref<10240xf32, #tpu.memory_space<hbm>> -> memref<640xf32, #tpu.memory_space<hbm>>
        %dma_start3A_17 = tpu.memref_slice %arg4[%mul3A_16] : memref<10240xf32, #tpu.memory_space<hbm>> -> memref<640xf32, #tpu.memory_space<hbm>>
        tpu.enqueue_dma source(%arg8 : memref<640xf32, #tpu.memory_space<vmem>>) target(%dma_start3A_17 : memref<640xf32, #tpu.memory_space<hbm>>) target_semaphore(%run_scoped3A : memref<!tpu.dma_semaphore, #tpu.memory_space<semaphore_mem>>)
        %dma_wait3A = tpu.memref_slice %arg4[%mul3A_16] : memref<10240xf32, #tpu.memory_space<hbm>> -> memref<640xf32, #tpu.memory_space<hbm>>
        %dma_wait3A_18 = tpu.memref_slice %arg4[%mul3A_16] : memref<10240xf32, #tpu.memory_space<hbm>> -> memref<640xf32, #tpu.memory_space<hbm>>
        tpu.wait_dma2 semaphore(%run_scoped3A : memref<!tpu.dma_semaphore, #tpu.memory_space<semaphore_mem>>) src(%arg8 : memref<640xf32, #tpu.memory_space<vmem>>) dst(%dma_wait3A_18 : memref<640xf32, #tpu.memory_space<hbm>>)
        tpu.yield
      }) : () -> ()
    } else {
    }
    return
  }
}

#map = affine_map<(d0, d1) -> (0, 0)>
#map1 = affine_map<(d0, d1) -> (0, 0, 0)>
module attributes {stable_mosaic.version = 14 : i64} {
  func.func @k(%arg0: i32, %arg1: i32, %arg2: memref<10240x128xf32, #tpu.memory_space<hbm>>, %arg3: memref<10240x128xf32, #tpu.memory_space<hbm>>, %arg4: memref<10240x128xf32, #tpu.memory_space<hbm>>, %arg5: memref<10240x128xf32, #tpu.memory_space<hbm>>, %arg6: memref<16x40x128xi32, #tpu.memory_space<hbm>>, %arg7: memref<16x40x128xi32, #tpu.memory_space<hbm>>, %arg8: memref<10240x128xf32, #tpu.memory_space<hbm>>, %arg9: memref<10240x128xf32, #tpu.memory_space<hbm>>, %arg10: memref<40x128xi32, #tpu.memory_space<vmem>>, %arg11: memref<40x128xi32, #tpu.memory_space<vmem>>, %arg12: memref<2x128x128xf32, #tpu.memory_space<vmem>>, %arg13: memref<2x!tpu.dma_semaphore, #tpu.memory_space<semaphore_mem>>, %arg14: memref<10240x128xf32, #tpu.memory_space<vmem_shared>>) attributes {dimension_semantics = [#tpu.dimension_semantics<core_parallel>, #tpu.dimension_semantics<subcore_parallel>], iteration_bounds = array<i64: 2, 16>, scalar_prefetch = 0 : i64, scratch_operands = 5 : i64, tpu.core_type = #tpu.core_type<sc_vector_subcore>, window_params = [{transform_indices = #map}, {transform_indices = #map}, {transform_indices = #map}, {transform_indices = #map}, {transform_indices = #map1}, {transform_indices = #map1}, {transform_indices = #map}, {transform_indices = #map}]} {
    "tpu.region"() ({
      %run_scoped3A = tpu.sem_alloc : memref<!tpu.dma_semaphore, #tpu.memory_space<semaphore_mem>>
      %dma_start3A = arith.constant 0 : i32
      %dma_start3A_8 = arith.constant 0 : i32
      %dma_start3A_9 = tpu.memref_slice %arg6[%arg1, %dma_start3A, %dma_start3A_8] : memref<16x40x128xi32, #tpu.memory_space<hbm>> -> memref<1x40x128xi32, #tpu.memory_space<hbm>>
      %dma_start3A_10 = tpu.memref_squeeze %dma_start3A_9 : memref<1x40x128xi32, #tpu.memory_space<hbm>> -> memref<40x128xi32, #tpu.memory_space<hbm>>
      %dma_start3A_11 = arith.constant 0 : i32
      %dma_start3A_12 = arith.constant 0 : i32
      %dma_start3A_13 = tpu.memref_slice %arg6[%arg1, %dma_start3A_11, %dma_start3A_12] : memref<16x40x128xi32, #tpu.memory_space<hbm>> -> memref<1x40x128xi32, #tpu.memory_space<hbm>>
      %dma_start3A_14 = tpu.memref_squeeze %dma_start3A_13 : memref<1x40x128xi32, #tpu.memory_space<hbm>> -> memref<40x128xi32, #tpu.memory_space<hbm>>
      tpu.enqueue_dma source(%dma_start3A_14 : memref<40x128xi32, #tpu.memory_space<hbm>>) target(%arg10 : memref<40x128xi32, #tpu.memory_space<vmem>>) target_semaphore(%run_scoped3A : memref<!tpu.dma_semaphore, #tpu.memory_space<semaphore_mem>>)
      %dma_wait3A = arith.constant 0 : i32
      %dma_wait3A_15 = arith.constant 0 : i32
      %dma_wait3A_16 = tpu.memref_slice %arg6[%arg1, %dma_wait3A, %dma_wait3A_15] : memref<16x40x128xi32, #tpu.memory_space<hbm>> -> memref<1x40x128xi32, #tpu.memory_space<hbm>>
      %dma_wait3A_17 = tpu.memref_squeeze %dma_wait3A_16 : memref<1x40x128xi32, #tpu.memory_space<hbm>> -> memref<40x128xi32, #tpu.memory_space<hbm>>
      %dma_wait3A_18 = arith.constant 0 : i32
      %dma_wait3A_19 = arith.constant 0 : i32
      %dma_wait3A_20 = tpu.memref_slice %arg6[%arg1, %dma_wait3A_18, %dma_wait3A_19] : memref<16x40x128xi32, #tpu.memory_space<hbm>> -> memref<1x40x128xi32, #tpu.memory_space<hbm>>
      %dma_wait3A_21 = tpu.memref_squeeze %dma_wait3A_20 : memref<1x40x128xi32, #tpu.memory_space<hbm>> -> memref<40x128xi32, #tpu.memory_space<hbm>>
      tpu.wait_dma2 semaphore(%run_scoped3A : memref<!tpu.dma_semaphore, #tpu.memory_space<semaphore_mem>>) src(%dma_wait3A_21 : memref<40x128xi32, #tpu.memory_space<hbm>>) dst(%arg10 : memref<40x128xi32, #tpu.memory_space<vmem>>)
      tpu.yield
    }) : () -> ()
    "tpu.region"() ({
      %run_scoped3A = tpu.sem_alloc : memref<!tpu.dma_semaphore, #tpu.memory_space<semaphore_mem>>
      %dma_start3A = arith.constant 0 : i32
      %dma_start3A_8 = arith.constant 0 : i32
      %dma_start3A_9 = tpu.memref_slice %arg7[%arg1, %dma_start3A, %dma_start3A_8] : memref<16x40x128xi32, #tpu.memory_space<hbm>> -> memref<1x40x128xi32, #tpu.memory_space<hbm>>
      %dma_start3A_10 = tpu.memref_squeeze %dma_start3A_9 : memref<1x40x128xi32, #tpu.memory_space<hbm>> -> memref<40x128xi32, #tpu.memory_space<hbm>>
      %dma_start3A_11 = arith.constant 0 : i32
      %dma_start3A_12 = arith.constant 0 : i32
      %dma_start3A_13 = tpu.memref_slice %arg7[%arg1, %dma_start3A_11, %dma_start3A_12] : memref<16x40x128xi32, #tpu.memory_space<hbm>> -> memref<1x40x128xi32, #tpu.memory_space<hbm>>
      %dma_start3A_14 = tpu.memref_squeeze %dma_start3A_13 : memref<1x40x128xi32, #tpu.memory_space<hbm>> -> memref<40x128xi32, #tpu.memory_space<hbm>>
      tpu.enqueue_dma source(%dma_start3A_14 : memref<40x128xi32, #tpu.memory_space<hbm>>) target(%arg11 : memref<40x128xi32, #tpu.memory_space<vmem>>) target_semaphore(%run_scoped3A : memref<!tpu.dma_semaphore, #tpu.memory_space<semaphore_mem>>)
      %dma_wait3A = arith.constant 0 : i32
      %dma_wait3A_15 = arith.constant 0 : i32
      %dma_wait3A_16 = tpu.memref_slice %arg7[%arg1, %dma_wait3A, %dma_wait3A_15] : memref<16x40x128xi32, #tpu.memory_space<hbm>> -> memref<1x40x128xi32, #tpu.memory_space<hbm>>
      %dma_wait3A_17 = tpu.memref_squeeze %dma_wait3A_16 : memref<1x40x128xi32, #tpu.memory_space<hbm>> -> memref<40x128xi32, #tpu.memory_space<hbm>>
      %dma_wait3A_18 = arith.constant 0 : i32
      %dma_wait3A_19 = arith.constant 0 : i32
      %dma_wait3A_20 = tpu.memref_slice %arg7[%arg1, %dma_wait3A_18, %dma_wait3A_19] : memref<16x40x128xi32, #tpu.memory_space<hbm>> -> memref<1x40x128xi32, #tpu.memory_space<hbm>>
      %dma_wait3A_21 = tpu.memref_squeeze %dma_wait3A_20 : memref<1x40x128xi32, #tpu.memory_space<hbm>> -> memref<40x128xi32, #tpu.memory_space<hbm>>
      tpu.wait_dma2 semaphore(%run_scoped3A : memref<!tpu.dma_semaphore, #tpu.memory_space<semaphore_mem>>) src(%dma_wait3A_21 : memref<40x128xi32, #tpu.memory_space<hbm>>) dst(%arg11 : memref<40x128xi32, #tpu.memory_space<vmem>>)
      tpu.yield
    }) : () -> ()
    %mul3A = arith.constant 640 : i32
    %mul3A_0 = arith.muli %arg1, %mul3A : i32
    %eq3A = arith.constant 0 : i32
    %eq3A_1 = arith.cmpi eq, %arg0, %eq3A : i32
    %convert_element_type3A = arith.extui %eq3A_1 : i1 to i32
    %cond3A = arith.constant 0 : i32
    %cond3A_2 = arith.cmpi ne, %convert_element_type3A, %cond3A : i32
    scf.if %cond3A_2 {
      "tpu.region"() ({
        %run_scoped3A = tpu.sem_alloc : memref<!tpu.dma_semaphore, #tpu.memory_space<semaphore_mem>>
        %dma_start3A_43 = arith.constant 0 : i32
        %dma_start3A_44 = tpu.memref_slice %arg14[%mul3A_0, %dma_start3A_43] : memref<10240x128xf32, #tpu.memory_space<vmem_shared>> -> memref<640x128xf32, #tpu.memory_space<vmem_shared>>
        %dma_start3A_45 = arith.constant 0 : i32
        %dma_start3A_46 = tpu.memref_slice %arg2[%mul3A_0, %dma_start3A_45] : memref<10240x128xf32, #tpu.memory_space<hbm>> -> memref<640x128xf32, #tpu.memory_space<hbm>>
        tpu.enqueue_dma source(%dma_start3A_46 : memref<640x128xf32, #tpu.memory_space<hbm>>) target(%dma_start3A_44 : memref<640x128xf32, #tpu.memory_space<vmem_shared>>) target_semaphore(%run_scoped3A : memref<!tpu.dma_semaphore, #tpu.memory_space<semaphore_mem>>)
        %dma_wait3A = arith.constant 0 : i32
        %dma_wait3A_47 = tpu.memref_slice %arg14[%mul3A_0, %dma_wait3A] : memref<10240x128xf32, #tpu.memory_space<vmem_shared>> -> memref<640x128xf32, #tpu.memory_space<vmem_shared>>
        %dma_wait3A_48 = arith.constant 0 : i32
        %dma_wait3A_49 = tpu.memref_slice %arg2[%mul3A_0, %dma_wait3A_48] : memref<10240x128xf32, #tpu.memory_space<hbm>> -> memref<640x128xf32, #tpu.memory_space<hbm>>
        tpu.wait_dma2 semaphore(%run_scoped3A : memref<!tpu.dma_semaphore, #tpu.memory_space<semaphore_mem>>) src(%dma_wait3A_49 : memref<640x128xf32, #tpu.memory_space<hbm>>) dst(%dma_wait3A_47 : memref<640x128xf32, #tpu.memory_space<vmem_shared>>)
        tpu.yield
      }) : () -> ()
      %barrier3A = arith.constant 0 : index
      tpu.barrier barrier_id(%barrier3A)
      %dma_start3A = arith.constant 0 : i32
      %dma_start3A_8 = arith.constant 0 : i32
      %dma_start3A_9 = arith.constant 0 : i32
      %dma_start3A_10 = arith.constant 0 : i32
      %dma_start3A_11 = arith.constant 0 : i32
      %dma_start3A_12 = tpu.memref_slice %arg12[%dma_start3A_8, %dma_start3A_10, %dma_start3A_11] : memref<2x128x128xf32, #tpu.memory_space<vmem>> -> memref<1x128x128xf32, #tpu.memory_space<vmem>>
      %dma_start3A_13 = tpu.memref_squeeze %dma_start3A_12 : memref<1x128x128xf32, #tpu.memory_space<vmem>> -> memref<128x128xf32, #tpu.memory_space<vmem>>
      %dma_start3A_14 = arith.constant 0 : i32
      %dma_start3A_15 = tpu.memref_slice %arg10[%dma_start3A, %dma_start3A_14] : memref<40x128xi32, #tpu.memory_space<vmem>> -> memref<1x128xi32, #tpu.memory_space<vmem>>
      %dma_start3A_16 = tpu.memref_squeeze %dma_start3A_15 : memref<1x128xi32, #tpu.memory_space<vmem>> -> memref<128xi32, #tpu.memory_space<vmem>>
      %dma_start3A_17 = arith.constant 0 : i32
      %dma_start3A_18 = arith.constant 0 : i32
      %dma_start3A_19 = tpu.memref_slice %arg4[%dma_start3A_17, %dma_start3A_18] : memref<10240x128xf32, #tpu.memory_space<hbm>> -> memref<10240x128xf32, #tpu.memory_space<hbm>>
      %dma_start3A_20 = tpu.memref_slice %arg13[%dma_start3A_9] : memref<2x!tpu.dma_semaphore, #tpu.memory_space<semaphore_mem>> -> memref<1x!tpu.dma_semaphore, #tpu.memory_space<semaphore_mem>>
      %dma_start3A_21 = tpu.memref_squeeze %dma_start3A_20 : memref<1x!tpu.dma_semaphore, #tpu.memory_space<semaphore_mem>> -> memref<!tpu.dma_semaphore, #tpu.memory_space<semaphore_mem>>
      tpu.enqueue_indirect_dma source(%dma_start3A_19 : memref<10240x128xf32, #tpu.memory_space<hbm>>) target(%dma_start3A_13 : memref<128x128xf32, #tpu.memory_space<vmem>>) offsets(%dma_start3A_16 : memref<128xi32, #tpu.memory_space<vmem>>) semaphore(%dma_start3A_21 : memref<!tpu.dma_semaphore, #tpu.memory_space<semaphore_mem>>)
      %dma_start3A_22 = arith.constant 1 : i32
      %dma_start3A_23 = arith.constant 1 : i32
      %dma_start3A_24 = arith.constant 1 : i32
      %dma_start3A_25 = arith.constant 0 : i32
      %dma_start3A_26 = arith.constant 0 : i32
      %dma_start3A_27 = tpu.memref_slice %arg12[%dma_start3A_23, %dma_start3A_25, %dma_start3A_26] : memref<2x128x128xf32, #tpu.memory_space<vmem>> -> memref<1x128x128xf32, #tpu.memory_space<vmem>>
      %dma_start3A_28 = tpu.memref_squeeze %dma_start3A_27 : memref<1x128x128xf32, #tpu.memory_space<vmem>> -> memref<128x128xf32, #tpu.memory_space<vmem>>
      %dma_start3A_29 = arith.constant 0 : i32
      %dma_start3A_30 = tpu.memref_slice %arg10[%dma_start3A_22, %dma_start3A_29] : memref<40x128xi32, #tpu.memory_space<vmem>> -> memref<1x128xi32, #tpu.memory_space<vmem>>
      %dma_start3A_31 = tpu.memref_squeeze %dma_start3A_30 : memref<1x128xi32, #tpu.memory_space<vmem>> -> memref<128xi32, #tpu.memory_space<vmem>>
      %dma_start3A_32 = arith.constant 0 : i32
      %dma_start3A_33 = arith.constant 0 : i32
      %dma_start3A_34 = tpu.memref_slice %arg4[%dma_start3A_32, %dma_start3A_33] : memref<10240x128xf32, #tpu.memory_space<hbm>> -> memref<10240x128xf32, #tpu.memory_space<hbm>>
      %dma_start3A_35 = tpu.memref_slice %arg13[%dma_start3A_24] : memref<2x!tpu.dma_semaphore, #tpu.memory_space<semaphore_mem>> -> memref<1x!tpu.dma_semaphore, #tpu.memory_space<semaphore_mem>>
      %dma_start3A_36 = tpu.memref_squeeze %dma_start3A_35 : memref<1x!tpu.dma_semaphore, #tpu.memory_space<semaphore_mem>> -> memref<!tpu.dma_semaphore, #tpu.memory_space<semaphore_mem>>
      tpu.enqueue_indirect_dma source(%dma_start3A_34 : memref<10240x128xf32, #tpu.memory_space<hbm>>) target(%dma_start3A_28 : memref<128x128xf32, #tpu.memory_space<vmem>>) offsets(%dma_start3A_31 : memref<128xi32, #tpu.memory_space<vmem>>) semaphore(%dma_start3A_36 : memref<!tpu.dma_semaphore, #tpu.memory_space<semaphore_mem>>)
      %scan3A = arith.constant 0 : i32
      %scan3A_37 = arith.constant 0 : i32
      %scan3A_38 = arith.constant 20 : i32
      %scan3A_39 = arith.addi %scan3A_37, %scan3A_38 : i32
      %scan3A_40 = arith.constant 1 : i32
      scf.for %scan3A_43 = %scan3A_37 to %scan3A_39 step %scan3A_40  : i32 {
        %mul3A_44 = arith.constant 2 : i32
        %mul3A_45 = arith.muli %scan3A_43, %mul3A_44 : i32
        %add3A = arith.constant 0 : i32
        %add3A_46 = arith.addi %mul3A_45, %add3A : i32
        %dma_wait3A = arith.constant 0 : i32
        %dma_wait3A_47 = arith.constant 0 : i32
        %dma_wait3A_48 = arith.constant 0 : i32
        %dma_wait3A_49 = arith.constant 0 : i32
        %dma_wait3A_50 = tpu.memref_slice %arg12[%dma_wait3A, %dma_wait3A_48, %dma_wait3A_49] : memref<2x128x128xf32, #tpu.memory_space<vmem>> -> memref<1x128x128xf32, #tpu.memory_space<vmem>>
        %dma_wait3A_51 = tpu.memref_squeeze %dma_wait3A_50 : memref<1x128x128xf32, #tpu.memory_space<vmem>> -> memref<128x128xf32, #tpu.memory_space<vmem>>
        %dma_wait3A_52 = arith.constant 0 : i32
        %dma_wait3A_53 = tpu.memref_slice %arg10[%add3A_46, %dma_wait3A_52] : memref<40x128xi32, #tpu.memory_space<vmem>> -> memref<1x128xi32, #tpu.memory_space<vmem>>
        %dma_wait3A_54 = tpu.memref_squeeze %dma_wait3A_53 : memref<1x128xi32, #tpu.memory_space<vmem>> -> memref<128xi32, #tpu.memory_space<vmem>>
        %dma_wait3A_55 = arith.constant 0 : i32
        %dma_wait3A_56 = arith.constant 0 : i32
        %dma_wait3A_57 = tpu.memref_slice %arg4[%dma_wait3A_55, %dma_wait3A_56] : memref<10240x128xf32, #tpu.memory_space<hbm>> -> memref<10240x128xf32, #tpu.memory_space<hbm>>
        %dma_wait3A_58 = tpu.memref_slice %arg13[%dma_wait3A_47] : memref<2x!tpu.dma_semaphore, #tpu.memory_space<semaphore_mem>> -> memref<1x!tpu.dma_semaphore, #tpu.memory_space<semaphore_mem>>
        %dma_wait3A_59 = tpu.memref_squeeze %dma_wait3A_58 : memref<1x!tpu.dma_semaphore, #tpu.memory_space<semaphore_mem>> -> memref<!tpu.dma_semaphore, #tpu.memory_space<semaphore_mem>>
        tpu.wait_indirect_dma semaphore(%dma_wait3A_59 : memref<!tpu.dma_semaphore, #tpu.memory_space<semaphore_mem>>) src(%dma_wait3A_57 : memref<10240x128xf32, #tpu.memory_space<hbm>>) dst(%dma_wait3A_51 : memref<128x128xf32, #tpu.memory_space<vmem>>)
        %run_scoped3A = arith.constant 0 : i32
        "tpu.region"() ({
          %run_scoped3A_92 = tpu.sem_alloc : memref<!tpu.dma_semaphore, #tpu.memory_space<semaphore_mem>>
          %dma_start3A_93 = arith.constant 0 : i32
          %dma_start3A_94 = arith.constant 0 : i32
          %dma_start3A_95 = tpu.memref_slice %arg12[%run_scoped3A, %dma_start3A_93, %dma_start3A_94] : memref<2x128x128xf32, #tpu.memory_space<vmem>> -> memref<1x128x128xf32, #tpu.memory_space<vmem>>
          %dma_start3A_96 = tpu.memref_squeeze %dma_start3A_95 : memref<1x128x128xf32, #tpu.memory_space<vmem>> -> memref<128x128xf32, #tpu.memory_space<vmem>>
          %dma_start3A_97 = arith.constant 0 : i32
          %dma_start3A_98 = tpu.memref_slice %arg11[%add3A_46, %dma_start3A_97] : memref<40x128xi32, #tpu.memory_space<vmem>> -> memref<1x128xi32, #tpu.memory_space<vmem>>
          %dma_start3A_99 = tpu.memref_squeeze %dma_start3A_98 : memref<1x128xi32, #tpu.memory_space<vmem>> -> memref<128xi32, #tpu.memory_space<vmem>>
          %dma_start3A_100 = arith.constant 0 : i32
          %dma_start3A_101 = arith.constant 0 : i32
          %dma_start3A_102 = tpu.memref_slice %arg14[%dma_start3A_100, %dma_start3A_101] : memref<10240x128xf32, #tpu.memory_space<vmem_shared>> -> memref<10240x128xf32, #tpu.memory_space<vmem_shared>>
          tpu.enqueue_indirect_dma source(%dma_start3A_96 : memref<128x128xf32, #tpu.memory_space<vmem>>) target(%dma_start3A_102 : memref<10240x128xf32, #tpu.memory_space<vmem_shared>>) offsets(%dma_start3A_99 : memref<128xi32, #tpu.memory_space<vmem>>) semaphore(%run_scoped3A_92 : memref<!tpu.dma_semaphore, #tpu.memory_space<semaphore_mem>>) {add = true}
          %dma_wait3A_103 = arith.constant 0 : i32
          %dma_wait3A_104 = arith.constant 0 : i32
          %dma_wait3A_105 = tpu.memref_slice %arg12[%run_scoped3A, %dma_wait3A_103, %dma_wait3A_104] : memref<2x128x128xf32, #tpu.memory_space<vmem>> -> memref<1x128x128xf32, #tpu.memory_space<vmem>>
          %dma_wait3A_106 = tpu.memref_squeeze %dma_wait3A_105 : memref<1x128x128xf32, #tpu.memory_space<vmem>> -> memref<128x128xf32, #tpu.memory_space<vmem>>
          %dma_wait3A_107 = arith.constant 0 : i32
          %dma_wait3A_108 = tpu.memref_slice %arg11[%add3A_46, %dma_wait3A_107] : memref<40x128xi32, #tpu.memory_space<vmem>> -> memref<1x128xi32, #tpu.memory_space<vmem>>
          %dma_wait3A_109 = tpu.memref_squeeze %dma_wait3A_108 : memref<1x128xi32, #tpu.memory_space<vmem>> -> memref<128xi32, #tpu.memory_space<vmem>>
          %dma_wait3A_110 = arith.constant 0 : i32
          %dma_wait3A_111 = arith.constant 0 : i32
          %dma_wait3A_112 = tpu.memref_slice %arg14[%dma_wait3A_110, %dma_wait3A_111] : memref<10240x128xf32, #tpu.memory_space<vmem_shared>> -> memref<10240x128xf32, #tpu.memory_space<vmem_shared>>
          tpu.wait_indirect_dma semaphore(%run_scoped3A_92 : memref<!tpu.dma_semaphore, #tpu.memory_space<semaphore_mem>>) src(%dma_wait3A_106 : memref<128x128xf32, #tpu.memory_space<vmem>>) dst(%dma_wait3A_112 : memref<10240x128xf32, #tpu.memory_space<vmem_shared>>)
          tpu.yield
        }) : () -> ()
        %add3A_60 = arith.constant 2 : i32
        %add3A_61 = arith.addi %add3A_46, %add3A_60 : i32
        %lt3A = arith.constant 40 : i32
        %lt3A_62 = arith.cmpi slt, %add3A_61, %lt3A : i32
        %convert_element_type3A_63 = arith.extui %lt3A_62 : i1 to i32
        %cond3A_64 = arith.constant 0 : i32
        %cond3A_65 = arith.cmpi ne, %convert_element_type3A_63, %cond3A_64 : i32
        scf.if %cond3A_65 {
          %dma_start3A_92 = arith.constant 0 : i32
          %dma_start3A_93 = arith.constant 0 : i32
          %dma_start3A_94 = arith.constant 0 : i32
          %dma_start3A_95 = arith.constant 0 : i32
          %dma_start3A_96 = tpu.memref_slice %arg12[%dma_start3A_92, %dma_start3A_94, %dma_start3A_95] : memref<2x128x128xf32, #tpu.memory_space<vmem>> -> memref<1x128x128xf32, #tpu.memory_space<vmem>>
          %dma_start3A_97 = tpu.memref_squeeze %dma_start3A_96 : memref<1x128x128xf32, #tpu.memory_space<vmem>> -> memref<128x128xf32, #tpu.memory_space<vmem>>
          %dma_start3A_98 = arith.constant 0 : i32
          %dma_start3A_99 = tpu.memref_slice %arg10[%add3A_61, %dma_start3A_98] : memref<40x128xi32, #tpu.memory_space<vmem>> -> memref<1x128xi32, #tpu.memory_space<vmem>>
          %dma_start3A_100 = tpu.memref_squeeze %dma_start3A_99 : memref<1x128xi32, #tpu.memory_space<vmem>> -> memref<128xi32, #tpu.memory_space<vmem>>
          %dma_start3A_101 = arith.constant 0 : i32
          %dma_start3A_102 = arith.constant 0 : i32
          %dma_start3A_103 = tpu.memref_slice %arg4[%dma_start3A_101, %dma_start3A_102] : memref<10240x128xf32, #tpu.memory_space<hbm>> -> memref<10240x128xf32, #tpu.memory_space<hbm>>
          %dma_start3A_104 = tpu.memref_slice %arg13[%dma_start3A_93] : memref<2x!tpu.dma_semaphore, #tpu.memory_space<semaphore_mem>> -> memref<1x!tpu.dma_semaphore, #tpu.memory_space<semaphore_mem>>
          %dma_start3A_105 = tpu.memref_squeeze %dma_start3A_104 : memref<1x!tpu.dma_semaphore, #tpu.memory_space<semaphore_mem>> -> memref<!tpu.dma_semaphore, #tpu.memory_space<semaphore_mem>>
          tpu.enqueue_indirect_dma source(%dma_start3A_103 : memref<10240x128xf32, #tpu.memory_space<hbm>>) target(%dma_start3A_97 : memref<128x128xf32, #tpu.memory_space<vmem>>) offsets(%dma_start3A_100 : memref<128xi32, #tpu.memory_space<vmem>>) semaphore(%dma_start3A_105 : memref<!tpu.dma_semaphore, #tpu.memory_space<semaphore_mem>>)
        } else {
        }
        %mul3A_66 = arith.constant 2 : i32
        %mul3A_67 = arith.muli %scan3A_43, %mul3A_66 : i32
        %add3A_68 = arith.constant 1 : i32
        %add3A_69 = arith.addi %mul3A_67, %add3A_68 : i32
        %dma_wait3A_70 = arith.constant 1 : i32
        %dma_wait3A_71 = arith.constant 1 : i32
        %dma_wait3A_72 = arith.constant 0 : i32
        %dma_wait3A_73 = arith.constant 0 : i32
        %dma_wait3A_74 = tpu.memref_slice %arg12[%dma_wait3A_70, %dma_wait3A_72, %dma_wait3A_73] : memref<2x128x128xf32, #tpu.memory_space<vmem>> -> memref<1x128x128xf32, #tpu.memory_space<vmem>>
        %dma_wait3A_75 = tpu.memref_squeeze %dma_wait3A_74 : memref<1x128x128xf32, #tpu.memory_space<vmem>> -> memref<128x128xf32, #tpu.memory_space<vmem>>
        %dma_wait3A_76 = arith.constant 0 : i32
        %dma_wait3A_77 = tpu.memref_slice %arg10[%add3A_69, %dma_wait3A_76] : memref<40x128xi32, #tpu.memory_space<vmem>> -> memref<1x128xi32, #tpu.memory_space<vmem>>
        %dma_wait3A_78 = tpu.memref_squeeze %dma_wait3A_77 : memref<1x128xi32, #tpu.memory_space<vmem>> -> memref<128xi32, #tpu.memory_space<vmem>>
        %dma_wait3A_79 = arith.constant 0 : i32
        %dma_wait3A_80 = arith.constant 0 : i32
        %dma_wait3A_81 = tpu.memref_slice %arg4[%dma_wait3A_79, %dma_wait3A_80] : memref<10240x128xf32, #tpu.memory_space<hbm>> -> memref<10240x128xf32, #tpu.memory_space<hbm>>
        %dma_wait3A_82 = tpu.memref_slice %arg13[%dma_wait3A_71] : memref<2x!tpu.dma_semaphore, #tpu.memory_space<semaphore_mem>> -> memref<1x!tpu.dma_semaphore, #tpu.memory_space<semaphore_mem>>
        %dma_wait3A_83 = tpu.memref_squeeze %dma_wait3A_82 : memref<1x!tpu.dma_semaphore, #tpu.memory_space<semaphore_mem>> -> memref<!tpu.dma_semaphore, #tpu.memory_space<semaphore_mem>>
        tpu.wait_indirect_dma semaphore(%dma_wait3A_83 : memref<!tpu.dma_semaphore, #tpu.memory_space<semaphore_mem>>) src(%dma_wait3A_81 : memref<10240x128xf32, #tpu.memory_space<hbm>>) dst(%dma_wait3A_75 : memref<128x128xf32, #tpu.memory_space<vmem>>)
        %run_scoped3A_84 = arith.constant 1 : i32
        "tpu.region"() ({
          %run_scoped3A_92 = tpu.sem_alloc : memref<!tpu.dma_semaphore, #tpu.memory_space<semaphore_mem>>
          %dma_start3A_93 = arith.constant 0 : i32
          %dma_start3A_94 = arith.constant 0 : i32
          %dma_start3A_95 = tpu.memref_slice %arg12[%run_scoped3A_84, %dma_start3A_93, %dma_start3A_94] : memref<2x128x128xf32, #tpu.memory_space<vmem>> -> memref<1x128x128xf32, #tpu.memory_space<vmem>>
          %dma_start3A_96 = tpu.memref_squeeze %dma_start3A_95 : memref<1x128x128xf32, #tpu.memory_space<vmem>> -> memref<128x128xf32, #tpu.memory_space<vmem>>
          %dma_start3A_97 = arith.constant 0 : i32
          %dma_start3A_98 = tpu.memref_slice %arg11[%add3A_69, %dma_start3A_97] : memref<40x128xi32, #tpu.memory_space<vmem>> -> memref<1x128xi32, #tpu.memory_space<vmem>>
          %dma_start3A_99 = tpu.memref_squeeze %dma_start3A_98 : memref<1x128xi32, #tpu.memory_space<vmem>> -> memref<128xi32, #tpu.memory_space<vmem>>
          %dma_start3A_100 = arith.constant 0 : i32
          %dma_start3A_101 = arith.constant 0 : i32
          %dma_start3A_102 = tpu.memref_slice %arg14[%dma_start3A_100, %dma_start3A_101] : memref<10240x128xf32, #tpu.memory_space<vmem_shared>> -> memref<10240x128xf32, #tpu.memory_space<vmem_shared>>
          tpu.enqueue_indirect_dma source(%dma_start3A_96 : memref<128x128xf32, #tpu.memory_space<vmem>>) target(%dma_start3A_102 : memref<10240x128xf32, #tpu.memory_space<vmem_shared>>) offsets(%dma_start3A_99 : memref<128xi32, #tpu.memory_space<vmem>>) semaphore(%run_scoped3A_92 : memref<!tpu.dma_semaphore, #tpu.memory_space<semaphore_mem>>) {add = true}
          %dma_wait3A_103 = arith.constant 0 : i32
          %dma_wait3A_104 = arith.constant 0 : i32
          %dma_wait3A_105 = tpu.memref_slice %arg12[%run_scoped3A_84, %dma_wait3A_103, %dma_wait3A_104] : memref<2x128x128xf32, #tpu.memory_space<vmem>> -> memref<1x128x128xf32, #tpu.memory_space<vmem>>
          %dma_wait3A_106 = tpu.memref_squeeze %dma_wait3A_105 : memref<1x128x128xf32, #tpu.memory_space<vmem>> -> memref<128x128xf32, #tpu.memory_space<vmem>>
          %dma_wait3A_107 = arith.constant 0 : i32
          %dma_wait3A_108 = tpu.memref_slice %arg11[%add3A_69, %dma_wait3A_107] : memref<40x128xi32, #tpu.memory_space<vmem>> -> memref<1x128xi32, #tpu.memory_space<vmem>>
          %dma_wait3A_109 = tpu.memref_squeeze %dma_wait3A_108 : memref<1x128xi32, #tpu.memory_space<vmem>> -> memref<128xi32, #tpu.memory_space<vmem>>
          %dma_wait3A_110 = arith.constant 0 : i32
          %dma_wait3A_111 = arith.constant 0 : i32
          %dma_wait3A_112 = tpu.memref_slice %arg14[%dma_wait3A_110, %dma_wait3A_111] : memref<10240x128xf32, #tpu.memory_space<vmem_shared>> -> memref<10240x128xf32, #tpu.memory_space<vmem_shared>>
          tpu.wait_indirect_dma semaphore(%run_scoped3A_92 : memref<!tpu.dma_semaphore, #tpu.memory_space<semaphore_mem>>) src(%dma_wait3A_106 : memref<128x128xf32, #tpu.memory_space<vmem>>) dst(%dma_wait3A_112 : memref<10240x128xf32, #tpu.memory_space<vmem_shared>>)
          tpu.yield
        }) : () -> ()
        %add3A_85 = arith.constant 2 : i32
        %add3A_86 = arith.addi %add3A_69, %add3A_85 : i32
        %lt3A_87 = arith.constant 40 : i32
        %lt3A_88 = arith.cmpi slt, %add3A_86, %lt3A_87 : i32
        %convert_element_type3A_89 = arith.extui %lt3A_88 : i1 to i32
        %cond3A_90 = arith.constant 0 : i32
        %cond3A_91 = arith.cmpi ne, %convert_element_type3A_89, %cond3A_90 : i32
        scf.if %cond3A_91 {
          %dma_start3A_92 = arith.constant 1 : i32
          %dma_start3A_93 = arith.constant 1 : i32
          %dma_start3A_94 = arith.constant 0 : i32
          %dma_start3A_95 = arith.constant 0 : i32
          %dma_start3A_96 = tpu.memref_slice %arg12[%dma_start3A_92, %dma_start3A_94, %dma_start3A_95] : memref<2x128x128xf32, #tpu.memory_space<vmem>> -> memref<1x128x128xf32, #tpu.memory_space<vmem>>
          %dma_start3A_97 = tpu.memref_squeeze %dma_start3A_96 : memref<1x128x128xf32, #tpu.memory_space<vmem>> -> memref<128x128xf32, #tpu.memory_space<vmem>>
          %dma_start3A_98 = arith.constant 0 : i32
          %dma_start3A_99 = tpu.memref_slice %arg10[%add3A_86, %dma_start3A_98] : memref<40x128xi32, #tpu.memory_space<vmem>> -> memref<1x128xi32, #tpu.memory_space<vmem>>
          %dma_start3A_100 = tpu.memref_squeeze %dma_start3A_99 : memref<1x128xi32, #tpu.memory_space<vmem>> -> memref<128xi32, #tpu.memory_space<vmem>>
          %dma_start3A_101 = arith.constant 0 : i32
          %dma_start3A_102 = arith.constant 0 : i32
          %dma_start3A_103 = tpu.memref_slice %arg4[%dma_start3A_101, %dma_start3A_102] : memref<10240x128xf32, #tpu.memory_space<hbm>> -> memref<10240x128xf32, #tpu.memory_space<hbm>>
          %dma_start3A_104 = tpu.memref_slice %arg13[%dma_start3A_93] : memref<2x!tpu.dma_semaphore, #tpu.memory_space<semaphore_mem>> -> memref<1x!tpu.dma_semaphore, #tpu.memory_space<semaphore_mem>>
          %dma_start3A_105 = tpu.memref_squeeze %dma_start3A_104 : memref<1x!tpu.dma_semaphore, #tpu.memory_space<semaphore_mem>> -> memref<!tpu.dma_semaphore, #tpu.memory_space<semaphore_mem>>
          tpu.enqueue_indirect_dma source(%dma_start3A_103 : memref<10240x128xf32, #tpu.memory_space<hbm>>) target(%dma_start3A_97 : memref<128x128xf32, #tpu.memory_space<vmem>>) offsets(%dma_start3A_100 : memref<128xi32, #tpu.memory_space<vmem>>) semaphore(%dma_start3A_105 : memref<!tpu.dma_semaphore, #tpu.memory_space<semaphore_mem>>)
        } else {
        }
      }
      %scan3A_41 = arith.constant 20 : i32
      %barrier3A_42 = arith.constant 0 : index
      tpu.barrier barrier_id(%barrier3A_42)
      "tpu.region"() ({
        %run_scoped3A = tpu.sem_alloc : memref<!tpu.dma_semaphore, #tpu.memory_space<semaphore_mem>>
        %dma_start3A_43 = arith.constant 0 : i32
        %dma_start3A_44 = tpu.memref_slice %arg8[%mul3A_0, %dma_start3A_43] : memref<10240x128xf32, #tpu.memory_space<hbm>> -> memref<640x128xf32, #tpu.memory_space<hbm>>
        %dma_start3A_45 = arith.constant 0 : i32
        %dma_start3A_46 = tpu.memref_slice %arg14[%mul3A_0, %dma_start3A_45] : memref<10240x128xf32, #tpu.memory_space<vmem_shared>> -> memref<640x128xf32, #tpu.memory_space<vmem_shared>>
        tpu.enqueue_dma source(%dma_start3A_46 : memref<640x128xf32, #tpu.memory_space<vmem_shared>>) target(%dma_start3A_44 : memref<640x128xf32, #tpu.memory_space<hbm>>) target_semaphore(%run_scoped3A : memref<!tpu.dma_semaphore, #tpu.memory_space<semaphore_mem>>)
        %dma_wait3A = arith.constant 0 : i32
        %dma_wait3A_47 = tpu.memref_slice %arg8[%mul3A_0, %dma_wait3A] : memref<10240x128xf32, #tpu.memory_space<hbm>> -> memref<640x128xf32, #tpu.memory_space<hbm>>
        %dma_wait3A_48 = arith.constant 0 : i32
        %dma_wait3A_49 = tpu.memref_slice %arg14[%mul3A_0, %dma_wait3A_48] : memref<10240x128xf32, #tpu.memory_space<vmem_shared>> -> memref<640x128xf32, #tpu.memory_space<vmem_shared>>
        tpu.wait_dma2 semaphore(%run_scoped3A : memref<!tpu.dma_semaphore, #tpu.memory_space<semaphore_mem>>) src(%dma_wait3A_49 : memref<640x128xf32, #tpu.memory_space<vmem_shared>>) dst(%dma_wait3A_47 : memref<640x128xf32, #tpu.memory_space<hbm>>)
        tpu.yield
      }) : () -> ()
    } else {
    }
    %eq3A_3 = arith.constant 1 : i32
    %eq3A_4 = arith.cmpi eq, %arg0, %eq3A_3 : i32
    %convert_element_type3A_5 = arith.extui %eq3A_4 : i1 to i32
    %cond3A_6 = arith.constant 0 : i32
    %cond3A_7 = arith.cmpi ne, %convert_element_type3A_5, %cond3A_6 : i32
    scf.if %cond3A_7 {
      "tpu.region"() ({
        %run_scoped3A = tpu.sem_alloc : memref<!tpu.dma_semaphore, #tpu.memory_space<semaphore_mem>>
        %dma_start3A_43 = arith.constant 0 : i32
        %dma_start3A_44 = tpu.memref_slice %arg14[%mul3A_0, %dma_start3A_43] : memref<10240x128xf32, #tpu.memory_space<vmem_shared>> -> memref<640x128xf32, #tpu.memory_space<vmem_shared>>
        %dma_start3A_45 = arith.constant 0 : i32
        %dma_start3A_46 = tpu.memref_slice %arg3[%mul3A_0, %dma_start3A_45] : memref<10240x128xf32, #tpu.memory_space<hbm>> -> memref<640x128xf32, #tpu.memory_space<hbm>>
        tpu.enqueue_dma source(%dma_start3A_46 : memref<640x128xf32, #tpu.memory_space<hbm>>) target(%dma_start3A_44 : memref<640x128xf32, #tpu.memory_space<vmem_shared>>) target_semaphore(%run_scoped3A : memref<!tpu.dma_semaphore, #tpu.memory_space<semaphore_mem>>)
        %dma_wait3A = arith.constant 0 : i32
        %dma_wait3A_47 = tpu.memref_slice %arg14[%mul3A_0, %dma_wait3A] : memref<10240x128xf32, #tpu.memory_space<vmem_shared>> -> memref<640x128xf32, #tpu.memory_space<vmem_shared>>
        %dma_wait3A_48 = arith.constant 0 : i32
        %dma_wait3A_49 = tpu.memref_slice %arg3[%mul3A_0, %dma_wait3A_48] : memref<10240x128xf32, #tpu.memory_space<hbm>> -> memref<640x128xf32, #tpu.memory_space<hbm>>
        tpu.wait_dma2 semaphore(%run_scoped3A : memref<!tpu.dma_semaphore, #tpu.memory_space<semaphore_mem>>) src(%dma_wait3A_49 : memref<640x128xf32, #tpu.memory_space<hbm>>) dst(%dma_wait3A_47 : memref<640x128xf32, #tpu.memory_space<vmem_shared>>)
        tpu.yield
      }) : () -> ()
      %barrier3A = arith.constant 0 : index
      tpu.barrier barrier_id(%barrier3A)
      %dma_start3A = arith.constant 0 : i32
      %dma_start3A_8 = arith.constant 0 : i32
      %dma_start3A_9 = arith.constant 0 : i32
      %dma_start3A_10 = arith.constant 0 : i32
      %dma_start3A_11 = arith.constant 0 : i32
      %dma_start3A_12 = tpu.memref_slice %arg12[%dma_start3A_8, %dma_start3A_10, %dma_start3A_11] : memref<2x128x128xf32, #tpu.memory_space<vmem>> -> memref<1x128x128xf32, #tpu.memory_space<vmem>>
      %dma_start3A_13 = tpu.memref_squeeze %dma_start3A_12 : memref<1x128x128xf32, #tpu.memory_space<vmem>> -> memref<128x128xf32, #tpu.memory_space<vmem>>
      %dma_start3A_14 = arith.constant 0 : i32
      %dma_start3A_15 = tpu.memref_slice %arg10[%dma_start3A, %dma_start3A_14] : memref<40x128xi32, #tpu.memory_space<vmem>> -> memref<1x128xi32, #tpu.memory_space<vmem>>
      %dma_start3A_16 = tpu.memref_squeeze %dma_start3A_15 : memref<1x128xi32, #tpu.memory_space<vmem>> -> memref<128xi32, #tpu.memory_space<vmem>>
      %dma_start3A_17 = arith.constant 0 : i32
      %dma_start3A_18 = arith.constant 0 : i32
      %dma_start3A_19 = tpu.memref_slice %arg5[%dma_start3A_17, %dma_start3A_18] : memref<10240x128xf32, #tpu.memory_space<hbm>> -> memref<10240x128xf32, #tpu.memory_space<hbm>>
      %dma_start3A_20 = tpu.memref_slice %arg13[%dma_start3A_9] : memref<2x!tpu.dma_semaphore, #tpu.memory_space<semaphore_mem>> -> memref<1x!tpu.dma_semaphore, #tpu.memory_space<semaphore_mem>>
      %dma_start3A_21 = tpu.memref_squeeze %dma_start3A_20 : memref<1x!tpu.dma_semaphore, #tpu.memory_space<semaphore_mem>> -> memref<!tpu.dma_semaphore, #tpu.memory_space<semaphore_mem>>
      tpu.enqueue_indirect_dma source(%dma_start3A_19 : memref<10240x128xf32, #tpu.memory_space<hbm>>) target(%dma_start3A_13 : memref<128x128xf32, #tpu.memory_space<vmem>>) offsets(%dma_start3A_16 : memref<128xi32, #tpu.memory_space<vmem>>) semaphore(%dma_start3A_21 : memref<!tpu.dma_semaphore, #tpu.memory_space<semaphore_mem>>)
      %dma_start3A_22 = arith.constant 1 : i32
      %dma_start3A_23 = arith.constant 1 : i32
      %dma_start3A_24 = arith.constant 1 : i32
      %dma_start3A_25 = arith.constant 0 : i32
      %dma_start3A_26 = arith.constant 0 : i32
      %dma_start3A_27 = tpu.memref_slice %arg12[%dma_start3A_23, %dma_start3A_25, %dma_start3A_26] : memref<2x128x128xf32, #tpu.memory_space<vmem>> -> memref<1x128x128xf32, #tpu.memory_space<vmem>>
      %dma_start3A_28 = tpu.memref_squeeze %dma_start3A_27 : memref<1x128x128xf32, #tpu.memory_space<vmem>> -> memref<128x128xf32, #tpu.memory_space<vmem>>
      %dma_start3A_29 = arith.constant 0 : i32
      %dma_start3A_30 = tpu.memref_slice %arg10[%dma_start3A_22, %dma_start3A_29] : memref<40x128xi32, #tpu.memory_space<vmem>> -> memref<1x128xi32, #tpu.memory_space<vmem>>
      %dma_start3A_31 = tpu.memref_squeeze %dma_start3A_30 : memref<1x128xi32, #tpu.memory_space<vmem>> -> memref<128xi32, #tpu.memory_space<vmem>>
      %dma_start3A_32 = arith.constant 0 : i32
      %dma_start3A_33 = arith.constant 0 : i32
      %dma_start3A_34 = tpu.memref_slice %arg5[%dma_start3A_32, %dma_start3A_33] : memref<10240x128xf32, #tpu.memory_space<hbm>> -> memref<10240x128xf32, #tpu.memory_space<hbm>>
      %dma_start3A_35 = tpu.memref_slice %arg13[%dma_start3A_24] : memref<2x!tpu.dma_semaphore, #tpu.memory_space<semaphore_mem>> -> memref<1x!tpu.dma_semaphore, #tpu.memory_space<semaphore_mem>>
      %dma_start3A_36 = tpu.memref_squeeze %dma_start3A_35 : memref<1x!tpu.dma_semaphore, #tpu.memory_space<semaphore_mem>> -> memref<!tpu.dma_semaphore, #tpu.memory_space<semaphore_mem>>
      tpu.enqueue_indirect_dma source(%dma_start3A_34 : memref<10240x128xf32, #tpu.memory_space<hbm>>) target(%dma_start3A_28 : memref<128x128xf32, #tpu.memory_space<vmem>>) offsets(%dma_start3A_31 : memref<128xi32, #tpu.memory_space<vmem>>) semaphore(%dma_start3A_36 : memref<!tpu.dma_semaphore, #tpu.memory_space<semaphore_mem>>)
      %scan3A = arith.constant 0 : i32
      %scan3A_37 = arith.constant 0 : i32
      %scan3A_38 = arith.constant 20 : i32
      %scan3A_39 = arith.addi %scan3A_37, %scan3A_38 : i32
      %scan3A_40 = arith.constant 1 : i32
      scf.for %scan3A_43 = %scan3A_37 to %scan3A_39 step %scan3A_40  : i32 {
        %mul3A_44 = arith.constant 2 : i32
        %mul3A_45 = arith.muli %scan3A_43, %mul3A_44 : i32
        %add3A = arith.constant 0 : i32
        %add3A_46 = arith.addi %mul3A_45, %add3A : i32
        %dma_wait3A = arith.constant 0 : i32
        %dma_wait3A_47 = arith.constant 0 : i32
        %dma_wait3A_48 = arith.constant 0 : i32
        %dma_wait3A_49 = arith.constant 0 : i32
        %dma_wait3A_50 = tpu.memref_slice %arg12[%dma_wait3A, %dma_wait3A_48, %dma_wait3A_49] : memref<2x128x128xf32, #tpu.memory_space<vmem>> -> memref<1x128x128xf32, #tpu.memory_space<vmem>>
        %dma_wait3A_51 = tpu.memref_squeeze %dma_wait3A_50 : memref<1x128x128xf32, #tpu.memory_space<vmem>> -> memref<128x128xf32, #tpu.memory_space<vmem>>
        %dma_wait3A_52 = arith.constant 0 : i32
        %dma_wait3A_53 = tpu.memref_slice %arg10[%add3A_46, %dma_wait3A_52] : memref<40x128xi32, #tpu.memory_space<vmem>> -> memref<1x128xi32, #tpu.memory_space<vmem>>
        %dma_wait3A_54 = tpu.memref_squeeze %dma_wait3A_53 : memref<1x128xi32, #tpu.memory_space<vmem>> -> memref<128xi32, #tpu.memory_space<vmem>>
        %dma_wait3A_55 = arith.constant 0 : i32
        %dma_wait3A_56 = arith.constant 0 : i32
        %dma_wait3A_57 = tpu.memref_slice %arg5[%dma_wait3A_55, %dma_wait3A_56] : memref<10240x128xf32, #tpu.memory_space<hbm>> -> memref<10240x128xf32, #tpu.memory_space<hbm>>
        %dma_wait3A_58 = tpu.memref_slice %arg13[%dma_wait3A_47] : memref<2x!tpu.dma_semaphore, #tpu.memory_space<semaphore_mem>> -> memref<1x!tpu.dma_semaphore, #tpu.memory_space<semaphore_mem>>
        %dma_wait3A_59 = tpu.memref_squeeze %dma_wait3A_58 : memref<1x!tpu.dma_semaphore, #tpu.memory_space<semaphore_mem>> -> memref<!tpu.dma_semaphore, #tpu.memory_space<semaphore_mem>>
        tpu.wait_indirect_dma semaphore(%dma_wait3A_59 : memref<!tpu.dma_semaphore, #tpu.memory_space<semaphore_mem>>) src(%dma_wait3A_57 : memref<10240x128xf32, #tpu.memory_space<hbm>>) dst(%dma_wait3A_51 : memref<128x128xf32, #tpu.memory_space<vmem>>)
        %run_scoped3A = arith.constant 0 : i32
        "tpu.region"() ({
          %run_scoped3A_92 = tpu.sem_alloc : memref<!tpu.dma_semaphore, #tpu.memory_space<semaphore_mem>>
          %dma_start3A_93 = arith.constant 0 : i32
          %dma_start3A_94 = arith.constant 0 : i32
          %dma_start3A_95 = tpu.memref_slice %arg12[%run_scoped3A, %dma_start3A_93, %dma_start3A_94] : memref<2x128x128xf32, #tpu.memory_space<vmem>> -> memref<1x128x128xf32, #tpu.memory_space<vmem>>
          %dma_start3A_96 = tpu.memref_squeeze %dma_start3A_95 : memref<1x128x128xf32, #tpu.memory_space<vmem>> -> memref<128x128xf32, #tpu.memory_space<vmem>>
          %dma_start3A_97 = arith.constant 0 : i32
          %dma_start3A_98 = tpu.memref_slice %arg11[%add3A_46, %dma_start3A_97] : memref<40x128xi32, #tpu.memory_space<vmem>> -> memref<1x128xi32, #tpu.memory_space<vmem>>
          %dma_start3A_99 = tpu.memref_squeeze %dma_start3A_98 : memref<1x128xi32, #tpu.memory_space<vmem>> -> memref<128xi32, #tpu.memory_space<vmem>>
          %dma_start3A_100 = arith.constant 0 : i32
          %dma_start3A_101 = arith.constant 0 : i32
          %dma_start3A_102 = tpu.memref_slice %arg14[%dma_start3A_100, %dma_start3A_101] : memref<10240x128xf32, #tpu.memory_space<vmem_shared>> -> memref<10240x128xf32, #tpu.memory_space<vmem_shared>>
          tpu.enqueue_indirect_dma source(%dma_start3A_96 : memref<128x128xf32, #tpu.memory_space<vmem>>) target(%dma_start3A_102 : memref<10240x128xf32, #tpu.memory_space<vmem_shared>>) offsets(%dma_start3A_99 : memref<128xi32, #tpu.memory_space<vmem>>) semaphore(%run_scoped3A_92 : memref<!tpu.dma_semaphore, #tpu.memory_space<semaphore_mem>>) {add = true}
          %dma_wait3A_103 = arith.constant 0 : i32
          %dma_wait3A_104 = arith.constant 0 : i32
          %dma_wait3A_105 = tpu.memref_slice %arg12[%run_scoped3A, %dma_wait3A_103, %dma_wait3A_104] : memref<2x128x128xf32, #tpu.memory_space<vmem>> -> memref<1x128x128xf32, #tpu.memory_space<vmem>>
          %dma_wait3A_106 = tpu.memref_squeeze %dma_wait3A_105 : memref<1x128x128xf32, #tpu.memory_space<vmem>> -> memref<128x128xf32, #tpu.memory_space<vmem>>
          %dma_wait3A_107 = arith.constant 0 : i32
          %dma_wait3A_108 = tpu.memref_slice %arg11[%add3A_46, %dma_wait3A_107] : memref<40x128xi32, #tpu.memory_space<vmem>> -> memref<1x128xi32, #tpu.memory_space<vmem>>
          %dma_wait3A_109 = tpu.memref_squeeze %dma_wait3A_108 : memref<1x128xi32, #tpu.memory_space<vmem>> -> memref<128xi32, #tpu.memory_space<vmem>>
          %dma_wait3A_110 = arith.constant 0 : i32
          %dma_wait3A_111 = arith.constant 0 : i32
          %dma_wait3A_112 = tpu.memref_slice %arg14[%dma_wait3A_110, %dma_wait3A_111] : memref<10240x128xf32, #tpu.memory_space<vmem_shared>> -> memref<10240x128xf32, #tpu.memory_space<vmem_shared>>
          tpu.wait_indirect_dma semaphore(%run_scoped3A_92 : memref<!tpu.dma_semaphore, #tpu.memory_space<semaphore_mem>>) src(%dma_wait3A_106 : memref<128x128xf32, #tpu.memory_space<vmem>>) dst(%dma_wait3A_112 : memref<10240x128xf32, #tpu.memory_space<vmem_shared>>)
          tpu.yield
        }) : () -> ()
        %add3A_60 = arith.constant 2 : i32
        %add3A_61 = arith.addi %add3A_46, %add3A_60 : i32
        %lt3A = arith.constant 40 : i32
        %lt3A_62 = arith.cmpi slt, %add3A_61, %lt3A : i32
        %convert_element_type3A_63 = arith.extui %lt3A_62 : i1 to i32
        %cond3A_64 = arith.constant 0 : i32
        %cond3A_65 = arith.cmpi ne, %convert_element_type3A_63, %cond3A_64 : i32
        scf.if %cond3A_65 {
          %dma_start3A_92 = arith.constant 0 : i32
          %dma_start3A_93 = arith.constant 0 : i32
          %dma_start3A_94 = arith.constant 0 : i32
          %dma_start3A_95 = arith.constant 0 : i32
          %dma_start3A_96 = tpu.memref_slice %arg12[%dma_start3A_92, %dma_start3A_94, %dma_start3A_95] : memref<2x128x128xf32, #tpu.memory_space<vmem>> -> memref<1x128x128xf32, #tpu.memory_space<vmem>>
          %dma_start3A_97 = tpu.memref_squeeze %dma_start3A_96 : memref<1x128x128xf32, #tpu.memory_space<vmem>> -> memref<128x128xf32, #tpu.memory_space<vmem>>
          %dma_start3A_98 = arith.constant 0 : i32
          %dma_start3A_99 = tpu.memref_slice %arg10[%add3A_61, %dma_start3A_98] : memref<40x128xi32, #tpu.memory_space<vmem>> -> memref<1x128xi32, #tpu.memory_space<vmem>>
          %dma_start3A_100 = tpu.memref_squeeze %dma_start3A_99 : memref<1x128xi32, #tpu.memory_space<vmem>> -> memref<128xi32, #tpu.memory_space<vmem>>
          %dma_start3A_101 = arith.constant 0 : i32
          %dma_start3A_102 = arith.constant 0 : i32
          %dma_start3A_103 = tpu.memref_slice %arg5[%dma_start3A_101, %dma_start3A_102] : memref<10240x128xf32, #tpu.memory_space<hbm>> -> memref<10240x128xf32, #tpu.memory_space<hbm>>
          %dma_start3A_104 = tpu.memref_slice %arg13[%dma_start3A_93] : memref<2x!tpu.dma_semaphore, #tpu.memory_space<semaphore_mem>> -> memref<1x!tpu.dma_semaphore, #tpu.memory_space<semaphore_mem>>
          %dma_start3A_105 = tpu.memref_squeeze %dma_start3A_104 : memref<1x!tpu.dma_semaphore, #tpu.memory_space<semaphore_mem>> -> memref<!tpu.dma_semaphore, #tpu.memory_space<semaphore_mem>>
          tpu.enqueue_indirect_dma source(%dma_start3A_103 : memref<10240x128xf32, #tpu.memory_space<hbm>>) target(%dma_start3A_97 : memref<128x128xf32, #tpu.memory_space<vmem>>) offsets(%dma_start3A_100 : memref<128xi32, #tpu.memory_space<vmem>>) semaphore(%dma_start3A_105 : memref<!tpu.dma_semaphore, #tpu.memory_space<semaphore_mem>>)
        } else {
        }
        %mul3A_66 = arith.constant 2 : i32
        %mul3A_67 = arith.muli %scan3A_43, %mul3A_66 : i32
        %add3A_68 = arith.constant 1 : i32
        %add3A_69 = arith.addi %mul3A_67, %add3A_68 : i32
        %dma_wait3A_70 = arith.constant 1 : i32
        %dma_wait3A_71 = arith.constant 1 : i32
        %dma_wait3A_72 = arith.constant 0 : i32
        %dma_wait3A_73 = arith.constant 0 : i32
        %dma_wait3A_74 = tpu.memref_slice %arg12[%dma_wait3A_70, %dma_wait3A_72, %dma_wait3A_73] : memref<2x128x128xf32, #tpu.memory_space<vmem>> -> memref<1x128x128xf32, #tpu.memory_space<vmem>>
        %dma_wait3A_75 = tpu.memref_squeeze %dma_wait3A_74 : memref<1x128x128xf32, #tpu.memory_space<vmem>> -> memref<128x128xf32, #tpu.memory_space<vmem>>
        %dma_wait3A_76 = arith.constant 0 : i32
        %dma_wait3A_77 = tpu.memref_slice %arg10[%add3A_69, %dma_wait3A_76] : memref<40x128xi32, #tpu.memory_space<vmem>> -> memref<1x128xi32, #tpu.memory_space<vmem>>
        %dma_wait3A_78 = tpu.memref_squeeze %dma_wait3A_77 : memref<1x128xi32, #tpu.memory_space<vmem>> -> memref<128xi32, #tpu.memory_space<vmem>>
        %dma_wait3A_79 = arith.constant 0 : i32
        %dma_wait3A_80 = arith.constant 0 : i32
        %dma_wait3A_81 = tpu.memref_slice %arg5[%dma_wait3A_79, %dma_wait3A_80] : memref<10240x128xf32, #tpu.memory_space<hbm>> -> memref<10240x128xf32, #tpu.memory_space<hbm>>
        %dma_wait3A_82 = tpu.memref_slice %arg13[%dma_wait3A_71] : memref<2x!tpu.dma_semaphore, #tpu.memory_space<semaphore_mem>> -> memref<1x!tpu.dma_semaphore, #tpu.memory_space<semaphore_mem>>
        %dma_wait3A_83 = tpu.memref_squeeze %dma_wait3A_82 : memref<1x!tpu.dma_semaphore, #tpu.memory_space<semaphore_mem>> -> memref<!tpu.dma_semaphore, #tpu.memory_space<semaphore_mem>>
        tpu.wait_indirect_dma semaphore(%dma_wait3A_83 : memref<!tpu.dma_semaphore, #tpu.memory_space<semaphore_mem>>) src(%dma_wait3A_81 : memref<10240x128xf32, #tpu.memory_space<hbm>>) dst(%dma_wait3A_75 : memref<128x128xf32, #tpu.memory_space<vmem>>)
        %run_scoped3A_84 = arith.constant 1 : i32
        "tpu.region"() ({
          %run_scoped3A_92 = tpu.sem_alloc : memref<!tpu.dma_semaphore, #tpu.memory_space<semaphore_mem>>
          %dma_start3A_93 = arith.constant 0 : i32
          %dma_start3A_94 = arith.constant 0 : i32
          %dma_start3A_95 = tpu.memref_slice %arg12[%run_scoped3A_84, %dma_start3A_93, %dma_start3A_94] : memref<2x128x128xf32, #tpu.memory_space<vmem>> -> memref<1x128x128xf32, #tpu.memory_space<vmem>>
          %dma_start3A_96 = tpu.memref_squeeze %dma_start3A_95 : memref<1x128x128xf32, #tpu.memory_space<vmem>> -> memref<128x128xf32, #tpu.memory_space<vmem>>
          %dma_start3A_97 = arith.constant 0 : i32
          %dma_start3A_98 = tpu.memref_slice %arg11[%add3A_69, %dma_start3A_97] : memref<40x128xi32, #tpu.memory_space<vmem>> -> memref<1x128xi32, #tpu.memory_space<vmem>>
          %dma_start3A_99 = tpu.memref_squeeze %dma_start3A_98 : memref<1x128xi32, #tpu.memory_space<vmem>> -> memref<128xi32, #tpu.memory_space<vmem>>
          %dma_start3A_100 = arith.constant 0 : i32
          %dma_start3A_101 = arith.constant 0 : i32
          %dma_start3A_102 = tpu.memref_slice %arg14[%dma_start3A_100, %dma_start3A_101] : memref<10240x128xf32, #tpu.memory_space<vmem_shared>> -> memref<10240x128xf32, #tpu.memory_space<vmem_shared>>
          tpu.enqueue_indirect_dma source(%dma_start3A_96 : memref<128x128xf32, #tpu.memory_space<vmem>>) target(%dma_start3A_102 : memref<10240x128xf32, #tpu.memory_space<vmem_shared>>) offsets(%dma_start3A_99 : memref<128xi32, #tpu.memory_space<vmem>>) semaphore(%run_scoped3A_92 : memref<!tpu.dma_semaphore, #tpu.memory_space<semaphore_mem>>) {add = true}
          %dma_wait3A_103 = arith.constant 0 : i32
          %dma_wait3A_104 = arith.constant 0 : i32
          %dma_wait3A_105 = tpu.memref_slice %arg12[%run_scoped3A_84, %dma_wait3A_103, %dma_wait3A_104] : memref<2x128x128xf32, #tpu.memory_space<vmem>> -> memref<1x128x128xf32, #tpu.memory_space<vmem>>
          %dma_wait3A_106 = tpu.memref_squeeze %dma_wait3A_105 : memref<1x128x128xf32, #tpu.memory_space<vmem>> -> memref<128x128xf32, #tpu.memory_space<vmem>>
          %dma_wait3A_107 = arith.constant 0 : i32
          %dma_wait3A_108 = tpu.memref_slice %arg11[%add3A_69, %dma_wait3A_107] : memref<40x128xi32, #tpu.memory_space<vmem>> -> memref<1x128xi32, #tpu.memory_space<vmem>>
          %dma_wait3A_109 = tpu.memref_squeeze %dma_wait3A_108 : memref<1x128xi32, #tpu.memory_space<vmem>> -> memref<128xi32, #tpu.memory_space<vmem>>
          %dma_wait3A_110 = arith.constant 0 : i32
          %dma_wait3A_111 = arith.constant 0 : i32
          %dma_wait3A_112 = tpu.memref_slice %arg14[%dma_wait3A_110, %dma_wait3A_111] : memref<10240x128xf32, #tpu.memory_space<vmem_shared>> -> memref<10240x128xf32, #tpu.memory_space<vmem_shared>>
          tpu.wait_indirect_dma semaphore(%run_scoped3A_92 : memref<!tpu.dma_semaphore, #tpu.memory_space<semaphore_mem>>) src(%dma_wait3A_106 : memref<128x128xf32, #tpu.memory_space<vmem>>) dst(%dma_wait3A_112 : memref<10240x128xf32, #tpu.memory_space<vmem_shared>>)
          tpu.yield
        }) : () -> ()
        %add3A_85 = arith.constant 2 : i32
        %add3A_86 = arith.addi %add3A_69, %add3A_85 : i32
        %lt3A_87 = arith.constant 40 : i32
        %lt3A_88 = arith.cmpi slt, %add3A_86, %lt3A_87 : i32
        %convert_element_type3A_89 = arith.extui %lt3A_88 : i1 to i32
        %cond3A_90 = arith.constant 0 : i32
        %cond3A_91 = arith.cmpi ne, %convert_element_type3A_89, %cond3A_90 : i32
        scf.if %cond3A_91 {
          %dma_start3A_92 = arith.constant 1 : i32
          %dma_start3A_93 = arith.constant 1 : i32
          %dma_start3A_94 = arith.constant 0 : i32
          %dma_start3A_95 = arith.constant 0 : i32
          %dma_start3A_96 = tpu.memref_slice %arg12[%dma_start3A_92, %dma_start3A_94, %dma_start3A_95] : memref<2x128x128xf32, #tpu.memory_space<vmem>> -> memref<1x128x128xf32, #tpu.memory_space<vmem>>
          %dma_start3A_97 = tpu.memref_squeeze %dma_start3A_96 : memref<1x128x128xf32, #tpu.memory_space<vmem>> -> memref<128x128xf32, #tpu.memory_space<vmem>>
          %dma_start3A_98 = arith.constant 0 : i32
          %dma_start3A_99 = tpu.memref_slice %arg10[%add3A_86, %dma_start3A_98] : memref<40x128xi32, #tpu.memory_space<vmem>> -> memref<1x128xi32, #tpu.memory_space<vmem>>
          %dma_start3A_100 = tpu.memref_squeeze %dma_start3A_99 : memref<1x128xi32, #tpu.memory_space<vmem>> -> memref<128xi32, #tpu.memory_space<vmem>>
          %dma_start3A_101 = arith.constant 0 : i32
          %dma_start3A_102 = arith.constant 0 : i32
          %dma_start3A_103 = tpu.memref_slice %arg5[%dma_start3A_101, %dma_start3A_102] : memref<10240x128xf32, #tpu.memory_space<hbm>> -> memref<10240x128xf32, #tpu.memory_space<hbm>>
          %dma_start3A_104 = tpu.memref_slice %arg13[%dma_start3A_93] : memref<2x!tpu.dma_semaphore, #tpu.memory_space<semaphore_mem>> -> memref<1x!tpu.dma_semaphore, #tpu.memory_space<semaphore_mem>>
          %dma_start3A_105 = tpu.memref_squeeze %dma_start3A_104 : memref<1x!tpu.dma_semaphore, #tpu.memory_space<semaphore_mem>> -> memref<!tpu.dma_semaphore, #tpu.memory_space<semaphore_mem>>
          tpu.enqueue_indirect_dma source(%dma_start3A_103 : memref<10240x128xf32, #tpu.memory_space<hbm>>) target(%dma_start3A_97 : memref<128x128xf32, #tpu.memory_space<vmem>>) offsets(%dma_start3A_100 : memref<128xi32, #tpu.memory_space<vmem>>) semaphore(%dma_start3A_105 : memref<!tpu.dma_semaphore, #tpu.memory_space<semaphore_mem>>)
        } else {
        }
      }
      %scan3A_41 = arith.constant 20 : i32
      %barrier3A_42 = arith.constant 0 : index
      tpu.barrier barrier_id(%barrier3A_42)
      "tpu.region"() ({
        %run_scoped3A = tpu.sem_alloc : memref<!tpu.dma_semaphore, #tpu.memory_space<semaphore_mem>>
        %dma_start3A_43 = arith.constant 0 : i32
        %dma_start3A_44 = tpu.memref_slice %arg9[%mul3A_0, %dma_start3A_43] : memref<10240x128xf32, #tpu.memory_space<hbm>> -> memref<640x128xf32, #tpu.memory_space<hbm>>
        %dma_start3A_45 = arith.constant 0 : i32
        %dma_start3A_46 = tpu.memref_slice %arg14[%mul3A_0, %dma_start3A_45] : memref<10240x128xf32, #tpu.memory_space<vmem_shared>> -> memref<640x128xf32, #tpu.memory_space<vmem_shared>>
        tpu.enqueue_dma source(%dma_start3A_46 : memref<640x128xf32, #tpu.memory_space<vmem_shared>>) target(%dma_start3A_44 : memref<640x128xf32, #tpu.memory_space<hbm>>) target_semaphore(%run_scoped3A : memref<!tpu.dma_semaphore, #tpu.memory_space<semaphore_mem>>)
        %dma_wait3A = arith.constant 0 : i32
        %dma_wait3A_47 = tpu.memref_slice %arg9[%mul3A_0, %dma_wait3A] : memref<10240x128xf32, #tpu.memory_space<hbm>> -> memref<640x128xf32, #tpu.memory_space<hbm>>
        %dma_wait3A_48 = arith.constant 0 : i32
        %dma_wait3A_49 = tpu.memref_slice %arg14[%mul3A_0, %dma_wait3A_48] : memref<10240x128xf32, #tpu.memory_space<vmem_shared>> -> memref<640x128xf32, #tpu.memory_space<vmem_shared>>
        tpu.wait_dma2 semaphore(%run_scoped3A : memref<!tpu.dma_semaphore, #tpu.memory_space<semaphore_mem>>) src(%dma_wait3A_49 : memref<640x128xf32, #tpu.memory_space<vmem_shared>>) dst(%dma_wait3A_47 : memref<640x128xf32, #tpu.memory_space<hbm>>)
        tpu.yield
      }) : () -> ()
    } else {
    }
    return
  }
}

#map = affine_map<(d0, d1) -> (0, 0)>
#map1 = affine_map<(d0, d1) -> (0, 0, 0)>
module attributes {stable_mosaic.version = 14 : i64} {
  func.func @k(%arg0: i32, %arg1: i32, %arg2: memref<10240x128xf32, #tpu.memory_space<hbm>>, %arg3: memref<10240x128xf32, #tpu.memory_space<hbm>>, %arg4: memref<10240x128xf32, #tpu.memory_space<hbm>>, %arg5: memref<10240x128xf32, #tpu.memory_space<hbm>>, %arg6: memref<16x40x128xi32, #tpu.memory_space<hbm>>, %arg7: memref<16x40x128xi32, #tpu.memory_space<hbm>>, %arg8: memref<10240x128xf32, #tpu.memory_space<hbm>>, %arg9: memref<10240x128xf32, #tpu.memory_space<hbm>>, %arg10: memref<40x128xi32, #tpu.memory_space<vmem>>, %arg11: memref<40x128xi32, #tpu.memory_space<vmem>>, %arg12: memref<2x128x128xf32, #tpu.memory_space<vmem>>, %arg13: memref<2x!tpu.dma_semaphore, #tpu.memory_space<semaphore_mem>>, %arg14: memref<10240x128xf32, #tpu.memory_space<vmem_shared>>) attributes {dimension_semantics = [#tpu.dimension_semantics<core_parallel>, #tpu.dimension_semantics<subcore_parallel>], iteration_bounds = array<i64: 2, 16>, scalar_prefetch = 0 : i64, scratch_operands = 5 : i64, tpu.core_type = #tpu.core_type<sc_vector_subcore>, window_params = [{transform_indices = #map}, {transform_indices = #map}, {transform_indices = #map}, {transform_indices = #map}, {transform_indices = #map1}, {transform_indices = #map1}, {transform_indices = #map}, {transform_indices = #map}]} {
    "tpu.region"() ({
      %run_scoped3A = tpu.sem_alloc : memref<!tpu.dma_semaphore, #tpu.memory_space<semaphore_mem>>
      %dma_start3A = arith.constant 0 : i32
      %dma_start3A_8 = arith.constant 0 : i32
      %dma_start3A_9 = tpu.memref_slice %arg6[%arg1, %dma_start3A, %dma_start3A_8] : memref<16x40x128xi32, #tpu.memory_space<hbm>> -> memref<1x40x128xi32, #tpu.memory_space<hbm>>
      %dma_start3A_10 = tpu.memref_squeeze %dma_start3A_9 : memref<1x40x128xi32, #tpu.memory_space<hbm>> -> memref<40x128xi32, #tpu.memory_space<hbm>>
      %dma_start3A_11 = arith.constant 0 : i32
      %dma_start3A_12 = arith.constant 0 : i32
      %dma_start3A_13 = tpu.memref_slice %arg6[%arg1, %dma_start3A_11, %dma_start3A_12] : memref<16x40x128xi32, #tpu.memory_space<hbm>> -> memref<1x40x128xi32, #tpu.memory_space<hbm>>
      %dma_start3A_14 = tpu.memref_squeeze %dma_start3A_13 : memref<1x40x128xi32, #tpu.memory_space<hbm>> -> memref<40x128xi32, #tpu.memory_space<hbm>>
      tpu.enqueue_dma source(%dma_start3A_14 : memref<40x128xi32, #tpu.memory_space<hbm>>) target(%arg10 : memref<40x128xi32, #tpu.memory_space<vmem>>) target_semaphore(%run_scoped3A : memref<!tpu.dma_semaphore, #tpu.memory_space<semaphore_mem>>)
      %dma_wait3A = arith.constant 0 : i32
      %dma_wait3A_15 = arith.constant 0 : i32
      %dma_wait3A_16 = tpu.memref_slice %arg6[%arg1, %dma_wait3A, %dma_wait3A_15] : memref<16x40x128xi32, #tpu.memory_space<hbm>> -> memref<1x40x128xi32, #tpu.memory_space<hbm>>
      %dma_wait3A_17 = tpu.memref_squeeze %dma_wait3A_16 : memref<1x40x128xi32, #tpu.memory_space<hbm>> -> memref<40x128xi32, #tpu.memory_space<hbm>>
      %dma_wait3A_18 = arith.constant 0 : i32
      %dma_wait3A_19 = arith.constant 0 : i32
      %dma_wait3A_20 = tpu.memref_slice %arg6[%arg1, %dma_wait3A_18, %dma_wait3A_19] : memref<16x40x128xi32, #tpu.memory_space<hbm>> -> memref<1x40x128xi32, #tpu.memory_space<hbm>>
      %dma_wait3A_21 = tpu.memref_squeeze %dma_wait3A_20 : memref<1x40x128xi32, #tpu.memory_space<hbm>> -> memref<40x128xi32, #tpu.memory_space<hbm>>
      tpu.wait_dma2 semaphore(%run_scoped3A : memref<!tpu.dma_semaphore, #tpu.memory_space<semaphore_mem>>) src(%dma_wait3A_21 : memref<40x128xi32, #tpu.memory_space<hbm>>) dst(%arg10 : memref<40x128xi32, #tpu.memory_space<vmem>>)
      tpu.yield
    }) : () -> ()
    "tpu.region"() ({
      %run_scoped3A = tpu.sem_alloc : memref<!tpu.dma_semaphore, #tpu.memory_space<semaphore_mem>>
      %dma_start3A = arith.constant 0 : i32
      %dma_start3A_8 = arith.constant 0 : i32
      %dma_start3A_9 = tpu.memref_slice %arg7[%arg1, %dma_start3A, %dma_start3A_8] : memref<16x40x128xi32, #tpu.memory_space<hbm>> -> memref<1x40x128xi32, #tpu.memory_space<hbm>>
      %dma_start3A_10 = tpu.memref_squeeze %dma_start3A_9 : memref<1x40x128xi32, #tpu.memory_space<hbm>> -> memref<40x128xi32, #tpu.memory_space<hbm>>
      %dma_start3A_11 = arith.constant 0 : i32
      %dma_start3A_12 = arith.constant 0 : i32
      %dma_start3A_13 = tpu.memref_slice %arg7[%arg1, %dma_start3A_11, %dma_start3A_12] : memref<16x40x128xi32, #tpu.memory_space<hbm>> -> memref<1x40x128xi32, #tpu.memory_space<hbm>>
      %dma_start3A_14 = tpu.memref_squeeze %dma_start3A_13 : memref<1x40x128xi32, #tpu.memory_space<hbm>> -> memref<40x128xi32, #tpu.memory_space<hbm>>
      tpu.enqueue_dma source(%dma_start3A_14 : memref<40x128xi32, #tpu.memory_space<hbm>>) target(%arg11 : memref<40x128xi32, #tpu.memory_space<vmem>>) target_semaphore(%run_scoped3A : memref<!tpu.dma_semaphore, #tpu.memory_space<semaphore_mem>>)
      %dma_wait3A = arith.constant 0 : i32
      %dma_wait3A_15 = arith.constant 0 : i32
      %dma_wait3A_16 = tpu.memref_slice %arg7[%arg1, %dma_wait3A, %dma_wait3A_15] : memref<16x40x128xi32, #tpu.memory_space<hbm>> -> memref<1x40x128xi32, #tpu.memory_space<hbm>>
      %dma_wait3A_17 = tpu.memref_squeeze %dma_wait3A_16 : memref<1x40x128xi32, #tpu.memory_space<hbm>> -> memref<40x128xi32, #tpu.memory_space<hbm>>
      %dma_wait3A_18 = arith.constant 0 : i32
      %dma_wait3A_19 = arith.constant 0 : i32
      %dma_wait3A_20 = tpu.memref_slice %arg7[%arg1, %dma_wait3A_18, %dma_wait3A_19] : memref<16x40x128xi32, #tpu.memory_space<hbm>> -> memref<1x40x128xi32, #tpu.memory_space<hbm>>
      %dma_wait3A_21 = tpu.memref_squeeze %dma_wait3A_20 : memref<1x40x128xi32, #tpu.memory_space<hbm>> -> memref<40x128xi32, #tpu.memory_space<hbm>>
      tpu.wait_dma2 semaphore(%run_scoped3A : memref<!tpu.dma_semaphore, #tpu.memory_space<semaphore_mem>>) src(%dma_wait3A_21 : memref<40x128xi32, #tpu.memory_space<hbm>>) dst(%arg11 : memref<40x128xi32, #tpu.memory_space<vmem>>)
      tpu.yield
    }) : () -> ()
    %mul3A = arith.constant 640 : i32
    %mul3A_0 = arith.muli %arg1, %mul3A : i32
    %eq3A = arith.constant 0 : i32
    %eq3A_1 = arith.cmpi eq, %arg0, %eq3A : i32
    %convert_element_type3A = arith.extui %eq3A_1 : i1 to i32
    %cond3A = arith.constant 0 : i32
    %cond3A_2 = arith.cmpi ne, %convert_element_type3A, %cond3A : i32
    scf.if %cond3A_2 {
      "tpu.region"() ({
        %run_scoped3A = tpu.sem_alloc : memref<!tpu.dma_semaphore, #tpu.memory_space<semaphore_mem>>
        %dma_start3A_43 = arith.constant 0 : i32
        %dma_start3A_44 = tpu.memref_slice %arg14[%mul3A_0, %dma_start3A_43] : memref<10240x128xf32, #tpu.memory_space<vmem_shared>> -> memref<640x128xf32, #tpu.memory_space<vmem_shared>>
        %dma_start3A_45 = arith.constant 0 : i32
        %dma_start3A_46 = tpu.memref_slice %arg2[%mul3A_0, %dma_start3A_45] : memref<10240x128xf32, #tpu.memory_space<hbm>> -> memref<640x128xf32, #tpu.memory_space<hbm>>
        tpu.enqueue_dma source(%dma_start3A_46 : memref<640x128xf32, #tpu.memory_space<hbm>>) target(%dma_start3A_44 : memref<640x128xf32, #tpu.memory_space<vmem_shared>>) target_semaphore(%run_scoped3A : memref<!tpu.dma_semaphore, #tpu.memory_space<semaphore_mem>>)
        %dma_wait3A = arith.constant 0 : i32
        %dma_wait3A_47 = tpu.memref_slice %arg14[%mul3A_0, %dma_wait3A] : memref<10240x128xf32, #tpu.memory_space<vmem_shared>> -> memref<640x128xf32, #tpu.memory_space<vmem_shared>>
        %dma_wait3A_48 = arith.constant 0 : i32
        %dma_wait3A_49 = tpu.memref_slice %arg2[%mul3A_0, %dma_wait3A_48] : memref<10240x128xf32, #tpu.memory_space<hbm>> -> memref<640x128xf32, #tpu.memory_space<hbm>>
        tpu.wait_dma2 semaphore(%run_scoped3A : memref<!tpu.dma_semaphore, #tpu.memory_space<semaphore_mem>>) src(%dma_wait3A_49 : memref<640x128xf32, #tpu.memory_space<hbm>>) dst(%dma_wait3A_47 : memref<640x128xf32, #tpu.memory_space<vmem_shared>>)
        tpu.yield
      }) : () -> ()
      %barrier3A = arith.constant 0 : index
      tpu.barrier barrier_id(%barrier3A)
      %dma_start3A = arith.constant 0 : i32
      %dma_start3A_8 = arith.constant 0 : i32
      %dma_start3A_9 = arith.constant 0 : i32
      %dma_start3A_10 = arith.constant 0 : i32
      %dma_start3A_11 = arith.constant 0 : i32
      %dma_start3A_12 = tpu.memref_slice %arg12[%dma_start3A_8, %dma_start3A_10, %dma_start3A_11] : memref<2x128x128xf32, #tpu.memory_space<vmem>> -> memref<1x128x128xf32, #tpu.memory_space<vmem>>
      %dma_start3A_13 = tpu.memref_squeeze %dma_start3A_12 : memref<1x128x128xf32, #tpu.memory_space<vmem>> -> memref<128x128xf32, #tpu.memory_space<vmem>>
      %dma_start3A_14 = arith.constant 0 : i32
      %dma_start3A_15 = tpu.memref_slice %arg10[%dma_start3A, %dma_start3A_14] : memref<40x128xi32, #tpu.memory_space<vmem>> -> memref<1x128xi32, #tpu.memory_space<vmem>>
      %dma_start3A_16 = tpu.memref_squeeze %dma_start3A_15 : memref<1x128xi32, #tpu.memory_space<vmem>> -> memref<128xi32, #tpu.memory_space<vmem>>
      %dma_start3A_17 = arith.constant 0 : i32
      %dma_start3A_18 = arith.constant 0 : i32
      %dma_start3A_19 = tpu.memref_slice %arg4[%dma_start3A_17, %dma_start3A_18] : memref<10240x128xf32, #tpu.memory_space<hbm>> -> memref<10240x128xf32, #tpu.memory_space<hbm>>
      %dma_start3A_20 = tpu.memref_slice %arg13[%dma_start3A_9] : memref<2x!tpu.dma_semaphore, #tpu.memory_space<semaphore_mem>> -> memref<1x!tpu.dma_semaphore, #tpu.memory_space<semaphore_mem>>
      %dma_start3A_21 = tpu.memref_squeeze %dma_start3A_20 : memref<1x!tpu.dma_semaphore, #tpu.memory_space<semaphore_mem>> -> memref<!tpu.dma_semaphore, #tpu.memory_space<semaphore_mem>>
      tpu.enqueue_indirect_dma source(%dma_start3A_19 : memref<10240x128xf32, #tpu.memory_space<hbm>>) target(%dma_start3A_13 : memref<128x128xf32, #tpu.memory_space<vmem>>) offsets(%dma_start3A_16 : memref<128xi32, #tpu.memory_space<vmem>>) semaphore(%dma_start3A_21 : memref<!tpu.dma_semaphore, #tpu.memory_space<semaphore_mem>>)
      %dma_start3A_22 = arith.constant 1 : i32
      %dma_start3A_23 = arith.constant 1 : i32
      %dma_start3A_24 = arith.constant 1 : i32
      %dma_start3A_25 = arith.constant 0 : i32
      %dma_start3A_26 = arith.constant 0 : i32
      %dma_start3A_27 = tpu.memref_slice %arg12[%dma_start3A_23, %dma_start3A_25, %dma_start3A_26] : memref<2x128x128xf32, #tpu.memory_space<vmem>> -> memref<1x128x128xf32, #tpu.memory_space<vmem>>
      %dma_start3A_28 = tpu.memref_squeeze %dma_start3A_27 : memref<1x128x128xf32, #tpu.memory_space<vmem>> -> memref<128x128xf32, #tpu.memory_space<vmem>>
      %dma_start3A_29 = arith.constant 0 : i32
      %dma_start3A_30 = tpu.memref_slice %arg10[%dma_start3A_22, %dma_start3A_29] : memref<40x128xi32, #tpu.memory_space<vmem>> -> memref<1x128xi32, #tpu.memory_space<vmem>>
      %dma_start3A_31 = tpu.memref_squeeze %dma_start3A_30 : memref<1x128xi32, #tpu.memory_space<vmem>> -> memref<128xi32, #tpu.memory_space<vmem>>
      %dma_start3A_32 = arith.constant 0 : i32
      %dma_start3A_33 = arith.constant 0 : i32
      %dma_start3A_34 = tpu.memref_slice %arg4[%dma_start3A_32, %dma_start3A_33] : memref<10240x128xf32, #tpu.memory_space<hbm>> -> memref<10240x128xf32, #tpu.memory_space<hbm>>
      %dma_start3A_35 = tpu.memref_slice %arg13[%dma_start3A_24] : memref<2x!tpu.dma_semaphore, #tpu.memory_space<semaphore_mem>> -> memref<1x!tpu.dma_semaphore, #tpu.memory_space<semaphore_mem>>
      %dma_start3A_36 = tpu.memref_squeeze %dma_start3A_35 : memref<1x!tpu.dma_semaphore, #tpu.memory_space<semaphore_mem>> -> memref<!tpu.dma_semaphore, #tpu.memory_space<semaphore_mem>>
      tpu.enqueue_indirect_dma source(%dma_start3A_34 : memref<10240x128xf32, #tpu.memory_space<hbm>>) target(%dma_start3A_28 : memref<128x128xf32, #tpu.memory_space<vmem>>) offsets(%dma_start3A_31 : memref<128xi32, #tpu.memory_space<vmem>>) semaphore(%dma_start3A_36 : memref<!tpu.dma_semaphore, #tpu.memory_space<semaphore_mem>>)
      %scan3A = arith.constant 0 : i32
      %scan3A_37 = arith.constant 0 : i32
      %scan3A_38 = arith.constant 20 : i32
      %scan3A_39 = arith.addi %scan3A_37, %scan3A_38 : i32
      %scan3A_40 = arith.constant 1 : i32
      scf.for %scan3A_43 = %scan3A_37 to %scan3A_39 step %scan3A_40  : i32 {
        %mul3A_44 = arith.constant 2 : i32
        %mul3A_45 = arith.muli %scan3A_43, %mul3A_44 : i32
        %add3A = arith.constant 0 : i32
        %add3A_46 = arith.addi %mul3A_45, %add3A : i32
        %dma_wait3A = arith.constant 0 : i32
        %dma_wait3A_47 = arith.constant 0 : i32
        %dma_wait3A_48 = arith.constant 0 : i32
        %dma_wait3A_49 = arith.constant 0 : i32
        %dma_wait3A_50 = tpu.memref_slice %arg12[%dma_wait3A, %dma_wait3A_48, %dma_wait3A_49] : memref<2x128x128xf32, #tpu.memory_space<vmem>> -> memref<1x128x128xf32, #tpu.memory_space<vmem>>
        %dma_wait3A_51 = tpu.memref_squeeze %dma_wait3A_50 : memref<1x128x128xf32, #tpu.memory_space<vmem>> -> memref<128x128xf32, #tpu.memory_space<vmem>>
        %dma_wait3A_52 = arith.constant 0 : i32
        %dma_wait3A_53 = tpu.memref_slice %arg10[%add3A_46, %dma_wait3A_52] : memref<40x128xi32, #tpu.memory_space<vmem>> -> memref<1x128xi32, #tpu.memory_space<vmem>>
        %dma_wait3A_54 = tpu.memref_squeeze %dma_wait3A_53 : memref<1x128xi32, #tpu.memory_space<vmem>> -> memref<128xi32, #tpu.memory_space<vmem>>
        %dma_wait3A_55 = arith.constant 0 : i32
        %dma_wait3A_56 = arith.constant 0 : i32
        %dma_wait3A_57 = tpu.memref_slice %arg4[%dma_wait3A_55, %dma_wait3A_56] : memref<10240x128xf32, #tpu.memory_space<hbm>> -> memref<10240x128xf32, #tpu.memory_space<hbm>>
        %dma_wait3A_58 = tpu.memref_slice %arg13[%dma_wait3A_47] : memref<2x!tpu.dma_semaphore, #tpu.memory_space<semaphore_mem>> -> memref<1x!tpu.dma_semaphore, #tpu.memory_space<semaphore_mem>>
        %dma_wait3A_59 = tpu.memref_squeeze %dma_wait3A_58 : memref<1x!tpu.dma_semaphore, #tpu.memory_space<semaphore_mem>> -> memref<!tpu.dma_semaphore, #tpu.memory_space<semaphore_mem>>
        tpu.wait_indirect_dma semaphore(%dma_wait3A_59 : memref<!tpu.dma_semaphore, #tpu.memory_space<semaphore_mem>>) src(%dma_wait3A_57 : memref<10240x128xf32, #tpu.memory_space<hbm>>) dst(%dma_wait3A_51 : memref<128x128xf32, #tpu.memory_space<vmem>>)
        %run_scoped3A = arith.constant 0 : i32
        "tpu.region"() ({
          %run_scoped3A_92 = tpu.sem_alloc : memref<!tpu.dma_semaphore, #tpu.memory_space<semaphore_mem>>
          %dma_start3A_93 = arith.constant 0 : i32
          %dma_start3A_94 = arith.constant 0 : i32
          %dma_start3A_95 = tpu.memref_slice %arg12[%run_scoped3A, %dma_start3A_93, %dma_start3A_94] : memref<2x128x128xf32, #tpu.memory_space<vmem>> -> memref<1x128x128xf32, #tpu.memory_space<vmem>>
          %dma_start3A_96 = tpu.memref_squeeze %dma_start3A_95 : memref<1x128x128xf32, #tpu.memory_space<vmem>> -> memref<128x128xf32, #tpu.memory_space<vmem>>
          %dma_start3A_97 = arith.constant 0 : i32
          %dma_start3A_98 = tpu.memref_slice %arg11[%add3A_46, %dma_start3A_97] : memref<40x128xi32, #tpu.memory_space<vmem>> -> memref<1x128xi32, #tpu.memory_space<vmem>>
          %dma_start3A_99 = tpu.memref_squeeze %dma_start3A_98 : memref<1x128xi32, #tpu.memory_space<vmem>> -> memref<128xi32, #tpu.memory_space<vmem>>
          %dma_start3A_100 = arith.constant 0 : i32
          %dma_start3A_101 = arith.constant 0 : i32
          %dma_start3A_102 = tpu.memref_slice %arg14[%dma_start3A_100, %dma_start3A_101] : memref<10240x128xf32, #tpu.memory_space<vmem_shared>> -> memref<10240x128xf32, #tpu.memory_space<vmem_shared>>
          tpu.enqueue_indirect_dma source(%dma_start3A_96 : memref<128x128xf32, #tpu.memory_space<vmem>>) target(%dma_start3A_102 : memref<10240x128xf32, #tpu.memory_space<vmem_shared>>) offsets(%dma_start3A_99 : memref<128xi32, #tpu.memory_space<vmem>>) semaphore(%run_scoped3A_92 : memref<!tpu.dma_semaphore, #tpu.memory_space<semaphore_mem>>) {add = true}
          %dma_wait3A_103 = arith.constant 0 : i32
          %dma_wait3A_104 = arith.constant 0 : i32
          %dma_wait3A_105 = tpu.memref_slice %arg12[%run_scoped3A, %dma_wait3A_103, %dma_wait3A_104] : memref<2x128x128xf32, #tpu.memory_space<vmem>> -> memref<1x128x128xf32, #tpu.memory_space<vmem>>
          %dma_wait3A_106 = tpu.memref_squeeze %dma_wait3A_105 : memref<1x128x128xf32, #tpu.memory_space<vmem>> -> memref<128x128xf32, #tpu.memory_space<vmem>>
          %dma_wait3A_107 = arith.constant 0 : i32
          %dma_wait3A_108 = tpu.memref_slice %arg11[%add3A_46, %dma_wait3A_107] : memref<40x128xi32, #tpu.memory_space<vmem>> -> memref<1x128xi32, #tpu.memory_space<vmem>>
          %dma_wait3A_109 = tpu.memref_squeeze %dma_wait3A_108 : memref<1x128xi32, #tpu.memory_space<vmem>> -> memref<128xi32, #tpu.memory_space<vmem>>
          %dma_wait3A_110 = arith.constant 0 : i32
          %dma_wait3A_111 = arith.constant 0 : i32
          %dma_wait3A_112 = tpu.memref_slice %arg14[%dma_wait3A_110, %dma_wait3A_111] : memref<10240x128xf32, #tpu.memory_space<vmem_shared>> -> memref<10240x128xf32, #tpu.memory_space<vmem_shared>>
          tpu.wait_indirect_dma semaphore(%run_scoped3A_92 : memref<!tpu.dma_semaphore, #tpu.memory_space<semaphore_mem>>) src(%dma_wait3A_106 : memref<128x128xf32, #tpu.memory_space<vmem>>) dst(%dma_wait3A_112 : memref<10240x128xf32, #tpu.memory_space<vmem_shared>>)
          tpu.yield
        }) : () -> ()
        %add3A_60 = arith.constant 2 : i32
        %add3A_61 = arith.addi %add3A_46, %add3A_60 : i32
        %lt3A = arith.constant 40 : i32
        %lt3A_62 = arith.cmpi slt, %add3A_61, %lt3A : i32
        %convert_element_type3A_63 = arith.extui %lt3A_62 : i1 to i32
        %cond3A_64 = arith.constant 0 : i32
        %cond3A_65 = arith.cmpi ne, %convert_element_type3A_63, %cond3A_64 : i32
        scf.if %cond3A_65 {
          %dma_start3A_92 = arith.constant 0 : i32
          %dma_start3A_93 = arith.constant 0 : i32
          %dma_start3A_94 = arith.constant 0 : i32
          %dma_start3A_95 = arith.constant 0 : i32
          %dma_start3A_96 = tpu.memref_slice %arg12[%dma_start3A_92, %dma_start3A_94, %dma_start3A_95] : memref<2x128x128xf32, #tpu.memory_space<vmem>> -> memref<1x128x128xf32, #tpu.memory_space<vmem>>
          %dma_start3A_97 = tpu.memref_squeeze %dma_start3A_96 : memref<1x128x128xf32, #tpu.memory_space<vmem>> -> memref<128x128xf32, #tpu.memory_space<vmem>>
          %dma_start3A_98 = arith.constant 0 : i32
          %dma_start3A_99 = tpu.memref_slice %arg10[%add3A_61, %dma_start3A_98] : memref<40x128xi32, #tpu.memory_space<vmem>> -> memref<1x128xi32, #tpu.memory_space<vmem>>
          %dma_start3A_100 = tpu.memref_squeeze %dma_start3A_99 : memref<1x128xi32, #tpu.memory_space<vmem>> -> memref<128xi32, #tpu.memory_space<vmem>>
          %dma_start3A_101 = arith.constant 0 : i32
          %dma_start3A_102 = arith.constant 0 : i32
          %dma_start3A_103 = tpu.memref_slice %arg4[%dma_start3A_101, %dma_start3A_102] : memref<10240x128xf32, #tpu.memory_space<hbm>> -> memref<10240x128xf32, #tpu.memory_space<hbm>>
          %dma_start3A_104 = tpu.memref_slice %arg13[%dma_start3A_93] : memref<2x!tpu.dma_semaphore, #tpu.memory_space<semaphore_mem>> -> memref<1x!tpu.dma_semaphore, #tpu.memory_space<semaphore_mem>>
          %dma_start3A_105 = tpu.memref_squeeze %dma_start3A_104 : memref<1x!tpu.dma_semaphore, #tpu.memory_space<semaphore_mem>> -> memref<!tpu.dma_semaphore, #tpu.memory_space<semaphore_mem>>
          tpu.enqueue_indirect_dma source(%dma_start3A_103 : memref<10240x128xf32, #tpu.memory_space<hbm>>) target(%dma_start3A_97 : memref<128x128xf32, #tpu.memory_space<vmem>>) offsets(%dma_start3A_100 : memref<128xi32, #tpu.memory_space<vmem>>) semaphore(%dma_start3A_105 : memref<!tpu.dma_semaphore, #tpu.memory_space<semaphore_mem>>)
        } else {
        }
        %mul3A_66 = arith.constant 2 : i32
        %mul3A_67 = arith.muli %scan3A_43, %mul3A_66 : i32
        %add3A_68 = arith.constant 1 : i32
        %add3A_69 = arith.addi %mul3A_67, %add3A_68 : i32
        %dma_wait3A_70 = arith.constant 1 : i32
        %dma_wait3A_71 = arith.constant 1 : i32
        %dma_wait3A_72 = arith.constant 0 : i32
        %dma_wait3A_73 = arith.constant 0 : i32
        %dma_wait3A_74 = tpu.memref_slice %arg12[%dma_wait3A_70, %dma_wait3A_72, %dma_wait3A_73] : memref<2x128x128xf32, #tpu.memory_space<vmem>> -> memref<1x128x128xf32, #tpu.memory_space<vmem>>
        %dma_wait3A_75 = tpu.memref_squeeze %dma_wait3A_74 : memref<1x128x128xf32, #tpu.memory_space<vmem>> -> memref<128x128xf32, #tpu.memory_space<vmem>>
        %dma_wait3A_76 = arith.constant 0 : i32
        %dma_wait3A_77 = tpu.memref_slice %arg10[%add3A_69, %dma_wait3A_76] : memref<40x128xi32, #tpu.memory_space<vmem>> -> memref<1x128xi32, #tpu.memory_space<vmem>>
        %dma_wait3A_78 = tpu.memref_squeeze %dma_wait3A_77 : memref<1x128xi32, #tpu.memory_space<vmem>> -> memref<128xi32, #tpu.memory_space<vmem>>
        %dma_wait3A_79 = arith.constant 0 : i32
        %dma_wait3A_80 = arith.constant 0 : i32
        %dma_wait3A_81 = tpu.memref_slice %arg4[%dma_wait3A_79, %dma_wait3A_80] : memref<10240x128xf32, #tpu.memory_space<hbm>> -> memref<10240x128xf32, #tpu.memory_space<hbm>>
        %dma_wait3A_82 = tpu.memref_slice %arg13[%dma_wait3A_71] : memref<2x!tpu.dma_semaphore, #tpu.memory_space<semaphore_mem>> -> memref<1x!tpu.dma_semaphore, #tpu.memory_space<semaphore_mem>>
        %dma_wait3A_83 = tpu.memref_squeeze %dma_wait3A_82 : memref<1x!tpu.dma_semaphore, #tpu.memory_space<semaphore_mem>> -> memref<!tpu.dma_semaphore, #tpu.memory_space<semaphore_mem>>
        tpu.wait_indirect_dma semaphore(%dma_wait3A_83 : memref<!tpu.dma_semaphore, #tpu.memory_space<semaphore_mem>>) src(%dma_wait3A_81 : memref<10240x128xf32, #tpu.memory_space<hbm>>) dst(%dma_wait3A_75 : memref<128x128xf32, #tpu.memory_space<vmem>>)
        %run_scoped3A_84 = arith.constant 1 : i32
        "tpu.region"() ({
          %run_scoped3A_92 = tpu.sem_alloc : memref<!tpu.dma_semaphore, #tpu.memory_space<semaphore_mem>>
          %dma_start3A_93 = arith.constant 0 : i32
          %dma_start3A_94 = arith.constant 0 : i32
          %dma_start3A_95 = tpu.memref_slice %arg12[%run_scoped3A_84, %dma_start3A_93, %dma_start3A_94] : memref<2x128x128xf32, #tpu.memory_space<vmem>> -> memref<1x128x128xf32, #tpu.memory_space<vmem>>
          %dma_start3A_96 = tpu.memref_squeeze %dma_start3A_95 : memref<1x128x128xf32, #tpu.memory_space<vmem>> -> memref<128x128xf32, #tpu.memory_space<vmem>>
          %dma_start3A_97 = arith.constant 0 : i32
          %dma_start3A_98 = tpu.memref_slice %arg11[%add3A_69, %dma_start3A_97] : memref<40x128xi32, #tpu.memory_space<vmem>> -> memref<1x128xi32, #tpu.memory_space<vmem>>
          %dma_start3A_99 = tpu.memref_squeeze %dma_start3A_98 : memref<1x128xi32, #tpu.memory_space<vmem>> -> memref<128xi32, #tpu.memory_space<vmem>>
          %dma_start3A_100 = arith.constant 0 : i32
          %dma_start3A_101 = arith.constant 0 : i32
          %dma_start3A_102 = tpu.memref_slice %arg14[%dma_start3A_100, %dma_start3A_101] : memref<10240x128xf32, #tpu.memory_space<vmem_shared>> -> memref<10240x128xf32, #tpu.memory_space<vmem_shared>>
          tpu.enqueue_indirect_dma source(%dma_start3A_96 : memref<128x128xf32, #tpu.memory_space<vmem>>) target(%dma_start3A_102 : memref<10240x128xf32, #tpu.memory_space<vmem_shared>>) offsets(%dma_start3A_99 : memref<128xi32, #tpu.memory_space<vmem>>) semaphore(%run_scoped3A_92 : memref<!tpu.dma_semaphore, #tpu.memory_space<semaphore_mem>>) {add = true}
          %dma_wait3A_103 = arith.constant 0 : i32
          %dma_wait3A_104 = arith.constant 0 : i32
          %dma_wait3A_105 = tpu.memref_slice %arg12[%run_scoped3A_84, %dma_wait3A_103, %dma_wait3A_104] : memref<2x128x128xf32, #tpu.memory_space<vmem>> -> memref<1x128x128xf32, #tpu.memory_space<vmem>>
          %dma_wait3A_106 = tpu.memref_squeeze %dma_wait3A_105 : memref<1x128x128xf32, #tpu.memory_space<vmem>> -> memref<128x128xf32, #tpu.memory_space<vmem>>
          %dma_wait3A_107 = arith.constant 0 : i32
          %dma_wait3A_108 = tpu.memref_slice %arg11[%add3A_69, %dma_wait3A_107] : memref<40x128xi32, #tpu.memory_space<vmem>> -> memref<1x128xi32, #tpu.memory_space<vmem>>
          %dma_wait3A_109 = tpu.memref_squeeze %dma_wait3A_108 : memref<1x128xi32, #tpu.memory_space<vmem>> -> memref<128xi32, #tpu.memory_space<vmem>>
          %dma_wait3A_110 = arith.constant 0 : i32
          %dma_wait3A_111 = arith.constant 0 : i32
          %dma_wait3A_112 = tpu.memref_slice %arg14[%dma_wait3A_110, %dma_wait3A_111] : memref<10240x128xf32, #tpu.memory_space<vmem_shared>> -> memref<10240x128xf32, #tpu.memory_space<vmem_shared>>
          tpu.wait_indirect_dma semaphore(%run_scoped3A_92 : memref<!tpu.dma_semaphore, #tpu.memory_space<semaphore_mem>>) src(%dma_wait3A_106 : memref<128x128xf32, #tpu.memory_space<vmem>>) dst(%dma_wait3A_112 : memref<10240x128xf32, #tpu.memory_space<vmem_shared>>)
          tpu.yield
        }) : () -> ()
        %add3A_85 = arith.constant 2 : i32
        %add3A_86 = arith.addi %add3A_69, %add3A_85 : i32
        %lt3A_87 = arith.constant 40 : i32
        %lt3A_88 = arith.cmpi slt, %add3A_86, %lt3A_87 : i32
        %convert_element_type3A_89 = arith.extui %lt3A_88 : i1 to i32
        %cond3A_90 = arith.constant 0 : i32
        %cond3A_91 = arith.cmpi ne, %convert_element_type3A_89, %cond3A_90 : i32
        scf.if %cond3A_91 {
          %dma_start3A_92 = arith.constant 1 : i32
          %dma_start3A_93 = arith.constant 1 : i32
          %dma_start3A_94 = arith.constant 0 : i32
          %dma_start3A_95 = arith.constant 0 : i32
          %dma_start3A_96 = tpu.memref_slice %arg12[%dma_start3A_92, %dma_start3A_94, %dma_start3A_95] : memref<2x128x128xf32, #tpu.memory_space<vmem>> -> memref<1x128x128xf32, #tpu.memory_space<vmem>>
          %dma_start3A_97 = tpu.memref_squeeze %dma_start3A_96 : memref<1x128x128xf32, #tpu.memory_space<vmem>> -> memref<128x128xf32, #tpu.memory_space<vmem>>
          %dma_start3A_98 = arith.constant 0 : i32
          %dma_start3A_99 = tpu.memref_slice %arg10[%add3A_86, %dma_start3A_98] : memref<40x128xi32, #tpu.memory_space<vmem>> -> memref<1x128xi32, #tpu.memory_space<vmem>>
          %dma_start3A_100 = tpu.memref_squeeze %dma_start3A_99 : memref<1x128xi32, #tpu.memory_space<vmem>> -> memref<128xi32, #tpu.memory_space<vmem>>
          %dma_start3A_101 = arith.constant 0 : i32
          %dma_start3A_102 = arith.constant 0 : i32
          %dma_start3A_103 = tpu.memref_slice %arg4[%dma_start3A_101, %dma_start3A_102] : memref<10240x128xf32, #tpu.memory_space<hbm>> -> memref<10240x128xf32, #tpu.memory_space<hbm>>
          %dma_start3A_104 = tpu.memref_slice %arg13[%dma_start3A_93] : memref<2x!tpu.dma_semaphore, #tpu.memory_space<semaphore_mem>> -> memref<1x!tpu.dma_semaphore, #tpu.memory_space<semaphore_mem>>
          %dma_start3A_105 = tpu.memref_squeeze %dma_start3A_104 : memref<1x!tpu.dma_semaphore, #tpu.memory_space<semaphore_mem>> -> memref<!tpu.dma_semaphore, #tpu.memory_space<semaphore_mem>>
          tpu.enqueue_indirect_dma source(%dma_start3A_103 : memref<10240x128xf32, #tpu.memory_space<hbm>>) target(%dma_start3A_97 : memref<128x128xf32, #tpu.memory_space<vmem>>) offsets(%dma_start3A_100 : memref<128xi32, #tpu.memory_space<vmem>>) semaphore(%dma_start3A_105 : memref<!tpu.dma_semaphore, #tpu.memory_space<semaphore_mem>>)
        } else {
        }
      }
      %scan3A_41 = arith.constant 20 : i32
      %barrier3A_42 = arith.constant 0 : index
      tpu.barrier barrier_id(%barrier3A_42)
      "tpu.region"() ({
        %run_scoped3A = tpu.sem_alloc : memref<!tpu.dma_semaphore, #tpu.memory_space<semaphore_mem>>
        %dma_start3A_43 = arith.constant 0 : i32
        %dma_start3A_44 = tpu.memref_slice %arg8[%mul3A_0, %dma_start3A_43] : memref<10240x128xf32, #tpu.memory_space<hbm>> -> memref<640x128xf32, #tpu.memory_space<hbm>>
        %dma_start3A_45 = arith.constant 0 : i32
        %dma_start3A_46 = tpu.memref_slice %arg14[%mul3A_0, %dma_start3A_45] : memref<10240x128xf32, #tpu.memory_space<vmem_shared>> -> memref<640x128xf32, #tpu.memory_space<vmem_shared>>
        tpu.enqueue_dma source(%dma_start3A_46 : memref<640x128xf32, #tpu.memory_space<vmem_shared>>) target(%dma_start3A_44 : memref<640x128xf32, #tpu.memory_space<hbm>>) target_semaphore(%run_scoped3A : memref<!tpu.dma_semaphore, #tpu.memory_space<semaphore_mem>>)
        %dma_wait3A = arith.constant 0 : i32
        %dma_wait3A_47 = tpu.memref_slice %arg8[%mul3A_0, %dma_wait3A] : memref<10240x128xf32, #tpu.memory_space<hbm>> -> memref<640x128xf32, #tpu.memory_space<hbm>>
        %dma_wait3A_48 = arith.constant 0 : i32
        %dma_wait3A_49 = tpu.memref_slice %arg14[%mul3A_0, %dma_wait3A_48] : memref<10240x128xf32, #tpu.memory_space<vmem_shared>> -> memref<640x128xf32, #tpu.memory_space<vmem_shared>>
        tpu.wait_dma2 semaphore(%run_scoped3A : memref<!tpu.dma_semaphore, #tpu.memory_space<semaphore_mem>>) src(%dma_wait3A_49 : memref<640x128xf32, #tpu.memory_space<vmem_shared>>) dst(%dma_wait3A_47 : memref<640x128xf32, #tpu.memory_space<hbm>>)
        tpu.yield
      }) : () -> ()
    } else {
    }
    %eq3A_3 = arith.constant 1 : i32
    %eq3A_4 = arith.cmpi eq, %arg0, %eq3A_3 : i32
    %convert_element_type3A_5 = arith.extui %eq3A_4 : i1 to i32
    %cond3A_6 = arith.constant 0 : i32
    %cond3A_7 = arith.cmpi ne, %convert_element_type3A_5, %cond3A_6 : i32
    scf.if %cond3A_7 {
      "tpu.region"() ({
        %run_scoped3A = tpu.sem_alloc : memref<!tpu.dma_semaphore, #tpu.memory_space<semaphore_mem>>
        %dma_start3A_43 = arith.constant 0 : i32
        %dma_start3A_44 = tpu.memref_slice %arg14[%mul3A_0, %dma_start3A_43] : memref<10240x128xf32, #tpu.memory_space<vmem_shared>> -> memref<640x128xf32, #tpu.memory_space<vmem_shared>>
        %dma_start3A_45 = arith.constant 0 : i32
        %dma_start3A_46 = tpu.memref_slice %arg3[%mul3A_0, %dma_start3A_45] : memref<10240x128xf32, #tpu.memory_space<hbm>> -> memref<640x128xf32, #tpu.memory_space<hbm>>
        tpu.enqueue_dma source(%dma_start3A_46 : memref<640x128xf32, #tpu.memory_space<hbm>>) target(%dma_start3A_44 : memref<640x128xf32, #tpu.memory_space<vmem_shared>>) target_semaphore(%run_scoped3A : memref<!tpu.dma_semaphore, #tpu.memory_space<semaphore_mem>>)
        %dma_wait3A = arith.constant 0 : i32
        %dma_wait3A_47 = tpu.memref_slice %arg14[%mul3A_0, %dma_wait3A] : memref<10240x128xf32, #tpu.memory_space<vmem_shared>> -> memref<640x128xf32, #tpu.memory_space<vmem_shared>>
        %dma_wait3A_48 = arith.constant 0 : i32
        %dma_wait3A_49 = tpu.memref_slice %arg3[%mul3A_0, %dma_wait3A_48] : memref<10240x128xf32, #tpu.memory_space<hbm>> -> memref<640x128xf32, #tpu.memory_space<hbm>>
        tpu.wait_dma2 semaphore(%run_scoped3A : memref<!tpu.dma_semaphore, #tpu.memory_space<semaphore_mem>>) src(%dma_wait3A_49 : memref<640x128xf32, #tpu.memory_space<hbm>>) dst(%dma_wait3A_47 : memref<640x128xf32, #tpu.memory_space<vmem_shared>>)
        tpu.yield
      }) : () -> ()
      %barrier3A = arith.constant 0 : index
      tpu.barrier barrier_id(%barrier3A)
      %dma_start3A = arith.constant 0 : i32
      %dma_start3A_8 = arith.constant 0 : i32
      %dma_start3A_9 = arith.constant 0 : i32
      %dma_start3A_10 = arith.constant 0 : i32
      %dma_start3A_11 = arith.constant 0 : i32
      %dma_start3A_12 = tpu.memref_slice %arg12[%dma_start3A_8, %dma_start3A_10, %dma_start3A_11] : memref<2x128x128xf32, #tpu.memory_space<vmem>> -> memref<1x128x128xf32, #tpu.memory_space<vmem>>
      %dma_start3A_13 = tpu.memref_squeeze %dma_start3A_12 : memref<1x128x128xf32, #tpu.memory_space<vmem>> -> memref<128x128xf32, #tpu.memory_space<vmem>>
      %dma_start3A_14 = arith.constant 0 : i32
      %dma_start3A_15 = tpu.memref_slice %arg10[%dma_start3A, %dma_start3A_14] : memref<40x128xi32, #tpu.memory_space<vmem>> -> memref<1x128xi32, #tpu.memory_space<vmem>>
      %dma_start3A_16 = tpu.memref_squeeze %dma_start3A_15 : memref<1x128xi32, #tpu.memory_space<vmem>> -> memref<128xi32, #tpu.memory_space<vmem>>
      %dma_start3A_17 = arith.constant 0 : i32
      %dma_start3A_18 = arith.constant 0 : i32
      %dma_start3A_19 = tpu.memref_slice %arg5[%dma_start3A_17, %dma_start3A_18] : memref<10240x128xf32, #tpu.memory_space<hbm>> -> memref<10240x128xf32, #tpu.memory_space<hbm>>
      %dma_start3A_20 = tpu.memref_slice %arg13[%dma_start3A_9] : memref<2x!tpu.dma_semaphore, #tpu.memory_space<semaphore_mem>> -> memref<1x!tpu.dma_semaphore, #tpu.memory_space<semaphore_mem>>
      %dma_start3A_21 = tpu.memref_squeeze %dma_start3A_20 : memref<1x!tpu.dma_semaphore, #tpu.memory_space<semaphore_mem>> -> memref<!tpu.dma_semaphore, #tpu.memory_space<semaphore_mem>>
      tpu.enqueue_indirect_dma source(%dma_start3A_19 : memref<10240x128xf32, #tpu.memory_space<hbm>>) target(%dma_start3A_13 : memref<128x128xf32, #tpu.memory_space<vmem>>) offsets(%dma_start3A_16 : memref<128xi32, #tpu.memory_space<vmem>>) semaphore(%dma_start3A_21 : memref<!tpu.dma_semaphore, #tpu.memory_space<semaphore_mem>>)
      %dma_start3A_22 = arith.constant 1 : i32
      %dma_start3A_23 = arith.constant 1 : i32
      %dma_start3A_24 = arith.constant 1 : i32
      %dma_start3A_25 = arith.constant 0 : i32
      %dma_start3A_26 = arith.constant 0 : i32
      %dma_start3A_27 = tpu.memref_slice %arg12[%dma_start3A_23, %dma_start3A_25, %dma_start3A_26] : memref<2x128x128xf32, #tpu.memory_space<vmem>> -> memref<1x128x128xf32, #tpu.memory_space<vmem>>
      %dma_start3A_28 = tpu.memref_squeeze %dma_start3A_27 : memref<1x128x128xf32, #tpu.memory_space<vmem>> -> memref<128x128xf32, #tpu.memory_space<vmem>>
      %dma_start3A_29 = arith.constant 0 : i32
      %dma_start3A_30 = tpu.memref_slice %arg10[%dma_start3A_22, %dma_start3A_29] : memref<40x128xi32, #tpu.memory_space<vmem>> -> memref<1x128xi32, #tpu.memory_space<vmem>>
      %dma_start3A_31 = tpu.memref_squeeze %dma_start3A_30 : memref<1x128xi32, #tpu.memory_space<vmem>> -> memref<128xi32, #tpu.memory_space<vmem>>
      %dma_start3A_32 = arith.constant 0 : i32
      %dma_start3A_33 = arith.constant 0 : i32
      %dma_start3A_34 = tpu.memref_slice %arg5[%dma_start3A_32, %dma_start3A_33] : memref<10240x128xf32, #tpu.memory_space<hbm>> -> memref<10240x128xf32, #tpu.memory_space<hbm>>
      %dma_start3A_35 = tpu.memref_slice %arg13[%dma_start3A_24] : memref<2x!tpu.dma_semaphore, #tpu.memory_space<semaphore_mem>> -> memref<1x!tpu.dma_semaphore, #tpu.memory_space<semaphore_mem>>
      %dma_start3A_36 = tpu.memref_squeeze %dma_start3A_35 : memref<1x!tpu.dma_semaphore, #tpu.memory_space<semaphore_mem>> -> memref<!tpu.dma_semaphore, #tpu.memory_space<semaphore_mem>>
      tpu.enqueue_indirect_dma source(%dma_start3A_34 : memref<10240x128xf32, #tpu.memory_space<hbm>>) target(%dma_start3A_28 : memref<128x128xf32, #tpu.memory_space<vmem>>) offsets(%dma_start3A_31 : memref<128xi32, #tpu.memory_space<vmem>>) semaphore(%dma_start3A_36 : memref<!tpu.dma_semaphore, #tpu.memory_space<semaphore_mem>>)
      %scan3A = arith.constant 0 : i32
      %scan3A_37 = arith.constant 0 : i32
      %scan3A_38 = arith.constant 20 : i32
      %scan3A_39 = arith.addi %scan3A_37, %scan3A_38 : i32
      %scan3A_40 = arith.constant 1 : i32
      scf.for %scan3A_43 = %scan3A_37 to %scan3A_39 step %scan3A_40  : i32 {
        %mul3A_44 = arith.constant 2 : i32
        %mul3A_45 = arith.muli %scan3A_43, %mul3A_44 : i32
        %add3A = arith.constant 0 : i32
        %add3A_46 = arith.addi %mul3A_45, %add3A : i32
        %dma_wait3A = arith.constant 0 : i32
        %dma_wait3A_47 = arith.constant 0 : i32
        %dma_wait3A_48 = arith.constant 0 : i32
        %dma_wait3A_49 = arith.constant 0 : i32
        %dma_wait3A_50 = tpu.memref_slice %arg12[%dma_wait3A, %dma_wait3A_48, %dma_wait3A_49] : memref<2x128x128xf32, #tpu.memory_space<vmem>> -> memref<1x128x128xf32, #tpu.memory_space<vmem>>
        %dma_wait3A_51 = tpu.memref_squeeze %dma_wait3A_50 : memref<1x128x128xf32, #tpu.memory_space<vmem>> -> memref<128x128xf32, #tpu.memory_space<vmem>>
        %dma_wait3A_52 = arith.constant 0 : i32
        %dma_wait3A_53 = tpu.memref_slice %arg10[%add3A_46, %dma_wait3A_52] : memref<40x128xi32, #tpu.memory_space<vmem>> -> memref<1x128xi32, #tpu.memory_space<vmem>>
        %dma_wait3A_54 = tpu.memref_squeeze %dma_wait3A_53 : memref<1x128xi32, #tpu.memory_space<vmem>> -> memref<128xi32, #tpu.memory_space<vmem>>
        %dma_wait3A_55 = arith.constant 0 : i32
        %dma_wait3A_56 = arith.constant 0 : i32
        %dma_wait3A_57 = tpu.memref_slice %arg5[%dma_wait3A_55, %dma_wait3A_56] : memref<10240x128xf32, #tpu.memory_space<hbm>> -> memref<10240x128xf32, #tpu.memory_space<hbm>>
        %dma_wait3A_58 = tpu.memref_slice %arg13[%dma_wait3A_47] : memref<2x!tpu.dma_semaphore, #tpu.memory_space<semaphore_mem>> -> memref<1x!tpu.dma_semaphore, #tpu.memory_space<semaphore_mem>>
        %dma_wait3A_59 = tpu.memref_squeeze %dma_wait3A_58 : memref<1x!tpu.dma_semaphore, #tpu.memory_space<semaphore_mem>> -> memref<!tpu.dma_semaphore, #tpu.memory_space<semaphore_mem>>
        tpu.wait_indirect_dma semaphore(%dma_wait3A_59 : memref<!tpu.dma_semaphore, #tpu.memory_space<semaphore_mem>>) src(%dma_wait3A_57 : memref<10240x128xf32, #tpu.memory_space<hbm>>) dst(%dma_wait3A_51 : memref<128x128xf32, #tpu.memory_space<vmem>>)
        %run_scoped3A = arith.constant 0 : i32
        "tpu.region"() ({
          %run_scoped3A_92 = tpu.sem_alloc : memref<!tpu.dma_semaphore, #tpu.memory_space<semaphore_mem>>
          %dma_start3A_93 = arith.constant 0 : i32
          %dma_start3A_94 = arith.constant 0 : i32
          %dma_start3A_95 = tpu.memref_slice %arg12[%run_scoped3A, %dma_start3A_93, %dma_start3A_94] : memref<2x128x128xf32, #tpu.memory_space<vmem>> -> memref<1x128x128xf32, #tpu.memory_space<vmem>>
          %dma_start3A_96 = tpu.memref_squeeze %dma_start3A_95 : memref<1x128x128xf32, #tpu.memory_space<vmem>> -> memref<128x128xf32, #tpu.memory_space<vmem>>
          %dma_start3A_97 = arith.constant 0 : i32
          %dma_start3A_98 = tpu.memref_slice %arg11[%add3A_46, %dma_start3A_97] : memref<40x128xi32, #tpu.memory_space<vmem>> -> memref<1x128xi32, #tpu.memory_space<vmem>>
          %dma_start3A_99 = tpu.memref_squeeze %dma_start3A_98 : memref<1x128xi32, #tpu.memory_space<vmem>> -> memref<128xi32, #tpu.memory_space<vmem>>
          %dma_start3A_100 = arith.constant 0 : i32
          %dma_start3A_101 = arith.constant 0 : i32
          %dma_start3A_102 = tpu.memref_slice %arg14[%dma_start3A_100, %dma_start3A_101] : memref<10240x128xf32, #tpu.memory_space<vmem_shared>> -> memref<10240x128xf32, #tpu.memory_space<vmem_shared>>
          tpu.enqueue_indirect_dma source(%dma_start3A_96 : memref<128x128xf32, #tpu.memory_space<vmem>>) target(%dma_start3A_102 : memref<10240x128xf32, #tpu.memory_space<vmem_shared>>) offsets(%dma_start3A_99 : memref<128xi32, #tpu.memory_space<vmem>>) semaphore(%run_scoped3A_92 : memref<!tpu.dma_semaphore, #tpu.memory_space<semaphore_mem>>) {add = true}
          %dma_wait3A_103 = arith.constant 0 : i32
          %dma_wait3A_104 = arith.constant 0 : i32
          %dma_wait3A_105 = tpu.memref_slice %arg12[%run_scoped3A, %dma_wait3A_103, %dma_wait3A_104] : memref<2x128x128xf32, #tpu.memory_space<vmem>> -> memref<1x128x128xf32, #tpu.memory_space<vmem>>
          %dma_wait3A_106 = tpu.memref_squeeze %dma_wait3A_105 : memref<1x128x128xf32, #tpu.memory_space<vmem>> -> memref<128x128xf32, #tpu.memory_space<vmem>>
          %dma_wait3A_107 = arith.constant 0 : i32
          %dma_wait3A_108 = tpu.memref_slice %arg11[%add3A_46, %dma_wait3A_107] : memref<40x128xi32, #tpu.memory_space<vmem>> -> memref<1x128xi32, #tpu.memory_space<vmem>>
          %dma_wait3A_109 = tpu.memref_squeeze %dma_wait3A_108 : memref<1x128xi32, #tpu.memory_space<vmem>> -> memref<128xi32, #tpu.memory_space<vmem>>
          %dma_wait3A_110 = arith.constant 0 : i32
          %dma_wait3A_111 = arith.constant 0 : i32
          %dma_wait3A_112 = tpu.memref_slice %arg14[%dma_wait3A_110, %dma_wait3A_111] : memref<10240x128xf32, #tpu.memory_space<vmem_shared>> -> memref<10240x128xf32, #tpu.memory_space<vmem_shared>>
          tpu.wait_indirect_dma semaphore(%run_scoped3A_92 : memref<!tpu.dma_semaphore, #tpu.memory_space<semaphore_mem>>) src(%dma_wait3A_106 : memref<128x128xf32, #tpu.memory_space<vmem>>) dst(%dma_wait3A_112 : memref<10240x128xf32, #tpu.memory_space<vmem_shared>>)
          tpu.yield
        }) : () -> ()
        %add3A_60 = arith.constant 2 : i32
        %add3A_61 = arith.addi %add3A_46, %add3A_60 : i32
        %lt3A = arith.constant 40 : i32
        %lt3A_62 = arith.cmpi slt, %add3A_61, %lt3A : i32
        %convert_element_type3A_63 = arith.extui %lt3A_62 : i1 to i32
        %cond3A_64 = arith.constant 0 : i32
        %cond3A_65 = arith.cmpi ne, %convert_element_type3A_63, %cond3A_64 : i32
        scf.if %cond3A_65 {
          %dma_start3A_92 = arith.constant 0 : i32
          %dma_start3A_93 = arith.constant 0 : i32
          %dma_start3A_94 = arith.constant 0 : i32
          %dma_start3A_95 = arith.constant 0 : i32
          %dma_start3A_96 = tpu.memref_slice %arg12[%dma_start3A_92, %dma_start3A_94, %dma_start3A_95] : memref<2x128x128xf32, #tpu.memory_space<vmem>> -> memref<1x128x128xf32, #tpu.memory_space<vmem>>
          %dma_start3A_97 = tpu.memref_squeeze %dma_start3A_96 : memref<1x128x128xf32, #tpu.memory_space<vmem>> -> memref<128x128xf32, #tpu.memory_space<vmem>>
          %dma_start3A_98 = arith.constant 0 : i32
          %dma_start3A_99 = tpu.memref_slice %arg10[%add3A_61, %dma_start3A_98] : memref<40x128xi32, #tpu.memory_space<vmem>> -> memref<1x128xi32, #tpu.memory_space<vmem>>
          %dma_start3A_100 = tpu.memref_squeeze %dma_start3A_99 : memref<1x128xi32, #tpu.memory_space<vmem>> -> memref<128xi32, #tpu.memory_space<vmem>>
          %dma_start3A_101 = arith.constant 0 : i32
          %dma_start3A_102 = arith.constant 0 : i32
          %dma_start3A_103 = tpu.memref_slice %arg5[%dma_start3A_101, %dma_start3A_102] : memref<10240x128xf32, #tpu.memory_space<hbm>> -> memref<10240x128xf32, #tpu.memory_space<hbm>>
          %dma_start3A_104 = tpu.memref_slice %arg13[%dma_start3A_93] : memref<2x!tpu.dma_semaphore, #tpu.memory_space<semaphore_mem>> -> memref<1x!tpu.dma_semaphore, #tpu.memory_space<semaphore_mem>>
          %dma_start3A_105 = tpu.memref_squeeze %dma_start3A_104 : memref<1x!tpu.dma_semaphore, #tpu.memory_space<semaphore_mem>> -> memref<!tpu.dma_semaphore, #tpu.memory_space<semaphore_mem>>
          tpu.enqueue_indirect_dma source(%dma_start3A_103 : memref<10240x128xf32, #tpu.memory_space<hbm>>) target(%dma_start3A_97 : memref<128x128xf32, #tpu.memory_space<vmem>>) offsets(%dma_start3A_100 : memref<128xi32, #tpu.memory_space<vmem>>) semaphore(%dma_start3A_105 : memref<!tpu.dma_semaphore, #tpu.memory_space<semaphore_mem>>)
        } else {
        }
        %mul3A_66 = arith.constant 2 : i32
        %mul3A_67 = arith.muli %scan3A_43, %mul3A_66 : i32
        %add3A_68 = arith.constant 1 : i32
        %add3A_69 = arith.addi %mul3A_67, %add3A_68 : i32
        %dma_wait3A_70 = arith.constant 1 : i32
        %dma_wait3A_71 = arith.constant 1 : i32
        %dma_wait3A_72 = arith.constant 0 : i32
        %dma_wait3A_73 = arith.constant 0 : i32
        %dma_wait3A_74 = tpu.memref_slice %arg12[%dma_wait3A_70, %dma_wait3A_72, %dma_wait3A_73] : memref<2x128x128xf32, #tpu.memory_space<vmem>> -> memref<1x128x128xf32, #tpu.memory_space<vmem>>
        %dma_wait3A_75 = tpu.memref_squeeze %dma_wait3A_74 : memref<1x128x128xf32, #tpu.memory_space<vmem>> -> memref<128x128xf32, #tpu.memory_space<vmem>>
        %dma_wait3A_76 = arith.constant 0 : i32
        %dma_wait3A_77 = tpu.memref_slice %arg10[%add3A_69, %dma_wait3A_76] : memref<40x128xi32, #tpu.memory_space<vmem>> -> memref<1x128xi32, #tpu.memory_space<vmem>>
        %dma_wait3A_78 = tpu.memref_squeeze %dma_wait3A_77 : memref<1x128xi32, #tpu.memory_space<vmem>> -> memref<128xi32, #tpu.memory_space<vmem>>
        %dma_wait3A_79 = arith.constant 0 : i32
        %dma_wait3A_80 = arith.constant 0 : i32
        %dma_wait3A_81 = tpu.memref_slice %arg5[%dma_wait3A_79, %dma_wait3A_80] : memref<10240x128xf32, #tpu.memory_space<hbm>> -> memref<10240x128xf32, #tpu.memory_space<hbm>>
        %dma_wait3A_82 = tpu.memref_slice %arg13[%dma_wait3A_71] : memref<2x!tpu.dma_semaphore, #tpu.memory_space<semaphore_mem>> -> memref<1x!tpu.dma_semaphore, #tpu.memory_space<semaphore_mem>>
        %dma_wait3A_83 = tpu.memref_squeeze %dma_wait3A_82 : memref<1x!tpu.dma_semaphore, #tpu.memory_space<semaphore_mem>> -> memref<!tpu.dma_semaphore, #tpu.memory_space<semaphore_mem>>
        tpu.wait_indirect_dma semaphore(%dma_wait3A_83 : memref<!tpu.dma_semaphore, #tpu.memory_space<semaphore_mem>>) src(%dma_wait3A_81 : memref<10240x128xf32, #tpu.memory_space<hbm>>) dst(%dma_wait3A_75 : memref<128x128xf32, #tpu.memory_space<vmem>>)
        %run_scoped3A_84 = arith.constant 1 : i32
        "tpu.region"() ({
          %run_scoped3A_92 = tpu.sem_alloc : memref<!tpu.dma_semaphore, #tpu.memory_space<semaphore_mem>>
          %dma_start3A_93 = arith.constant 0 : i32
          %dma_start3A_94 = arith.constant 0 : i32
          %dma_start3A_95 = tpu.memref_slice %arg12[%run_scoped3A_84, %dma_start3A_93, %dma_start3A_94] : memref<2x128x128xf32, #tpu.memory_space<vmem>> -> memref<1x128x128xf32, #tpu.memory_space<vmem>>
          %dma_start3A_96 = tpu.memref_squeeze %dma_start3A_95 : memref<1x128x128xf32, #tpu.memory_space<vmem>> -> memref<128x128xf32, #tpu.memory_space<vmem>>
          %dma_start3A_97 = arith.constant 0 : i32
          %dma_start3A_98 = tpu.memref_slice %arg11[%add3A_69, %dma_start3A_97] : memref<40x128xi32, #tpu.memory_space<vmem>> -> memref<1x128xi32, #tpu.memory_space<vmem>>
          %dma_start3A_99 = tpu.memref_squeeze %dma_start3A_98 : memref<1x128xi32, #tpu.memory_space<vmem>> -> memref<128xi32, #tpu.memory_space<vmem>>
          %dma_start3A_100 = arith.constant 0 : i32
          %dma_start3A_101 = arith.constant 0 : i32
          %dma_start3A_102 = tpu.memref_slice %arg14[%dma_start3A_100, %dma_start3A_101] : memref<10240x128xf32, #tpu.memory_space<vmem_shared>> -> memref<10240x128xf32, #tpu.memory_space<vmem_shared>>
          tpu.enqueue_indirect_dma source(%dma_start3A_96 : memref<128x128xf32, #tpu.memory_space<vmem>>) target(%dma_start3A_102 : memref<10240x128xf32, #tpu.memory_space<vmem_shared>>) offsets(%dma_start3A_99 : memref<128xi32, #tpu.memory_space<vmem>>) semaphore(%run_scoped3A_92 : memref<!tpu.dma_semaphore, #tpu.memory_space<semaphore_mem>>) {add = true}
          %dma_wait3A_103 = arith.constant 0 : i32
          %dma_wait3A_104 = arith.constant 0 : i32
          %dma_wait3A_105 = tpu.memref_slice %arg12[%run_scoped3A_84, %dma_wait3A_103, %dma_wait3A_104] : memref<2x128x128xf32, #tpu.memory_space<vmem>> -> memref<1x128x128xf32, #tpu.memory_space<vmem>>
          %dma_wait3A_106 = tpu.memref_squeeze %dma_wait3A_105 : memref<1x128x128xf32, #tpu.memory_space<vmem>> -> memref<128x128xf32, #tpu.memory_space<vmem>>
          %dma_wait3A_107 = arith.constant 0 : i32
          %dma_wait3A_108 = tpu.memref_slice %arg11[%add3A_69, %dma_wait3A_107] : memref<40x128xi32, #tpu.memory_space<vmem>> -> memref<1x128xi32, #tpu.memory_space<vmem>>
          %dma_wait3A_109 = tpu.memref_squeeze %dma_wait3A_108 : memref<1x128xi32, #tpu.memory_space<vmem>> -> memref<128xi32, #tpu.memory_space<vmem>>
          %dma_wait3A_110 = arith.constant 0 : i32
          %dma_wait3A_111 = arith.constant 0 : i32
          %dma_wait3A_112 = tpu.memref_slice %arg14[%dma_wait3A_110, %dma_wait3A_111] : memref<10240x128xf32, #tpu.memory_space<vmem_shared>> -> memref<10240x128xf32, #tpu.memory_space<vmem_shared>>
          tpu.wait_indirect_dma semaphore(%run_scoped3A_92 : memref<!tpu.dma_semaphore, #tpu.memory_space<semaphore_mem>>) src(%dma_wait3A_106 : memref<128x128xf32, #tpu.memory_space<vmem>>) dst(%dma_wait3A_112 : memref<10240x128xf32, #tpu.memory_space<vmem_shared>>)
          tpu.yield
        }) : () -> ()
        %add3A_85 = arith.constant 2 : i32
        %add3A_86 = arith.addi %add3A_69, %add3A_85 : i32
        %lt3A_87 = arith.constant 40 : i32
        %lt3A_88 = arith.cmpi slt, %add3A_86, %lt3A_87 : i32
        %convert_element_type3A_89 = arith.extui %lt3A_88 : i1 to i32
        %cond3A_90 = arith.constant 0 : i32
        %cond3A_91 = arith.cmpi ne, %convert_element_type3A_89, %cond3A_90 : i32
        scf.if %cond3A_91 {
          %dma_start3A_92 = arith.constant 1 : i32
          %dma_start3A_93 = arith.constant 1 : i32
          %dma_start3A_94 = arith.constant 0 : i32
          %dma_start3A_95 = arith.constant 0 : i32
          %dma_start3A_96 = tpu.memref_slice %arg12[%dma_start3A_92, %dma_start3A_94, %dma_start3A_95] : memref<2x128x128xf32, #tpu.memory_space<vmem>> -> memref<1x128x128xf32, #tpu.memory_space<vmem>>
          %dma_start3A_97 = tpu.memref_squeeze %dma_start3A_96 : memref<1x128x128xf32, #tpu.memory_space<vmem>> -> memref<128x128xf32, #tpu.memory_space<vmem>>
          %dma_start3A_98 = arith.constant 0 : i32
          %dma_start3A_99 = tpu.memref_slice %arg10[%add3A_86, %dma_start3A_98] : memref<40x128xi32, #tpu.memory_space<vmem>> -> memref<1x128xi32, #tpu.memory_space<vmem>>
          %dma_start3A_100 = tpu.memref_squeeze %dma_start3A_99 : memref<1x128xi32, #tpu.memory_space<vmem>> -> memref<128xi32, #tpu.memory_space<vmem>>
          %dma_start3A_101 = arith.constant 0 : i32
          %dma_start3A_102 = arith.constant 0 : i32
          %dma_start3A_103 = tpu.memref_slice %arg5[%dma_start3A_101, %dma_start3A_102] : memref<10240x128xf32, #tpu.memory_space<hbm>> -> memref<10240x128xf32, #tpu.memory_space<hbm>>
          %dma_start3A_104 = tpu.memref_slice %arg13[%dma_start3A_93] : memref<2x!tpu.dma_semaphore, #tpu.memory_space<semaphore_mem>> -> memref<1x!tpu.dma_semaphore, #tpu.memory_space<semaphore_mem>>
          %dma_start3A_105 = tpu.memref_squeeze %dma_start3A_104 : memref<1x!tpu.dma_semaphore, #tpu.memory_space<semaphore_mem>> -> memref<!tpu.dma_semaphore, #tpu.memory_space<semaphore_mem>>
          tpu.enqueue_indirect_dma source(%dma_start3A_103 : memref<10240x128xf32, #tpu.memory_space<hbm>>) target(%dma_start3A_97 : memref<128x128xf32, #tpu.memory_space<vmem>>) offsets(%dma_start3A_100 : memref<128xi32, #tpu.memory_space<vmem>>) semaphore(%dma_start3A_105 : memref<!tpu.dma_semaphore, #tpu.memory_space<semaphore_mem>>)
        } else {
        }
      }
      %scan3A_41 = arith.constant 20 : i32
      %barrier3A_42 = arith.constant 0 : index
      tpu.barrier barrier_id(%barrier3A_42)
      "tpu.region"() ({
        %run_scoped3A = tpu.sem_alloc : memref<!tpu.dma_semaphore, #tpu.memory_space<semaphore_mem>>
        %dma_start3A_43 = arith.constant 0 : i32
        %dma_start3A_44 = tpu.memref_slice %arg9[%mul3A_0, %dma_start3A_43] : memref<10240x128xf32, #tpu.memory_space<hbm>> -> memref<640x128xf32, #tpu.memory_space<hbm>>
        %dma_start3A_45 = arith.constant 0 : i32
        %dma_start3A_46 = tpu.memref_slice %arg14[%mul3A_0, %dma_start3A_45] : memref<10240x128xf32, #tpu.memory_space<vmem_shared>> -> memref<640x128xf32, #tpu.memory_space<vmem_shared>>
        tpu.enqueue_dma source(%dma_start3A_46 : memref<640x128xf32, #tpu.memory_space<vmem_shared>>) target(%dma_start3A_44 : memref<640x128xf32, #tpu.memory_space<hbm>>) target_semaphore(%run_scoped3A : memref<!tpu.dma_semaphore, #tpu.memory_space<semaphore_mem>>)
        %dma_wait3A = arith.constant 0 : i32
        %dma_wait3A_47 = tpu.memref_slice %arg9[%mul3A_0, %dma_wait3A] : memref<10240x128xf32, #tpu.memory_space<hbm>> -> memref<640x128xf32, #tpu.memory_space<hbm>>
        %dma_wait3A_48 = arith.constant 0 : i32
        %dma_wait3A_49 = tpu.memref_slice %arg14[%mul3A_0, %dma_wait3A_48] : memref<10240x128xf32, #tpu.memory_space<vmem_shared>> -> memref<640x128xf32, #tpu.memory_space<vmem_shared>>
        tpu.wait_dma2 semaphore(%run_scoped3A : memref<!tpu.dma_semaphore, #tpu.memory_space<semaphore_mem>>) src(%dma_wait3A_49 : memref<640x128xf32, #tpu.memory_space<vmem_shared>>) dst(%dma_wait3A_47 : memref<640x128xf32, #tpu.memory_space<hbm>>)
        tpu.yield
      }) : () -> ()
    } else {
    }
    return
  }
}

#map = affine_map<(d0, d1) -> (0, 0)>
#map1 = affine_map<(d0, d1) -> (0, 0, 0)>
module attributes {stable_mosaic.version = 14 : i64} {
  func.func @k(%arg0: i32, %arg1: i32, %arg2: memref<10240x128xf32, #tpu.memory_space<hbm>>, %arg3: memref<10240x128xf32, #tpu.memory_space<hbm>>, %arg4: memref<10240x128xf32, #tpu.memory_space<hbm>>, %arg5: memref<10240x128xf32, #tpu.memory_space<hbm>>, %arg6: memref<16x40x128xi32, #tpu.memory_space<hbm>>, %arg7: memref<16x40x128xi32, #tpu.memory_space<hbm>>, %arg8: memref<10240x128xf32, #tpu.memory_space<hbm>>, %arg9: memref<10240x128xf32, #tpu.memory_space<hbm>>, %arg10: memref<40x128xi32, #tpu.memory_space<vmem>>, %arg11: memref<40x128xi32, #tpu.memory_space<vmem>>, %arg12: memref<2x128x128xf32, #tpu.memory_space<vmem>>, %arg13: memref<2x!tpu.dma_semaphore, #tpu.memory_space<semaphore_mem>>, %arg14: memref<10240x128xf32, #tpu.memory_space<vmem_shared>>) attributes {dimension_semantics = [#tpu.dimension_semantics<core_parallel>, #tpu.dimension_semantics<subcore_parallel>], iteration_bounds = array<i64: 2, 16>, scalar_prefetch = 0 : i64, scratch_operands = 5 : i64, tpu.core_type = #tpu.core_type<sc_vector_subcore>, window_params = [{transform_indices = #map}, {transform_indices = #map}, {transform_indices = #map}, {transform_indices = #map}, {transform_indices = #map1}, {transform_indices = #map1}, {transform_indices = #map}, {transform_indices = #map}]} {
    "tpu.region"() ({
      %run_scoped3A = tpu.sem_alloc : memref<!tpu.dma_semaphore, #tpu.memory_space<semaphore_mem>>
      %dma_start3A = arith.constant 0 : i32
      %dma_start3A_8 = arith.constant 0 : i32
      %dma_start3A_9 = tpu.memref_slice %arg6[%arg1, %dma_start3A, %dma_start3A_8] : memref<16x40x128xi32, #tpu.memory_space<hbm>> -> memref<1x40x128xi32, #tpu.memory_space<hbm>>
      %dma_start3A_10 = tpu.memref_squeeze %dma_start3A_9 : memref<1x40x128xi32, #tpu.memory_space<hbm>> -> memref<40x128xi32, #tpu.memory_space<hbm>>
      %dma_start3A_11 = arith.constant 0 : i32
      %dma_start3A_12 = arith.constant 0 : i32
      %dma_start3A_13 = tpu.memref_slice %arg6[%arg1, %dma_start3A_11, %dma_start3A_12] : memref<16x40x128xi32, #tpu.memory_space<hbm>> -> memref<1x40x128xi32, #tpu.memory_space<hbm>>
      %dma_start3A_14 = tpu.memref_squeeze %dma_start3A_13 : memref<1x40x128xi32, #tpu.memory_space<hbm>> -> memref<40x128xi32, #tpu.memory_space<hbm>>
      tpu.enqueue_dma source(%dma_start3A_14 : memref<40x128xi32, #tpu.memory_space<hbm>>) target(%arg10 : memref<40x128xi32, #tpu.memory_space<vmem>>) target_semaphore(%run_scoped3A : memref<!tpu.dma_semaphore, #tpu.memory_space<semaphore_mem>>)
      %dma_wait3A = arith.constant 0 : i32
      %dma_wait3A_15 = arith.constant 0 : i32
      %dma_wait3A_16 = tpu.memref_slice %arg6[%arg1, %dma_wait3A, %dma_wait3A_15] : memref<16x40x128xi32, #tpu.memory_space<hbm>> -> memref<1x40x128xi32, #tpu.memory_space<hbm>>
      %dma_wait3A_17 = tpu.memref_squeeze %dma_wait3A_16 : memref<1x40x128xi32, #tpu.memory_space<hbm>> -> memref<40x128xi32, #tpu.memory_space<hbm>>
      %dma_wait3A_18 = arith.constant 0 : i32
      %dma_wait3A_19 = arith.constant 0 : i32
      %dma_wait3A_20 = tpu.memref_slice %arg6[%arg1, %dma_wait3A_18, %dma_wait3A_19] : memref<16x40x128xi32, #tpu.memory_space<hbm>> -> memref<1x40x128xi32, #tpu.memory_space<hbm>>
      %dma_wait3A_21 = tpu.memref_squeeze %dma_wait3A_20 : memref<1x40x128xi32, #tpu.memory_space<hbm>> -> memref<40x128xi32, #tpu.memory_space<hbm>>
      tpu.wait_dma2 semaphore(%run_scoped3A : memref<!tpu.dma_semaphore, #tpu.memory_space<semaphore_mem>>) src(%dma_wait3A_21 : memref<40x128xi32, #tpu.memory_space<hbm>>) dst(%arg10 : memref<40x128xi32, #tpu.memory_space<vmem>>)
      tpu.yield
    }) : () -> ()
    "tpu.region"() ({
      %run_scoped3A = tpu.sem_alloc : memref<!tpu.dma_semaphore, #tpu.memory_space<semaphore_mem>>
      %dma_start3A = arith.constant 0 : i32
      %dma_start3A_8 = arith.constant 0 : i32
      %dma_start3A_9 = tpu.memref_slice %arg7[%arg1, %dma_start3A, %dma_start3A_8] : memref<16x40x128xi32, #tpu.memory_space<hbm>> -> memref<1x40x128xi32, #tpu.memory_space<hbm>>
      %dma_start3A_10 = tpu.memref_squeeze %dma_start3A_9 : memref<1x40x128xi32, #tpu.memory_space<hbm>> -> memref<40x128xi32, #tpu.memory_space<hbm>>
      %dma_start3A_11 = arith.constant 0 : i32
      %dma_start3A_12 = arith.constant 0 : i32
      %dma_start3A_13 = tpu.memref_slice %arg7[%arg1, %dma_start3A_11, %dma_start3A_12] : memref<16x40x128xi32, #tpu.memory_space<hbm>> -> memref<1x40x128xi32, #tpu.memory_space<hbm>>
      %dma_start3A_14 = tpu.memref_squeeze %dma_start3A_13 : memref<1x40x128xi32, #tpu.memory_space<hbm>> -> memref<40x128xi32, #tpu.memory_space<hbm>>
      tpu.enqueue_dma source(%dma_start3A_14 : memref<40x128xi32, #tpu.memory_space<hbm>>) target(%arg11 : memref<40x128xi32, #tpu.memory_space<vmem>>) target_semaphore(%run_scoped3A : memref<!tpu.dma_semaphore, #tpu.memory_space<semaphore_mem>>)
      %dma_wait3A = arith.constant 0 : i32
      %dma_wait3A_15 = arith.constant 0 : i32
      %dma_wait3A_16 = tpu.memref_slice %arg7[%arg1, %dma_wait3A, %dma_wait3A_15] : memref<16x40x128xi32, #tpu.memory_space<hbm>> -> memref<1x40x128xi32, #tpu.memory_space<hbm>>
      %dma_wait3A_17 = tpu.memref_squeeze %dma_wait3A_16 : memref<1x40x128xi32, #tpu.memory_space<hbm>> -> memref<40x128xi32, #tpu.memory_space<hbm>>
      %dma_wait3A_18 = arith.constant 0 : i32
      %dma_wait3A_19 = arith.constant 0 : i32
      %dma_wait3A_20 = tpu.memref_slice %arg7[%arg1, %dma_wait3A_18, %dma_wait3A_19] : memref<16x40x128xi32, #tpu.memory_space<hbm>> -> memref<1x40x128xi32, #tpu.memory_space<hbm>>
      %dma_wait3A_21 = tpu.memref_squeeze %dma_wait3A_20 : memref<1x40x128xi32, #tpu.memory_space<hbm>> -> memref<40x128xi32, #tpu.memory_space<hbm>>
      tpu.wait_dma2 semaphore(%run_scoped3A : memref<!tpu.dma_semaphore, #tpu.memory_space<semaphore_mem>>) src(%dma_wait3A_21 : memref<40x128xi32, #tpu.memory_space<hbm>>) dst(%arg11 : memref<40x128xi32, #tpu.memory_space<vmem>>)
      tpu.yield
    }) : () -> ()
    %mul3A = arith.constant 640 : i32
    %mul3A_0 = arith.muli %arg1, %mul3A : i32
    %eq3A = arith.constant 0 : i32
    %eq3A_1 = arith.cmpi eq, %arg0, %eq3A : i32
    %convert_element_type3A = arith.extui %eq3A_1 : i1 to i32
    %cond3A = arith.constant 0 : i32
    %cond3A_2 = arith.cmpi ne, %convert_element_type3A, %cond3A : i32
    scf.if %cond3A_2 {
      "tpu.region"() ({
        %run_scoped3A = tpu.sem_alloc : memref<!tpu.dma_semaphore, #tpu.memory_space<semaphore_mem>>
        %dma_start3A_43 = arith.constant 0 : i32
        %dma_start3A_44 = tpu.memref_slice %arg14[%mul3A_0, %dma_start3A_43] : memref<10240x128xf32, #tpu.memory_space<vmem_shared>> -> memref<640x128xf32, #tpu.memory_space<vmem_shared>>
        %dma_start3A_45 = arith.constant 0 : i32
        %dma_start3A_46 = tpu.memref_slice %arg2[%mul3A_0, %dma_start3A_45] : memref<10240x128xf32, #tpu.memory_space<hbm>> -> memref<640x128xf32, #tpu.memory_space<hbm>>
        tpu.enqueue_dma source(%dma_start3A_46 : memref<640x128xf32, #tpu.memory_space<hbm>>) target(%dma_start3A_44 : memref<640x128xf32, #tpu.memory_space<vmem_shared>>) target_semaphore(%run_scoped3A : memref<!tpu.dma_semaphore, #tpu.memory_space<semaphore_mem>>)
        %dma_wait3A = arith.constant 0 : i32
        %dma_wait3A_47 = tpu.memref_slice %arg14[%mul3A_0, %dma_wait3A] : memref<10240x128xf32, #tpu.memory_space<vmem_shared>> -> memref<640x128xf32, #tpu.memory_space<vmem_shared>>
        %dma_wait3A_48 = arith.constant 0 : i32
        %dma_wait3A_49 = tpu.memref_slice %arg2[%mul3A_0, %dma_wait3A_48] : memref<10240x128xf32, #tpu.memory_space<hbm>> -> memref<640x128xf32, #tpu.memory_space<hbm>>
        tpu.wait_dma2 semaphore(%run_scoped3A : memref<!tpu.dma_semaphore, #tpu.memory_space<semaphore_mem>>) src(%dma_wait3A_49 : memref<640x128xf32, #tpu.memory_space<hbm>>) dst(%dma_wait3A_47 : memref<640x128xf32, #tpu.memory_space<vmem_shared>>)
        tpu.yield
      }) : () -> ()
      %barrier3A = arith.constant 0 : index
      tpu.barrier barrier_id(%barrier3A)
      %dma_start3A = arith.constant 0 : i32
      %dma_start3A_8 = arith.constant 0 : i32
      %dma_start3A_9 = arith.constant 0 : i32
      %dma_start3A_10 = arith.constant 0 : i32
      %dma_start3A_11 = arith.constant 0 : i32
      %dma_start3A_12 = tpu.memref_slice %arg12[%dma_start3A_8, %dma_start3A_10, %dma_start3A_11] : memref<2x128x128xf32, #tpu.memory_space<vmem>> -> memref<1x128x128xf32, #tpu.memory_space<vmem>>
      %dma_start3A_13 = tpu.memref_squeeze %dma_start3A_12 : memref<1x128x128xf32, #tpu.memory_space<vmem>> -> memref<128x128xf32, #tpu.memory_space<vmem>>
      %dma_start3A_14 = arith.constant 0 : i32
      %dma_start3A_15 = tpu.memref_slice %arg10[%dma_start3A, %dma_start3A_14] : memref<40x128xi32, #tpu.memory_space<vmem>> -> memref<1x128xi32, #tpu.memory_space<vmem>>
      %dma_start3A_16 = tpu.memref_squeeze %dma_start3A_15 : memref<1x128xi32, #tpu.memory_space<vmem>> -> memref<128xi32, #tpu.memory_space<vmem>>
      %dma_start3A_17 = arith.constant 0 : i32
      %dma_start3A_18 = arith.constant 0 : i32
      %dma_start3A_19 = tpu.memref_slice %arg4[%dma_start3A_17, %dma_start3A_18] : memref<10240x128xf32, #tpu.memory_space<hbm>> -> memref<10240x128xf32, #tpu.memory_space<hbm>>
      %dma_start3A_20 = tpu.memref_slice %arg13[%dma_start3A_9] : memref<2x!tpu.dma_semaphore, #tpu.memory_space<semaphore_mem>> -> memref<1x!tpu.dma_semaphore, #tpu.memory_space<semaphore_mem>>
      %dma_start3A_21 = tpu.memref_squeeze %dma_start3A_20 : memref<1x!tpu.dma_semaphore, #tpu.memory_space<semaphore_mem>> -> memref<!tpu.dma_semaphore, #tpu.memory_space<semaphore_mem>>
      tpu.enqueue_indirect_dma source(%dma_start3A_19 : memref<10240x128xf32, #tpu.memory_space<hbm>>) target(%dma_start3A_13 : memref<128x128xf32, #tpu.memory_space<vmem>>) offsets(%dma_start3A_16 : memref<128xi32, #tpu.memory_space<vmem>>) semaphore(%dma_start3A_21 : memref<!tpu.dma_semaphore, #tpu.memory_space<semaphore_mem>>)
      %dma_start3A_22 = arith.constant 1 : i32
      %dma_start3A_23 = arith.constant 1 : i32
      %dma_start3A_24 = arith.constant 1 : i32
      %dma_start3A_25 = arith.constant 0 : i32
      %dma_start3A_26 = arith.constant 0 : i32
      %dma_start3A_27 = tpu.memref_slice %arg12[%dma_start3A_23, %dma_start3A_25, %dma_start3A_26] : memref<2x128x128xf32, #tpu.memory_space<vmem>> -> memref<1x128x128xf32, #tpu.memory_space<vmem>>
      %dma_start3A_28 = tpu.memref_squeeze %dma_start3A_27 : memref<1x128x128xf32, #tpu.memory_space<vmem>> -> memref<128x128xf32, #tpu.memory_space<vmem>>
      %dma_start3A_29 = arith.constant 0 : i32
      %dma_start3A_30 = tpu.memref_slice %arg10[%dma_start3A_22, %dma_start3A_29] : memref<40x128xi32, #tpu.memory_space<vmem>> -> memref<1x128xi32, #tpu.memory_space<vmem>>
      %dma_start3A_31 = tpu.memref_squeeze %dma_start3A_30 : memref<1x128xi32, #tpu.memory_space<vmem>> -> memref<128xi32, #tpu.memory_space<vmem>>
      %dma_start3A_32 = arith.constant 0 : i32
      %dma_start3A_33 = arith.constant 0 : i32
      %dma_start3A_34 = tpu.memref_slice %arg4[%dma_start3A_32, %dma_start3A_33] : memref<10240x128xf32, #tpu.memory_space<hbm>> -> memref<10240x128xf32, #tpu.memory_space<hbm>>
      %dma_start3A_35 = tpu.memref_slice %arg13[%dma_start3A_24] : memref<2x!tpu.dma_semaphore, #tpu.memory_space<semaphore_mem>> -> memref<1x!tpu.dma_semaphore, #tpu.memory_space<semaphore_mem>>
      %dma_start3A_36 = tpu.memref_squeeze %dma_start3A_35 : memref<1x!tpu.dma_semaphore, #tpu.memory_space<semaphore_mem>> -> memref<!tpu.dma_semaphore, #tpu.memory_space<semaphore_mem>>
      tpu.enqueue_indirect_dma source(%dma_start3A_34 : memref<10240x128xf32, #tpu.memory_space<hbm>>) target(%dma_start3A_28 : memref<128x128xf32, #tpu.memory_space<vmem>>) offsets(%dma_start3A_31 : memref<128xi32, #tpu.memory_space<vmem>>) semaphore(%dma_start3A_36 : memref<!tpu.dma_semaphore, #tpu.memory_space<semaphore_mem>>)
      %scan3A = arith.constant 0 : i32
      %scan3A_37 = arith.constant 0 : i32
      %scan3A_38 = arith.constant 20 : i32
      %scan3A_39 = arith.addi %scan3A_37, %scan3A_38 : i32
      %scan3A_40 = arith.constant 1 : i32
      scf.for %scan3A_43 = %scan3A_37 to %scan3A_39 step %scan3A_40  : i32 {
        %mul3A_44 = arith.constant 2 : i32
        %mul3A_45 = arith.muli %scan3A_43, %mul3A_44 : i32
        %add3A = arith.constant 0 : i32
        %add3A_46 = arith.addi %mul3A_45, %add3A : i32
        %dma_wait3A = arith.constant 0 : i32
        %dma_wait3A_47 = arith.constant 0 : i32
        %dma_wait3A_48 = arith.constant 0 : i32
        %dma_wait3A_49 = arith.constant 0 : i32
        %dma_wait3A_50 = tpu.memref_slice %arg12[%dma_wait3A, %dma_wait3A_48, %dma_wait3A_49] : memref<2x128x128xf32, #tpu.memory_space<vmem>> -> memref<1x128x128xf32, #tpu.memory_space<vmem>>
        %dma_wait3A_51 = tpu.memref_squeeze %dma_wait3A_50 : memref<1x128x128xf32, #tpu.memory_space<vmem>> -> memref<128x128xf32, #tpu.memory_space<vmem>>
        %dma_wait3A_52 = arith.constant 0 : i32
        %dma_wait3A_53 = tpu.memref_slice %arg10[%add3A_46, %dma_wait3A_52] : memref<40x128xi32, #tpu.memory_space<vmem>> -> memref<1x128xi32, #tpu.memory_space<vmem>>
        %dma_wait3A_54 = tpu.memref_squeeze %dma_wait3A_53 : memref<1x128xi32, #tpu.memory_space<vmem>> -> memref<128xi32, #tpu.memory_space<vmem>>
        %dma_wait3A_55 = arith.constant 0 : i32
        %dma_wait3A_56 = arith.constant 0 : i32
        %dma_wait3A_57 = tpu.memref_slice %arg4[%dma_wait3A_55, %dma_wait3A_56] : memref<10240x128xf32, #tpu.memory_space<hbm>> -> memref<10240x128xf32, #tpu.memory_space<hbm>>
        %dma_wait3A_58 = tpu.memref_slice %arg13[%dma_wait3A_47] : memref<2x!tpu.dma_semaphore, #tpu.memory_space<semaphore_mem>> -> memref<1x!tpu.dma_semaphore, #tpu.memory_space<semaphore_mem>>
        %dma_wait3A_59 = tpu.memref_squeeze %dma_wait3A_58 : memref<1x!tpu.dma_semaphore, #tpu.memory_space<semaphore_mem>> -> memref<!tpu.dma_semaphore, #tpu.memory_space<semaphore_mem>>
        tpu.wait_indirect_dma semaphore(%dma_wait3A_59 : memref<!tpu.dma_semaphore, #tpu.memory_space<semaphore_mem>>) src(%dma_wait3A_57 : memref<10240x128xf32, #tpu.memory_space<hbm>>) dst(%dma_wait3A_51 : memref<128x128xf32, #tpu.memory_space<vmem>>)
        %run_scoped3A = arith.constant 0 : i32
        "tpu.region"() ({
          %run_scoped3A_92 = tpu.sem_alloc : memref<!tpu.dma_semaphore, #tpu.memory_space<semaphore_mem>>
          %dma_start3A_93 = arith.constant 0 : i32
          %dma_start3A_94 = arith.constant 0 : i32
          %dma_start3A_95 = tpu.memref_slice %arg12[%run_scoped3A, %dma_start3A_93, %dma_start3A_94] : memref<2x128x128xf32, #tpu.memory_space<vmem>> -> memref<1x128x128xf32, #tpu.memory_space<vmem>>
          %dma_start3A_96 = tpu.memref_squeeze %dma_start3A_95 : memref<1x128x128xf32, #tpu.memory_space<vmem>> -> memref<128x128xf32, #tpu.memory_space<vmem>>
          %dma_start3A_97 = arith.constant 0 : i32
          %dma_start3A_98 = tpu.memref_slice %arg11[%add3A_46, %dma_start3A_97] : memref<40x128xi32, #tpu.memory_space<vmem>> -> memref<1x128xi32, #tpu.memory_space<vmem>>
          %dma_start3A_99 = tpu.memref_squeeze %dma_start3A_98 : memref<1x128xi32, #tpu.memory_space<vmem>> -> memref<128xi32, #tpu.memory_space<vmem>>
          %dma_start3A_100 = arith.constant 0 : i32
          %dma_start3A_101 = arith.constant 0 : i32
          %dma_start3A_102 = tpu.memref_slice %arg14[%dma_start3A_100, %dma_start3A_101] : memref<10240x128xf32, #tpu.memory_space<vmem_shared>> -> memref<10240x128xf32, #tpu.memory_space<vmem_shared>>
          tpu.enqueue_indirect_dma source(%dma_start3A_96 : memref<128x128xf32, #tpu.memory_space<vmem>>) target(%dma_start3A_102 : memref<10240x128xf32, #tpu.memory_space<vmem_shared>>) offsets(%dma_start3A_99 : memref<128xi32, #tpu.memory_space<vmem>>) semaphore(%run_scoped3A_92 : memref<!tpu.dma_semaphore, #tpu.memory_space<semaphore_mem>>) {add = true}
          %dma_wait3A_103 = arith.constant 0 : i32
          %dma_wait3A_104 = arith.constant 0 : i32
          %dma_wait3A_105 = tpu.memref_slice %arg12[%run_scoped3A, %dma_wait3A_103, %dma_wait3A_104] : memref<2x128x128xf32, #tpu.memory_space<vmem>> -> memref<1x128x128xf32, #tpu.memory_space<vmem>>
          %dma_wait3A_106 = tpu.memref_squeeze %dma_wait3A_105 : memref<1x128x128xf32, #tpu.memory_space<vmem>> -> memref<128x128xf32, #tpu.memory_space<vmem>>
          %dma_wait3A_107 = arith.constant 0 : i32
          %dma_wait3A_108 = tpu.memref_slice %arg11[%add3A_46, %dma_wait3A_107] : memref<40x128xi32, #tpu.memory_space<vmem>> -> memref<1x128xi32, #tpu.memory_space<vmem>>
          %dma_wait3A_109 = tpu.memref_squeeze %dma_wait3A_108 : memref<1x128xi32, #tpu.memory_space<vmem>> -> memref<128xi32, #tpu.memory_space<vmem>>
          %dma_wait3A_110 = arith.constant 0 : i32
          %dma_wait3A_111 = arith.constant 0 : i32
          %dma_wait3A_112 = tpu.memref_slice %arg14[%dma_wait3A_110, %dma_wait3A_111] : memref<10240x128xf32, #tpu.memory_space<vmem_shared>> -> memref<10240x128xf32, #tpu.memory_space<vmem_shared>>
          tpu.wait_indirect_dma semaphore(%run_scoped3A_92 : memref<!tpu.dma_semaphore, #tpu.memory_space<semaphore_mem>>) src(%dma_wait3A_106 : memref<128x128xf32, #tpu.memory_space<vmem>>) dst(%dma_wait3A_112 : memref<10240x128xf32, #tpu.memory_space<vmem_shared>>)
          tpu.yield
        }) : () -> ()
        %add3A_60 = arith.constant 2 : i32
        %add3A_61 = arith.addi %add3A_46, %add3A_60 : i32
        %lt3A = arith.constant 40 : i32
        %lt3A_62 = arith.cmpi slt, %add3A_61, %lt3A : i32
        %convert_element_type3A_63 = arith.extui %lt3A_62 : i1 to i32
        %cond3A_64 = arith.constant 0 : i32
        %cond3A_65 = arith.cmpi ne, %convert_element_type3A_63, %cond3A_64 : i32
        scf.if %cond3A_65 {
          %dma_start3A_92 = arith.constant 0 : i32
          %dma_start3A_93 = arith.constant 0 : i32
          %dma_start3A_94 = arith.constant 0 : i32
          %dma_start3A_95 = arith.constant 0 : i32
          %dma_start3A_96 = tpu.memref_slice %arg12[%dma_start3A_92, %dma_start3A_94, %dma_start3A_95] : memref<2x128x128xf32, #tpu.memory_space<vmem>> -> memref<1x128x128xf32, #tpu.memory_space<vmem>>
          %dma_start3A_97 = tpu.memref_squeeze %dma_start3A_96 : memref<1x128x128xf32, #tpu.memory_space<vmem>> -> memref<128x128xf32, #tpu.memory_space<vmem>>
          %dma_start3A_98 = arith.constant 0 : i32
          %dma_start3A_99 = tpu.memref_slice %arg10[%add3A_61, %dma_start3A_98] : memref<40x128xi32, #tpu.memory_space<vmem>> -> memref<1x128xi32, #tpu.memory_space<vmem>>
          %dma_start3A_100 = tpu.memref_squeeze %dma_start3A_99 : memref<1x128xi32, #tpu.memory_space<vmem>> -> memref<128xi32, #tpu.memory_space<vmem>>
          %dma_start3A_101 = arith.constant 0 : i32
          %dma_start3A_102 = arith.constant 0 : i32
          %dma_start3A_103 = tpu.memref_slice %arg4[%dma_start3A_101, %dma_start3A_102] : memref<10240x128xf32, #tpu.memory_space<hbm>> -> memref<10240x128xf32, #tpu.memory_space<hbm>>
          %dma_start3A_104 = tpu.memref_slice %arg13[%dma_start3A_93] : memref<2x!tpu.dma_semaphore, #tpu.memory_space<semaphore_mem>> -> memref<1x!tpu.dma_semaphore, #tpu.memory_space<semaphore_mem>>
          %dma_start3A_105 = tpu.memref_squeeze %dma_start3A_104 : memref<1x!tpu.dma_semaphore, #tpu.memory_space<semaphore_mem>> -> memref<!tpu.dma_semaphore, #tpu.memory_space<semaphore_mem>>
          tpu.enqueue_indirect_dma source(%dma_start3A_103 : memref<10240x128xf32, #tpu.memory_space<hbm>>) target(%dma_start3A_97 : memref<128x128xf32, #tpu.memory_space<vmem>>) offsets(%dma_start3A_100 : memref<128xi32, #tpu.memory_space<vmem>>) semaphore(%dma_start3A_105 : memref<!tpu.dma_semaphore, #tpu.memory_space<semaphore_mem>>)
        } else {
        }
        %mul3A_66 = arith.constant 2 : i32
        %mul3A_67 = arith.muli %scan3A_43, %mul3A_66 : i32
        %add3A_68 = arith.constant 1 : i32
        %add3A_69 = arith.addi %mul3A_67, %add3A_68 : i32
        %dma_wait3A_70 = arith.constant 1 : i32
        %dma_wait3A_71 = arith.constant 1 : i32
        %dma_wait3A_72 = arith.constant 0 : i32
        %dma_wait3A_73 = arith.constant 0 : i32
        %dma_wait3A_74 = tpu.memref_slice %arg12[%dma_wait3A_70, %dma_wait3A_72, %dma_wait3A_73] : memref<2x128x128xf32, #tpu.memory_space<vmem>> -> memref<1x128x128xf32, #tpu.memory_space<vmem>>
        %dma_wait3A_75 = tpu.memref_squeeze %dma_wait3A_74 : memref<1x128x128xf32, #tpu.memory_space<vmem>> -> memref<128x128xf32, #tpu.memory_space<vmem>>
        %dma_wait3A_76 = arith.constant 0 : i32
        %dma_wait3A_77 = tpu.memref_slice %arg10[%add3A_69, %dma_wait3A_76] : memref<40x128xi32, #tpu.memory_space<vmem>> -> memref<1x128xi32, #tpu.memory_space<vmem>>
        %dma_wait3A_78 = tpu.memref_squeeze %dma_wait3A_77 : memref<1x128xi32, #tpu.memory_space<vmem>> -> memref<128xi32, #tpu.memory_space<vmem>>
        %dma_wait3A_79 = arith.constant 0 : i32
        %dma_wait3A_80 = arith.constant 0 : i32
        %dma_wait3A_81 = tpu.memref_slice %arg4[%dma_wait3A_79, %dma_wait3A_80] : memref<10240x128xf32, #tpu.memory_space<hbm>> -> memref<10240x128xf32, #tpu.memory_space<hbm>>
        %dma_wait3A_82 = tpu.memref_slice %arg13[%dma_wait3A_71] : memref<2x!tpu.dma_semaphore, #tpu.memory_space<semaphore_mem>> -> memref<1x!tpu.dma_semaphore, #tpu.memory_space<semaphore_mem>>
        %dma_wait3A_83 = tpu.memref_squeeze %dma_wait3A_82 : memref<1x!tpu.dma_semaphore, #tpu.memory_space<semaphore_mem>> -> memref<!tpu.dma_semaphore, #tpu.memory_space<semaphore_mem>>
        tpu.wait_indirect_dma semaphore(%dma_wait3A_83 : memref<!tpu.dma_semaphore, #tpu.memory_space<semaphore_mem>>) src(%dma_wait3A_81 : memref<10240x128xf32, #tpu.memory_space<hbm>>) dst(%dma_wait3A_75 : memref<128x128xf32, #tpu.memory_space<vmem>>)
        %run_scoped3A_84 = arith.constant 1 : i32
        "tpu.region"() ({
          %run_scoped3A_92 = tpu.sem_alloc : memref<!tpu.dma_semaphore, #tpu.memory_space<semaphore_mem>>
          %dma_start3A_93 = arith.constant 0 : i32
          %dma_start3A_94 = arith.constant 0 : i32
          %dma_start3A_95 = tpu.memref_slice %arg12[%run_scoped3A_84, %dma_start3A_93, %dma_start3A_94] : memref<2x128x128xf32, #tpu.memory_space<vmem>> -> memref<1x128x128xf32, #tpu.memory_space<vmem>>
          %dma_start3A_96 = tpu.memref_squeeze %dma_start3A_95 : memref<1x128x128xf32, #tpu.memory_space<vmem>> -> memref<128x128xf32, #tpu.memory_space<vmem>>
          %dma_start3A_97 = arith.constant 0 : i32
          %dma_start3A_98 = tpu.memref_slice %arg11[%add3A_69, %dma_start3A_97] : memref<40x128xi32, #tpu.memory_space<vmem>> -> memref<1x128xi32, #tpu.memory_space<vmem>>
          %dma_start3A_99 = tpu.memref_squeeze %dma_start3A_98 : memref<1x128xi32, #tpu.memory_space<vmem>> -> memref<128xi32, #tpu.memory_space<vmem>>
          %dma_start3A_100 = arith.constant 0 : i32
          %dma_start3A_101 = arith.constant 0 : i32
          %dma_start3A_102 = tpu.memref_slice %arg14[%dma_start3A_100, %dma_start3A_101] : memref<10240x128xf32, #tpu.memory_space<vmem_shared>> -> memref<10240x128xf32, #tpu.memory_space<vmem_shared>>
          tpu.enqueue_indirect_dma source(%dma_start3A_96 : memref<128x128xf32, #tpu.memory_space<vmem>>) target(%dma_start3A_102 : memref<10240x128xf32, #tpu.memory_space<vmem_shared>>) offsets(%dma_start3A_99 : memref<128xi32, #tpu.memory_space<vmem>>) semaphore(%run_scoped3A_92 : memref<!tpu.dma_semaphore, #tpu.memory_space<semaphore_mem>>) {add = true}
          %dma_wait3A_103 = arith.constant 0 : i32
          %dma_wait3A_104 = arith.constant 0 : i32
          %dma_wait3A_105 = tpu.memref_slice %arg12[%run_scoped3A_84, %dma_wait3A_103, %dma_wait3A_104] : memref<2x128x128xf32, #tpu.memory_space<vmem>> -> memref<1x128x128xf32, #tpu.memory_space<vmem>>
          %dma_wait3A_106 = tpu.memref_squeeze %dma_wait3A_105 : memref<1x128x128xf32, #tpu.memory_space<vmem>> -> memref<128x128xf32, #tpu.memory_space<vmem>>
          %dma_wait3A_107 = arith.constant 0 : i32
          %dma_wait3A_108 = tpu.memref_slice %arg11[%add3A_69, %dma_wait3A_107] : memref<40x128xi32, #tpu.memory_space<vmem>> -> memref<1x128xi32, #tpu.memory_space<vmem>>
          %dma_wait3A_109 = tpu.memref_squeeze %dma_wait3A_108 : memref<1x128xi32, #tpu.memory_space<vmem>> -> memref<128xi32, #tpu.memory_space<vmem>>
          %dma_wait3A_110 = arith.constant 0 : i32
          %dma_wait3A_111 = arith.constant 0 : i32
          %dma_wait3A_112 = tpu.memref_slice %arg14[%dma_wait3A_110, %dma_wait3A_111] : memref<10240x128xf32, #tpu.memory_space<vmem_shared>> -> memref<10240x128xf32, #tpu.memory_space<vmem_shared>>
          tpu.wait_indirect_dma semaphore(%run_scoped3A_92 : memref<!tpu.dma_semaphore, #tpu.memory_space<semaphore_mem>>) src(%dma_wait3A_106 : memref<128x128xf32, #tpu.memory_space<vmem>>) dst(%dma_wait3A_112 : memref<10240x128xf32, #tpu.memory_space<vmem_shared>>)
          tpu.yield
        }) : () -> ()
        %add3A_85 = arith.constant 2 : i32
        %add3A_86 = arith.addi %add3A_69, %add3A_85 : i32
        %lt3A_87 = arith.constant 40 : i32
        %lt3A_88 = arith.cmpi slt, %add3A_86, %lt3A_87 : i32
        %convert_element_type3A_89 = arith.extui %lt3A_88 : i1 to i32
        %cond3A_90 = arith.constant 0 : i32
        %cond3A_91 = arith.cmpi ne, %convert_element_type3A_89, %cond3A_90 : i32
        scf.if %cond3A_91 {
          %dma_start3A_92 = arith.constant 1 : i32
          %dma_start3A_93 = arith.constant 1 : i32
          %dma_start3A_94 = arith.constant 0 : i32
          %dma_start3A_95 = arith.constant 0 : i32
          %dma_start3A_96 = tpu.memref_slice %arg12[%dma_start3A_92, %dma_start3A_94, %dma_start3A_95] : memref<2x128x128xf32, #tpu.memory_space<vmem>> -> memref<1x128x128xf32, #tpu.memory_space<vmem>>
          %dma_start3A_97 = tpu.memref_squeeze %dma_start3A_96 : memref<1x128x128xf32, #tpu.memory_space<vmem>> -> memref<128x128xf32, #tpu.memory_space<vmem>>
          %dma_start3A_98 = arith.constant 0 : i32
          %dma_start3A_99 = tpu.memref_slice %arg10[%add3A_86, %dma_start3A_98] : memref<40x128xi32, #tpu.memory_space<vmem>> -> memref<1x128xi32, #tpu.memory_space<vmem>>
          %dma_start3A_100 = tpu.memref_squeeze %dma_start3A_99 : memref<1x128xi32, #tpu.memory_space<vmem>> -> memref<128xi32, #tpu.memory_space<vmem>>
          %dma_start3A_101 = arith.constant 0 : i32
          %dma_start3A_102 = arith.constant 0 : i32
          %dma_start3A_103 = tpu.memref_slice %arg4[%dma_start3A_101, %dma_start3A_102] : memref<10240x128xf32, #tpu.memory_space<hbm>> -> memref<10240x128xf32, #tpu.memory_space<hbm>>
          %dma_start3A_104 = tpu.memref_slice %arg13[%dma_start3A_93] : memref<2x!tpu.dma_semaphore, #tpu.memory_space<semaphore_mem>> -> memref<1x!tpu.dma_semaphore, #tpu.memory_space<semaphore_mem>>
          %dma_start3A_105 = tpu.memref_squeeze %dma_start3A_104 : memref<1x!tpu.dma_semaphore, #tpu.memory_space<semaphore_mem>> -> memref<!tpu.dma_semaphore, #tpu.memory_space<semaphore_mem>>
          tpu.enqueue_indirect_dma source(%dma_start3A_103 : memref<10240x128xf32, #tpu.memory_space<hbm>>) target(%dma_start3A_97 : memref<128x128xf32, #tpu.memory_space<vmem>>) offsets(%dma_start3A_100 : memref<128xi32, #tpu.memory_space<vmem>>) semaphore(%dma_start3A_105 : memref<!tpu.dma_semaphore, #tpu.memory_space<semaphore_mem>>)
        } else {
        }
      }
      %scan3A_41 = arith.constant 20 : i32
      %barrier3A_42 = arith.constant 0 : index
      tpu.barrier barrier_id(%barrier3A_42)
      "tpu.region"() ({
        %run_scoped3A = tpu.sem_alloc : memref<!tpu.dma_semaphore, #tpu.memory_space<semaphore_mem>>
        %dma_start3A_43 = arith.constant 0 : i32
        %dma_start3A_44 = tpu.memref_slice %arg8[%mul3A_0, %dma_start3A_43] : memref<10240x128xf32, #tpu.memory_space<hbm>> -> memref<640x128xf32, #tpu.memory_space<hbm>>
        %dma_start3A_45 = arith.constant 0 : i32
        %dma_start3A_46 = tpu.memref_slice %arg14[%mul3A_0, %dma_start3A_45] : memref<10240x128xf32, #tpu.memory_space<vmem_shared>> -> memref<640x128xf32, #tpu.memory_space<vmem_shared>>
        tpu.enqueue_dma source(%dma_start3A_46 : memref<640x128xf32, #tpu.memory_space<vmem_shared>>) target(%dma_start3A_44 : memref<640x128xf32, #tpu.memory_space<hbm>>) target_semaphore(%run_scoped3A : memref<!tpu.dma_semaphore, #tpu.memory_space<semaphore_mem>>)
        %dma_wait3A = arith.constant 0 : i32
        %dma_wait3A_47 = tpu.memref_slice %arg8[%mul3A_0, %dma_wait3A] : memref<10240x128xf32, #tpu.memory_space<hbm>> -> memref<640x128xf32, #tpu.memory_space<hbm>>
        %dma_wait3A_48 = arith.constant 0 : i32
        %dma_wait3A_49 = tpu.memref_slice %arg14[%mul3A_0, %dma_wait3A_48] : memref<10240x128xf32, #tpu.memory_space<vmem_shared>> -> memref<640x128xf32, #tpu.memory_space<vmem_shared>>
        tpu.wait_dma2 semaphore(%run_scoped3A : memref<!tpu.dma_semaphore, #tpu.memory_space<semaphore_mem>>) src(%dma_wait3A_49 : memref<640x128xf32, #tpu.memory_space<vmem_shared>>) dst(%dma_wait3A_47 : memref<640x128xf32, #tpu.memory_space<hbm>>)
        tpu.yield
      }) : () -> ()
    } else {
    }
    %eq3A_3 = arith.constant 1 : i32
    %eq3A_4 = arith.cmpi eq, %arg0, %eq3A_3 : i32
    %convert_element_type3A_5 = arith.extui %eq3A_4 : i1 to i32
    %cond3A_6 = arith.constant 0 : i32
    %cond3A_7 = arith.cmpi ne, %convert_element_type3A_5, %cond3A_6 : i32
    scf.if %cond3A_7 {
      "tpu.region"() ({
        %run_scoped3A = tpu.sem_alloc : memref<!tpu.dma_semaphore, #tpu.memory_space<semaphore_mem>>
        %dma_start3A_43 = arith.constant 0 : i32
        %dma_start3A_44 = tpu.memref_slice %arg14[%mul3A_0, %dma_start3A_43] : memref<10240x128xf32, #tpu.memory_space<vmem_shared>> -> memref<640x128xf32, #tpu.memory_space<vmem_shared>>
        %dma_start3A_45 = arith.constant 0 : i32
        %dma_start3A_46 = tpu.memref_slice %arg3[%mul3A_0, %dma_start3A_45] : memref<10240x128xf32, #tpu.memory_space<hbm>> -> memref<640x128xf32, #tpu.memory_space<hbm>>
        tpu.enqueue_dma source(%dma_start3A_46 : memref<640x128xf32, #tpu.memory_space<hbm>>) target(%dma_start3A_44 : memref<640x128xf32, #tpu.memory_space<vmem_shared>>) target_semaphore(%run_scoped3A : memref<!tpu.dma_semaphore, #tpu.memory_space<semaphore_mem>>)
        %dma_wait3A = arith.constant 0 : i32
        %dma_wait3A_47 = tpu.memref_slice %arg14[%mul3A_0, %dma_wait3A] : memref<10240x128xf32, #tpu.memory_space<vmem_shared>> -> memref<640x128xf32, #tpu.memory_space<vmem_shared>>
        %dma_wait3A_48 = arith.constant 0 : i32
        %dma_wait3A_49 = tpu.memref_slice %arg3[%mul3A_0, %dma_wait3A_48] : memref<10240x128xf32, #tpu.memory_space<hbm>> -> memref<640x128xf32, #tpu.memory_space<hbm>>
        tpu.wait_dma2 semaphore(%run_scoped3A : memref<!tpu.dma_semaphore, #tpu.memory_space<semaphore_mem>>) src(%dma_wait3A_49 : memref<640x128xf32, #tpu.memory_space<hbm>>) dst(%dma_wait3A_47 : memref<640x128xf32, #tpu.memory_space<vmem_shared>>)
        tpu.yield
      }) : () -> ()
      %barrier3A = arith.constant 0 : index
      tpu.barrier barrier_id(%barrier3A)
      %dma_start3A = arith.constant 0 : i32
      %dma_start3A_8 = arith.constant 0 : i32
      %dma_start3A_9 = arith.constant 0 : i32
      %dma_start3A_10 = arith.constant 0 : i32
      %dma_start3A_11 = arith.constant 0 : i32
      %dma_start3A_12 = tpu.memref_slice %arg12[%dma_start3A_8, %dma_start3A_10, %dma_start3A_11] : memref<2x128x128xf32, #tpu.memory_space<vmem>> -> memref<1x128x128xf32, #tpu.memory_space<vmem>>
      %dma_start3A_13 = tpu.memref_squeeze %dma_start3A_12 : memref<1x128x128xf32, #tpu.memory_space<vmem>> -> memref<128x128xf32, #tpu.memory_space<vmem>>
      %dma_start3A_14 = arith.constant 0 : i32
      %dma_start3A_15 = tpu.memref_slice %arg10[%dma_start3A, %dma_start3A_14] : memref<40x128xi32, #tpu.memory_space<vmem>> -> memref<1x128xi32, #tpu.memory_space<vmem>>
      %dma_start3A_16 = tpu.memref_squeeze %dma_start3A_15 : memref<1x128xi32, #tpu.memory_space<vmem>> -> memref<128xi32, #tpu.memory_space<vmem>>
      %dma_start3A_17 = arith.constant 0 : i32
      %dma_start3A_18 = arith.constant 0 : i32
      %dma_start3A_19 = tpu.memref_slice %arg5[%dma_start3A_17, %dma_start3A_18] : memref<10240x128xf32, #tpu.memory_space<hbm>> -> memref<10240x128xf32, #tpu.memory_space<hbm>>
      %dma_start3A_20 = tpu.memref_slice %arg13[%dma_start3A_9] : memref<2x!tpu.dma_semaphore, #tpu.memory_space<semaphore_mem>> -> memref<1x!tpu.dma_semaphore, #tpu.memory_space<semaphore_mem>>
      %dma_start3A_21 = tpu.memref_squeeze %dma_start3A_20 : memref<1x!tpu.dma_semaphore, #tpu.memory_space<semaphore_mem>> -> memref<!tpu.dma_semaphore, #tpu.memory_space<semaphore_mem>>
      tpu.enqueue_indirect_dma source(%dma_start3A_19 : memref<10240x128xf32, #tpu.memory_space<hbm>>) target(%dma_start3A_13 : memref<128x128xf32, #tpu.memory_space<vmem>>) offsets(%dma_start3A_16 : memref<128xi32, #tpu.memory_space<vmem>>) semaphore(%dma_start3A_21 : memref<!tpu.dma_semaphore, #tpu.memory_space<semaphore_mem>>)
      %dma_start3A_22 = arith.constant 1 : i32
      %dma_start3A_23 = arith.constant 1 : i32
      %dma_start3A_24 = arith.constant 1 : i32
      %dma_start3A_25 = arith.constant 0 : i32
      %dma_start3A_26 = arith.constant 0 : i32
      %dma_start3A_27 = tpu.memref_slice %arg12[%dma_start3A_23, %dma_start3A_25, %dma_start3A_26] : memref<2x128x128xf32, #tpu.memory_space<vmem>> -> memref<1x128x128xf32, #tpu.memory_space<vmem>>
      %dma_start3A_28 = tpu.memref_squeeze %dma_start3A_27 : memref<1x128x128xf32, #tpu.memory_space<vmem>> -> memref<128x128xf32, #tpu.memory_space<vmem>>
      %dma_start3A_29 = arith.constant 0 : i32
      %dma_start3A_30 = tpu.memref_slice %arg10[%dma_start3A_22, %dma_start3A_29] : memref<40x128xi32, #tpu.memory_space<vmem>> -> memref<1x128xi32, #tpu.memory_space<vmem>>
      %dma_start3A_31 = tpu.memref_squeeze %dma_start3A_30 : memref<1x128xi32, #tpu.memory_space<vmem>> -> memref<128xi32, #tpu.memory_space<vmem>>
      %dma_start3A_32 = arith.constant 0 : i32
      %dma_start3A_33 = arith.constant 0 : i32
      %dma_start3A_34 = tpu.memref_slice %arg5[%dma_start3A_32, %dma_start3A_33] : memref<10240x128xf32, #tpu.memory_space<hbm>> -> memref<10240x128xf32, #tpu.memory_space<hbm>>
      %dma_start3A_35 = tpu.memref_slice %arg13[%dma_start3A_24] : memref<2x!tpu.dma_semaphore, #tpu.memory_space<semaphore_mem>> -> memref<1x!tpu.dma_semaphore, #tpu.memory_space<semaphore_mem>>
      %dma_start3A_36 = tpu.memref_squeeze %dma_start3A_35 : memref<1x!tpu.dma_semaphore, #tpu.memory_space<semaphore_mem>> -> memref<!tpu.dma_semaphore, #tpu.memory_space<semaphore_mem>>
      tpu.enqueue_indirect_dma source(%dma_start3A_34 : memref<10240x128xf32, #tpu.memory_space<hbm>>) target(%dma_start3A_28 : memref<128x128xf32, #tpu.memory_space<vmem>>) offsets(%dma_start3A_31 : memref<128xi32, #tpu.memory_space<vmem>>) semaphore(%dma_start3A_36 : memref<!tpu.dma_semaphore, #tpu.memory_space<semaphore_mem>>)
      %scan3A = arith.constant 0 : i32
      %scan3A_37 = arith.constant 0 : i32
      %scan3A_38 = arith.constant 20 : i32
      %scan3A_39 = arith.addi %scan3A_37, %scan3A_38 : i32
      %scan3A_40 = arith.constant 1 : i32
      scf.for %scan3A_43 = %scan3A_37 to %scan3A_39 step %scan3A_40  : i32 {
        %mul3A_44 = arith.constant 2 : i32
        %mul3A_45 = arith.muli %scan3A_43, %mul3A_44 : i32
        %add3A = arith.constant 0 : i32
        %add3A_46 = arith.addi %mul3A_45, %add3A : i32
        %dma_wait3A = arith.constant 0 : i32
        %dma_wait3A_47 = arith.constant 0 : i32
        %dma_wait3A_48 = arith.constant 0 : i32
        %dma_wait3A_49 = arith.constant 0 : i32
        %dma_wait3A_50 = tpu.memref_slice %arg12[%dma_wait3A, %dma_wait3A_48, %dma_wait3A_49] : memref<2x128x128xf32, #tpu.memory_space<vmem>> -> memref<1x128x128xf32, #tpu.memory_space<vmem>>
        %dma_wait3A_51 = tpu.memref_squeeze %dma_wait3A_50 : memref<1x128x128xf32, #tpu.memory_space<vmem>> -> memref<128x128xf32, #tpu.memory_space<vmem>>
        %dma_wait3A_52 = arith.constant 0 : i32
        %dma_wait3A_53 = tpu.memref_slice %arg10[%add3A_46, %dma_wait3A_52] : memref<40x128xi32, #tpu.memory_space<vmem>> -> memref<1x128xi32, #tpu.memory_space<vmem>>
        %dma_wait3A_54 = tpu.memref_squeeze %dma_wait3A_53 : memref<1x128xi32, #tpu.memory_space<vmem>> -> memref<128xi32, #tpu.memory_space<vmem>>
        %dma_wait3A_55 = arith.constant 0 : i32
        %dma_wait3A_56 = arith.constant 0 : i32
        %dma_wait3A_57 = tpu.memref_slice %arg5[%dma_wait3A_55, %dma_wait3A_56] : memref<10240x128xf32, #tpu.memory_space<hbm>> -> memref<10240x128xf32, #tpu.memory_space<hbm>>
        %dma_wait3A_58 = tpu.memref_slice %arg13[%dma_wait3A_47] : memref<2x!tpu.dma_semaphore, #tpu.memory_space<semaphore_mem>> -> memref<1x!tpu.dma_semaphore, #tpu.memory_space<semaphore_mem>>
        %dma_wait3A_59 = tpu.memref_squeeze %dma_wait3A_58 : memref<1x!tpu.dma_semaphore, #tpu.memory_space<semaphore_mem>> -> memref<!tpu.dma_semaphore, #tpu.memory_space<semaphore_mem>>
        tpu.wait_indirect_dma semaphore(%dma_wait3A_59 : memref<!tpu.dma_semaphore, #tpu.memory_space<semaphore_mem>>) src(%dma_wait3A_57 : memref<10240x128xf32, #tpu.memory_space<hbm>>) dst(%dma_wait3A_51 : memref<128x128xf32, #tpu.memory_space<vmem>>)
        %run_scoped3A = arith.constant 0 : i32
        "tpu.region"() ({
          %run_scoped3A_92 = tpu.sem_alloc : memref<!tpu.dma_semaphore, #tpu.memory_space<semaphore_mem>>
          %dma_start3A_93 = arith.constant 0 : i32
          %dma_start3A_94 = arith.constant 0 : i32
          %dma_start3A_95 = tpu.memref_slice %arg12[%run_scoped3A, %dma_start3A_93, %dma_start3A_94] : memref<2x128x128xf32, #tpu.memory_space<vmem>> -> memref<1x128x128xf32, #tpu.memory_space<vmem>>
          %dma_start3A_96 = tpu.memref_squeeze %dma_start3A_95 : memref<1x128x128xf32, #tpu.memory_space<vmem>> -> memref<128x128xf32, #tpu.memory_space<vmem>>
          %dma_start3A_97 = arith.constant 0 : i32
          %dma_start3A_98 = tpu.memref_slice %arg11[%add3A_46, %dma_start3A_97] : memref<40x128xi32, #tpu.memory_space<vmem>> -> memref<1x128xi32, #tpu.memory_space<vmem>>
          %dma_start3A_99 = tpu.memref_squeeze %dma_start3A_98 : memref<1x128xi32, #tpu.memory_space<vmem>> -> memref<128xi32, #tpu.memory_space<vmem>>
          %dma_start3A_100 = arith.constant 0 : i32
          %dma_start3A_101 = arith.constant 0 : i32
          %dma_start3A_102 = tpu.memref_slice %arg14[%dma_start3A_100, %dma_start3A_101] : memref<10240x128xf32, #tpu.memory_space<vmem_shared>> -> memref<10240x128xf32, #tpu.memory_space<vmem_shared>>
          tpu.enqueue_indirect_dma source(%dma_start3A_96 : memref<128x128xf32, #tpu.memory_space<vmem>>) target(%dma_start3A_102 : memref<10240x128xf32, #tpu.memory_space<vmem_shared>>) offsets(%dma_start3A_99 : memref<128xi32, #tpu.memory_space<vmem>>) semaphore(%run_scoped3A_92 : memref<!tpu.dma_semaphore, #tpu.memory_space<semaphore_mem>>) {add = true}
          %dma_wait3A_103 = arith.constant 0 : i32
          %dma_wait3A_104 = arith.constant 0 : i32
          %dma_wait3A_105 = tpu.memref_slice %arg12[%run_scoped3A, %dma_wait3A_103, %dma_wait3A_104] : memref<2x128x128xf32, #tpu.memory_space<vmem>> -> memref<1x128x128xf32, #tpu.memory_space<vmem>>
          %dma_wait3A_106 = tpu.memref_squeeze %dma_wait3A_105 : memref<1x128x128xf32, #tpu.memory_space<vmem>> -> memref<128x128xf32, #tpu.memory_space<vmem>>
          %dma_wait3A_107 = arith.constant 0 : i32
          %dma_wait3A_108 = tpu.memref_slice %arg11[%add3A_46, %dma_wait3A_107] : memref<40x128xi32, #tpu.memory_space<vmem>> -> memref<1x128xi32, #tpu.memory_space<vmem>>
          %dma_wait3A_109 = tpu.memref_squeeze %dma_wait3A_108 : memref<1x128xi32, #tpu.memory_space<vmem>> -> memref<128xi32, #tpu.memory_space<vmem>>
          %dma_wait3A_110 = arith.constant 0 : i32
          %dma_wait3A_111 = arith.constant 0 : i32
          %dma_wait3A_112 = tpu.memref_slice %arg14[%dma_wait3A_110, %dma_wait3A_111] : memref<10240x128xf32, #tpu.memory_space<vmem_shared>> -> memref<10240x128xf32, #tpu.memory_space<vmem_shared>>
          tpu.wait_indirect_dma semaphore(%run_scoped3A_92 : memref<!tpu.dma_semaphore, #tpu.memory_space<semaphore_mem>>) src(%dma_wait3A_106 : memref<128x128xf32, #tpu.memory_space<vmem>>) dst(%dma_wait3A_112 : memref<10240x128xf32, #tpu.memory_space<vmem_shared>>)
          tpu.yield
        }) : () -> ()
        %add3A_60 = arith.constant 2 : i32
        %add3A_61 = arith.addi %add3A_46, %add3A_60 : i32
        %lt3A = arith.constant 40 : i32
        %lt3A_62 = arith.cmpi slt, %add3A_61, %lt3A : i32
        %convert_element_type3A_63 = arith.extui %lt3A_62 : i1 to i32
        %cond3A_64 = arith.constant 0 : i32
        %cond3A_65 = arith.cmpi ne, %convert_element_type3A_63, %cond3A_64 : i32
        scf.if %cond3A_65 {
          %dma_start3A_92 = arith.constant 0 : i32
          %dma_start3A_93 = arith.constant 0 : i32
          %dma_start3A_94 = arith.constant 0 : i32
          %dma_start3A_95 = arith.constant 0 : i32
          %dma_start3A_96 = tpu.memref_slice %arg12[%dma_start3A_92, %dma_start3A_94, %dma_start3A_95] : memref<2x128x128xf32, #tpu.memory_space<vmem>> -> memref<1x128x128xf32, #tpu.memory_space<vmem>>
          %dma_start3A_97 = tpu.memref_squeeze %dma_start3A_96 : memref<1x128x128xf32, #tpu.memory_space<vmem>> -> memref<128x128xf32, #tpu.memory_space<vmem>>
          %dma_start3A_98 = arith.constant 0 : i32
          %dma_start3A_99 = tpu.memref_slice %arg10[%add3A_61, %dma_start3A_98] : memref<40x128xi32, #tpu.memory_space<vmem>> -> memref<1x128xi32, #tpu.memory_space<vmem>>
          %dma_start3A_100 = tpu.memref_squeeze %dma_start3A_99 : memref<1x128xi32, #tpu.memory_space<vmem>> -> memref<128xi32, #tpu.memory_space<vmem>>
          %dma_start3A_101 = arith.constant 0 : i32
          %dma_start3A_102 = arith.constant 0 : i32
          %dma_start3A_103 = tpu.memref_slice %arg5[%dma_start3A_101, %dma_start3A_102] : memref<10240x128xf32, #tpu.memory_space<hbm>> -> memref<10240x128xf32, #tpu.memory_space<hbm>>
          %dma_start3A_104 = tpu.memref_slice %arg13[%dma_start3A_93] : memref<2x!tpu.dma_semaphore, #tpu.memory_space<semaphore_mem>> -> memref<1x!tpu.dma_semaphore, #tpu.memory_space<semaphore_mem>>
          %dma_start3A_105 = tpu.memref_squeeze %dma_start3A_104 : memref<1x!tpu.dma_semaphore, #tpu.memory_space<semaphore_mem>> -> memref<!tpu.dma_semaphore, #tpu.memory_space<semaphore_mem>>
          tpu.enqueue_indirect_dma source(%dma_start3A_103 : memref<10240x128xf32, #tpu.memory_space<hbm>>) target(%dma_start3A_97 : memref<128x128xf32, #tpu.memory_space<vmem>>) offsets(%dma_start3A_100 : memref<128xi32, #tpu.memory_space<vmem>>) semaphore(%dma_start3A_105 : memref<!tpu.dma_semaphore, #tpu.memory_space<semaphore_mem>>)
        } else {
        }
        %mul3A_66 = arith.constant 2 : i32
        %mul3A_67 = arith.muli %scan3A_43, %mul3A_66 : i32
        %add3A_68 = arith.constant 1 : i32
        %add3A_69 = arith.addi %mul3A_67, %add3A_68 : i32
        %dma_wait3A_70 = arith.constant 1 : i32
        %dma_wait3A_71 = arith.constant 1 : i32
        %dma_wait3A_72 = arith.constant 0 : i32
        %dma_wait3A_73 = arith.constant 0 : i32
        %dma_wait3A_74 = tpu.memref_slice %arg12[%dma_wait3A_70, %dma_wait3A_72, %dma_wait3A_73] : memref<2x128x128xf32, #tpu.memory_space<vmem>> -> memref<1x128x128xf32, #tpu.memory_space<vmem>>
        %dma_wait3A_75 = tpu.memref_squeeze %dma_wait3A_74 : memref<1x128x128xf32, #tpu.memory_space<vmem>> -> memref<128x128xf32, #tpu.memory_space<vmem>>
        %dma_wait3A_76 = arith.constant 0 : i32
        %dma_wait3A_77 = tpu.memref_slice %arg10[%add3A_69, %dma_wait3A_76] : memref<40x128xi32, #tpu.memory_space<vmem>> -> memref<1x128xi32, #tpu.memory_space<vmem>>
        %dma_wait3A_78 = tpu.memref_squeeze %dma_wait3A_77 : memref<1x128xi32, #tpu.memory_space<vmem>> -> memref<128xi32, #tpu.memory_space<vmem>>
        %dma_wait3A_79 = arith.constant 0 : i32
        %dma_wait3A_80 = arith.constant 0 : i32
        %dma_wait3A_81 = tpu.memref_slice %arg5[%dma_wait3A_79, %dma_wait3A_80] : memref<10240x128xf32, #tpu.memory_space<hbm>> -> memref<10240x128xf32, #tpu.memory_space<hbm>>
        %dma_wait3A_82 = tpu.memref_slice %arg13[%dma_wait3A_71] : memref<2x!tpu.dma_semaphore, #tpu.memory_space<semaphore_mem>> -> memref<1x!tpu.dma_semaphore, #tpu.memory_space<semaphore_mem>>
        %dma_wait3A_83 = tpu.memref_squeeze %dma_wait3A_82 : memref<1x!tpu.dma_semaphore, #tpu.memory_space<semaphore_mem>> -> memref<!tpu.dma_semaphore, #tpu.memory_space<semaphore_mem>>
        tpu.wait_indirect_dma semaphore(%dma_wait3A_83 : memref<!tpu.dma_semaphore, #tpu.memory_space<semaphore_mem>>) src(%dma_wait3A_81 : memref<10240x128xf32, #tpu.memory_space<hbm>>) dst(%dma_wait3A_75 : memref<128x128xf32, #tpu.memory_space<vmem>>)
        %run_scoped3A_84 = arith.constant 1 : i32
        "tpu.region"() ({
          %run_scoped3A_92 = tpu.sem_alloc : memref<!tpu.dma_semaphore, #tpu.memory_space<semaphore_mem>>
          %dma_start3A_93 = arith.constant 0 : i32
          %dma_start3A_94 = arith.constant 0 : i32
          %dma_start3A_95 = tpu.memref_slice %arg12[%run_scoped3A_84, %dma_start3A_93, %dma_start3A_94] : memref<2x128x128xf32, #tpu.memory_space<vmem>> -> memref<1x128x128xf32, #tpu.memory_space<vmem>>
          %dma_start3A_96 = tpu.memref_squeeze %dma_start3A_95 : memref<1x128x128xf32, #tpu.memory_space<vmem>> -> memref<128x128xf32, #tpu.memory_space<vmem>>
          %dma_start3A_97 = arith.constant 0 : i32
          %dma_start3A_98 = tpu.memref_slice %arg11[%add3A_69, %dma_start3A_97] : memref<40x128xi32, #tpu.memory_space<vmem>> -> memref<1x128xi32, #tpu.memory_space<vmem>>
          %dma_start3A_99 = tpu.memref_squeeze %dma_start3A_98 : memref<1x128xi32, #tpu.memory_space<vmem>> -> memref<128xi32, #tpu.memory_space<vmem>>
          %dma_start3A_100 = arith.constant 0 : i32
          %dma_start3A_101 = arith.constant 0 : i32
          %dma_start3A_102 = tpu.memref_slice %arg14[%dma_start3A_100, %dma_start3A_101] : memref<10240x128xf32, #tpu.memory_space<vmem_shared>> -> memref<10240x128xf32, #tpu.memory_space<vmem_shared>>
          tpu.enqueue_indirect_dma source(%dma_start3A_96 : memref<128x128xf32, #tpu.memory_space<vmem>>) target(%dma_start3A_102 : memref<10240x128xf32, #tpu.memory_space<vmem_shared>>) offsets(%dma_start3A_99 : memref<128xi32, #tpu.memory_space<vmem>>) semaphore(%run_scoped3A_92 : memref<!tpu.dma_semaphore, #tpu.memory_space<semaphore_mem>>) {add = true}
          %dma_wait3A_103 = arith.constant 0 : i32
          %dma_wait3A_104 = arith.constant 0 : i32
          %dma_wait3A_105 = tpu.memref_slice %arg12[%run_scoped3A_84, %dma_wait3A_103, %dma_wait3A_104] : memref<2x128x128xf32, #tpu.memory_space<vmem>> -> memref<1x128x128xf32, #tpu.memory_space<vmem>>
          %dma_wait3A_106 = tpu.memref_squeeze %dma_wait3A_105 : memref<1x128x128xf32, #tpu.memory_space<vmem>> -> memref<128x128xf32, #tpu.memory_space<vmem>>
          %dma_wait3A_107 = arith.constant 0 : i32
          %dma_wait3A_108 = tpu.memref_slice %arg11[%add3A_69, %dma_wait3A_107] : memref<40x128xi32, #tpu.memory_space<vmem>> -> memref<1x128xi32, #tpu.memory_space<vmem>>
          %dma_wait3A_109 = tpu.memref_squeeze %dma_wait3A_108 : memref<1x128xi32, #tpu.memory_space<vmem>> -> memref<128xi32, #tpu.memory_space<vmem>>
          %dma_wait3A_110 = arith.constant 0 : i32
          %dma_wait3A_111 = arith.constant 0 : i32
          %dma_wait3A_112 = tpu.memref_slice %arg14[%dma_wait3A_110, %dma_wait3A_111] : memref<10240x128xf32, #tpu.memory_space<vmem_shared>> -> memref<10240x128xf32, #tpu.memory_space<vmem_shared>>
          tpu.wait_indirect_dma semaphore(%run_scoped3A_92 : memref<!tpu.dma_semaphore, #tpu.memory_space<semaphore_mem>>) src(%dma_wait3A_106 : memref<128x128xf32, #tpu.memory_space<vmem>>) dst(%dma_wait3A_112 : memref<10240x128xf32, #tpu.memory_space<vmem_shared>>)
          tpu.yield
        }) : () -> ()
        %add3A_85 = arith.constant 2 : i32
        %add3A_86 = arith.addi %add3A_69, %add3A_85 : i32
        %lt3A_87 = arith.constant 40 : i32
        %lt3A_88 = arith.cmpi slt, %add3A_86, %lt3A_87 : i32
        %convert_element_type3A_89 = arith.extui %lt3A_88 : i1 to i32
        %cond3A_90 = arith.constant 0 : i32
        %cond3A_91 = arith.cmpi ne, %convert_element_type3A_89, %cond3A_90 : i32
        scf.if %cond3A_91 {
          %dma_start3A_92 = arith.constant 1 : i32
          %dma_start3A_93 = arith.constant 1 : i32
          %dma_start3A_94 = arith.constant 0 : i32
          %dma_start3A_95 = arith.constant 0 : i32
          %dma_start3A_96 = tpu.memref_slice %arg12[%dma_start3A_92, %dma_start3A_94, %dma_start3A_95] : memref<2x128x128xf32, #tpu.memory_space<vmem>> -> memref<1x128x128xf32, #tpu.memory_space<vmem>>
          %dma_start3A_97 = tpu.memref_squeeze %dma_start3A_96 : memref<1x128x128xf32, #tpu.memory_space<vmem>> -> memref<128x128xf32, #tpu.memory_space<vmem>>
          %dma_start3A_98 = arith.constant 0 : i32
          %dma_start3A_99 = tpu.memref_slice %arg10[%add3A_86, %dma_start3A_98] : memref<40x128xi32, #tpu.memory_space<vmem>> -> memref<1x128xi32, #tpu.memory_space<vmem>>
          %dma_start3A_100 = tpu.memref_squeeze %dma_start3A_99 : memref<1x128xi32, #tpu.memory_space<vmem>> -> memref<128xi32, #tpu.memory_space<vmem>>
          %dma_start3A_101 = arith.constant 0 : i32
          %dma_start3A_102 = arith.constant 0 : i32
          %dma_start3A_103 = tpu.memref_slice %arg5[%dma_start3A_101, %dma_start3A_102] : memref<10240x128xf32, #tpu.memory_space<hbm>> -> memref<10240x128xf32, #tpu.memory_space<hbm>>
          %dma_start3A_104 = tpu.memref_slice %arg13[%dma_start3A_93] : memref<2x!tpu.dma_semaphore, #tpu.memory_space<semaphore_mem>> -> memref<1x!tpu.dma_semaphore, #tpu.memory_space<semaphore_mem>>
          %dma_start3A_105 = tpu.memref_squeeze %dma_start3A_104 : memref<1x!tpu.dma_semaphore, #tpu.memory_space<semaphore_mem>> -> memref<!tpu.dma_semaphore, #tpu.memory_space<semaphore_mem>>
          tpu.enqueue_indirect_dma source(%dma_start3A_103 : memref<10240x128xf32, #tpu.memory_space<hbm>>) target(%dma_start3A_97 : memref<128x128xf32, #tpu.memory_space<vmem>>) offsets(%dma_start3A_100 : memref<128xi32, #tpu.memory_space<vmem>>) semaphore(%dma_start3A_105 : memref<!tpu.dma_semaphore, #tpu.memory_space<semaphore_mem>>)
        } else {
        }
      }
      %scan3A_41 = arith.constant 20 : i32
      %barrier3A_42 = arith.constant 0 : index
      tpu.barrier barrier_id(%barrier3A_42)
      "tpu.region"() ({
        %run_scoped3A = tpu.sem_alloc : memref<!tpu.dma_semaphore, #tpu.memory_space<semaphore_mem>>
        %dma_start3A_43 = arith.constant 0 : i32
        %dma_start3A_44 = tpu.memref_slice %arg9[%mul3A_0, %dma_start3A_43] : memref<10240x128xf32, #tpu.memory_space<hbm>> -> memref<640x128xf32, #tpu.memory_space<hbm>>
        %dma_start3A_45 = arith.constant 0 : i32
        %dma_start3A_46 = tpu.memref_slice %arg14[%mul3A_0, %dma_start3A_45] : memref<10240x128xf32, #tpu.memory_space<vmem_shared>> -> memref<640x128xf32, #tpu.memory_space<vmem_shared>>
        tpu.enqueue_dma source(%dma_start3A_46 : memref<640x128xf32, #tpu.memory_space<vmem_shared>>) target(%dma_start3A_44 : memref<640x128xf32, #tpu.memory_space<hbm>>) target_semaphore(%run_scoped3A : memref<!tpu.dma_semaphore, #tpu.memory_space<semaphore_mem>>)
        %dma_wait3A = arith.constant 0 : i32
        %dma_wait3A_47 = tpu.memref_slice %arg9[%mul3A_0, %dma_wait3A] : memref<10240x128xf32, #tpu.memory_space<hbm>> -> memref<640x128xf32, #tpu.memory_space<hbm>>
        %dma_wait3A_48 = arith.constant 0 : i32
        %dma_wait3A_49 = tpu.memref_slice %arg14[%mul3A_0, %dma_wait3A_48] : memref<10240x128xf32, #tpu.memory_space<vmem_shared>> -> memref<640x128xf32, #tpu.memory_space<vmem_shared>>
        tpu.wait_dma2 semaphore(%run_scoped3A : memref<!tpu.dma_semaphore, #tpu.memory_space<semaphore_mem>>) src(%dma_wait3A_49 : memref<640x128xf32, #tpu.memory_space<vmem_shared>>) dst(%dma_wait3A_47 : memref<640x128xf32, #tpu.memory_space<hbm>>)
        tpu.yield
      }) : () -> ()
    } else {
    }
    return
  }
}

#map = affine_map<(d0, d1) -> (0, 0)>
#map1 = affine_map<(d0, d1) -> (0, 0, 0)>
module attributes {stable_mosaic.version = 14 : i64} {
  func.func @k(%arg0: i32, %arg1: i32, %arg2: memref<10240x128xf32, #tpu.memory_space<hbm>>, %arg3: memref<10240x128xf32, #tpu.memory_space<hbm>>, %arg4: memref<10240x128xf32, #tpu.memory_space<hbm>>, %arg5: memref<10240x128xf32, #tpu.memory_space<hbm>>, %arg6: memref<16x40x128xi32, #tpu.memory_space<hbm>>, %arg7: memref<16x40x128xi32, #tpu.memory_space<hbm>>, %arg8: memref<10240x128xf32, #tpu.memory_space<hbm>>, %arg9: memref<10240x128xf32, #tpu.memory_space<hbm>>, %arg10: memref<40x128xi32, #tpu.memory_space<vmem>>, %arg11: memref<40x128xi32, #tpu.memory_space<vmem>>, %arg12: memref<2x128x128xf32, #tpu.memory_space<vmem>>, %arg13: memref<2x!tpu.dma_semaphore, #tpu.memory_space<semaphore_mem>>, %arg14: memref<10240x128xf32, #tpu.memory_space<vmem_shared>>) attributes {dimension_semantics = [#tpu.dimension_semantics<core_parallel>, #tpu.dimension_semantics<subcore_parallel>], iteration_bounds = array<i64: 2, 16>, scalar_prefetch = 0 : i64, scratch_operands = 5 : i64, tpu.core_type = #tpu.core_type<sc_vector_subcore>, window_params = [{transform_indices = #map}, {transform_indices = #map}, {transform_indices = #map}, {transform_indices = #map}, {transform_indices = #map1}, {transform_indices = #map1}, {transform_indices = #map}, {transform_indices = #map}]} {
    "tpu.region"() ({
      %run_scoped3A = tpu.sem_alloc : memref<!tpu.dma_semaphore, #tpu.memory_space<semaphore_mem>>
      %dma_start3A = arith.constant 0 : i32
      %dma_start3A_8 = arith.constant 0 : i32
      %dma_start3A_9 = tpu.memref_slice %arg6[%arg1, %dma_start3A, %dma_start3A_8] : memref<16x40x128xi32, #tpu.memory_space<hbm>> -> memref<1x40x128xi32, #tpu.memory_space<hbm>>
      %dma_start3A_10 = tpu.memref_squeeze %dma_start3A_9 : memref<1x40x128xi32, #tpu.memory_space<hbm>> -> memref<40x128xi32, #tpu.memory_space<hbm>>
      %dma_start3A_11 = arith.constant 0 : i32
      %dma_start3A_12 = arith.constant 0 : i32
      %dma_start3A_13 = tpu.memref_slice %arg6[%arg1, %dma_start3A_11, %dma_start3A_12] : memref<16x40x128xi32, #tpu.memory_space<hbm>> -> memref<1x40x128xi32, #tpu.memory_space<hbm>>
      %dma_start3A_14 = tpu.memref_squeeze %dma_start3A_13 : memref<1x40x128xi32, #tpu.memory_space<hbm>> -> memref<40x128xi32, #tpu.memory_space<hbm>>
      tpu.enqueue_dma source(%dma_start3A_14 : memref<40x128xi32, #tpu.memory_space<hbm>>) target(%arg10 : memref<40x128xi32, #tpu.memory_space<vmem>>) target_semaphore(%run_scoped3A : memref<!tpu.dma_semaphore, #tpu.memory_space<semaphore_mem>>)
      %dma_wait3A = arith.constant 0 : i32
      %dma_wait3A_15 = arith.constant 0 : i32
      %dma_wait3A_16 = tpu.memref_slice %arg6[%arg1, %dma_wait3A, %dma_wait3A_15] : memref<16x40x128xi32, #tpu.memory_space<hbm>> -> memref<1x40x128xi32, #tpu.memory_space<hbm>>
      %dma_wait3A_17 = tpu.memref_squeeze %dma_wait3A_16 : memref<1x40x128xi32, #tpu.memory_space<hbm>> -> memref<40x128xi32, #tpu.memory_space<hbm>>
      %dma_wait3A_18 = arith.constant 0 : i32
      %dma_wait3A_19 = arith.constant 0 : i32
      %dma_wait3A_20 = tpu.memref_slice %arg6[%arg1, %dma_wait3A_18, %dma_wait3A_19] : memref<16x40x128xi32, #tpu.memory_space<hbm>> -> memref<1x40x128xi32, #tpu.memory_space<hbm>>
      %dma_wait3A_21 = tpu.memref_squeeze %dma_wait3A_20 : memref<1x40x128xi32, #tpu.memory_space<hbm>> -> memref<40x128xi32, #tpu.memory_space<hbm>>
      tpu.wait_dma2 semaphore(%run_scoped3A : memref<!tpu.dma_semaphore, #tpu.memory_space<semaphore_mem>>) src(%dma_wait3A_21 : memref<40x128xi32, #tpu.memory_space<hbm>>) dst(%arg10 : memref<40x128xi32, #tpu.memory_space<vmem>>)
      tpu.yield
    }) : () -> ()
    "tpu.region"() ({
      %run_scoped3A = tpu.sem_alloc : memref<!tpu.dma_semaphore, #tpu.memory_space<semaphore_mem>>
      %dma_start3A = arith.constant 0 : i32
      %dma_start3A_8 = arith.constant 0 : i32
      %dma_start3A_9 = tpu.memref_slice %arg7[%arg1, %dma_start3A, %dma_start3A_8] : memref<16x40x128xi32, #tpu.memory_space<hbm>> -> memref<1x40x128xi32, #tpu.memory_space<hbm>>
      %dma_start3A_10 = tpu.memref_squeeze %dma_start3A_9 : memref<1x40x128xi32, #tpu.memory_space<hbm>> -> memref<40x128xi32, #tpu.memory_space<hbm>>
      %dma_start3A_11 = arith.constant 0 : i32
      %dma_start3A_12 = arith.constant 0 : i32
      %dma_start3A_13 = tpu.memref_slice %arg7[%arg1, %dma_start3A_11, %dma_start3A_12] : memref<16x40x128xi32, #tpu.memory_space<hbm>> -> memref<1x40x128xi32, #tpu.memory_space<hbm>>
      %dma_start3A_14 = tpu.memref_squeeze %dma_start3A_13 : memref<1x40x128xi32, #tpu.memory_space<hbm>> -> memref<40x128xi32, #tpu.memory_space<hbm>>
      tpu.enqueue_dma source(%dma_start3A_14 : memref<40x128xi32, #tpu.memory_space<hbm>>) target(%arg11 : memref<40x128xi32, #tpu.memory_space<vmem>>) target_semaphore(%run_scoped3A : memref<!tpu.dma_semaphore, #tpu.memory_space<semaphore_mem>>)
      %dma_wait3A = arith.constant 0 : i32
      %dma_wait3A_15 = arith.constant 0 : i32
      %dma_wait3A_16 = tpu.memref_slice %arg7[%arg1, %dma_wait3A, %dma_wait3A_15] : memref<16x40x128xi32, #tpu.memory_space<hbm>> -> memref<1x40x128xi32, #tpu.memory_space<hbm>>
      %dma_wait3A_17 = tpu.memref_squeeze %dma_wait3A_16 : memref<1x40x128xi32, #tpu.memory_space<hbm>> -> memref<40x128xi32, #tpu.memory_space<hbm>>
      %dma_wait3A_18 = arith.constant 0 : i32
      %dma_wait3A_19 = arith.constant 0 : i32
      %dma_wait3A_20 = tpu.memref_slice %arg7[%arg1, %dma_wait3A_18, %dma_wait3A_19] : memref<16x40x128xi32, #tpu.memory_space<hbm>> -> memref<1x40x128xi32, #tpu.memory_space<hbm>>
      %dma_wait3A_21 = tpu.memref_squeeze %dma_wait3A_20 : memref<1x40x128xi32, #tpu.memory_space<hbm>> -> memref<40x128xi32, #tpu.memory_space<hbm>>
      tpu.wait_dma2 semaphore(%run_scoped3A : memref<!tpu.dma_semaphore, #tpu.memory_space<semaphore_mem>>) src(%dma_wait3A_21 : memref<40x128xi32, #tpu.memory_space<hbm>>) dst(%arg11 : memref<40x128xi32, #tpu.memory_space<vmem>>)
      tpu.yield
    }) : () -> ()
    %mul3A = arith.constant 640 : i32
    %mul3A_0 = arith.muli %arg1, %mul3A : i32
    %eq3A = arith.constant 0 : i32
    %eq3A_1 = arith.cmpi eq, %arg0, %eq3A : i32
    %convert_element_type3A = arith.extui %eq3A_1 : i1 to i32
    %cond3A = arith.constant 0 : i32
    %cond3A_2 = arith.cmpi ne, %convert_element_type3A, %cond3A : i32
    scf.if %cond3A_2 {
      "tpu.region"() ({
        %run_scoped3A = tpu.sem_alloc : memref<!tpu.dma_semaphore, #tpu.memory_space<semaphore_mem>>
        %dma_start3A_43 = arith.constant 0 : i32
        %dma_start3A_44 = tpu.memref_slice %arg14[%mul3A_0, %dma_start3A_43] : memref<10240x128xf32, #tpu.memory_space<vmem_shared>> -> memref<640x128xf32, #tpu.memory_space<vmem_shared>>
        %dma_start3A_45 = arith.constant 0 : i32
        %dma_start3A_46 = tpu.memref_slice %arg2[%mul3A_0, %dma_start3A_45] : memref<10240x128xf32, #tpu.memory_space<hbm>> -> memref<640x128xf32, #tpu.memory_space<hbm>>
        tpu.enqueue_dma source(%dma_start3A_46 : memref<640x128xf32, #tpu.memory_space<hbm>>) target(%dma_start3A_44 : memref<640x128xf32, #tpu.memory_space<vmem_shared>>) target_semaphore(%run_scoped3A : memref<!tpu.dma_semaphore, #tpu.memory_space<semaphore_mem>>)
        %dma_wait3A = arith.constant 0 : i32
        %dma_wait3A_47 = tpu.memref_slice %arg14[%mul3A_0, %dma_wait3A] : memref<10240x128xf32, #tpu.memory_space<vmem_shared>> -> memref<640x128xf32, #tpu.memory_space<vmem_shared>>
        %dma_wait3A_48 = arith.constant 0 : i32
        %dma_wait3A_49 = tpu.memref_slice %arg2[%mul3A_0, %dma_wait3A_48] : memref<10240x128xf32, #tpu.memory_space<hbm>> -> memref<640x128xf32, #tpu.memory_space<hbm>>
        tpu.wait_dma2 semaphore(%run_scoped3A : memref<!tpu.dma_semaphore, #tpu.memory_space<semaphore_mem>>) src(%dma_wait3A_49 : memref<640x128xf32, #tpu.memory_space<hbm>>) dst(%dma_wait3A_47 : memref<640x128xf32, #tpu.memory_space<vmem_shared>>)
        tpu.yield
      }) : () -> ()
      %barrier3A = arith.constant 0 : index
      tpu.barrier barrier_id(%barrier3A)
      %dma_start3A = arith.constant 0 : i32
      %dma_start3A_8 = arith.constant 0 : i32
      %dma_start3A_9 = arith.constant 0 : i32
      %dma_start3A_10 = arith.constant 0 : i32
      %dma_start3A_11 = arith.constant 0 : i32
      %dma_start3A_12 = tpu.memref_slice %arg12[%dma_start3A_8, %dma_start3A_10, %dma_start3A_11] : memref<2x128x128xf32, #tpu.memory_space<vmem>> -> memref<1x128x128xf32, #tpu.memory_space<vmem>>
      %dma_start3A_13 = tpu.memref_squeeze %dma_start3A_12 : memref<1x128x128xf32, #tpu.memory_space<vmem>> -> memref<128x128xf32, #tpu.memory_space<vmem>>
      %dma_start3A_14 = arith.constant 0 : i32
      %dma_start3A_15 = tpu.memref_slice %arg10[%dma_start3A, %dma_start3A_14] : memref<40x128xi32, #tpu.memory_space<vmem>> -> memref<1x128xi32, #tpu.memory_space<vmem>>
      %dma_start3A_16 = tpu.memref_squeeze %dma_start3A_15 : memref<1x128xi32, #tpu.memory_space<vmem>> -> memref<128xi32, #tpu.memory_space<vmem>>
      %dma_start3A_17 = arith.constant 0 : i32
      %dma_start3A_18 = arith.constant 0 : i32
      %dma_start3A_19 = tpu.memref_slice %arg4[%dma_start3A_17, %dma_start3A_18] : memref<10240x128xf32, #tpu.memory_space<hbm>> -> memref<10240x128xf32, #tpu.memory_space<hbm>>
      %dma_start3A_20 = tpu.memref_slice %arg13[%dma_start3A_9] : memref<2x!tpu.dma_semaphore, #tpu.memory_space<semaphore_mem>> -> memref<1x!tpu.dma_semaphore, #tpu.memory_space<semaphore_mem>>
      %dma_start3A_21 = tpu.memref_squeeze %dma_start3A_20 : memref<1x!tpu.dma_semaphore, #tpu.memory_space<semaphore_mem>> -> memref<!tpu.dma_semaphore, #tpu.memory_space<semaphore_mem>>
      tpu.enqueue_indirect_dma source(%dma_start3A_19 : memref<10240x128xf32, #tpu.memory_space<hbm>>) target(%dma_start3A_13 : memref<128x128xf32, #tpu.memory_space<vmem>>) offsets(%dma_start3A_16 : memref<128xi32, #tpu.memory_space<vmem>>) semaphore(%dma_start3A_21 : memref<!tpu.dma_semaphore, #tpu.memory_space<semaphore_mem>>)
      %dma_start3A_22 = arith.constant 1 : i32
      %dma_start3A_23 = arith.constant 1 : i32
      %dma_start3A_24 = arith.constant 1 : i32
      %dma_start3A_25 = arith.constant 0 : i32
      %dma_start3A_26 = arith.constant 0 : i32
      %dma_start3A_27 = tpu.memref_slice %arg12[%dma_start3A_23, %dma_start3A_25, %dma_start3A_26] : memref<2x128x128xf32, #tpu.memory_space<vmem>> -> memref<1x128x128xf32, #tpu.memory_space<vmem>>
      %dma_start3A_28 = tpu.memref_squeeze %dma_start3A_27 : memref<1x128x128xf32, #tpu.memory_space<vmem>> -> memref<128x128xf32, #tpu.memory_space<vmem>>
      %dma_start3A_29 = arith.constant 0 : i32
      %dma_start3A_30 = tpu.memref_slice %arg10[%dma_start3A_22, %dma_start3A_29] : memref<40x128xi32, #tpu.memory_space<vmem>> -> memref<1x128xi32, #tpu.memory_space<vmem>>
      %dma_start3A_31 = tpu.memref_squeeze %dma_start3A_30 : memref<1x128xi32, #tpu.memory_space<vmem>> -> memref<128xi32, #tpu.memory_space<vmem>>
      %dma_start3A_32 = arith.constant 0 : i32
      %dma_start3A_33 = arith.constant 0 : i32
      %dma_start3A_34 = tpu.memref_slice %arg4[%dma_start3A_32, %dma_start3A_33] : memref<10240x128xf32, #tpu.memory_space<hbm>> -> memref<10240x128xf32, #tpu.memory_space<hbm>>
      %dma_start3A_35 = tpu.memref_slice %arg13[%dma_start3A_24] : memref<2x!tpu.dma_semaphore, #tpu.memory_space<semaphore_mem>> -> memref<1x!tpu.dma_semaphore, #tpu.memory_space<semaphore_mem>>
      %dma_start3A_36 = tpu.memref_squeeze %dma_start3A_35 : memref<1x!tpu.dma_semaphore, #tpu.memory_space<semaphore_mem>> -> memref<!tpu.dma_semaphore, #tpu.memory_space<semaphore_mem>>
      tpu.enqueue_indirect_dma source(%dma_start3A_34 : memref<10240x128xf32, #tpu.memory_space<hbm>>) target(%dma_start3A_28 : memref<128x128xf32, #tpu.memory_space<vmem>>) offsets(%dma_start3A_31 : memref<128xi32, #tpu.memory_space<vmem>>) semaphore(%dma_start3A_36 : memref<!tpu.dma_semaphore, #tpu.memory_space<semaphore_mem>>)
      %scan3A = arith.constant 0 : i32
      %scan3A_37 = arith.constant 0 : i32
      %scan3A_38 = arith.constant 20 : i32
      %scan3A_39 = arith.addi %scan3A_37, %scan3A_38 : i32
      %scan3A_40 = arith.constant 1 : i32
      scf.for %scan3A_43 = %scan3A_37 to %scan3A_39 step %scan3A_40  : i32 {
        %mul3A_44 = arith.constant 2 : i32
        %mul3A_45 = arith.muli %scan3A_43, %mul3A_44 : i32
        %add3A = arith.constant 0 : i32
        %add3A_46 = arith.addi %mul3A_45, %add3A : i32
        %dma_wait3A = arith.constant 0 : i32
        %dma_wait3A_47 = arith.constant 0 : i32
        %dma_wait3A_48 = arith.constant 0 : i32
        %dma_wait3A_49 = arith.constant 0 : i32
        %dma_wait3A_50 = tpu.memref_slice %arg12[%dma_wait3A, %dma_wait3A_48, %dma_wait3A_49] : memref<2x128x128xf32, #tpu.memory_space<vmem>> -> memref<1x128x128xf32, #tpu.memory_space<vmem>>
        %dma_wait3A_51 = tpu.memref_squeeze %dma_wait3A_50 : memref<1x128x128xf32, #tpu.memory_space<vmem>> -> memref<128x128xf32, #tpu.memory_space<vmem>>
        %dma_wait3A_52 = arith.constant 0 : i32
        %dma_wait3A_53 = tpu.memref_slice %arg10[%add3A_46, %dma_wait3A_52] : memref<40x128xi32, #tpu.memory_space<vmem>> -> memref<1x128xi32, #tpu.memory_space<vmem>>
        %dma_wait3A_54 = tpu.memref_squeeze %dma_wait3A_53 : memref<1x128xi32, #tpu.memory_space<vmem>> -> memref<128xi32, #tpu.memory_space<vmem>>
        %dma_wait3A_55 = arith.constant 0 : i32
        %dma_wait3A_56 = arith.constant 0 : i32
        %dma_wait3A_57 = tpu.memref_slice %arg4[%dma_wait3A_55, %dma_wait3A_56] : memref<10240x128xf32, #tpu.memory_space<hbm>> -> memref<10240x128xf32, #tpu.memory_space<hbm>>
        %dma_wait3A_58 = tpu.memref_slice %arg13[%dma_wait3A_47] : memref<2x!tpu.dma_semaphore, #tpu.memory_space<semaphore_mem>> -> memref<1x!tpu.dma_semaphore, #tpu.memory_space<semaphore_mem>>
        %dma_wait3A_59 = tpu.memref_squeeze %dma_wait3A_58 : memref<1x!tpu.dma_semaphore, #tpu.memory_space<semaphore_mem>> -> memref<!tpu.dma_semaphore, #tpu.memory_space<semaphore_mem>>
        tpu.wait_indirect_dma semaphore(%dma_wait3A_59 : memref<!tpu.dma_semaphore, #tpu.memory_space<semaphore_mem>>) src(%dma_wait3A_57 : memref<10240x128xf32, #tpu.memory_space<hbm>>) dst(%dma_wait3A_51 : memref<128x128xf32, #tpu.memory_space<vmem>>)
        %run_scoped3A = arith.constant 0 : i32
        "tpu.region"() ({
          %run_scoped3A_92 = tpu.sem_alloc : memref<!tpu.dma_semaphore, #tpu.memory_space<semaphore_mem>>
          %dma_start3A_93 = arith.constant 0 : i32
          %dma_start3A_94 = arith.constant 0 : i32
          %dma_start3A_95 = tpu.memref_slice %arg12[%run_scoped3A, %dma_start3A_93, %dma_start3A_94] : memref<2x128x128xf32, #tpu.memory_space<vmem>> -> memref<1x128x128xf32, #tpu.memory_space<vmem>>
          %dma_start3A_96 = tpu.memref_squeeze %dma_start3A_95 : memref<1x128x128xf32, #tpu.memory_space<vmem>> -> memref<128x128xf32, #tpu.memory_space<vmem>>
          %dma_start3A_97 = arith.constant 0 : i32
          %dma_start3A_98 = tpu.memref_slice %arg11[%add3A_46, %dma_start3A_97] : memref<40x128xi32, #tpu.memory_space<vmem>> -> memref<1x128xi32, #tpu.memory_space<vmem>>
          %dma_start3A_99 = tpu.memref_squeeze %dma_start3A_98 : memref<1x128xi32, #tpu.memory_space<vmem>> -> memref<128xi32, #tpu.memory_space<vmem>>
          %dma_start3A_100 = arith.constant 0 : i32
          %dma_start3A_101 = arith.constant 0 : i32
          %dma_start3A_102 = tpu.memref_slice %arg14[%dma_start3A_100, %dma_start3A_101] : memref<10240x128xf32, #tpu.memory_space<vmem_shared>> -> memref<10240x128xf32, #tpu.memory_space<vmem_shared>>
          tpu.enqueue_indirect_dma source(%dma_start3A_96 : memref<128x128xf32, #tpu.memory_space<vmem>>) target(%dma_start3A_102 : memref<10240x128xf32, #tpu.memory_space<vmem_shared>>) offsets(%dma_start3A_99 : memref<128xi32, #tpu.memory_space<vmem>>) semaphore(%run_scoped3A_92 : memref<!tpu.dma_semaphore, #tpu.memory_space<semaphore_mem>>) {add = true}
          %dma_wait3A_103 = arith.constant 0 : i32
          %dma_wait3A_104 = arith.constant 0 : i32
          %dma_wait3A_105 = tpu.memref_slice %arg12[%run_scoped3A, %dma_wait3A_103, %dma_wait3A_104] : memref<2x128x128xf32, #tpu.memory_space<vmem>> -> memref<1x128x128xf32, #tpu.memory_space<vmem>>
          %dma_wait3A_106 = tpu.memref_squeeze %dma_wait3A_105 : memref<1x128x128xf32, #tpu.memory_space<vmem>> -> memref<128x128xf32, #tpu.memory_space<vmem>>
          %dma_wait3A_107 = arith.constant 0 : i32
          %dma_wait3A_108 = tpu.memref_slice %arg11[%add3A_46, %dma_wait3A_107] : memref<40x128xi32, #tpu.memory_space<vmem>> -> memref<1x128xi32, #tpu.memory_space<vmem>>
          %dma_wait3A_109 = tpu.memref_squeeze %dma_wait3A_108 : memref<1x128xi32, #tpu.memory_space<vmem>> -> memref<128xi32, #tpu.memory_space<vmem>>
          %dma_wait3A_110 = arith.constant 0 : i32
          %dma_wait3A_111 = arith.constant 0 : i32
          %dma_wait3A_112 = tpu.memref_slice %arg14[%dma_wait3A_110, %dma_wait3A_111] : memref<10240x128xf32, #tpu.memory_space<vmem_shared>> -> memref<10240x128xf32, #tpu.memory_space<vmem_shared>>
          tpu.wait_indirect_dma semaphore(%run_scoped3A_92 : memref<!tpu.dma_semaphore, #tpu.memory_space<semaphore_mem>>) src(%dma_wait3A_106 : memref<128x128xf32, #tpu.memory_space<vmem>>) dst(%dma_wait3A_112 : memref<10240x128xf32, #tpu.memory_space<vmem_shared>>)
          tpu.yield
        }) : () -> ()
        %add3A_60 = arith.constant 2 : i32
        %add3A_61 = arith.addi %add3A_46, %add3A_60 : i32
        %lt3A = arith.constant 40 : i32
        %lt3A_62 = arith.cmpi slt, %add3A_61, %lt3A : i32
        %convert_element_type3A_63 = arith.extui %lt3A_62 : i1 to i32
        %cond3A_64 = arith.constant 0 : i32
        %cond3A_65 = arith.cmpi ne, %convert_element_type3A_63, %cond3A_64 : i32
        scf.if %cond3A_65 {
          %dma_start3A_92 = arith.constant 0 : i32
          %dma_start3A_93 = arith.constant 0 : i32
          %dma_start3A_94 = arith.constant 0 : i32
          %dma_start3A_95 = arith.constant 0 : i32
          %dma_start3A_96 = tpu.memref_slice %arg12[%dma_start3A_92, %dma_start3A_94, %dma_start3A_95] : memref<2x128x128xf32, #tpu.memory_space<vmem>> -> memref<1x128x128xf32, #tpu.memory_space<vmem>>
          %dma_start3A_97 = tpu.memref_squeeze %dma_start3A_96 : memref<1x128x128xf32, #tpu.memory_space<vmem>> -> memref<128x128xf32, #tpu.memory_space<vmem>>
          %dma_start3A_98 = arith.constant 0 : i32
          %dma_start3A_99 = tpu.memref_slice %arg10[%add3A_61, %dma_start3A_98] : memref<40x128xi32, #tpu.memory_space<vmem>> -> memref<1x128xi32, #tpu.memory_space<vmem>>
          %dma_start3A_100 = tpu.memref_squeeze %dma_start3A_99 : memref<1x128xi32, #tpu.memory_space<vmem>> -> memref<128xi32, #tpu.memory_space<vmem>>
          %dma_start3A_101 = arith.constant 0 : i32
          %dma_start3A_102 = arith.constant 0 : i32
          %dma_start3A_103 = tpu.memref_slice %arg4[%dma_start3A_101, %dma_start3A_102] : memref<10240x128xf32, #tpu.memory_space<hbm>> -> memref<10240x128xf32, #tpu.memory_space<hbm>>
          %dma_start3A_104 = tpu.memref_slice %arg13[%dma_start3A_93] : memref<2x!tpu.dma_semaphore, #tpu.memory_space<semaphore_mem>> -> memref<1x!tpu.dma_semaphore, #tpu.memory_space<semaphore_mem>>
          %dma_start3A_105 = tpu.memref_squeeze %dma_start3A_104 : memref<1x!tpu.dma_semaphore, #tpu.memory_space<semaphore_mem>> -> memref<!tpu.dma_semaphore, #tpu.memory_space<semaphore_mem>>
          tpu.enqueue_indirect_dma source(%dma_start3A_103 : memref<10240x128xf32, #tpu.memory_space<hbm>>) target(%dma_start3A_97 : memref<128x128xf32, #tpu.memory_space<vmem>>) offsets(%dma_start3A_100 : memref<128xi32, #tpu.memory_space<vmem>>) semaphore(%dma_start3A_105 : memref<!tpu.dma_semaphore, #tpu.memory_space<semaphore_mem>>)
        } else {
        }
        %mul3A_66 = arith.constant 2 : i32
        %mul3A_67 = arith.muli %scan3A_43, %mul3A_66 : i32
        %add3A_68 = arith.constant 1 : i32
        %add3A_69 = arith.addi %mul3A_67, %add3A_68 : i32
        %dma_wait3A_70 = arith.constant 1 : i32
        %dma_wait3A_71 = arith.constant 1 : i32
        %dma_wait3A_72 = arith.constant 0 : i32
        %dma_wait3A_73 = arith.constant 0 : i32
        %dma_wait3A_74 = tpu.memref_slice %arg12[%dma_wait3A_70, %dma_wait3A_72, %dma_wait3A_73] : memref<2x128x128xf32, #tpu.memory_space<vmem>> -> memref<1x128x128xf32, #tpu.memory_space<vmem>>
        %dma_wait3A_75 = tpu.memref_squeeze %dma_wait3A_74 : memref<1x128x128xf32, #tpu.memory_space<vmem>> -> memref<128x128xf32, #tpu.memory_space<vmem>>
        %dma_wait3A_76 = arith.constant 0 : i32
        %dma_wait3A_77 = tpu.memref_slice %arg10[%add3A_69, %dma_wait3A_76] : memref<40x128xi32, #tpu.memory_space<vmem>> -> memref<1x128xi32, #tpu.memory_space<vmem>>
        %dma_wait3A_78 = tpu.memref_squeeze %dma_wait3A_77 : memref<1x128xi32, #tpu.memory_space<vmem>> -> memref<128xi32, #tpu.memory_space<vmem>>
        %dma_wait3A_79 = arith.constant 0 : i32
        %dma_wait3A_80 = arith.constant 0 : i32
        %dma_wait3A_81 = tpu.memref_slice %arg4[%dma_wait3A_79, %dma_wait3A_80] : memref<10240x128xf32, #tpu.memory_space<hbm>> -> memref<10240x128xf32, #tpu.memory_space<hbm>>
        %dma_wait3A_82 = tpu.memref_slice %arg13[%dma_wait3A_71] : memref<2x!tpu.dma_semaphore, #tpu.memory_space<semaphore_mem>> -> memref<1x!tpu.dma_semaphore, #tpu.memory_space<semaphore_mem>>
        %dma_wait3A_83 = tpu.memref_squeeze %dma_wait3A_82 : memref<1x!tpu.dma_semaphore, #tpu.memory_space<semaphore_mem>> -> memref<!tpu.dma_semaphore, #tpu.memory_space<semaphore_mem>>
        tpu.wait_indirect_dma semaphore(%dma_wait3A_83 : memref<!tpu.dma_semaphore, #tpu.memory_space<semaphore_mem>>) src(%dma_wait3A_81 : memref<10240x128xf32, #tpu.memory_space<hbm>>) dst(%dma_wait3A_75 : memref<128x128xf32, #tpu.memory_space<vmem>>)
        %run_scoped3A_84 = arith.constant 1 : i32
        "tpu.region"() ({
          %run_scoped3A_92 = tpu.sem_alloc : memref<!tpu.dma_semaphore, #tpu.memory_space<semaphore_mem>>
          %dma_start3A_93 = arith.constant 0 : i32
          %dma_start3A_94 = arith.constant 0 : i32
          %dma_start3A_95 = tpu.memref_slice %arg12[%run_scoped3A_84, %dma_start3A_93, %dma_start3A_94] : memref<2x128x128xf32, #tpu.memory_space<vmem>> -> memref<1x128x128xf32, #tpu.memory_space<vmem>>
          %dma_start3A_96 = tpu.memref_squeeze %dma_start3A_95 : memref<1x128x128xf32, #tpu.memory_space<vmem>> -> memref<128x128xf32, #tpu.memory_space<vmem>>
          %dma_start3A_97 = arith.constant 0 : i32
          %dma_start3A_98 = tpu.memref_slice %arg11[%add3A_69, %dma_start3A_97] : memref<40x128xi32, #tpu.memory_space<vmem>> -> memref<1x128xi32, #tpu.memory_space<vmem>>
          %dma_start3A_99 = tpu.memref_squeeze %dma_start3A_98 : memref<1x128xi32, #tpu.memory_space<vmem>> -> memref<128xi32, #tpu.memory_space<vmem>>
          %dma_start3A_100 = arith.constant 0 : i32
          %dma_start3A_101 = arith.constant 0 : i32
          %dma_start3A_102 = tpu.memref_slice %arg14[%dma_start3A_100, %dma_start3A_101] : memref<10240x128xf32, #tpu.memory_space<vmem_shared>> -> memref<10240x128xf32, #tpu.memory_space<vmem_shared>>
          tpu.enqueue_indirect_dma source(%dma_start3A_96 : memref<128x128xf32, #tpu.memory_space<vmem>>) target(%dma_start3A_102 : memref<10240x128xf32, #tpu.memory_space<vmem_shared>>) offsets(%dma_start3A_99 : memref<128xi32, #tpu.memory_space<vmem>>) semaphore(%run_scoped3A_92 : memref<!tpu.dma_semaphore, #tpu.memory_space<semaphore_mem>>) {add = true}
          %dma_wait3A_103 = arith.constant 0 : i32
          %dma_wait3A_104 = arith.constant 0 : i32
          %dma_wait3A_105 = tpu.memref_slice %arg12[%run_scoped3A_84, %dma_wait3A_103, %dma_wait3A_104] : memref<2x128x128xf32, #tpu.memory_space<vmem>> -> memref<1x128x128xf32, #tpu.memory_space<vmem>>
          %dma_wait3A_106 = tpu.memref_squeeze %dma_wait3A_105 : memref<1x128x128xf32, #tpu.memory_space<vmem>> -> memref<128x128xf32, #tpu.memory_space<vmem>>
          %dma_wait3A_107 = arith.constant 0 : i32
          %dma_wait3A_108 = tpu.memref_slice %arg11[%add3A_69, %dma_wait3A_107] : memref<40x128xi32, #tpu.memory_space<vmem>> -> memref<1x128xi32, #tpu.memory_space<vmem>>
          %dma_wait3A_109 = tpu.memref_squeeze %dma_wait3A_108 : memref<1x128xi32, #tpu.memory_space<vmem>> -> memref<128xi32, #tpu.memory_space<vmem>>
          %dma_wait3A_110 = arith.constant 0 : i32
          %dma_wait3A_111 = arith.constant 0 : i32
          %dma_wait3A_112 = tpu.memref_slice %arg14[%dma_wait3A_110, %dma_wait3A_111] : memref<10240x128xf32, #tpu.memory_space<vmem_shared>> -> memref<10240x128xf32, #tpu.memory_space<vmem_shared>>
          tpu.wait_indirect_dma semaphore(%run_scoped3A_92 : memref<!tpu.dma_semaphore, #tpu.memory_space<semaphore_mem>>) src(%dma_wait3A_106 : memref<128x128xf32, #tpu.memory_space<vmem>>) dst(%dma_wait3A_112 : memref<10240x128xf32, #tpu.memory_space<vmem_shared>>)
          tpu.yield
        }) : () -> ()
        %add3A_85 = arith.constant 2 : i32
        %add3A_86 = arith.addi %add3A_69, %add3A_85 : i32
        %lt3A_87 = arith.constant 40 : i32
        %lt3A_88 = arith.cmpi slt, %add3A_86, %lt3A_87 : i32
        %convert_element_type3A_89 = arith.extui %lt3A_88 : i1 to i32
        %cond3A_90 = arith.constant 0 : i32
        %cond3A_91 = arith.cmpi ne, %convert_element_type3A_89, %cond3A_90 : i32
        scf.if %cond3A_91 {
          %dma_start3A_92 = arith.constant 1 : i32
          %dma_start3A_93 = arith.constant 1 : i32
          %dma_start3A_94 = arith.constant 0 : i32
          %dma_start3A_95 = arith.constant 0 : i32
          %dma_start3A_96 = tpu.memref_slice %arg12[%dma_start3A_92, %dma_start3A_94, %dma_start3A_95] : memref<2x128x128xf32, #tpu.memory_space<vmem>> -> memref<1x128x128xf32, #tpu.memory_space<vmem>>
          %dma_start3A_97 = tpu.memref_squeeze %dma_start3A_96 : memref<1x128x128xf32, #tpu.memory_space<vmem>> -> memref<128x128xf32, #tpu.memory_space<vmem>>
          %dma_start3A_98 = arith.constant 0 : i32
          %dma_start3A_99 = tpu.memref_slice %arg10[%add3A_86, %dma_start3A_98] : memref<40x128xi32, #tpu.memory_space<vmem>> -> memref<1x128xi32, #tpu.memory_space<vmem>>
          %dma_start3A_100 = tpu.memref_squeeze %dma_start3A_99 : memref<1x128xi32, #tpu.memory_space<vmem>> -> memref<128xi32, #tpu.memory_space<vmem>>
          %dma_start3A_101 = arith.constant 0 : i32
          %dma_start3A_102 = arith.constant 0 : i32
          %dma_start3A_103 = tpu.memref_slice %arg4[%dma_start3A_101, %dma_start3A_102] : memref<10240x128xf32, #tpu.memory_space<hbm>> -> memref<10240x128xf32, #tpu.memory_space<hbm>>
          %dma_start3A_104 = tpu.memref_slice %arg13[%dma_start3A_93] : memref<2x!tpu.dma_semaphore, #tpu.memory_space<semaphore_mem>> -> memref<1x!tpu.dma_semaphore, #tpu.memory_space<semaphore_mem>>
          %dma_start3A_105 = tpu.memref_squeeze %dma_start3A_104 : memref<1x!tpu.dma_semaphore, #tpu.memory_space<semaphore_mem>> -> memref<!tpu.dma_semaphore, #tpu.memory_space<semaphore_mem>>
          tpu.enqueue_indirect_dma source(%dma_start3A_103 : memref<10240x128xf32, #tpu.memory_space<hbm>>) target(%dma_start3A_97 : memref<128x128xf32, #tpu.memory_space<vmem>>) offsets(%dma_start3A_100 : memref<128xi32, #tpu.memory_space<vmem>>) semaphore(%dma_start3A_105 : memref<!tpu.dma_semaphore, #tpu.memory_space<semaphore_mem>>)
        } else {
        }
      }
      %scan3A_41 = arith.constant 20 : i32
      %barrier3A_42 = arith.constant 0 : index
      tpu.barrier barrier_id(%barrier3A_42)
      "tpu.region"() ({
        %run_scoped3A = tpu.sem_alloc : memref<!tpu.dma_semaphore, #tpu.memory_space<semaphore_mem>>
        %dma_start3A_43 = arith.constant 0 : i32
        %dma_start3A_44 = tpu.memref_slice %arg8[%mul3A_0, %dma_start3A_43] : memref<10240x128xf32, #tpu.memory_space<hbm>> -> memref<640x128xf32, #tpu.memory_space<hbm>>
        %dma_start3A_45 = arith.constant 0 : i32
        %dma_start3A_46 = tpu.memref_slice %arg14[%mul3A_0, %dma_start3A_45] : memref<10240x128xf32, #tpu.memory_space<vmem_shared>> -> memref<640x128xf32, #tpu.memory_space<vmem_shared>>
        tpu.enqueue_dma source(%dma_start3A_46 : memref<640x128xf32, #tpu.memory_space<vmem_shared>>) target(%dma_start3A_44 : memref<640x128xf32, #tpu.memory_space<hbm>>) target_semaphore(%run_scoped3A : memref<!tpu.dma_semaphore, #tpu.memory_space<semaphore_mem>>)
        %dma_wait3A = arith.constant 0 : i32
        %dma_wait3A_47 = tpu.memref_slice %arg8[%mul3A_0, %dma_wait3A] : memref<10240x128xf32, #tpu.memory_space<hbm>> -> memref<640x128xf32, #tpu.memory_space<hbm>>
        %dma_wait3A_48 = arith.constant 0 : i32
        %dma_wait3A_49 = tpu.memref_slice %arg14[%mul3A_0, %dma_wait3A_48] : memref<10240x128xf32, #tpu.memory_space<vmem_shared>> -> memref<640x128xf32, #tpu.memory_space<vmem_shared>>
        tpu.wait_dma2 semaphore(%run_scoped3A : memref<!tpu.dma_semaphore, #tpu.memory_space<semaphore_mem>>) src(%dma_wait3A_49 : memref<640x128xf32, #tpu.memory_space<vmem_shared>>) dst(%dma_wait3A_47 : memref<640x128xf32, #tpu.memory_space<hbm>>)
        tpu.yield
      }) : () -> ()
    } else {
    }
    %eq3A_3 = arith.constant 1 : i32
    %eq3A_4 = arith.cmpi eq, %arg0, %eq3A_3 : i32
    %convert_element_type3A_5 = arith.extui %eq3A_4 : i1 to i32
    %cond3A_6 = arith.constant 0 : i32
    %cond3A_7 = arith.cmpi ne, %convert_element_type3A_5, %cond3A_6 : i32
    scf.if %cond3A_7 {
      "tpu.region"() ({
        %run_scoped3A = tpu.sem_alloc : memref<!tpu.dma_semaphore, #tpu.memory_space<semaphore_mem>>
        %dma_start3A_43 = arith.constant 0 : i32
        %dma_start3A_44 = tpu.memref_slice %arg14[%mul3A_0, %dma_start3A_43] : memref<10240x128xf32, #tpu.memory_space<vmem_shared>> -> memref<640x128xf32, #tpu.memory_space<vmem_shared>>
        %dma_start3A_45 = arith.constant 0 : i32
        %dma_start3A_46 = tpu.memref_slice %arg3[%mul3A_0, %dma_start3A_45] : memref<10240x128xf32, #tpu.memory_space<hbm>> -> memref<640x128xf32, #tpu.memory_space<hbm>>
        tpu.enqueue_dma source(%dma_start3A_46 : memref<640x128xf32, #tpu.memory_space<hbm>>) target(%dma_start3A_44 : memref<640x128xf32, #tpu.memory_space<vmem_shared>>) target_semaphore(%run_scoped3A : memref<!tpu.dma_semaphore, #tpu.memory_space<semaphore_mem>>)
        %dma_wait3A = arith.constant 0 : i32
        %dma_wait3A_47 = tpu.memref_slice %arg14[%mul3A_0, %dma_wait3A] : memref<10240x128xf32, #tpu.memory_space<vmem_shared>> -> memref<640x128xf32, #tpu.memory_space<vmem_shared>>
        %dma_wait3A_48 = arith.constant 0 : i32
        %dma_wait3A_49 = tpu.memref_slice %arg3[%mul3A_0, %dma_wait3A_48] : memref<10240x128xf32, #tpu.memory_space<hbm>> -> memref<640x128xf32, #tpu.memory_space<hbm>>
        tpu.wait_dma2 semaphore(%run_scoped3A : memref<!tpu.dma_semaphore, #tpu.memory_space<semaphore_mem>>) src(%dma_wait3A_49 : memref<640x128xf32, #tpu.memory_space<hbm>>) dst(%dma_wait3A_47 : memref<640x128xf32, #tpu.memory_space<vmem_shared>>)
        tpu.yield
      }) : () -> ()
      %barrier3A = arith.constant 0 : index
      tpu.barrier barrier_id(%barrier3A)
      %dma_start3A = arith.constant 0 : i32
      %dma_start3A_8 = arith.constant 0 : i32
      %dma_start3A_9 = arith.constant 0 : i32
      %dma_start3A_10 = arith.constant 0 : i32
      %dma_start3A_11 = arith.constant 0 : i32
      %dma_start3A_12 = tpu.memref_slice %arg12[%dma_start3A_8, %dma_start3A_10, %dma_start3A_11] : memref<2x128x128xf32, #tpu.memory_space<vmem>> -> memref<1x128x128xf32, #tpu.memory_space<vmem>>
      %dma_start3A_13 = tpu.memref_squeeze %dma_start3A_12 : memref<1x128x128xf32, #tpu.memory_space<vmem>> -> memref<128x128xf32, #tpu.memory_space<vmem>>
      %dma_start3A_14 = arith.constant 0 : i32
      %dma_start3A_15 = tpu.memref_slice %arg10[%dma_start3A, %dma_start3A_14] : memref<40x128xi32, #tpu.memory_space<vmem>> -> memref<1x128xi32, #tpu.memory_space<vmem>>
      %dma_start3A_16 = tpu.memref_squeeze %dma_start3A_15 : memref<1x128xi32, #tpu.memory_space<vmem>> -> memref<128xi32, #tpu.memory_space<vmem>>
      %dma_start3A_17 = arith.constant 0 : i32
      %dma_start3A_18 = arith.constant 0 : i32
      %dma_start3A_19 = tpu.memref_slice %arg5[%dma_start3A_17, %dma_start3A_18] : memref<10240x128xf32, #tpu.memory_space<hbm>> -> memref<10240x128xf32, #tpu.memory_space<hbm>>
      %dma_start3A_20 = tpu.memref_slice %arg13[%dma_start3A_9] : memref<2x!tpu.dma_semaphore, #tpu.memory_space<semaphore_mem>> -> memref<1x!tpu.dma_semaphore, #tpu.memory_space<semaphore_mem>>
      %dma_start3A_21 = tpu.memref_squeeze %dma_start3A_20 : memref<1x!tpu.dma_semaphore, #tpu.memory_space<semaphore_mem>> -> memref<!tpu.dma_semaphore, #tpu.memory_space<semaphore_mem>>
      tpu.enqueue_indirect_dma source(%dma_start3A_19 : memref<10240x128xf32, #tpu.memory_space<hbm>>) target(%dma_start3A_13 : memref<128x128xf32, #tpu.memory_space<vmem>>) offsets(%dma_start3A_16 : memref<128xi32, #tpu.memory_space<vmem>>) semaphore(%dma_start3A_21 : memref<!tpu.dma_semaphore, #tpu.memory_space<semaphore_mem>>)
      %dma_start3A_22 = arith.constant 1 : i32
      %dma_start3A_23 = arith.constant 1 : i32
      %dma_start3A_24 = arith.constant 1 : i32
      %dma_start3A_25 = arith.constant 0 : i32
      %dma_start3A_26 = arith.constant 0 : i32
      %dma_start3A_27 = tpu.memref_slice %arg12[%dma_start3A_23, %dma_start3A_25, %dma_start3A_26] : memref<2x128x128xf32, #tpu.memory_space<vmem>> -> memref<1x128x128xf32, #tpu.memory_space<vmem>>
      %dma_start3A_28 = tpu.memref_squeeze %dma_start3A_27 : memref<1x128x128xf32, #tpu.memory_space<vmem>> -> memref<128x128xf32, #tpu.memory_space<vmem>>
      %dma_start3A_29 = arith.constant 0 : i32
      %dma_start3A_30 = tpu.memref_slice %arg10[%dma_start3A_22, %dma_start3A_29] : memref<40x128xi32, #tpu.memory_space<vmem>> -> memref<1x128xi32, #tpu.memory_space<vmem>>
      %dma_start3A_31 = tpu.memref_squeeze %dma_start3A_30 : memref<1x128xi32, #tpu.memory_space<vmem>> -> memref<128xi32, #tpu.memory_space<vmem>>
      %dma_start3A_32 = arith.constant 0 : i32
      %dma_start3A_33 = arith.constant 0 : i32
      %dma_start3A_34 = tpu.memref_slice %arg5[%dma_start3A_32, %dma_start3A_33] : memref<10240x128xf32, #tpu.memory_space<hbm>> -> memref<10240x128xf32, #tpu.memory_space<hbm>>
      %dma_start3A_35 = tpu.memref_slice %arg13[%dma_start3A_24] : memref<2x!tpu.dma_semaphore, #tpu.memory_space<semaphore_mem>> -> memref<1x!tpu.dma_semaphore, #tpu.memory_space<semaphore_mem>>
      %dma_start3A_36 = tpu.memref_squeeze %dma_start3A_35 : memref<1x!tpu.dma_semaphore, #tpu.memory_space<semaphore_mem>> -> memref<!tpu.dma_semaphore, #tpu.memory_space<semaphore_mem>>
      tpu.enqueue_indirect_dma source(%dma_start3A_34 : memref<10240x128xf32, #tpu.memory_space<hbm>>) target(%dma_start3A_28 : memref<128x128xf32, #tpu.memory_space<vmem>>) offsets(%dma_start3A_31 : memref<128xi32, #tpu.memory_space<vmem>>) semaphore(%dma_start3A_36 : memref<!tpu.dma_semaphore, #tpu.memory_space<semaphore_mem>>)
      %scan3A = arith.constant 0 : i32
      %scan3A_37 = arith.constant 0 : i32
      %scan3A_38 = arith.constant 20 : i32
      %scan3A_39 = arith.addi %scan3A_37, %scan3A_38 : i32
      %scan3A_40 = arith.constant 1 : i32
      scf.for %scan3A_43 = %scan3A_37 to %scan3A_39 step %scan3A_40  : i32 {
        %mul3A_44 = arith.constant 2 : i32
        %mul3A_45 = arith.muli %scan3A_43, %mul3A_44 : i32
        %add3A = arith.constant 0 : i32
        %add3A_46 = arith.addi %mul3A_45, %add3A : i32
        %dma_wait3A = arith.constant 0 : i32
        %dma_wait3A_47 = arith.constant 0 : i32
        %dma_wait3A_48 = arith.constant 0 : i32
        %dma_wait3A_49 = arith.constant 0 : i32
        %dma_wait3A_50 = tpu.memref_slice %arg12[%dma_wait3A, %dma_wait3A_48, %dma_wait3A_49] : memref<2x128x128xf32, #tpu.memory_space<vmem>> -> memref<1x128x128xf32, #tpu.memory_space<vmem>>
        %dma_wait3A_51 = tpu.memref_squeeze %dma_wait3A_50 : memref<1x128x128xf32, #tpu.memory_space<vmem>> -> memref<128x128xf32, #tpu.memory_space<vmem>>
        %dma_wait3A_52 = arith.constant 0 : i32
        %dma_wait3A_53 = tpu.memref_slice %arg10[%add3A_46, %dma_wait3A_52] : memref<40x128xi32, #tpu.memory_space<vmem>> -> memref<1x128xi32, #tpu.memory_space<vmem>>
        %dma_wait3A_54 = tpu.memref_squeeze %dma_wait3A_53 : memref<1x128xi32, #tpu.memory_space<vmem>> -> memref<128xi32, #tpu.memory_space<vmem>>
        %dma_wait3A_55 = arith.constant 0 : i32
        %dma_wait3A_56 = arith.constant 0 : i32
        %dma_wait3A_57 = tpu.memref_slice %arg5[%dma_wait3A_55, %dma_wait3A_56] : memref<10240x128xf32, #tpu.memory_space<hbm>> -> memref<10240x128xf32, #tpu.memory_space<hbm>>
        %dma_wait3A_58 = tpu.memref_slice %arg13[%dma_wait3A_47] : memref<2x!tpu.dma_semaphore, #tpu.memory_space<semaphore_mem>> -> memref<1x!tpu.dma_semaphore, #tpu.memory_space<semaphore_mem>>
        %dma_wait3A_59 = tpu.memref_squeeze %dma_wait3A_58 : memref<1x!tpu.dma_semaphore, #tpu.memory_space<semaphore_mem>> -> memref<!tpu.dma_semaphore, #tpu.memory_space<semaphore_mem>>
        tpu.wait_indirect_dma semaphore(%dma_wait3A_59 : memref<!tpu.dma_semaphore, #tpu.memory_space<semaphore_mem>>) src(%dma_wait3A_57 : memref<10240x128xf32, #tpu.memory_space<hbm>>) dst(%dma_wait3A_51 : memref<128x128xf32, #tpu.memory_space<vmem>>)
        %run_scoped3A = arith.constant 0 : i32
        "tpu.region"() ({
          %run_scoped3A_92 = tpu.sem_alloc : memref<!tpu.dma_semaphore, #tpu.memory_space<semaphore_mem>>
          %dma_start3A_93 = arith.constant 0 : i32
          %dma_start3A_94 = arith.constant 0 : i32
          %dma_start3A_95 = tpu.memref_slice %arg12[%run_scoped3A, %dma_start3A_93, %dma_start3A_94] : memref<2x128x128xf32, #tpu.memory_space<vmem>> -> memref<1x128x128xf32, #tpu.memory_space<vmem>>
          %dma_start3A_96 = tpu.memref_squeeze %dma_start3A_95 : memref<1x128x128xf32, #tpu.memory_space<vmem>> -> memref<128x128xf32, #tpu.memory_space<vmem>>
          %dma_start3A_97 = arith.constant 0 : i32
          %dma_start3A_98 = tpu.memref_slice %arg11[%add3A_46, %dma_start3A_97] : memref<40x128xi32, #tpu.memory_space<vmem>> -> memref<1x128xi32, #tpu.memory_space<vmem>>
          %dma_start3A_99 = tpu.memref_squeeze %dma_start3A_98 : memref<1x128xi32, #tpu.memory_space<vmem>> -> memref<128xi32, #tpu.memory_space<vmem>>
          %dma_start3A_100 = arith.constant 0 : i32
          %dma_start3A_101 = arith.constant 0 : i32
          %dma_start3A_102 = tpu.memref_slice %arg14[%dma_start3A_100, %dma_start3A_101] : memref<10240x128xf32, #tpu.memory_space<vmem_shared>> -> memref<10240x128xf32, #tpu.memory_space<vmem_shared>>
          tpu.enqueue_indirect_dma source(%dma_start3A_96 : memref<128x128xf32, #tpu.memory_space<vmem>>) target(%dma_start3A_102 : memref<10240x128xf32, #tpu.memory_space<vmem_shared>>) offsets(%dma_start3A_99 : memref<128xi32, #tpu.memory_space<vmem>>) semaphore(%run_scoped3A_92 : memref<!tpu.dma_semaphore, #tpu.memory_space<semaphore_mem>>) {add = true}
          %dma_wait3A_103 = arith.constant 0 : i32
          %dma_wait3A_104 = arith.constant 0 : i32
          %dma_wait3A_105 = tpu.memref_slice %arg12[%run_scoped3A, %dma_wait3A_103, %dma_wait3A_104] : memref<2x128x128xf32, #tpu.memory_space<vmem>> -> memref<1x128x128xf32, #tpu.memory_space<vmem>>
          %dma_wait3A_106 = tpu.memref_squeeze %dma_wait3A_105 : memref<1x128x128xf32, #tpu.memory_space<vmem>> -> memref<128x128xf32, #tpu.memory_space<vmem>>
          %dma_wait3A_107 = arith.constant 0 : i32
          %dma_wait3A_108 = tpu.memref_slice %arg11[%add3A_46, %dma_wait3A_107] : memref<40x128xi32, #tpu.memory_space<vmem>> -> memref<1x128xi32, #tpu.memory_space<vmem>>
          %dma_wait3A_109 = tpu.memref_squeeze %dma_wait3A_108 : memref<1x128xi32, #tpu.memory_space<vmem>> -> memref<128xi32, #tpu.memory_space<vmem>>
          %dma_wait3A_110 = arith.constant 0 : i32
          %dma_wait3A_111 = arith.constant 0 : i32
          %dma_wait3A_112 = tpu.memref_slice %arg14[%dma_wait3A_110, %dma_wait3A_111] : memref<10240x128xf32, #tpu.memory_space<vmem_shared>> -> memref<10240x128xf32, #tpu.memory_space<vmem_shared>>
          tpu.wait_indirect_dma semaphore(%run_scoped3A_92 : memref<!tpu.dma_semaphore, #tpu.memory_space<semaphore_mem>>) src(%dma_wait3A_106 : memref<128x128xf32, #tpu.memory_space<vmem>>) dst(%dma_wait3A_112 : memref<10240x128xf32, #tpu.memory_space<vmem_shared>>)
          tpu.yield
        }) : () -> ()
        %add3A_60 = arith.constant 2 : i32
        %add3A_61 = arith.addi %add3A_46, %add3A_60 : i32
        %lt3A = arith.constant 40 : i32
        %lt3A_62 = arith.cmpi slt, %add3A_61, %lt3A : i32
        %convert_element_type3A_63 = arith.extui %lt3A_62 : i1 to i32
        %cond3A_64 = arith.constant 0 : i32
        %cond3A_65 = arith.cmpi ne, %convert_element_type3A_63, %cond3A_64 : i32
        scf.if %cond3A_65 {
          %dma_start3A_92 = arith.constant 0 : i32
          %dma_start3A_93 = arith.constant 0 : i32
          %dma_start3A_94 = arith.constant 0 : i32
          %dma_start3A_95 = arith.constant 0 : i32
          %dma_start3A_96 = tpu.memref_slice %arg12[%dma_start3A_92, %dma_start3A_94, %dma_start3A_95] : memref<2x128x128xf32, #tpu.memory_space<vmem>> -> memref<1x128x128xf32, #tpu.memory_space<vmem>>
          %dma_start3A_97 = tpu.memref_squeeze %dma_start3A_96 : memref<1x128x128xf32, #tpu.memory_space<vmem>> -> memref<128x128xf32, #tpu.memory_space<vmem>>
          %dma_start3A_98 = arith.constant 0 : i32
          %dma_start3A_99 = tpu.memref_slice %arg10[%add3A_61, %dma_start3A_98] : memref<40x128xi32, #tpu.memory_space<vmem>> -> memref<1x128xi32, #tpu.memory_space<vmem>>
          %dma_start3A_100 = tpu.memref_squeeze %dma_start3A_99 : memref<1x128xi32, #tpu.memory_space<vmem>> -> memref<128xi32, #tpu.memory_space<vmem>>
          %dma_start3A_101 = arith.constant 0 : i32
          %dma_start3A_102 = arith.constant 0 : i32
          %dma_start3A_103 = tpu.memref_slice %arg5[%dma_start3A_101, %dma_start3A_102] : memref<10240x128xf32, #tpu.memory_space<hbm>> -> memref<10240x128xf32, #tpu.memory_space<hbm>>
          %dma_start3A_104 = tpu.memref_slice %arg13[%dma_start3A_93] : memref<2x!tpu.dma_semaphore, #tpu.memory_space<semaphore_mem>> -> memref<1x!tpu.dma_semaphore, #tpu.memory_space<semaphore_mem>>
          %dma_start3A_105 = tpu.memref_squeeze %dma_start3A_104 : memref<1x!tpu.dma_semaphore, #tpu.memory_space<semaphore_mem>> -> memref<!tpu.dma_semaphore, #tpu.memory_space<semaphore_mem>>
          tpu.enqueue_indirect_dma source(%dma_start3A_103 : memref<10240x128xf32, #tpu.memory_space<hbm>>) target(%dma_start3A_97 : memref<128x128xf32, #tpu.memory_space<vmem>>) offsets(%dma_start3A_100 : memref<128xi32, #tpu.memory_space<vmem>>) semaphore(%dma_start3A_105 : memref<!tpu.dma_semaphore, #tpu.memory_space<semaphore_mem>>)
        } else {
        }
        %mul3A_66 = arith.constant 2 : i32
        %mul3A_67 = arith.muli %scan3A_43, %mul3A_66 : i32
        %add3A_68 = arith.constant 1 : i32
        %add3A_69 = arith.addi %mul3A_67, %add3A_68 : i32
        %dma_wait3A_70 = arith.constant 1 : i32
        %dma_wait3A_71 = arith.constant 1 : i32
        %dma_wait3A_72 = arith.constant 0 : i32
        %dma_wait3A_73 = arith.constant 0 : i32
        %dma_wait3A_74 = tpu.memref_slice %arg12[%dma_wait3A_70, %dma_wait3A_72, %dma_wait3A_73] : memref<2x128x128xf32, #tpu.memory_space<vmem>> -> memref<1x128x128xf32, #tpu.memory_space<vmem>>
        %dma_wait3A_75 = tpu.memref_squeeze %dma_wait3A_74 : memref<1x128x128xf32, #tpu.memory_space<vmem>> -> memref<128x128xf32, #tpu.memory_space<vmem>>
        %dma_wait3A_76 = arith.constant 0 : i32
        %dma_wait3A_77 = tpu.memref_slice %arg10[%add3A_69, %dma_wait3A_76] : memref<40x128xi32, #tpu.memory_space<vmem>> -> memref<1x128xi32, #tpu.memory_space<vmem>>
        %dma_wait3A_78 = tpu.memref_squeeze %dma_wait3A_77 : memref<1x128xi32, #tpu.memory_space<vmem>> -> memref<128xi32, #tpu.memory_space<vmem>>
        %dma_wait3A_79 = arith.constant 0 : i32
        %dma_wait3A_80 = arith.constant 0 : i32
        %dma_wait3A_81 = tpu.memref_slice %arg5[%dma_wait3A_79, %dma_wait3A_80] : memref<10240x128xf32, #tpu.memory_space<hbm>> -> memref<10240x128xf32, #tpu.memory_space<hbm>>
        %dma_wait3A_82 = tpu.memref_slice %arg13[%dma_wait3A_71] : memref<2x!tpu.dma_semaphore, #tpu.memory_space<semaphore_mem>> -> memref<1x!tpu.dma_semaphore, #tpu.memory_space<semaphore_mem>>
        %dma_wait3A_83 = tpu.memref_squeeze %dma_wait3A_82 : memref<1x!tpu.dma_semaphore, #tpu.memory_space<semaphore_mem>> -> memref<!tpu.dma_semaphore, #tpu.memory_space<semaphore_mem>>
        tpu.wait_indirect_dma semaphore(%dma_wait3A_83 : memref<!tpu.dma_semaphore, #tpu.memory_space<semaphore_mem>>) src(%dma_wait3A_81 : memref<10240x128xf32, #tpu.memory_space<hbm>>) dst(%dma_wait3A_75 : memref<128x128xf32, #tpu.memory_space<vmem>>)
        %run_scoped3A_84 = arith.constant 1 : i32
        "tpu.region"() ({
          %run_scoped3A_92 = tpu.sem_alloc : memref<!tpu.dma_semaphore, #tpu.memory_space<semaphore_mem>>
          %dma_start3A_93 = arith.constant 0 : i32
          %dma_start3A_94 = arith.constant 0 : i32
          %dma_start3A_95 = tpu.memref_slice %arg12[%run_scoped3A_84, %dma_start3A_93, %dma_start3A_94] : memref<2x128x128xf32, #tpu.memory_space<vmem>> -> memref<1x128x128xf32, #tpu.memory_space<vmem>>
          %dma_start3A_96 = tpu.memref_squeeze %dma_start3A_95 : memref<1x128x128xf32, #tpu.memory_space<vmem>> -> memref<128x128xf32, #tpu.memory_space<vmem>>
          %dma_start3A_97 = arith.constant 0 : i32
          %dma_start3A_98 = tpu.memref_slice %arg11[%add3A_69, %dma_start3A_97] : memref<40x128xi32, #tpu.memory_space<vmem>> -> memref<1x128xi32, #tpu.memory_space<vmem>>
          %dma_start3A_99 = tpu.memref_squeeze %dma_start3A_98 : memref<1x128xi32, #tpu.memory_space<vmem>> -> memref<128xi32, #tpu.memory_space<vmem>>
          %dma_start3A_100 = arith.constant 0 : i32
          %dma_start3A_101 = arith.constant 0 : i32
          %dma_start3A_102 = tpu.memref_slice %arg14[%dma_start3A_100, %dma_start3A_101] : memref<10240x128xf32, #tpu.memory_space<vmem_shared>> -> memref<10240x128xf32, #tpu.memory_space<vmem_shared>>
          tpu.enqueue_indirect_dma source(%dma_start3A_96 : memref<128x128xf32, #tpu.memory_space<vmem>>) target(%dma_start3A_102 : memref<10240x128xf32, #tpu.memory_space<vmem_shared>>) offsets(%dma_start3A_99 : memref<128xi32, #tpu.memory_space<vmem>>) semaphore(%run_scoped3A_92 : memref<!tpu.dma_semaphore, #tpu.memory_space<semaphore_mem>>) {add = true}
          %dma_wait3A_103 = arith.constant 0 : i32
          %dma_wait3A_104 = arith.constant 0 : i32
          %dma_wait3A_105 = tpu.memref_slice %arg12[%run_scoped3A_84, %dma_wait3A_103, %dma_wait3A_104] : memref<2x128x128xf32, #tpu.memory_space<vmem>> -> memref<1x128x128xf32, #tpu.memory_space<vmem>>
          %dma_wait3A_106 = tpu.memref_squeeze %dma_wait3A_105 : memref<1x128x128xf32, #tpu.memory_space<vmem>> -> memref<128x128xf32, #tpu.memory_space<vmem>>
          %dma_wait3A_107 = arith.constant 0 : i32
          %dma_wait3A_108 = tpu.memref_slice %arg11[%add3A_69, %dma_wait3A_107] : memref<40x128xi32, #tpu.memory_space<vmem>> -> memref<1x128xi32, #tpu.memory_space<vmem>>
          %dma_wait3A_109 = tpu.memref_squeeze %dma_wait3A_108 : memref<1x128xi32, #tpu.memory_space<vmem>> -> memref<128xi32, #tpu.memory_space<vmem>>
          %dma_wait3A_110 = arith.constant 0 : i32
          %dma_wait3A_111 = arith.constant 0 : i32
          %dma_wait3A_112 = tpu.memref_slice %arg14[%dma_wait3A_110, %dma_wait3A_111] : memref<10240x128xf32, #tpu.memory_space<vmem_shared>> -> memref<10240x128xf32, #tpu.memory_space<vmem_shared>>
          tpu.wait_indirect_dma semaphore(%run_scoped3A_92 : memref<!tpu.dma_semaphore, #tpu.memory_space<semaphore_mem>>) src(%dma_wait3A_106 : memref<128x128xf32, #tpu.memory_space<vmem>>) dst(%dma_wait3A_112 : memref<10240x128xf32, #tpu.memory_space<vmem_shared>>)
          tpu.yield
        }) : () -> ()
        %add3A_85 = arith.constant 2 : i32
        %add3A_86 = arith.addi %add3A_69, %add3A_85 : i32
        %lt3A_87 = arith.constant 40 : i32
        %lt3A_88 = arith.cmpi slt, %add3A_86, %lt3A_87 : i32
        %convert_element_type3A_89 = arith.extui %lt3A_88 : i1 to i32
        %cond3A_90 = arith.constant 0 : i32
        %cond3A_91 = arith.cmpi ne, %convert_element_type3A_89, %cond3A_90 : i32
        scf.if %cond3A_91 {
          %dma_start3A_92 = arith.constant 1 : i32
          %dma_start3A_93 = arith.constant 1 : i32
          %dma_start3A_94 = arith.constant 0 : i32
          %dma_start3A_95 = arith.constant 0 : i32
          %dma_start3A_96 = tpu.memref_slice %arg12[%dma_start3A_92, %dma_start3A_94, %dma_start3A_95] : memref<2x128x128xf32, #tpu.memory_space<vmem>> -> memref<1x128x128xf32, #tpu.memory_space<vmem>>
          %dma_start3A_97 = tpu.memref_squeeze %dma_start3A_96 : memref<1x128x128xf32, #tpu.memory_space<vmem>> -> memref<128x128xf32, #tpu.memory_space<vmem>>
          %dma_start3A_98 = arith.constant 0 : i32
          %dma_start3A_99 = tpu.memref_slice %arg10[%add3A_86, %dma_start3A_98] : memref<40x128xi32, #tpu.memory_space<vmem>> -> memref<1x128xi32, #tpu.memory_space<vmem>>
          %dma_start3A_100 = tpu.memref_squeeze %dma_start3A_99 : memref<1x128xi32, #tpu.memory_space<vmem>> -> memref<128xi32, #tpu.memory_space<vmem>>
          %dma_start3A_101 = arith.constant 0 : i32
          %dma_start3A_102 = arith.constant 0 : i32
          %dma_start3A_103 = tpu.memref_slice %arg5[%dma_start3A_101, %dma_start3A_102] : memref<10240x128xf32, #tpu.memory_space<hbm>> -> memref<10240x128xf32, #tpu.memory_space<hbm>>
          %dma_start3A_104 = tpu.memref_slice %arg13[%dma_start3A_93] : memref<2x!tpu.dma_semaphore, #tpu.memory_space<semaphore_mem>> -> memref<1x!tpu.dma_semaphore, #tpu.memory_space<semaphore_mem>>
          %dma_start3A_105 = tpu.memref_squeeze %dma_start3A_104 : memref<1x!tpu.dma_semaphore, #tpu.memory_space<semaphore_mem>> -> memref<!tpu.dma_semaphore, #tpu.memory_space<semaphore_mem>>
          tpu.enqueue_indirect_dma source(%dma_start3A_103 : memref<10240x128xf32, #tpu.memory_space<hbm>>) target(%dma_start3A_97 : memref<128x128xf32, #tpu.memory_space<vmem>>) offsets(%dma_start3A_100 : memref<128xi32, #tpu.memory_space<vmem>>) semaphore(%dma_start3A_105 : memref<!tpu.dma_semaphore, #tpu.memory_space<semaphore_mem>>)
        } else {
        }
      }
      %scan3A_41 = arith.constant 20 : i32
      %barrier3A_42 = arith.constant 0 : index
      tpu.barrier barrier_id(%barrier3A_42)
      "tpu.region"() ({
        %run_scoped3A = tpu.sem_alloc : memref<!tpu.dma_semaphore, #tpu.memory_space<semaphore_mem>>
        %dma_start3A_43 = arith.constant 0 : i32
        %dma_start3A_44 = tpu.memref_slice %arg9[%mul3A_0, %dma_start3A_43] : memref<10240x128xf32, #tpu.memory_space<hbm>> -> memref<640x128xf32, #tpu.memory_space<hbm>>
        %dma_start3A_45 = arith.constant 0 : i32
        %dma_start3A_46 = tpu.memref_slice %arg14[%mul3A_0, %dma_start3A_45] : memref<10240x128xf32, #tpu.memory_space<vmem_shared>> -> memref<640x128xf32, #tpu.memory_space<vmem_shared>>
        tpu.enqueue_dma source(%dma_start3A_46 : memref<640x128xf32, #tpu.memory_space<vmem_shared>>) target(%dma_start3A_44 : memref<640x128xf32, #tpu.memory_space<hbm>>) target_semaphore(%run_scoped3A : memref<!tpu.dma_semaphore, #tpu.memory_space<semaphore_mem>>)
        %dma_wait3A = arith.constant 0 : i32
        %dma_wait3A_47 = tpu.memref_slice %arg9[%mul3A_0, %dma_wait3A] : memref<10240x128xf32, #tpu.memory_space<hbm>> -> memref<640x128xf32, #tpu.memory_space<hbm>>
        %dma_wait3A_48 = arith.constant 0 : i32
        %dma_wait3A_49 = tpu.memref_slice %arg14[%mul3A_0, %dma_wait3A_48] : memref<10240x128xf32, #tpu.memory_space<vmem_shared>> -> memref<640x128xf32, #tpu.memory_space<vmem_shared>>
        tpu.wait_dma2 semaphore(%run_scoped3A : memref<!tpu.dma_semaphore, #tpu.memory_space<semaphore_mem>>) src(%dma_wait3A_49 : memref<640x128xf32, #tpu.memory_space<vmem_shared>>) dst(%dma_wait3A_47 : memref<640x128xf32, #tpu.memory_space<hbm>>)
        tpu.yield
      }) : () -> ()
    } else {
    }
    return
  }
}

#map = affine_map<(d0, d1) -> (0, 0)>
#map1 = affine_map<(d0, d1) -> (0, 0, 0)>
module attributes {stable_mosaic.version = 14 : i64} {
  func.func @k(%arg0: i32, %arg1: i32, %arg2: memref<10240x128xf32, #tpu.memory_space<hbm>>, %arg3: memref<10240x128xf32, #tpu.memory_space<hbm>>, %arg4: memref<10240x128xf32, #tpu.memory_space<hbm>>, %arg5: memref<10240x128xf32, #tpu.memory_space<hbm>>, %arg6: memref<16x40x128xi32, #tpu.memory_space<hbm>>, %arg7: memref<16x40x128xi32, #tpu.memory_space<hbm>>, %arg8: memref<10240x128xf32, #tpu.memory_space<hbm>>, %arg9: memref<10240x128xf32, #tpu.memory_space<hbm>>, %arg10: memref<40x128xi32, #tpu.memory_space<vmem>>, %arg11: memref<40x128xi32, #tpu.memory_space<vmem>>, %arg12: memref<2x128x128xf32, #tpu.memory_space<vmem>>, %arg13: memref<2x!tpu.dma_semaphore, #tpu.memory_space<semaphore_mem>>, %arg14: memref<10240x128xf32, #tpu.memory_space<vmem_shared>>) attributes {dimension_semantics = [#tpu.dimension_semantics<core_parallel>, #tpu.dimension_semantics<subcore_parallel>], iteration_bounds = array<i64: 2, 16>, scalar_prefetch = 0 : i64, scratch_operands = 5 : i64, tpu.core_type = #tpu.core_type<sc_vector_subcore>, window_params = [{transform_indices = #map}, {transform_indices = #map}, {transform_indices = #map}, {transform_indices = #map}, {transform_indices = #map1}, {transform_indices = #map1}, {transform_indices = #map}, {transform_indices = #map}]} {
    "tpu.region"() ({
      %run_scoped3A = tpu.sem_alloc : memref<!tpu.dma_semaphore, #tpu.memory_space<semaphore_mem>>
      %dma_start3A = arith.constant 0 : i32
      %dma_start3A_8 = arith.constant 0 : i32
      %dma_start3A_9 = tpu.memref_slice %arg6[%arg1, %dma_start3A, %dma_start3A_8] : memref<16x40x128xi32, #tpu.memory_space<hbm>> -> memref<1x40x128xi32, #tpu.memory_space<hbm>>
      %dma_start3A_10 = tpu.memref_squeeze %dma_start3A_9 : memref<1x40x128xi32, #tpu.memory_space<hbm>> -> memref<40x128xi32, #tpu.memory_space<hbm>>
      %dma_start3A_11 = arith.constant 0 : i32
      %dma_start3A_12 = arith.constant 0 : i32
      %dma_start3A_13 = tpu.memref_slice %arg6[%arg1, %dma_start3A_11, %dma_start3A_12] : memref<16x40x128xi32, #tpu.memory_space<hbm>> -> memref<1x40x128xi32, #tpu.memory_space<hbm>>
      %dma_start3A_14 = tpu.memref_squeeze %dma_start3A_13 : memref<1x40x128xi32, #tpu.memory_space<hbm>> -> memref<40x128xi32, #tpu.memory_space<hbm>>
      tpu.enqueue_dma source(%dma_start3A_14 : memref<40x128xi32, #tpu.memory_space<hbm>>) target(%arg10 : memref<40x128xi32, #tpu.memory_space<vmem>>) target_semaphore(%run_scoped3A : memref<!tpu.dma_semaphore, #tpu.memory_space<semaphore_mem>>)
      %dma_wait3A = arith.constant 0 : i32
      %dma_wait3A_15 = arith.constant 0 : i32
      %dma_wait3A_16 = tpu.memref_slice %arg6[%arg1, %dma_wait3A, %dma_wait3A_15] : memref<16x40x128xi32, #tpu.memory_space<hbm>> -> memref<1x40x128xi32, #tpu.memory_space<hbm>>
      %dma_wait3A_17 = tpu.memref_squeeze %dma_wait3A_16 : memref<1x40x128xi32, #tpu.memory_space<hbm>> -> memref<40x128xi32, #tpu.memory_space<hbm>>
      %dma_wait3A_18 = arith.constant 0 : i32
      %dma_wait3A_19 = arith.constant 0 : i32
      %dma_wait3A_20 = tpu.memref_slice %arg6[%arg1, %dma_wait3A_18, %dma_wait3A_19] : memref<16x40x128xi32, #tpu.memory_space<hbm>> -> memref<1x40x128xi32, #tpu.memory_space<hbm>>
      %dma_wait3A_21 = tpu.memref_squeeze %dma_wait3A_20 : memref<1x40x128xi32, #tpu.memory_space<hbm>> -> memref<40x128xi32, #tpu.memory_space<hbm>>
      tpu.wait_dma2 semaphore(%run_scoped3A : memref<!tpu.dma_semaphore, #tpu.memory_space<semaphore_mem>>) src(%dma_wait3A_21 : memref<40x128xi32, #tpu.memory_space<hbm>>) dst(%arg10 : memref<40x128xi32, #tpu.memory_space<vmem>>)
      tpu.yield
    }) : () -> ()
    "tpu.region"() ({
      %run_scoped3A = tpu.sem_alloc : memref<!tpu.dma_semaphore, #tpu.memory_space<semaphore_mem>>
      %dma_start3A = arith.constant 0 : i32
      %dma_start3A_8 = arith.constant 0 : i32
      %dma_start3A_9 = tpu.memref_slice %arg7[%arg1, %dma_start3A, %dma_start3A_8] : memref<16x40x128xi32, #tpu.memory_space<hbm>> -> memref<1x40x128xi32, #tpu.memory_space<hbm>>
      %dma_start3A_10 = tpu.memref_squeeze %dma_start3A_9 : memref<1x40x128xi32, #tpu.memory_space<hbm>> -> memref<40x128xi32, #tpu.memory_space<hbm>>
      %dma_start3A_11 = arith.constant 0 : i32
      %dma_start3A_12 = arith.constant 0 : i32
      %dma_start3A_13 = tpu.memref_slice %arg7[%arg1, %dma_start3A_11, %dma_start3A_12] : memref<16x40x128xi32, #tpu.memory_space<hbm>> -> memref<1x40x128xi32, #tpu.memory_space<hbm>>
      %dma_start3A_14 = tpu.memref_squeeze %dma_start3A_13 : memref<1x40x128xi32, #tpu.memory_space<hbm>> -> memref<40x128xi32, #tpu.memory_space<hbm>>
      tpu.enqueue_dma source(%dma_start3A_14 : memref<40x128xi32, #tpu.memory_space<hbm>>) target(%arg11 : memref<40x128xi32, #tpu.memory_space<vmem>>) target_semaphore(%run_scoped3A : memref<!tpu.dma_semaphore, #tpu.memory_space<semaphore_mem>>)
      %dma_wait3A = arith.constant 0 : i32
      %dma_wait3A_15 = arith.constant 0 : i32
      %dma_wait3A_16 = tpu.memref_slice %arg7[%arg1, %dma_wait3A, %dma_wait3A_15] : memref<16x40x128xi32, #tpu.memory_space<hbm>> -> memref<1x40x128xi32, #tpu.memory_space<hbm>>
      %dma_wait3A_17 = tpu.memref_squeeze %dma_wait3A_16 : memref<1x40x128xi32, #tpu.memory_space<hbm>> -> memref<40x128xi32, #tpu.memory_space<hbm>>
      %dma_wait3A_18 = arith.constant 0 : i32
      %dma_wait3A_19 = arith.constant 0 : i32
      %dma_wait3A_20 = tpu.memref_slice %arg7[%arg1, %dma_wait3A_18, %dma_wait3A_19] : memref<16x40x128xi32, #tpu.memory_space<hbm>> -> memref<1x40x128xi32, #tpu.memory_space<hbm>>
      %dma_wait3A_21 = tpu.memref_squeeze %dma_wait3A_20 : memref<1x40x128xi32, #tpu.memory_space<hbm>> -> memref<40x128xi32, #tpu.memory_space<hbm>>
      tpu.wait_dma2 semaphore(%run_scoped3A : memref<!tpu.dma_semaphore, #tpu.memory_space<semaphore_mem>>) src(%dma_wait3A_21 : memref<40x128xi32, #tpu.memory_space<hbm>>) dst(%arg11 : memref<40x128xi32, #tpu.memory_space<vmem>>)
      tpu.yield
    }) : () -> ()
    %mul3A = arith.constant 640 : i32
    %mul3A_0 = arith.muli %arg1, %mul3A : i32
    %eq3A = arith.constant 0 : i32
    %eq3A_1 = arith.cmpi eq, %arg0, %eq3A : i32
    %convert_element_type3A = arith.extui %eq3A_1 : i1 to i32
    %cond3A = arith.constant 0 : i32
    %cond3A_2 = arith.cmpi ne, %convert_element_type3A, %cond3A : i32
    scf.if %cond3A_2 {
      "tpu.region"() ({
        %run_scoped3A = tpu.sem_alloc : memref<!tpu.dma_semaphore, #tpu.memory_space<semaphore_mem>>
        %dma_start3A_43 = arith.constant 0 : i32
        %dma_start3A_44 = tpu.memref_slice %arg14[%mul3A_0, %dma_start3A_43] : memref<10240x128xf32, #tpu.memory_space<vmem_shared>> -> memref<640x128xf32, #tpu.memory_space<vmem_shared>>
        %dma_start3A_45 = arith.constant 0 : i32
        %dma_start3A_46 = tpu.memref_slice %arg2[%mul3A_0, %dma_start3A_45] : memref<10240x128xf32, #tpu.memory_space<hbm>> -> memref<640x128xf32, #tpu.memory_space<hbm>>
        tpu.enqueue_dma source(%dma_start3A_46 : memref<640x128xf32, #tpu.memory_space<hbm>>) target(%dma_start3A_44 : memref<640x128xf32, #tpu.memory_space<vmem_shared>>) target_semaphore(%run_scoped3A : memref<!tpu.dma_semaphore, #tpu.memory_space<semaphore_mem>>)
        %dma_wait3A = arith.constant 0 : i32
        %dma_wait3A_47 = tpu.memref_slice %arg14[%mul3A_0, %dma_wait3A] : memref<10240x128xf32, #tpu.memory_space<vmem_shared>> -> memref<640x128xf32, #tpu.memory_space<vmem_shared>>
        %dma_wait3A_48 = arith.constant 0 : i32
        %dma_wait3A_49 = tpu.memref_slice %arg2[%mul3A_0, %dma_wait3A_48] : memref<10240x128xf32, #tpu.memory_space<hbm>> -> memref<640x128xf32, #tpu.memory_space<hbm>>
        tpu.wait_dma2 semaphore(%run_scoped3A : memref<!tpu.dma_semaphore, #tpu.memory_space<semaphore_mem>>) src(%dma_wait3A_49 : memref<640x128xf32, #tpu.memory_space<hbm>>) dst(%dma_wait3A_47 : memref<640x128xf32, #tpu.memory_space<vmem_shared>>)
        tpu.yield
      }) : () -> ()
      %barrier3A = arith.constant 0 : index
      tpu.barrier barrier_id(%barrier3A)
      %dma_start3A = arith.constant 0 : i32
      %dma_start3A_8 = arith.constant 0 : i32
      %dma_start3A_9 = arith.constant 0 : i32
      %dma_start3A_10 = arith.constant 0 : i32
      %dma_start3A_11 = arith.constant 0 : i32
      %dma_start3A_12 = tpu.memref_slice %arg12[%dma_start3A_8, %dma_start3A_10, %dma_start3A_11] : memref<2x128x128xf32, #tpu.memory_space<vmem>> -> memref<1x128x128xf32, #tpu.memory_space<vmem>>
      %dma_start3A_13 = tpu.memref_squeeze %dma_start3A_12 : memref<1x128x128xf32, #tpu.memory_space<vmem>> -> memref<128x128xf32, #tpu.memory_space<vmem>>
      %dma_start3A_14 = arith.constant 0 : i32
      %dma_start3A_15 = tpu.memref_slice %arg10[%dma_start3A, %dma_start3A_14] : memref<40x128xi32, #tpu.memory_space<vmem>> -> memref<1x128xi32, #tpu.memory_space<vmem>>
      %dma_start3A_16 = tpu.memref_squeeze %dma_start3A_15 : memref<1x128xi32, #tpu.memory_space<vmem>> -> memref<128xi32, #tpu.memory_space<vmem>>
      %dma_start3A_17 = arith.constant 0 : i32
      %dma_start3A_18 = arith.constant 0 : i32
      %dma_start3A_19 = tpu.memref_slice %arg4[%dma_start3A_17, %dma_start3A_18] : memref<10240x128xf32, #tpu.memory_space<hbm>> -> memref<10240x128xf32, #tpu.memory_space<hbm>>
      %dma_start3A_20 = tpu.memref_slice %arg13[%dma_start3A_9] : memref<2x!tpu.dma_semaphore, #tpu.memory_space<semaphore_mem>> -> memref<1x!tpu.dma_semaphore, #tpu.memory_space<semaphore_mem>>
      %dma_start3A_21 = tpu.memref_squeeze %dma_start3A_20 : memref<1x!tpu.dma_semaphore, #tpu.memory_space<semaphore_mem>> -> memref<!tpu.dma_semaphore, #tpu.memory_space<semaphore_mem>>
      tpu.enqueue_indirect_dma source(%dma_start3A_19 : memref<10240x128xf32, #tpu.memory_space<hbm>>) target(%dma_start3A_13 : memref<128x128xf32, #tpu.memory_space<vmem>>) offsets(%dma_start3A_16 : memref<128xi32, #tpu.memory_space<vmem>>) semaphore(%dma_start3A_21 : memref<!tpu.dma_semaphore, #tpu.memory_space<semaphore_mem>>)
      %dma_start3A_22 = arith.constant 1 : i32
      %dma_start3A_23 = arith.constant 1 : i32
      %dma_start3A_24 = arith.constant 1 : i32
      %dma_start3A_25 = arith.constant 0 : i32
      %dma_start3A_26 = arith.constant 0 : i32
      %dma_start3A_27 = tpu.memref_slice %arg12[%dma_start3A_23, %dma_start3A_25, %dma_start3A_26] : memref<2x128x128xf32, #tpu.memory_space<vmem>> -> memref<1x128x128xf32, #tpu.memory_space<vmem>>
      %dma_start3A_28 = tpu.memref_squeeze %dma_start3A_27 : memref<1x128x128xf32, #tpu.memory_space<vmem>> -> memref<128x128xf32, #tpu.memory_space<vmem>>
      %dma_start3A_29 = arith.constant 0 : i32
      %dma_start3A_30 = tpu.memref_slice %arg10[%dma_start3A_22, %dma_start3A_29] : memref<40x128xi32, #tpu.memory_space<vmem>> -> memref<1x128xi32, #tpu.memory_space<vmem>>
      %dma_start3A_31 = tpu.memref_squeeze %dma_start3A_30 : memref<1x128xi32, #tpu.memory_space<vmem>> -> memref<128xi32, #tpu.memory_space<vmem>>
      %dma_start3A_32 = arith.constant 0 : i32
      %dma_start3A_33 = arith.constant 0 : i32
      %dma_start3A_34 = tpu.memref_slice %arg4[%dma_start3A_32, %dma_start3A_33] : memref<10240x128xf32, #tpu.memory_space<hbm>> -> memref<10240x128xf32, #tpu.memory_space<hbm>>
      %dma_start3A_35 = tpu.memref_slice %arg13[%dma_start3A_24] : memref<2x!tpu.dma_semaphore, #tpu.memory_space<semaphore_mem>> -> memref<1x!tpu.dma_semaphore, #tpu.memory_space<semaphore_mem>>
      %dma_start3A_36 = tpu.memref_squeeze %dma_start3A_35 : memref<1x!tpu.dma_semaphore, #tpu.memory_space<semaphore_mem>> -> memref<!tpu.dma_semaphore, #tpu.memory_space<semaphore_mem>>
      tpu.enqueue_indirect_dma source(%dma_start3A_34 : memref<10240x128xf32, #tpu.memory_space<hbm>>) target(%dma_start3A_28 : memref<128x128xf32, #tpu.memory_space<vmem>>) offsets(%dma_start3A_31 : memref<128xi32, #tpu.memory_space<vmem>>) semaphore(%dma_start3A_36 : memref<!tpu.dma_semaphore, #tpu.memory_space<semaphore_mem>>)
      %scan3A = arith.constant 0 : i32
      %scan3A_37 = arith.constant 0 : i32
      %scan3A_38 = arith.constant 20 : i32
      %scan3A_39 = arith.addi %scan3A_37, %scan3A_38 : i32
      %scan3A_40 = arith.constant 1 : i32
      scf.for %scan3A_43 = %scan3A_37 to %scan3A_39 step %scan3A_40  : i32 {
        %mul3A_44 = arith.constant 2 : i32
        %mul3A_45 = arith.muli %scan3A_43, %mul3A_44 : i32
        %add3A = arith.constant 0 : i32
        %add3A_46 = arith.addi %mul3A_45, %add3A : i32
        %dma_wait3A = arith.constant 0 : i32
        %dma_wait3A_47 = arith.constant 0 : i32
        %dma_wait3A_48 = arith.constant 0 : i32
        %dma_wait3A_49 = arith.constant 0 : i32
        %dma_wait3A_50 = tpu.memref_slice %arg12[%dma_wait3A, %dma_wait3A_48, %dma_wait3A_49] : memref<2x128x128xf32, #tpu.memory_space<vmem>> -> memref<1x128x128xf32, #tpu.memory_space<vmem>>
        %dma_wait3A_51 = tpu.memref_squeeze %dma_wait3A_50 : memref<1x128x128xf32, #tpu.memory_space<vmem>> -> memref<128x128xf32, #tpu.memory_space<vmem>>
        %dma_wait3A_52 = arith.constant 0 : i32
        %dma_wait3A_53 = tpu.memref_slice %arg10[%add3A_46, %dma_wait3A_52] : memref<40x128xi32, #tpu.memory_space<vmem>> -> memref<1x128xi32, #tpu.memory_space<vmem>>
        %dma_wait3A_54 = tpu.memref_squeeze %dma_wait3A_53 : memref<1x128xi32, #tpu.memory_space<vmem>> -> memref<128xi32, #tpu.memory_space<vmem>>
        %dma_wait3A_55 = arith.constant 0 : i32
        %dma_wait3A_56 = arith.constant 0 : i32
        %dma_wait3A_57 = tpu.memref_slice %arg4[%dma_wait3A_55, %dma_wait3A_56] : memref<10240x128xf32, #tpu.memory_space<hbm>> -> memref<10240x128xf32, #tpu.memory_space<hbm>>
        %dma_wait3A_58 = tpu.memref_slice %arg13[%dma_wait3A_47] : memref<2x!tpu.dma_semaphore, #tpu.memory_space<semaphore_mem>> -> memref<1x!tpu.dma_semaphore, #tpu.memory_space<semaphore_mem>>
        %dma_wait3A_59 = tpu.memref_squeeze %dma_wait3A_58 : memref<1x!tpu.dma_semaphore, #tpu.memory_space<semaphore_mem>> -> memref<!tpu.dma_semaphore, #tpu.memory_space<semaphore_mem>>
        tpu.wait_indirect_dma semaphore(%dma_wait3A_59 : memref<!tpu.dma_semaphore, #tpu.memory_space<semaphore_mem>>) src(%dma_wait3A_57 : memref<10240x128xf32, #tpu.memory_space<hbm>>) dst(%dma_wait3A_51 : memref<128x128xf32, #tpu.memory_space<vmem>>)
        %run_scoped3A = arith.constant 0 : i32
        "tpu.region"() ({
          %run_scoped3A_92 = tpu.sem_alloc : memref<!tpu.dma_semaphore, #tpu.memory_space<semaphore_mem>>
          %dma_start3A_93 = arith.constant 0 : i32
          %dma_start3A_94 = arith.constant 0 : i32
          %dma_start3A_95 = tpu.memref_slice %arg12[%run_scoped3A, %dma_start3A_93, %dma_start3A_94] : memref<2x128x128xf32, #tpu.memory_space<vmem>> -> memref<1x128x128xf32, #tpu.memory_space<vmem>>
          %dma_start3A_96 = tpu.memref_squeeze %dma_start3A_95 : memref<1x128x128xf32, #tpu.memory_space<vmem>> -> memref<128x128xf32, #tpu.memory_space<vmem>>
          %dma_start3A_97 = arith.constant 0 : i32
          %dma_start3A_98 = tpu.memref_slice %arg11[%add3A_46, %dma_start3A_97] : memref<40x128xi32, #tpu.memory_space<vmem>> -> memref<1x128xi32, #tpu.memory_space<vmem>>
          %dma_start3A_99 = tpu.memref_squeeze %dma_start3A_98 : memref<1x128xi32, #tpu.memory_space<vmem>> -> memref<128xi32, #tpu.memory_space<vmem>>
          %dma_start3A_100 = arith.constant 0 : i32
          %dma_start3A_101 = arith.constant 0 : i32
          %dma_start3A_102 = tpu.memref_slice %arg14[%dma_start3A_100, %dma_start3A_101] : memref<10240x128xf32, #tpu.memory_space<vmem_shared>> -> memref<10240x128xf32, #tpu.memory_space<vmem_shared>>
          tpu.enqueue_indirect_dma source(%dma_start3A_96 : memref<128x128xf32, #tpu.memory_space<vmem>>) target(%dma_start3A_102 : memref<10240x128xf32, #tpu.memory_space<vmem_shared>>) offsets(%dma_start3A_99 : memref<128xi32, #tpu.memory_space<vmem>>) semaphore(%run_scoped3A_92 : memref<!tpu.dma_semaphore, #tpu.memory_space<semaphore_mem>>) {add = true}
          %dma_wait3A_103 = arith.constant 0 : i32
          %dma_wait3A_104 = arith.constant 0 : i32
          %dma_wait3A_105 = tpu.memref_slice %arg12[%run_scoped3A, %dma_wait3A_103, %dma_wait3A_104] : memref<2x128x128xf32, #tpu.memory_space<vmem>> -> memref<1x128x128xf32, #tpu.memory_space<vmem>>
          %dma_wait3A_106 = tpu.memref_squeeze %dma_wait3A_105 : memref<1x128x128xf32, #tpu.memory_space<vmem>> -> memref<128x128xf32, #tpu.memory_space<vmem>>
          %dma_wait3A_107 = arith.constant 0 : i32
          %dma_wait3A_108 = tpu.memref_slice %arg11[%add3A_46, %dma_wait3A_107] : memref<40x128xi32, #tpu.memory_space<vmem>> -> memref<1x128xi32, #tpu.memory_space<vmem>>
          %dma_wait3A_109 = tpu.memref_squeeze %dma_wait3A_108 : memref<1x128xi32, #tpu.memory_space<vmem>> -> memref<128xi32, #tpu.memory_space<vmem>>
          %dma_wait3A_110 = arith.constant 0 : i32
          %dma_wait3A_111 = arith.constant 0 : i32
          %dma_wait3A_112 = tpu.memref_slice %arg14[%dma_wait3A_110, %dma_wait3A_111] : memref<10240x128xf32, #tpu.memory_space<vmem_shared>> -> memref<10240x128xf32, #tpu.memory_space<vmem_shared>>
          tpu.wait_indirect_dma semaphore(%run_scoped3A_92 : memref<!tpu.dma_semaphore, #tpu.memory_space<semaphore_mem>>) src(%dma_wait3A_106 : memref<128x128xf32, #tpu.memory_space<vmem>>) dst(%dma_wait3A_112 : memref<10240x128xf32, #tpu.memory_space<vmem_shared>>)
          tpu.yield
        }) : () -> ()
        %add3A_60 = arith.constant 2 : i32
        %add3A_61 = arith.addi %add3A_46, %add3A_60 : i32
        %lt3A = arith.constant 40 : i32
        %lt3A_62 = arith.cmpi slt, %add3A_61, %lt3A : i32
        %convert_element_type3A_63 = arith.extui %lt3A_62 : i1 to i32
        %cond3A_64 = arith.constant 0 : i32
        %cond3A_65 = arith.cmpi ne, %convert_element_type3A_63, %cond3A_64 : i32
        scf.if %cond3A_65 {
          %dma_start3A_92 = arith.constant 0 : i32
          %dma_start3A_93 = arith.constant 0 : i32
          %dma_start3A_94 = arith.constant 0 : i32
          %dma_start3A_95 = arith.constant 0 : i32
          %dma_start3A_96 = tpu.memref_slice %arg12[%dma_start3A_92, %dma_start3A_94, %dma_start3A_95] : memref<2x128x128xf32, #tpu.memory_space<vmem>> -> memref<1x128x128xf32, #tpu.memory_space<vmem>>
          %dma_start3A_97 = tpu.memref_squeeze %dma_start3A_96 : memref<1x128x128xf32, #tpu.memory_space<vmem>> -> memref<128x128xf32, #tpu.memory_space<vmem>>
          %dma_start3A_98 = arith.constant 0 : i32
          %dma_start3A_99 = tpu.memref_slice %arg10[%add3A_61, %dma_start3A_98] : memref<40x128xi32, #tpu.memory_space<vmem>> -> memref<1x128xi32, #tpu.memory_space<vmem>>
          %dma_start3A_100 = tpu.memref_squeeze %dma_start3A_99 : memref<1x128xi32, #tpu.memory_space<vmem>> -> memref<128xi32, #tpu.memory_space<vmem>>
          %dma_start3A_101 = arith.constant 0 : i32
          %dma_start3A_102 = arith.constant 0 : i32
          %dma_start3A_103 = tpu.memref_slice %arg4[%dma_start3A_101, %dma_start3A_102] : memref<10240x128xf32, #tpu.memory_space<hbm>> -> memref<10240x128xf32, #tpu.memory_space<hbm>>
          %dma_start3A_104 = tpu.memref_slice %arg13[%dma_start3A_93] : memref<2x!tpu.dma_semaphore, #tpu.memory_space<semaphore_mem>> -> memref<1x!tpu.dma_semaphore, #tpu.memory_space<semaphore_mem>>
          %dma_start3A_105 = tpu.memref_squeeze %dma_start3A_104 : memref<1x!tpu.dma_semaphore, #tpu.memory_space<semaphore_mem>> -> memref<!tpu.dma_semaphore, #tpu.memory_space<semaphore_mem>>
          tpu.enqueue_indirect_dma source(%dma_start3A_103 : memref<10240x128xf32, #tpu.memory_space<hbm>>) target(%dma_start3A_97 : memref<128x128xf32, #tpu.memory_space<vmem>>) offsets(%dma_start3A_100 : memref<128xi32, #tpu.memory_space<vmem>>) semaphore(%dma_start3A_105 : memref<!tpu.dma_semaphore, #tpu.memory_space<semaphore_mem>>)
        } else {
        }
        %mul3A_66 = arith.constant 2 : i32
        %mul3A_67 = arith.muli %scan3A_43, %mul3A_66 : i32
        %add3A_68 = arith.constant 1 : i32
        %add3A_69 = arith.addi %mul3A_67, %add3A_68 : i32
        %dma_wait3A_70 = arith.constant 1 : i32
        %dma_wait3A_71 = arith.constant 1 : i32
        %dma_wait3A_72 = arith.constant 0 : i32
        %dma_wait3A_73 = arith.constant 0 : i32
        %dma_wait3A_74 = tpu.memref_slice %arg12[%dma_wait3A_70, %dma_wait3A_72, %dma_wait3A_73] : memref<2x128x128xf32, #tpu.memory_space<vmem>> -> memref<1x128x128xf32, #tpu.memory_space<vmem>>
        %dma_wait3A_75 = tpu.memref_squeeze %dma_wait3A_74 : memref<1x128x128xf32, #tpu.memory_space<vmem>> -> memref<128x128xf32, #tpu.memory_space<vmem>>
        %dma_wait3A_76 = arith.constant 0 : i32
        %dma_wait3A_77 = tpu.memref_slice %arg10[%add3A_69, %dma_wait3A_76] : memref<40x128xi32, #tpu.memory_space<vmem>> -> memref<1x128xi32, #tpu.memory_space<vmem>>
        %dma_wait3A_78 = tpu.memref_squeeze %dma_wait3A_77 : memref<1x128xi32, #tpu.memory_space<vmem>> -> memref<128xi32, #tpu.memory_space<vmem>>
        %dma_wait3A_79 = arith.constant 0 : i32
        %dma_wait3A_80 = arith.constant 0 : i32
        %dma_wait3A_81 = tpu.memref_slice %arg4[%dma_wait3A_79, %dma_wait3A_80] : memref<10240x128xf32, #tpu.memory_space<hbm>> -> memref<10240x128xf32, #tpu.memory_space<hbm>>
        %dma_wait3A_82 = tpu.memref_slice %arg13[%dma_wait3A_71] : memref<2x!tpu.dma_semaphore, #tpu.memory_space<semaphore_mem>> -> memref<1x!tpu.dma_semaphore, #tpu.memory_space<semaphore_mem>>
        %dma_wait3A_83 = tpu.memref_squeeze %dma_wait3A_82 : memref<1x!tpu.dma_semaphore, #tpu.memory_space<semaphore_mem>> -> memref<!tpu.dma_semaphore, #tpu.memory_space<semaphore_mem>>
        tpu.wait_indirect_dma semaphore(%dma_wait3A_83 : memref<!tpu.dma_semaphore, #tpu.memory_space<semaphore_mem>>) src(%dma_wait3A_81 : memref<10240x128xf32, #tpu.memory_space<hbm>>) dst(%dma_wait3A_75 : memref<128x128xf32, #tpu.memory_space<vmem>>)
        %run_scoped3A_84 = arith.constant 1 : i32
        "tpu.region"() ({
          %run_scoped3A_92 = tpu.sem_alloc : memref<!tpu.dma_semaphore, #tpu.memory_space<semaphore_mem>>
          %dma_start3A_93 = arith.constant 0 : i32
          %dma_start3A_94 = arith.constant 0 : i32
          %dma_start3A_95 = tpu.memref_slice %arg12[%run_scoped3A_84, %dma_start3A_93, %dma_start3A_94] : memref<2x128x128xf32, #tpu.memory_space<vmem>> -> memref<1x128x128xf32, #tpu.memory_space<vmem>>
          %dma_start3A_96 = tpu.memref_squeeze %dma_start3A_95 : memref<1x128x128xf32, #tpu.memory_space<vmem>> -> memref<128x128xf32, #tpu.memory_space<vmem>>
          %dma_start3A_97 = arith.constant 0 : i32
          %dma_start3A_98 = tpu.memref_slice %arg11[%add3A_69, %dma_start3A_97] : memref<40x128xi32, #tpu.memory_space<vmem>> -> memref<1x128xi32, #tpu.memory_space<vmem>>
          %dma_start3A_99 = tpu.memref_squeeze %dma_start3A_98 : memref<1x128xi32, #tpu.memory_space<vmem>> -> memref<128xi32, #tpu.memory_space<vmem>>
          %dma_start3A_100 = arith.constant 0 : i32
          %dma_start3A_101 = arith.constant 0 : i32
          %dma_start3A_102 = tpu.memref_slice %arg14[%dma_start3A_100, %dma_start3A_101] : memref<10240x128xf32, #tpu.memory_space<vmem_shared>> -> memref<10240x128xf32, #tpu.memory_space<vmem_shared>>
          tpu.enqueue_indirect_dma source(%dma_start3A_96 : memref<128x128xf32, #tpu.memory_space<vmem>>) target(%dma_start3A_102 : memref<10240x128xf32, #tpu.memory_space<vmem_shared>>) offsets(%dma_start3A_99 : memref<128xi32, #tpu.memory_space<vmem>>) semaphore(%run_scoped3A_92 : memref<!tpu.dma_semaphore, #tpu.memory_space<semaphore_mem>>) {add = true}
          %dma_wait3A_103 = arith.constant 0 : i32
          %dma_wait3A_104 = arith.constant 0 : i32
          %dma_wait3A_105 = tpu.memref_slice %arg12[%run_scoped3A_84, %dma_wait3A_103, %dma_wait3A_104] : memref<2x128x128xf32, #tpu.memory_space<vmem>> -> memref<1x128x128xf32, #tpu.memory_space<vmem>>
          %dma_wait3A_106 = tpu.memref_squeeze %dma_wait3A_105 : memref<1x128x128xf32, #tpu.memory_space<vmem>> -> memref<128x128xf32, #tpu.memory_space<vmem>>
          %dma_wait3A_107 = arith.constant 0 : i32
          %dma_wait3A_108 = tpu.memref_slice %arg11[%add3A_69, %dma_wait3A_107] : memref<40x128xi32, #tpu.memory_space<vmem>> -> memref<1x128xi32, #tpu.memory_space<vmem>>
          %dma_wait3A_109 = tpu.memref_squeeze %dma_wait3A_108 : memref<1x128xi32, #tpu.memory_space<vmem>> -> memref<128xi32, #tpu.memory_space<vmem>>
          %dma_wait3A_110 = arith.constant 0 : i32
          %dma_wait3A_111 = arith.constant 0 : i32
          %dma_wait3A_112 = tpu.memref_slice %arg14[%dma_wait3A_110, %dma_wait3A_111] : memref<10240x128xf32, #tpu.memory_space<vmem_shared>> -> memref<10240x128xf32, #tpu.memory_space<vmem_shared>>
          tpu.wait_indirect_dma semaphore(%run_scoped3A_92 : memref<!tpu.dma_semaphore, #tpu.memory_space<semaphore_mem>>) src(%dma_wait3A_106 : memref<128x128xf32, #tpu.memory_space<vmem>>) dst(%dma_wait3A_112 : memref<10240x128xf32, #tpu.memory_space<vmem_shared>>)
          tpu.yield
        }) : () -> ()
        %add3A_85 = arith.constant 2 : i32
        %add3A_86 = arith.addi %add3A_69, %add3A_85 : i32
        %lt3A_87 = arith.constant 40 : i32
        %lt3A_88 = arith.cmpi slt, %add3A_86, %lt3A_87 : i32
        %convert_element_type3A_89 = arith.extui %lt3A_88 : i1 to i32
        %cond3A_90 = arith.constant 0 : i32
        %cond3A_91 = arith.cmpi ne, %convert_element_type3A_89, %cond3A_90 : i32
        scf.if %cond3A_91 {
          %dma_start3A_92 = arith.constant 1 : i32
          %dma_start3A_93 = arith.constant 1 : i32
          %dma_start3A_94 = arith.constant 0 : i32
          %dma_start3A_95 = arith.constant 0 : i32
          %dma_start3A_96 = tpu.memref_slice %arg12[%dma_start3A_92, %dma_start3A_94, %dma_start3A_95] : memref<2x128x128xf32, #tpu.memory_space<vmem>> -> memref<1x128x128xf32, #tpu.memory_space<vmem>>
          %dma_start3A_97 = tpu.memref_squeeze %dma_start3A_96 : memref<1x128x128xf32, #tpu.memory_space<vmem>> -> memref<128x128xf32, #tpu.memory_space<vmem>>
          %dma_start3A_98 = arith.constant 0 : i32
          %dma_start3A_99 = tpu.memref_slice %arg10[%add3A_86, %dma_start3A_98] : memref<40x128xi32, #tpu.memory_space<vmem>> -> memref<1x128xi32, #tpu.memory_space<vmem>>
          %dma_start3A_100 = tpu.memref_squeeze %dma_start3A_99 : memref<1x128xi32, #tpu.memory_space<vmem>> -> memref<128xi32, #tpu.memory_space<vmem>>
          %dma_start3A_101 = arith.constant 0 : i32
          %dma_start3A_102 = arith.constant 0 : i32
          %dma_start3A_103 = tpu.memref_slice %arg4[%dma_start3A_101, %dma_start3A_102] : memref<10240x128xf32, #tpu.memory_space<hbm>> -> memref<10240x128xf32, #tpu.memory_space<hbm>>
          %dma_start3A_104 = tpu.memref_slice %arg13[%dma_start3A_93] : memref<2x!tpu.dma_semaphore, #tpu.memory_space<semaphore_mem>> -> memref<1x!tpu.dma_semaphore, #tpu.memory_space<semaphore_mem>>
          %dma_start3A_105 = tpu.memref_squeeze %dma_start3A_104 : memref<1x!tpu.dma_semaphore, #tpu.memory_space<semaphore_mem>> -> memref<!tpu.dma_semaphore, #tpu.memory_space<semaphore_mem>>
          tpu.enqueue_indirect_dma source(%dma_start3A_103 : memref<10240x128xf32, #tpu.memory_space<hbm>>) target(%dma_start3A_97 : memref<128x128xf32, #tpu.memory_space<vmem>>) offsets(%dma_start3A_100 : memref<128xi32, #tpu.memory_space<vmem>>) semaphore(%dma_start3A_105 : memref<!tpu.dma_semaphore, #tpu.memory_space<semaphore_mem>>)
        } else {
        }
      }
      %scan3A_41 = arith.constant 20 : i32
      %barrier3A_42 = arith.constant 0 : index
      tpu.barrier barrier_id(%barrier3A_42)
      "tpu.region"() ({
        %run_scoped3A = tpu.sem_alloc : memref<!tpu.dma_semaphore, #tpu.memory_space<semaphore_mem>>
        %dma_start3A_43 = arith.constant 0 : i32
        %dma_start3A_44 = tpu.memref_slice %arg8[%mul3A_0, %dma_start3A_43] : memref<10240x128xf32, #tpu.memory_space<hbm>> -> memref<640x128xf32, #tpu.memory_space<hbm>>
        %dma_start3A_45 = arith.constant 0 : i32
        %dma_start3A_46 = tpu.memref_slice %arg14[%mul3A_0, %dma_start3A_45] : memref<10240x128xf32, #tpu.memory_space<vmem_shared>> -> memref<640x128xf32, #tpu.memory_space<vmem_shared>>
        tpu.enqueue_dma source(%dma_start3A_46 : memref<640x128xf32, #tpu.memory_space<vmem_shared>>) target(%dma_start3A_44 : memref<640x128xf32, #tpu.memory_space<hbm>>) target_semaphore(%run_scoped3A : memref<!tpu.dma_semaphore, #tpu.memory_space<semaphore_mem>>)
        %dma_wait3A = arith.constant 0 : i32
        %dma_wait3A_47 = tpu.memref_slice %arg8[%mul3A_0, %dma_wait3A] : memref<10240x128xf32, #tpu.memory_space<hbm>> -> memref<640x128xf32, #tpu.memory_space<hbm>>
        %dma_wait3A_48 = arith.constant 0 : i32
        %dma_wait3A_49 = tpu.memref_slice %arg14[%mul3A_0, %dma_wait3A_48] : memref<10240x128xf32, #tpu.memory_space<vmem_shared>> -> memref<640x128xf32, #tpu.memory_space<vmem_shared>>
        tpu.wait_dma2 semaphore(%run_scoped3A : memref<!tpu.dma_semaphore, #tpu.memory_space<semaphore_mem>>) src(%dma_wait3A_49 : memref<640x128xf32, #tpu.memory_space<vmem_shared>>) dst(%dma_wait3A_47 : memref<640x128xf32, #tpu.memory_space<hbm>>)
        tpu.yield
      }) : () -> ()
    } else {
    }
    %eq3A_3 = arith.constant 1 : i32
    %eq3A_4 = arith.cmpi eq, %arg0, %eq3A_3 : i32
    %convert_element_type3A_5 = arith.extui %eq3A_4 : i1 to i32
    %cond3A_6 = arith.constant 0 : i32
    %cond3A_7 = arith.cmpi ne, %convert_element_type3A_5, %cond3A_6 : i32
    scf.if %cond3A_7 {
      "tpu.region"() ({
        %run_scoped3A = tpu.sem_alloc : memref<!tpu.dma_semaphore, #tpu.memory_space<semaphore_mem>>
        %dma_start3A_43 = arith.constant 0 : i32
        %dma_start3A_44 = tpu.memref_slice %arg14[%mul3A_0, %dma_start3A_43] : memref<10240x128xf32, #tpu.memory_space<vmem_shared>> -> memref<640x128xf32, #tpu.memory_space<vmem_shared>>
        %dma_start3A_45 = arith.constant 0 : i32
        %dma_start3A_46 = tpu.memref_slice %arg3[%mul3A_0, %dma_start3A_45] : memref<10240x128xf32, #tpu.memory_space<hbm>> -> memref<640x128xf32, #tpu.memory_space<hbm>>
        tpu.enqueue_dma source(%dma_start3A_46 : memref<640x128xf32, #tpu.memory_space<hbm>>) target(%dma_start3A_44 : memref<640x128xf32, #tpu.memory_space<vmem_shared>>) target_semaphore(%run_scoped3A : memref<!tpu.dma_semaphore, #tpu.memory_space<semaphore_mem>>)
        %dma_wait3A = arith.constant 0 : i32
        %dma_wait3A_47 = tpu.memref_slice %arg14[%mul3A_0, %dma_wait3A] : memref<10240x128xf32, #tpu.memory_space<vmem_shared>> -> memref<640x128xf32, #tpu.memory_space<vmem_shared>>
        %dma_wait3A_48 = arith.constant 0 : i32
        %dma_wait3A_49 = tpu.memref_slice %arg3[%mul3A_0, %dma_wait3A_48] : memref<10240x128xf32, #tpu.memory_space<hbm>> -> memref<640x128xf32, #tpu.memory_space<hbm>>
        tpu.wait_dma2 semaphore(%run_scoped3A : memref<!tpu.dma_semaphore, #tpu.memory_space<semaphore_mem>>) src(%dma_wait3A_49 : memref<640x128xf32, #tpu.memory_space<hbm>>) dst(%dma_wait3A_47 : memref<640x128xf32, #tpu.memory_space<vmem_shared>>)
        tpu.yield
      }) : () -> ()
      %barrier3A = arith.constant 0 : index
      tpu.barrier barrier_id(%barrier3A)
      %dma_start3A = arith.constant 0 : i32
      %dma_start3A_8 = arith.constant 0 : i32
      %dma_start3A_9 = arith.constant 0 : i32
      %dma_start3A_10 = arith.constant 0 : i32
      %dma_start3A_11 = arith.constant 0 : i32
      %dma_start3A_12 = tpu.memref_slice %arg12[%dma_start3A_8, %dma_start3A_10, %dma_start3A_11] : memref<2x128x128xf32, #tpu.memory_space<vmem>> -> memref<1x128x128xf32, #tpu.memory_space<vmem>>
      %dma_start3A_13 = tpu.memref_squeeze %dma_start3A_12 : memref<1x128x128xf32, #tpu.memory_space<vmem>> -> memref<128x128xf32, #tpu.memory_space<vmem>>
      %dma_start3A_14 = arith.constant 0 : i32
      %dma_start3A_15 = tpu.memref_slice %arg10[%dma_start3A, %dma_start3A_14] : memref<40x128xi32, #tpu.memory_space<vmem>> -> memref<1x128xi32, #tpu.memory_space<vmem>>
      %dma_start3A_16 = tpu.memref_squeeze %dma_start3A_15 : memref<1x128xi32, #tpu.memory_space<vmem>> -> memref<128xi32, #tpu.memory_space<vmem>>
      %dma_start3A_17 = arith.constant 0 : i32
      %dma_start3A_18 = arith.constant 0 : i32
      %dma_start3A_19 = tpu.memref_slice %arg5[%dma_start3A_17, %dma_start3A_18] : memref<10240x128xf32, #tpu.memory_space<hbm>> -> memref<10240x128xf32, #tpu.memory_space<hbm>>
      %dma_start3A_20 = tpu.memref_slice %arg13[%dma_start3A_9] : memref<2x!tpu.dma_semaphore, #tpu.memory_space<semaphore_mem>> -> memref<1x!tpu.dma_semaphore, #tpu.memory_space<semaphore_mem>>
      %dma_start3A_21 = tpu.memref_squeeze %dma_start3A_20 : memref<1x!tpu.dma_semaphore, #tpu.memory_space<semaphore_mem>> -> memref<!tpu.dma_semaphore, #tpu.memory_space<semaphore_mem>>
      tpu.enqueue_indirect_dma source(%dma_start3A_19 : memref<10240x128xf32, #tpu.memory_space<hbm>>) target(%dma_start3A_13 : memref<128x128xf32, #tpu.memory_space<vmem>>) offsets(%dma_start3A_16 : memref<128xi32, #tpu.memory_space<vmem>>) semaphore(%dma_start3A_21 : memref<!tpu.dma_semaphore, #tpu.memory_space<semaphore_mem>>)
      %dma_start3A_22 = arith.constant 1 : i32
      %dma_start3A_23 = arith.constant 1 : i32
      %dma_start3A_24 = arith.constant 1 : i32
      %dma_start3A_25 = arith.constant 0 : i32
      %dma_start3A_26 = arith.constant 0 : i32
      %dma_start3A_27 = tpu.memref_slice %arg12[%dma_start3A_23, %dma_start3A_25, %dma_start3A_26] : memref<2x128x128xf32, #tpu.memory_space<vmem>> -> memref<1x128x128xf32, #tpu.memory_space<vmem>>
      %dma_start3A_28 = tpu.memref_squeeze %dma_start3A_27 : memref<1x128x128xf32, #tpu.memory_space<vmem>> -> memref<128x128xf32, #tpu.memory_space<vmem>>
      %dma_start3A_29 = arith.constant 0 : i32
      %dma_start3A_30 = tpu.memref_slice %arg10[%dma_start3A_22, %dma_start3A_29] : memref<40x128xi32, #tpu.memory_space<vmem>> -> memref<1x128xi32, #tpu.memory_space<vmem>>
      %dma_start3A_31 = tpu.memref_squeeze %dma_start3A_30 : memref<1x128xi32, #tpu.memory_space<vmem>> -> memref<128xi32, #tpu.memory_space<vmem>>
      %dma_start3A_32 = arith.constant 0 : i32
      %dma_start3A_33 = arith.constant 0 : i32
      %dma_start3A_34 = tpu.memref_slice %arg5[%dma_start3A_32, %dma_start3A_33] : memref<10240x128xf32, #tpu.memory_space<hbm>> -> memref<10240x128xf32, #tpu.memory_space<hbm>>
      %dma_start3A_35 = tpu.memref_slice %arg13[%dma_start3A_24] : memref<2x!tpu.dma_semaphore, #tpu.memory_space<semaphore_mem>> -> memref<1x!tpu.dma_semaphore, #tpu.memory_space<semaphore_mem>>
      %dma_start3A_36 = tpu.memref_squeeze %dma_start3A_35 : memref<1x!tpu.dma_semaphore, #tpu.memory_space<semaphore_mem>> -> memref<!tpu.dma_semaphore, #tpu.memory_space<semaphore_mem>>
      tpu.enqueue_indirect_dma source(%dma_start3A_34 : memref<10240x128xf32, #tpu.memory_space<hbm>>) target(%dma_start3A_28 : memref<128x128xf32, #tpu.memory_space<vmem>>) offsets(%dma_start3A_31 : memref<128xi32, #tpu.memory_space<vmem>>) semaphore(%dma_start3A_36 : memref<!tpu.dma_semaphore, #tpu.memory_space<semaphore_mem>>)
      %scan3A = arith.constant 0 : i32
      %scan3A_37 = arith.constant 0 : i32
      %scan3A_38 = arith.constant 20 : i32
      %scan3A_39 = arith.addi %scan3A_37, %scan3A_38 : i32
      %scan3A_40 = arith.constant 1 : i32
      scf.for %scan3A_43 = %scan3A_37 to %scan3A_39 step %scan3A_40  : i32 {
        %mul3A_44 = arith.constant 2 : i32
        %mul3A_45 = arith.muli %scan3A_43, %mul3A_44 : i32
        %add3A = arith.constant 0 : i32
        %add3A_46 = arith.addi %mul3A_45, %add3A : i32
        %dma_wait3A = arith.constant 0 : i32
        %dma_wait3A_47 = arith.constant 0 : i32
        %dma_wait3A_48 = arith.constant 0 : i32
        %dma_wait3A_49 = arith.constant 0 : i32
        %dma_wait3A_50 = tpu.memref_slice %arg12[%dma_wait3A, %dma_wait3A_48, %dma_wait3A_49] : memref<2x128x128xf32, #tpu.memory_space<vmem>> -> memref<1x128x128xf32, #tpu.memory_space<vmem>>
        %dma_wait3A_51 = tpu.memref_squeeze %dma_wait3A_50 : memref<1x128x128xf32, #tpu.memory_space<vmem>> -> memref<128x128xf32, #tpu.memory_space<vmem>>
        %dma_wait3A_52 = arith.constant 0 : i32
        %dma_wait3A_53 = tpu.memref_slice %arg10[%add3A_46, %dma_wait3A_52] : memref<40x128xi32, #tpu.memory_space<vmem>> -> memref<1x128xi32, #tpu.memory_space<vmem>>
        %dma_wait3A_54 = tpu.memref_squeeze %dma_wait3A_53 : memref<1x128xi32, #tpu.memory_space<vmem>> -> memref<128xi32, #tpu.memory_space<vmem>>
        %dma_wait3A_55 = arith.constant 0 : i32
        %dma_wait3A_56 = arith.constant 0 : i32
        %dma_wait3A_57 = tpu.memref_slice %arg5[%dma_wait3A_55, %dma_wait3A_56] : memref<10240x128xf32, #tpu.memory_space<hbm>> -> memref<10240x128xf32, #tpu.memory_space<hbm>>
        %dma_wait3A_58 = tpu.memref_slice %arg13[%dma_wait3A_47] : memref<2x!tpu.dma_semaphore, #tpu.memory_space<semaphore_mem>> -> memref<1x!tpu.dma_semaphore, #tpu.memory_space<semaphore_mem>>
        %dma_wait3A_59 = tpu.memref_squeeze %dma_wait3A_58 : memref<1x!tpu.dma_semaphore, #tpu.memory_space<semaphore_mem>> -> memref<!tpu.dma_semaphore, #tpu.memory_space<semaphore_mem>>
        tpu.wait_indirect_dma semaphore(%dma_wait3A_59 : memref<!tpu.dma_semaphore, #tpu.memory_space<semaphore_mem>>) src(%dma_wait3A_57 : memref<10240x128xf32, #tpu.memory_space<hbm>>) dst(%dma_wait3A_51 : memref<128x128xf32, #tpu.memory_space<vmem>>)
        %run_scoped3A = arith.constant 0 : i32
        "tpu.region"() ({
          %run_scoped3A_92 = tpu.sem_alloc : memref<!tpu.dma_semaphore, #tpu.memory_space<semaphore_mem>>
          %dma_start3A_93 = arith.constant 0 : i32
          %dma_start3A_94 = arith.constant 0 : i32
          %dma_start3A_95 = tpu.memref_slice %arg12[%run_scoped3A, %dma_start3A_93, %dma_start3A_94] : memref<2x128x128xf32, #tpu.memory_space<vmem>> -> memref<1x128x128xf32, #tpu.memory_space<vmem>>
          %dma_start3A_96 = tpu.memref_squeeze %dma_start3A_95 : memref<1x128x128xf32, #tpu.memory_space<vmem>> -> memref<128x128xf32, #tpu.memory_space<vmem>>
          %dma_start3A_97 = arith.constant 0 : i32
          %dma_start3A_98 = tpu.memref_slice %arg11[%add3A_46, %dma_start3A_97] : memref<40x128xi32, #tpu.memory_space<vmem>> -> memref<1x128xi32, #tpu.memory_space<vmem>>
          %dma_start3A_99 = tpu.memref_squeeze %dma_start3A_98 : memref<1x128xi32, #tpu.memory_space<vmem>> -> memref<128xi32, #tpu.memory_space<vmem>>
          %dma_start3A_100 = arith.constant 0 : i32
          %dma_start3A_101 = arith.constant 0 : i32
          %dma_start3A_102 = tpu.memref_slice %arg14[%dma_start3A_100, %dma_start3A_101] : memref<10240x128xf32, #tpu.memory_space<vmem_shared>> -> memref<10240x128xf32, #tpu.memory_space<vmem_shared>>
          tpu.enqueue_indirect_dma source(%dma_start3A_96 : memref<128x128xf32, #tpu.memory_space<vmem>>) target(%dma_start3A_102 : memref<10240x128xf32, #tpu.memory_space<vmem_shared>>) offsets(%dma_start3A_99 : memref<128xi32, #tpu.memory_space<vmem>>) semaphore(%run_scoped3A_92 : memref<!tpu.dma_semaphore, #tpu.memory_space<semaphore_mem>>) {add = true}
          %dma_wait3A_103 = arith.constant 0 : i32
          %dma_wait3A_104 = arith.constant 0 : i32
          %dma_wait3A_105 = tpu.memref_slice %arg12[%run_scoped3A, %dma_wait3A_103, %dma_wait3A_104] : memref<2x128x128xf32, #tpu.memory_space<vmem>> -> memref<1x128x128xf32, #tpu.memory_space<vmem>>
          %dma_wait3A_106 = tpu.memref_squeeze %dma_wait3A_105 : memref<1x128x128xf32, #tpu.memory_space<vmem>> -> memref<128x128xf32, #tpu.memory_space<vmem>>
          %dma_wait3A_107 = arith.constant 0 : i32
          %dma_wait3A_108 = tpu.memref_slice %arg11[%add3A_46, %dma_wait3A_107] : memref<40x128xi32, #tpu.memory_space<vmem>> -> memref<1x128xi32, #tpu.memory_space<vmem>>
          %dma_wait3A_109 = tpu.memref_squeeze %dma_wait3A_108 : memref<1x128xi32, #tpu.memory_space<vmem>> -> memref<128xi32, #tpu.memory_space<vmem>>
          %dma_wait3A_110 = arith.constant 0 : i32
          %dma_wait3A_111 = arith.constant 0 : i32
          %dma_wait3A_112 = tpu.memref_slice %arg14[%dma_wait3A_110, %dma_wait3A_111] : memref<10240x128xf32, #tpu.memory_space<vmem_shared>> -> memref<10240x128xf32, #tpu.memory_space<vmem_shared>>
          tpu.wait_indirect_dma semaphore(%run_scoped3A_92 : memref<!tpu.dma_semaphore, #tpu.memory_space<semaphore_mem>>) src(%dma_wait3A_106 : memref<128x128xf32, #tpu.memory_space<vmem>>) dst(%dma_wait3A_112 : memref<10240x128xf32, #tpu.memory_space<vmem_shared>>)
          tpu.yield
        }) : () -> ()
        %add3A_60 = arith.constant 2 : i32
        %add3A_61 = arith.addi %add3A_46, %add3A_60 : i32
        %lt3A = arith.constant 40 : i32
        %lt3A_62 = arith.cmpi slt, %add3A_61, %lt3A : i32
        %convert_element_type3A_63 = arith.extui %lt3A_62 : i1 to i32
        %cond3A_64 = arith.constant 0 : i32
        %cond3A_65 = arith.cmpi ne, %convert_element_type3A_63, %cond3A_64 : i32
        scf.if %cond3A_65 {
          %dma_start3A_92 = arith.constant 0 : i32
          %dma_start3A_93 = arith.constant 0 : i32
          %dma_start3A_94 = arith.constant 0 : i32
          %dma_start3A_95 = arith.constant 0 : i32
          %dma_start3A_96 = tpu.memref_slice %arg12[%dma_start3A_92, %dma_start3A_94, %dma_start3A_95] : memref<2x128x128xf32, #tpu.memory_space<vmem>> -> memref<1x128x128xf32, #tpu.memory_space<vmem>>
          %dma_start3A_97 = tpu.memref_squeeze %dma_start3A_96 : memref<1x128x128xf32, #tpu.memory_space<vmem>> -> memref<128x128xf32, #tpu.memory_space<vmem>>
          %dma_start3A_98 = arith.constant 0 : i32
          %dma_start3A_99 = tpu.memref_slice %arg10[%add3A_61, %dma_start3A_98] : memref<40x128xi32, #tpu.memory_space<vmem>> -> memref<1x128xi32, #tpu.memory_space<vmem>>
          %dma_start3A_100 = tpu.memref_squeeze %dma_start3A_99 : memref<1x128xi32, #tpu.memory_space<vmem>> -> memref<128xi32, #tpu.memory_space<vmem>>
          %dma_start3A_101 = arith.constant 0 : i32
          %dma_start3A_102 = arith.constant 0 : i32
          %dma_start3A_103 = tpu.memref_slice %arg5[%dma_start3A_101, %dma_start3A_102] : memref<10240x128xf32, #tpu.memory_space<hbm>> -> memref<10240x128xf32, #tpu.memory_space<hbm>>
          %dma_start3A_104 = tpu.memref_slice %arg13[%dma_start3A_93] : memref<2x!tpu.dma_semaphore, #tpu.memory_space<semaphore_mem>> -> memref<1x!tpu.dma_semaphore, #tpu.memory_space<semaphore_mem>>
          %dma_start3A_105 = tpu.memref_squeeze %dma_start3A_104 : memref<1x!tpu.dma_semaphore, #tpu.memory_space<semaphore_mem>> -> memref<!tpu.dma_semaphore, #tpu.memory_space<semaphore_mem>>
          tpu.enqueue_indirect_dma source(%dma_start3A_103 : memref<10240x128xf32, #tpu.memory_space<hbm>>) target(%dma_start3A_97 : memref<128x128xf32, #tpu.memory_space<vmem>>) offsets(%dma_start3A_100 : memref<128xi32, #tpu.memory_space<vmem>>) semaphore(%dma_start3A_105 : memref<!tpu.dma_semaphore, #tpu.memory_space<semaphore_mem>>)
        } else {
        }
        %mul3A_66 = arith.constant 2 : i32
        %mul3A_67 = arith.muli %scan3A_43, %mul3A_66 : i32
        %add3A_68 = arith.constant 1 : i32
        %add3A_69 = arith.addi %mul3A_67, %add3A_68 : i32
        %dma_wait3A_70 = arith.constant 1 : i32
        %dma_wait3A_71 = arith.constant 1 : i32
        %dma_wait3A_72 = arith.constant 0 : i32
        %dma_wait3A_73 = arith.constant 0 : i32
        %dma_wait3A_74 = tpu.memref_slice %arg12[%dma_wait3A_70, %dma_wait3A_72, %dma_wait3A_73] : memref<2x128x128xf32, #tpu.memory_space<vmem>> -> memref<1x128x128xf32, #tpu.memory_space<vmem>>
        %dma_wait3A_75 = tpu.memref_squeeze %dma_wait3A_74 : memref<1x128x128xf32, #tpu.memory_space<vmem>> -> memref<128x128xf32, #tpu.memory_space<vmem>>
        %dma_wait3A_76 = arith.constant 0 : i32
        %dma_wait3A_77 = tpu.memref_slice %arg10[%add3A_69, %dma_wait3A_76] : memref<40x128xi32, #tpu.memory_space<vmem>> -> memref<1x128xi32, #tpu.memory_space<vmem>>
        %dma_wait3A_78 = tpu.memref_squeeze %dma_wait3A_77 : memref<1x128xi32, #tpu.memory_space<vmem>> -> memref<128xi32, #tpu.memory_space<vmem>>
        %dma_wait3A_79 = arith.constant 0 : i32
        %dma_wait3A_80 = arith.constant 0 : i32
        %dma_wait3A_81 = tpu.memref_slice %arg5[%dma_wait3A_79, %dma_wait3A_80] : memref<10240x128xf32, #tpu.memory_space<hbm>> -> memref<10240x128xf32, #tpu.memory_space<hbm>>
        %dma_wait3A_82 = tpu.memref_slice %arg13[%dma_wait3A_71] : memref<2x!tpu.dma_semaphore, #tpu.memory_space<semaphore_mem>> -> memref<1x!tpu.dma_semaphore, #tpu.memory_space<semaphore_mem>>
        %dma_wait3A_83 = tpu.memref_squeeze %dma_wait3A_82 : memref<1x!tpu.dma_semaphore, #tpu.memory_space<semaphore_mem>> -> memref<!tpu.dma_semaphore, #tpu.memory_space<semaphore_mem>>
        tpu.wait_indirect_dma semaphore(%dma_wait3A_83 : memref<!tpu.dma_semaphore, #tpu.memory_space<semaphore_mem>>) src(%dma_wait3A_81 : memref<10240x128xf32, #tpu.memory_space<hbm>>) dst(%dma_wait3A_75 : memref<128x128xf32, #tpu.memory_space<vmem>>)
        %run_scoped3A_84 = arith.constant 1 : i32
        "tpu.region"() ({
          %run_scoped3A_92 = tpu.sem_alloc : memref<!tpu.dma_semaphore, #tpu.memory_space<semaphore_mem>>
          %dma_start3A_93 = arith.constant 0 : i32
          %dma_start3A_94 = arith.constant 0 : i32
          %dma_start3A_95 = tpu.memref_slice %arg12[%run_scoped3A_84, %dma_start3A_93, %dma_start3A_94] : memref<2x128x128xf32, #tpu.memory_space<vmem>> -> memref<1x128x128xf32, #tpu.memory_space<vmem>>
          %dma_start3A_96 = tpu.memref_squeeze %dma_start3A_95 : memref<1x128x128xf32, #tpu.memory_space<vmem>> -> memref<128x128xf32, #tpu.memory_space<vmem>>
          %dma_start3A_97 = arith.constant 0 : i32
          %dma_start3A_98 = tpu.memref_slice %arg11[%add3A_69, %dma_start3A_97] : memref<40x128xi32, #tpu.memory_space<vmem>> -> memref<1x128xi32, #tpu.memory_space<vmem>>
          %dma_start3A_99 = tpu.memref_squeeze %dma_start3A_98 : memref<1x128xi32, #tpu.memory_space<vmem>> -> memref<128xi32, #tpu.memory_space<vmem>>
          %dma_start3A_100 = arith.constant 0 : i32
          %dma_start3A_101 = arith.constant 0 : i32
          %dma_start3A_102 = tpu.memref_slice %arg14[%dma_start3A_100, %dma_start3A_101] : memref<10240x128xf32, #tpu.memory_space<vmem_shared>> -> memref<10240x128xf32, #tpu.memory_space<vmem_shared>>
          tpu.enqueue_indirect_dma source(%dma_start3A_96 : memref<128x128xf32, #tpu.memory_space<vmem>>) target(%dma_start3A_102 : memref<10240x128xf32, #tpu.memory_space<vmem_shared>>) offsets(%dma_start3A_99 : memref<128xi32, #tpu.memory_space<vmem>>) semaphore(%run_scoped3A_92 : memref<!tpu.dma_semaphore, #tpu.memory_space<semaphore_mem>>) {add = true}
          %dma_wait3A_103 = arith.constant 0 : i32
          %dma_wait3A_104 = arith.constant 0 : i32
          %dma_wait3A_105 = tpu.memref_slice %arg12[%run_scoped3A_84, %dma_wait3A_103, %dma_wait3A_104] : memref<2x128x128xf32, #tpu.memory_space<vmem>> -> memref<1x128x128xf32, #tpu.memory_space<vmem>>
          %dma_wait3A_106 = tpu.memref_squeeze %dma_wait3A_105 : memref<1x128x128xf32, #tpu.memory_space<vmem>> -> memref<128x128xf32, #tpu.memory_space<vmem>>
          %dma_wait3A_107 = arith.constant 0 : i32
          %dma_wait3A_108 = tpu.memref_slice %arg11[%add3A_69, %dma_wait3A_107] : memref<40x128xi32, #tpu.memory_space<vmem>> -> memref<1x128xi32, #tpu.memory_space<vmem>>
          %dma_wait3A_109 = tpu.memref_squeeze %dma_wait3A_108 : memref<1x128xi32, #tpu.memory_space<vmem>> -> memref<128xi32, #tpu.memory_space<vmem>>
          %dma_wait3A_110 = arith.constant 0 : i32
          %dma_wait3A_111 = arith.constant 0 : i32
          %dma_wait3A_112 = tpu.memref_slice %arg14[%dma_wait3A_110, %dma_wait3A_111] : memref<10240x128xf32, #tpu.memory_space<vmem_shared>> -> memref<10240x128xf32, #tpu.memory_space<vmem_shared>>
          tpu.wait_indirect_dma semaphore(%run_scoped3A_92 : memref<!tpu.dma_semaphore, #tpu.memory_space<semaphore_mem>>) src(%dma_wait3A_106 : memref<128x128xf32, #tpu.memory_space<vmem>>) dst(%dma_wait3A_112 : memref<10240x128xf32, #tpu.memory_space<vmem_shared>>)
          tpu.yield
        }) : () -> ()
        %add3A_85 = arith.constant 2 : i32
        %add3A_86 = arith.addi %add3A_69, %add3A_85 : i32
        %lt3A_87 = arith.constant 40 : i32
        %lt3A_88 = arith.cmpi slt, %add3A_86, %lt3A_87 : i32
        %convert_element_type3A_89 = arith.extui %lt3A_88 : i1 to i32
        %cond3A_90 = arith.constant 0 : i32
        %cond3A_91 = arith.cmpi ne, %convert_element_type3A_89, %cond3A_90 : i32
        scf.if %cond3A_91 {
          %dma_start3A_92 = arith.constant 1 : i32
          %dma_start3A_93 = arith.constant 1 : i32
          %dma_start3A_94 = arith.constant 0 : i32
          %dma_start3A_95 = arith.constant 0 : i32
          %dma_start3A_96 = tpu.memref_slice %arg12[%dma_start3A_92, %dma_start3A_94, %dma_start3A_95] : memref<2x128x128xf32, #tpu.memory_space<vmem>> -> memref<1x128x128xf32, #tpu.memory_space<vmem>>
          %dma_start3A_97 = tpu.memref_squeeze %dma_start3A_96 : memref<1x128x128xf32, #tpu.memory_space<vmem>> -> memref<128x128xf32, #tpu.memory_space<vmem>>
          %dma_start3A_98 = arith.constant 0 : i32
          %dma_start3A_99 = tpu.memref_slice %arg10[%add3A_86, %dma_start3A_98] : memref<40x128xi32, #tpu.memory_space<vmem>> -> memref<1x128xi32, #tpu.memory_space<vmem>>
          %dma_start3A_100 = tpu.memref_squeeze %dma_start3A_99 : memref<1x128xi32, #tpu.memory_space<vmem>> -> memref<128xi32, #tpu.memory_space<vmem>>
          %dma_start3A_101 = arith.constant 0 : i32
          %dma_start3A_102 = arith.constant 0 : i32
          %dma_start3A_103 = tpu.memref_slice %arg5[%dma_start3A_101, %dma_start3A_102] : memref<10240x128xf32, #tpu.memory_space<hbm>> -> memref<10240x128xf32, #tpu.memory_space<hbm>>
          %dma_start3A_104 = tpu.memref_slice %arg13[%dma_start3A_93] : memref<2x!tpu.dma_semaphore, #tpu.memory_space<semaphore_mem>> -> memref<1x!tpu.dma_semaphore, #tpu.memory_space<semaphore_mem>>
          %dma_start3A_105 = tpu.memref_squeeze %dma_start3A_104 : memref<1x!tpu.dma_semaphore, #tpu.memory_space<semaphore_mem>> -> memref<!tpu.dma_semaphore, #tpu.memory_space<semaphore_mem>>
          tpu.enqueue_indirect_dma source(%dma_start3A_103 : memref<10240x128xf32, #tpu.memory_space<hbm>>) target(%dma_start3A_97 : memref<128x128xf32, #tpu.memory_space<vmem>>) offsets(%dma_start3A_100 : memref<128xi32, #tpu.memory_space<vmem>>) semaphore(%dma_start3A_105 : memref<!tpu.dma_semaphore, #tpu.memory_space<semaphore_mem>>)
        } else {
        }
      }
      %scan3A_41 = arith.constant 20 : i32
      %barrier3A_42 = arith.constant 0 : index
      tpu.barrier barrier_id(%barrier3A_42)
      "tpu.region"() ({
        %run_scoped3A = tpu.sem_alloc : memref<!tpu.dma_semaphore, #tpu.memory_space<semaphore_mem>>
        %dma_start3A_43 = arith.constant 0 : i32
        %dma_start3A_44 = tpu.memref_slice %arg9[%mul3A_0, %dma_start3A_43] : memref<10240x128xf32, #tpu.memory_space<hbm>> -> memref<640x128xf32, #tpu.memory_space<hbm>>
        %dma_start3A_45 = arith.constant 0 : i32
        %dma_start3A_46 = tpu.memref_slice %arg14[%mul3A_0, %dma_start3A_45] : memref<10240x128xf32, #tpu.memory_space<vmem_shared>> -> memref<640x128xf32, #tpu.memory_space<vmem_shared>>
        tpu.enqueue_dma source(%dma_start3A_46 : memref<640x128xf32, #tpu.memory_space<vmem_shared>>) target(%dma_start3A_44 : memref<640x128xf32, #tpu.memory_space<hbm>>) target_semaphore(%run_scoped3A : memref<!tpu.dma_semaphore, #tpu.memory_space<semaphore_mem>>)
        %dma_wait3A = arith.constant 0 : i32
        %dma_wait3A_47 = tpu.memref_slice %arg9[%mul3A_0, %dma_wait3A] : memref<10240x128xf32, #tpu.memory_space<hbm>> -> memref<640x128xf32, #tpu.memory_space<hbm>>
        %dma_wait3A_48 = arith.constant 0 : i32
        %dma_wait3A_49 = tpu.memref_slice %arg14[%mul3A_0, %dma_wait3A_48] : memref<10240x128xf32, #tpu.memory_space<vmem_shared>> -> memref<640x128xf32, #tpu.memory_space<vmem_shared>>
        tpu.wait_dma2 semaphore(%run_scoped3A : memref<!tpu.dma_semaphore, #tpu.memory_space<semaphore_mem>>) src(%dma_wait3A_49 : memref<640x128xf32, #tpu.memory_space<vmem_shared>>) dst(%dma_wait3A_47 : memref<640x128xf32, #tpu.memory_space<hbm>>)
        tpu.yield
      }) : () -> ()
    } else {
    }
    return
  }
}

#map = affine_map<(d0, d1) -> (0, 0)>
#map1 = affine_map<(d0, d1) -> (0, 0, 0)>
module attributes {stable_mosaic.version = 14 : i64} {
  func.func @k(%arg0: i32, %arg1: i32, %arg2: memref<10240x128xf32, #tpu.memory_space<hbm>>, %arg3: memref<10240x128xf32, #tpu.memory_space<hbm>>, %arg4: memref<10240x128xf32, #tpu.memory_space<hbm>>, %arg5: memref<10240x128xf32, #tpu.memory_space<hbm>>, %arg6: memref<16x40x128xi32, #tpu.memory_space<hbm>>, %arg7: memref<16x40x128xi32, #tpu.memory_space<hbm>>, %arg8: memref<10240x128xf32, #tpu.memory_space<hbm>>, %arg9: memref<10240x128xf32, #tpu.memory_space<hbm>>, %arg10: memref<40x128xi32, #tpu.memory_space<vmem>>, %arg11: memref<40x128xi32, #tpu.memory_space<vmem>>, %arg12: memref<2x128x128xf32, #tpu.memory_space<vmem>>, %arg13: memref<2x!tpu.dma_semaphore, #tpu.memory_space<semaphore_mem>>, %arg14: memref<10240x128xf32, #tpu.memory_space<vmem_shared>>) attributes {dimension_semantics = [#tpu.dimension_semantics<core_parallel>, #tpu.dimension_semantics<subcore_parallel>], iteration_bounds = array<i64: 2, 16>, scalar_prefetch = 0 : i64, scratch_operands = 5 : i64, tpu.core_type = #tpu.core_type<sc_vector_subcore>, window_params = [{transform_indices = #map}, {transform_indices = #map}, {transform_indices = #map}, {transform_indices = #map}, {transform_indices = #map1}, {transform_indices = #map1}, {transform_indices = #map}, {transform_indices = #map}]} {
    "tpu.region"() ({
      %run_scoped3A = tpu.sem_alloc : memref<!tpu.dma_semaphore, #tpu.memory_space<semaphore_mem>>
      %dma_start3A = arith.constant 0 : i32
      %dma_start3A_8 = arith.constant 0 : i32
      %dma_start3A_9 = tpu.memref_slice %arg6[%arg1, %dma_start3A, %dma_start3A_8] : memref<16x40x128xi32, #tpu.memory_space<hbm>> -> memref<1x40x128xi32, #tpu.memory_space<hbm>>
      %dma_start3A_10 = tpu.memref_squeeze %dma_start3A_9 : memref<1x40x128xi32, #tpu.memory_space<hbm>> -> memref<40x128xi32, #tpu.memory_space<hbm>>
      %dma_start3A_11 = arith.constant 0 : i32
      %dma_start3A_12 = arith.constant 0 : i32
      %dma_start3A_13 = tpu.memref_slice %arg6[%arg1, %dma_start3A_11, %dma_start3A_12] : memref<16x40x128xi32, #tpu.memory_space<hbm>> -> memref<1x40x128xi32, #tpu.memory_space<hbm>>
      %dma_start3A_14 = tpu.memref_squeeze %dma_start3A_13 : memref<1x40x128xi32, #tpu.memory_space<hbm>> -> memref<40x128xi32, #tpu.memory_space<hbm>>
      tpu.enqueue_dma source(%dma_start3A_14 : memref<40x128xi32, #tpu.memory_space<hbm>>) target(%arg10 : memref<40x128xi32, #tpu.memory_space<vmem>>) target_semaphore(%run_scoped3A : memref<!tpu.dma_semaphore, #tpu.memory_space<semaphore_mem>>)
      %dma_wait3A = arith.constant 0 : i32
      %dma_wait3A_15 = arith.constant 0 : i32
      %dma_wait3A_16 = tpu.memref_slice %arg6[%arg1, %dma_wait3A, %dma_wait3A_15] : memref<16x40x128xi32, #tpu.memory_space<hbm>> -> memref<1x40x128xi32, #tpu.memory_space<hbm>>
      %dma_wait3A_17 = tpu.memref_squeeze %dma_wait3A_16 : memref<1x40x128xi32, #tpu.memory_space<hbm>> -> memref<40x128xi32, #tpu.memory_space<hbm>>
      %dma_wait3A_18 = arith.constant 0 : i32
      %dma_wait3A_19 = arith.constant 0 : i32
      %dma_wait3A_20 = tpu.memref_slice %arg6[%arg1, %dma_wait3A_18, %dma_wait3A_19] : memref<16x40x128xi32, #tpu.memory_space<hbm>> -> memref<1x40x128xi32, #tpu.memory_space<hbm>>
      %dma_wait3A_21 = tpu.memref_squeeze %dma_wait3A_20 : memref<1x40x128xi32, #tpu.memory_space<hbm>> -> memref<40x128xi32, #tpu.memory_space<hbm>>
      tpu.wait_dma2 semaphore(%run_scoped3A : memref<!tpu.dma_semaphore, #tpu.memory_space<semaphore_mem>>) src(%dma_wait3A_21 : memref<40x128xi32, #tpu.memory_space<hbm>>) dst(%arg10 : memref<40x128xi32, #tpu.memory_space<vmem>>)
      tpu.yield
    }) : () -> ()
    "tpu.region"() ({
      %run_scoped3A = tpu.sem_alloc : memref<!tpu.dma_semaphore, #tpu.memory_space<semaphore_mem>>
      %dma_start3A = arith.constant 0 : i32
      %dma_start3A_8 = arith.constant 0 : i32
      %dma_start3A_9 = tpu.memref_slice %arg7[%arg1, %dma_start3A, %dma_start3A_8] : memref<16x40x128xi32, #tpu.memory_space<hbm>> -> memref<1x40x128xi32, #tpu.memory_space<hbm>>
      %dma_start3A_10 = tpu.memref_squeeze %dma_start3A_9 : memref<1x40x128xi32, #tpu.memory_space<hbm>> -> memref<40x128xi32, #tpu.memory_space<hbm>>
      %dma_start3A_11 = arith.constant 0 : i32
      %dma_start3A_12 = arith.constant 0 : i32
      %dma_start3A_13 = tpu.memref_slice %arg7[%arg1, %dma_start3A_11, %dma_start3A_12] : memref<16x40x128xi32, #tpu.memory_space<hbm>> -> memref<1x40x128xi32, #tpu.memory_space<hbm>>
      %dma_start3A_14 = tpu.memref_squeeze %dma_start3A_13 : memref<1x40x128xi32, #tpu.memory_space<hbm>> -> memref<40x128xi32, #tpu.memory_space<hbm>>
      tpu.enqueue_dma source(%dma_start3A_14 : memref<40x128xi32, #tpu.memory_space<hbm>>) target(%arg11 : memref<40x128xi32, #tpu.memory_space<vmem>>) target_semaphore(%run_scoped3A : memref<!tpu.dma_semaphore, #tpu.memory_space<semaphore_mem>>)
      %dma_wait3A = arith.constant 0 : i32
      %dma_wait3A_15 = arith.constant 0 : i32
      %dma_wait3A_16 = tpu.memref_slice %arg7[%arg1, %dma_wait3A, %dma_wait3A_15] : memref<16x40x128xi32, #tpu.memory_space<hbm>> -> memref<1x40x128xi32, #tpu.memory_space<hbm>>
      %dma_wait3A_17 = tpu.memref_squeeze %dma_wait3A_16 : memref<1x40x128xi32, #tpu.memory_space<hbm>> -> memref<40x128xi32, #tpu.memory_space<hbm>>
      %dma_wait3A_18 = arith.constant 0 : i32
      %dma_wait3A_19 = arith.constant 0 : i32
      %dma_wait3A_20 = tpu.memref_slice %arg7[%arg1, %dma_wait3A_18, %dma_wait3A_19] : memref<16x40x128xi32, #tpu.memory_space<hbm>> -> memref<1x40x128xi32, #tpu.memory_space<hbm>>
      %dma_wait3A_21 = tpu.memref_squeeze %dma_wait3A_20 : memref<1x40x128xi32, #tpu.memory_space<hbm>> -> memref<40x128xi32, #tpu.memory_space<hbm>>
      tpu.wait_dma2 semaphore(%run_scoped3A : memref<!tpu.dma_semaphore, #tpu.memory_space<semaphore_mem>>) src(%dma_wait3A_21 : memref<40x128xi32, #tpu.memory_space<hbm>>) dst(%arg11 : memref<40x128xi32, #tpu.memory_space<vmem>>)
      tpu.yield
    }) : () -> ()
    %mul3A = arith.constant 640 : i32
    %mul3A_0 = arith.muli %arg1, %mul3A : i32
    %eq3A = arith.constant 0 : i32
    %eq3A_1 = arith.cmpi eq, %arg0, %eq3A : i32
    %convert_element_type3A = arith.extui %eq3A_1 : i1 to i32
    %cond3A = arith.constant 0 : i32
    %cond3A_2 = arith.cmpi ne, %convert_element_type3A, %cond3A : i32
    scf.if %cond3A_2 {
      "tpu.region"() ({
        %run_scoped3A = tpu.sem_alloc : memref<!tpu.dma_semaphore, #tpu.memory_space<semaphore_mem>>
        %dma_start3A_43 = arith.constant 0 : i32
        %dma_start3A_44 = tpu.memref_slice %arg14[%mul3A_0, %dma_start3A_43] : memref<10240x128xf32, #tpu.memory_space<vmem_shared>> -> memref<640x128xf32, #tpu.memory_space<vmem_shared>>
        %dma_start3A_45 = arith.constant 0 : i32
        %dma_start3A_46 = tpu.memref_slice %arg2[%mul3A_0, %dma_start3A_45] : memref<10240x128xf32, #tpu.memory_space<hbm>> -> memref<640x128xf32, #tpu.memory_space<hbm>>
        tpu.enqueue_dma source(%dma_start3A_46 : memref<640x128xf32, #tpu.memory_space<hbm>>) target(%dma_start3A_44 : memref<640x128xf32, #tpu.memory_space<vmem_shared>>) target_semaphore(%run_scoped3A : memref<!tpu.dma_semaphore, #tpu.memory_space<semaphore_mem>>)
        %dma_wait3A = arith.constant 0 : i32
        %dma_wait3A_47 = tpu.memref_slice %arg14[%mul3A_0, %dma_wait3A] : memref<10240x128xf32, #tpu.memory_space<vmem_shared>> -> memref<640x128xf32, #tpu.memory_space<vmem_shared>>
        %dma_wait3A_48 = arith.constant 0 : i32
        %dma_wait3A_49 = tpu.memref_slice %arg2[%mul3A_0, %dma_wait3A_48] : memref<10240x128xf32, #tpu.memory_space<hbm>> -> memref<640x128xf32, #tpu.memory_space<hbm>>
        tpu.wait_dma2 semaphore(%run_scoped3A : memref<!tpu.dma_semaphore, #tpu.memory_space<semaphore_mem>>) src(%dma_wait3A_49 : memref<640x128xf32, #tpu.memory_space<hbm>>) dst(%dma_wait3A_47 : memref<640x128xf32, #tpu.memory_space<vmem_shared>>)
        tpu.yield
      }) : () -> ()
      %barrier3A = arith.constant 0 : index
      tpu.barrier barrier_id(%barrier3A)
      %dma_start3A = arith.constant 0 : i32
      %dma_start3A_8 = arith.constant 0 : i32
      %dma_start3A_9 = arith.constant 0 : i32
      %dma_start3A_10 = arith.constant 0 : i32
      %dma_start3A_11 = arith.constant 0 : i32
      %dma_start3A_12 = tpu.memref_slice %arg12[%dma_start3A_8, %dma_start3A_10, %dma_start3A_11] : memref<2x128x128xf32, #tpu.memory_space<vmem>> -> memref<1x128x128xf32, #tpu.memory_space<vmem>>
      %dma_start3A_13 = tpu.memref_squeeze %dma_start3A_12 : memref<1x128x128xf32, #tpu.memory_space<vmem>> -> memref<128x128xf32, #tpu.memory_space<vmem>>
      %dma_start3A_14 = arith.constant 0 : i32
      %dma_start3A_15 = tpu.memref_slice %arg10[%dma_start3A, %dma_start3A_14] : memref<40x128xi32, #tpu.memory_space<vmem>> -> memref<1x128xi32, #tpu.memory_space<vmem>>
      %dma_start3A_16 = tpu.memref_squeeze %dma_start3A_15 : memref<1x128xi32, #tpu.memory_space<vmem>> -> memref<128xi32, #tpu.memory_space<vmem>>
      %dma_start3A_17 = arith.constant 0 : i32
      %dma_start3A_18 = arith.constant 0 : i32
      %dma_start3A_19 = tpu.memref_slice %arg4[%dma_start3A_17, %dma_start3A_18] : memref<10240x128xf32, #tpu.memory_space<hbm>> -> memref<10240x128xf32, #tpu.memory_space<hbm>>
      %dma_start3A_20 = tpu.memref_slice %arg13[%dma_start3A_9] : memref<2x!tpu.dma_semaphore, #tpu.memory_space<semaphore_mem>> -> memref<1x!tpu.dma_semaphore, #tpu.memory_space<semaphore_mem>>
      %dma_start3A_21 = tpu.memref_squeeze %dma_start3A_20 : memref<1x!tpu.dma_semaphore, #tpu.memory_space<semaphore_mem>> -> memref<!tpu.dma_semaphore, #tpu.memory_space<semaphore_mem>>
      tpu.enqueue_indirect_dma source(%dma_start3A_19 : memref<10240x128xf32, #tpu.memory_space<hbm>>) target(%dma_start3A_13 : memref<128x128xf32, #tpu.memory_space<vmem>>) offsets(%dma_start3A_16 : memref<128xi32, #tpu.memory_space<vmem>>) semaphore(%dma_start3A_21 : memref<!tpu.dma_semaphore, #tpu.memory_space<semaphore_mem>>)
      %dma_start3A_22 = arith.constant 1 : i32
      %dma_start3A_23 = arith.constant 1 : i32
      %dma_start3A_24 = arith.constant 1 : i32
      %dma_start3A_25 = arith.constant 0 : i32
      %dma_start3A_26 = arith.constant 0 : i32
      %dma_start3A_27 = tpu.memref_slice %arg12[%dma_start3A_23, %dma_start3A_25, %dma_start3A_26] : memref<2x128x128xf32, #tpu.memory_space<vmem>> -> memref<1x128x128xf32, #tpu.memory_space<vmem>>
      %dma_start3A_28 = tpu.memref_squeeze %dma_start3A_27 : memref<1x128x128xf32, #tpu.memory_space<vmem>> -> memref<128x128xf32, #tpu.memory_space<vmem>>
      %dma_start3A_29 = arith.constant 0 : i32
      %dma_start3A_30 = tpu.memref_slice %arg10[%dma_start3A_22, %dma_start3A_29] : memref<40x128xi32, #tpu.memory_space<vmem>> -> memref<1x128xi32, #tpu.memory_space<vmem>>
      %dma_start3A_31 = tpu.memref_squeeze %dma_start3A_30 : memref<1x128xi32, #tpu.memory_space<vmem>> -> memref<128xi32, #tpu.memory_space<vmem>>
      %dma_start3A_32 = arith.constant 0 : i32
      %dma_start3A_33 = arith.constant 0 : i32
      %dma_start3A_34 = tpu.memref_slice %arg4[%dma_start3A_32, %dma_start3A_33] : memref<10240x128xf32, #tpu.memory_space<hbm>> -> memref<10240x128xf32, #tpu.memory_space<hbm>>
      %dma_start3A_35 = tpu.memref_slice %arg13[%dma_start3A_24] : memref<2x!tpu.dma_semaphore, #tpu.memory_space<semaphore_mem>> -> memref<1x!tpu.dma_semaphore, #tpu.memory_space<semaphore_mem>>
      %dma_start3A_36 = tpu.memref_squeeze %dma_start3A_35 : memref<1x!tpu.dma_semaphore, #tpu.memory_space<semaphore_mem>> -> memref<!tpu.dma_semaphore, #tpu.memory_space<semaphore_mem>>
      tpu.enqueue_indirect_dma source(%dma_start3A_34 : memref<10240x128xf32, #tpu.memory_space<hbm>>) target(%dma_start3A_28 : memref<128x128xf32, #tpu.memory_space<vmem>>) offsets(%dma_start3A_31 : memref<128xi32, #tpu.memory_space<vmem>>) semaphore(%dma_start3A_36 : memref<!tpu.dma_semaphore, #tpu.memory_space<semaphore_mem>>)
      %scan3A = arith.constant 0 : i32
      %scan3A_37 = arith.constant 0 : i32
      %scan3A_38 = arith.constant 20 : i32
      %scan3A_39 = arith.addi %scan3A_37, %scan3A_38 : i32
      %scan3A_40 = arith.constant 1 : i32
      scf.for %scan3A_43 = %scan3A_37 to %scan3A_39 step %scan3A_40  : i32 {
        %mul3A_44 = arith.constant 2 : i32
        %mul3A_45 = arith.muli %scan3A_43, %mul3A_44 : i32
        %add3A = arith.constant 0 : i32
        %add3A_46 = arith.addi %mul3A_45, %add3A : i32
        %dma_wait3A = arith.constant 0 : i32
        %dma_wait3A_47 = arith.constant 0 : i32
        %dma_wait3A_48 = arith.constant 0 : i32
        %dma_wait3A_49 = arith.constant 0 : i32
        %dma_wait3A_50 = tpu.memref_slice %arg12[%dma_wait3A, %dma_wait3A_48, %dma_wait3A_49] : memref<2x128x128xf32, #tpu.memory_space<vmem>> -> memref<1x128x128xf32, #tpu.memory_space<vmem>>
        %dma_wait3A_51 = tpu.memref_squeeze %dma_wait3A_50 : memref<1x128x128xf32, #tpu.memory_space<vmem>> -> memref<128x128xf32, #tpu.memory_space<vmem>>
        %dma_wait3A_52 = arith.constant 0 : i32
        %dma_wait3A_53 = tpu.memref_slice %arg10[%add3A_46, %dma_wait3A_52] : memref<40x128xi32, #tpu.memory_space<vmem>> -> memref<1x128xi32, #tpu.memory_space<vmem>>
        %dma_wait3A_54 = tpu.memref_squeeze %dma_wait3A_53 : memref<1x128xi32, #tpu.memory_space<vmem>> -> memref<128xi32, #tpu.memory_space<vmem>>
        %dma_wait3A_55 = arith.constant 0 : i32
        %dma_wait3A_56 = arith.constant 0 : i32
        %dma_wait3A_57 = tpu.memref_slice %arg4[%dma_wait3A_55, %dma_wait3A_56] : memref<10240x128xf32, #tpu.memory_space<hbm>> -> memref<10240x128xf32, #tpu.memory_space<hbm>>
        %dma_wait3A_58 = tpu.memref_slice %arg13[%dma_wait3A_47] : memref<2x!tpu.dma_semaphore, #tpu.memory_space<semaphore_mem>> -> memref<1x!tpu.dma_semaphore, #tpu.memory_space<semaphore_mem>>
        %dma_wait3A_59 = tpu.memref_squeeze %dma_wait3A_58 : memref<1x!tpu.dma_semaphore, #tpu.memory_space<semaphore_mem>> -> memref<!tpu.dma_semaphore, #tpu.memory_space<semaphore_mem>>
        tpu.wait_indirect_dma semaphore(%dma_wait3A_59 : memref<!tpu.dma_semaphore, #tpu.memory_space<semaphore_mem>>) src(%dma_wait3A_57 : memref<10240x128xf32, #tpu.memory_space<hbm>>) dst(%dma_wait3A_51 : memref<128x128xf32, #tpu.memory_space<vmem>>)
        %run_scoped3A = arith.constant 0 : i32
        "tpu.region"() ({
          %run_scoped3A_92 = tpu.sem_alloc : memref<!tpu.dma_semaphore, #tpu.memory_space<semaphore_mem>>
          %dma_start3A_93 = arith.constant 0 : i32
          %dma_start3A_94 = arith.constant 0 : i32
          %dma_start3A_95 = tpu.memref_slice %arg12[%run_scoped3A, %dma_start3A_93, %dma_start3A_94] : memref<2x128x128xf32, #tpu.memory_space<vmem>> -> memref<1x128x128xf32, #tpu.memory_space<vmem>>
          %dma_start3A_96 = tpu.memref_squeeze %dma_start3A_95 : memref<1x128x128xf32, #tpu.memory_space<vmem>> -> memref<128x128xf32, #tpu.memory_space<vmem>>
          %dma_start3A_97 = arith.constant 0 : i32
          %dma_start3A_98 = tpu.memref_slice %arg11[%add3A_46, %dma_start3A_97] : memref<40x128xi32, #tpu.memory_space<vmem>> -> memref<1x128xi32, #tpu.memory_space<vmem>>
          %dma_start3A_99 = tpu.memref_squeeze %dma_start3A_98 : memref<1x128xi32, #tpu.memory_space<vmem>> -> memref<128xi32, #tpu.memory_space<vmem>>
          %dma_start3A_100 = arith.constant 0 : i32
          %dma_start3A_101 = arith.constant 0 : i32
          %dma_start3A_102 = tpu.memref_slice %arg14[%dma_start3A_100, %dma_start3A_101] : memref<10240x128xf32, #tpu.memory_space<vmem_shared>> -> memref<10240x128xf32, #tpu.memory_space<vmem_shared>>
          tpu.enqueue_indirect_dma source(%dma_start3A_96 : memref<128x128xf32, #tpu.memory_space<vmem>>) target(%dma_start3A_102 : memref<10240x128xf32, #tpu.memory_space<vmem_shared>>) offsets(%dma_start3A_99 : memref<128xi32, #tpu.memory_space<vmem>>) semaphore(%run_scoped3A_92 : memref<!tpu.dma_semaphore, #tpu.memory_space<semaphore_mem>>) {add = true}
          %dma_wait3A_103 = arith.constant 0 : i32
          %dma_wait3A_104 = arith.constant 0 : i32
          %dma_wait3A_105 = tpu.memref_slice %arg12[%run_scoped3A, %dma_wait3A_103, %dma_wait3A_104] : memref<2x128x128xf32, #tpu.memory_space<vmem>> -> memref<1x128x128xf32, #tpu.memory_space<vmem>>
          %dma_wait3A_106 = tpu.memref_squeeze %dma_wait3A_105 : memref<1x128x128xf32, #tpu.memory_space<vmem>> -> memref<128x128xf32, #tpu.memory_space<vmem>>
          %dma_wait3A_107 = arith.constant 0 : i32
          %dma_wait3A_108 = tpu.memref_slice %arg11[%add3A_46, %dma_wait3A_107] : memref<40x128xi32, #tpu.memory_space<vmem>> -> memref<1x128xi32, #tpu.memory_space<vmem>>
          %dma_wait3A_109 = tpu.memref_squeeze %dma_wait3A_108 : memref<1x128xi32, #tpu.memory_space<vmem>> -> memref<128xi32, #tpu.memory_space<vmem>>
          %dma_wait3A_110 = arith.constant 0 : i32
          %dma_wait3A_111 = arith.constant 0 : i32
          %dma_wait3A_112 = tpu.memref_slice %arg14[%dma_wait3A_110, %dma_wait3A_111] : memref<10240x128xf32, #tpu.memory_space<vmem_shared>> -> memref<10240x128xf32, #tpu.memory_space<vmem_shared>>
          tpu.wait_indirect_dma semaphore(%run_scoped3A_92 : memref<!tpu.dma_semaphore, #tpu.memory_space<semaphore_mem>>) src(%dma_wait3A_106 : memref<128x128xf32, #tpu.memory_space<vmem>>) dst(%dma_wait3A_112 : memref<10240x128xf32, #tpu.memory_space<vmem_shared>>)
          tpu.yield
        }) : () -> ()
        %add3A_60 = arith.constant 2 : i32
        %add3A_61 = arith.addi %add3A_46, %add3A_60 : i32
        %lt3A = arith.constant 40 : i32
        %lt3A_62 = arith.cmpi slt, %add3A_61, %lt3A : i32
        %convert_element_type3A_63 = arith.extui %lt3A_62 : i1 to i32
        %cond3A_64 = arith.constant 0 : i32
        %cond3A_65 = arith.cmpi ne, %convert_element_type3A_63, %cond3A_64 : i32
        scf.if %cond3A_65 {
          %dma_start3A_92 = arith.constant 0 : i32
          %dma_start3A_93 = arith.constant 0 : i32
          %dma_start3A_94 = arith.constant 0 : i32
          %dma_start3A_95 = arith.constant 0 : i32
          %dma_start3A_96 = tpu.memref_slice %arg12[%dma_start3A_92, %dma_start3A_94, %dma_start3A_95] : memref<2x128x128xf32, #tpu.memory_space<vmem>> -> memref<1x128x128xf32, #tpu.memory_space<vmem>>
          %dma_start3A_97 = tpu.memref_squeeze %dma_start3A_96 : memref<1x128x128xf32, #tpu.memory_space<vmem>> -> memref<128x128xf32, #tpu.memory_space<vmem>>
          %dma_start3A_98 = arith.constant 0 : i32
          %dma_start3A_99 = tpu.memref_slice %arg10[%add3A_61, %dma_start3A_98] : memref<40x128xi32, #tpu.memory_space<vmem>> -> memref<1x128xi32, #tpu.memory_space<vmem>>
          %dma_start3A_100 = tpu.memref_squeeze %dma_start3A_99 : memref<1x128xi32, #tpu.memory_space<vmem>> -> memref<128xi32, #tpu.memory_space<vmem>>
          %dma_start3A_101 = arith.constant 0 : i32
          %dma_start3A_102 = arith.constant 0 : i32
          %dma_start3A_103 = tpu.memref_slice %arg4[%dma_start3A_101, %dma_start3A_102] : memref<10240x128xf32, #tpu.memory_space<hbm>> -> memref<10240x128xf32, #tpu.memory_space<hbm>>
          %dma_start3A_104 = tpu.memref_slice %arg13[%dma_start3A_93] : memref<2x!tpu.dma_semaphore, #tpu.memory_space<semaphore_mem>> -> memref<1x!tpu.dma_semaphore, #tpu.memory_space<semaphore_mem>>
          %dma_start3A_105 = tpu.memref_squeeze %dma_start3A_104 : memref<1x!tpu.dma_semaphore, #tpu.memory_space<semaphore_mem>> -> memref<!tpu.dma_semaphore, #tpu.memory_space<semaphore_mem>>
          tpu.enqueue_indirect_dma source(%dma_start3A_103 : memref<10240x128xf32, #tpu.memory_space<hbm>>) target(%dma_start3A_97 : memref<128x128xf32, #tpu.memory_space<vmem>>) offsets(%dma_start3A_100 : memref<128xi32, #tpu.memory_space<vmem>>) semaphore(%dma_start3A_105 : memref<!tpu.dma_semaphore, #tpu.memory_space<semaphore_mem>>)
        } else {
        }
        %mul3A_66 = arith.constant 2 : i32
        %mul3A_67 = arith.muli %scan3A_43, %mul3A_66 : i32
        %add3A_68 = arith.constant 1 : i32
        %add3A_69 = arith.addi %mul3A_67, %add3A_68 : i32
        %dma_wait3A_70 = arith.constant 1 : i32
        %dma_wait3A_71 = arith.constant 1 : i32
        %dma_wait3A_72 = arith.constant 0 : i32
        %dma_wait3A_73 = arith.constant 0 : i32
        %dma_wait3A_74 = tpu.memref_slice %arg12[%dma_wait3A_70, %dma_wait3A_72, %dma_wait3A_73] : memref<2x128x128xf32, #tpu.memory_space<vmem>> -> memref<1x128x128xf32, #tpu.memory_space<vmem>>
        %dma_wait3A_75 = tpu.memref_squeeze %dma_wait3A_74 : memref<1x128x128xf32, #tpu.memory_space<vmem>> -> memref<128x128xf32, #tpu.memory_space<vmem>>
        %dma_wait3A_76 = arith.constant 0 : i32
        %dma_wait3A_77 = tpu.memref_slice %arg10[%add3A_69, %dma_wait3A_76] : memref<40x128xi32, #tpu.memory_space<vmem>> -> memref<1x128xi32, #tpu.memory_space<vmem>>
        %dma_wait3A_78 = tpu.memref_squeeze %dma_wait3A_77 : memref<1x128xi32, #tpu.memory_space<vmem>> -> memref<128xi32, #tpu.memory_space<vmem>>
        %dma_wait3A_79 = arith.constant 0 : i32
        %dma_wait3A_80 = arith.constant 0 : i32
        %dma_wait3A_81 = tpu.memref_slice %arg4[%dma_wait3A_79, %dma_wait3A_80] : memref<10240x128xf32, #tpu.memory_space<hbm>> -> memref<10240x128xf32, #tpu.memory_space<hbm>>
        %dma_wait3A_82 = tpu.memref_slice %arg13[%dma_wait3A_71] : memref<2x!tpu.dma_semaphore, #tpu.memory_space<semaphore_mem>> -> memref<1x!tpu.dma_semaphore, #tpu.memory_space<semaphore_mem>>
        %dma_wait3A_83 = tpu.memref_squeeze %dma_wait3A_82 : memref<1x!tpu.dma_semaphore, #tpu.memory_space<semaphore_mem>> -> memref<!tpu.dma_semaphore, #tpu.memory_space<semaphore_mem>>
        tpu.wait_indirect_dma semaphore(%dma_wait3A_83 : memref<!tpu.dma_semaphore, #tpu.memory_space<semaphore_mem>>) src(%dma_wait3A_81 : memref<10240x128xf32, #tpu.memory_space<hbm>>) dst(%dma_wait3A_75 : memref<128x128xf32, #tpu.memory_space<vmem>>)
        %run_scoped3A_84 = arith.constant 1 : i32
        "tpu.region"() ({
          %run_scoped3A_92 = tpu.sem_alloc : memref<!tpu.dma_semaphore, #tpu.memory_space<semaphore_mem>>
          %dma_start3A_93 = arith.constant 0 : i32
          %dma_start3A_94 = arith.constant 0 : i32
          %dma_start3A_95 = tpu.memref_slice %arg12[%run_scoped3A_84, %dma_start3A_93, %dma_start3A_94] : memref<2x128x128xf32, #tpu.memory_space<vmem>> -> memref<1x128x128xf32, #tpu.memory_space<vmem>>
          %dma_start3A_96 = tpu.memref_squeeze %dma_start3A_95 : memref<1x128x128xf32, #tpu.memory_space<vmem>> -> memref<128x128xf32, #tpu.memory_space<vmem>>
          %dma_start3A_97 = arith.constant 0 : i32
          %dma_start3A_98 = tpu.memref_slice %arg11[%add3A_69, %dma_start3A_97] : memref<40x128xi32, #tpu.memory_space<vmem>> -> memref<1x128xi32, #tpu.memory_space<vmem>>
          %dma_start3A_99 = tpu.memref_squeeze %dma_start3A_98 : memref<1x128xi32, #tpu.memory_space<vmem>> -> memref<128xi32, #tpu.memory_space<vmem>>
          %dma_start3A_100 = arith.constant 0 : i32
          %dma_start3A_101 = arith.constant 0 : i32
          %dma_start3A_102 = tpu.memref_slice %arg14[%dma_start3A_100, %dma_start3A_101] : memref<10240x128xf32, #tpu.memory_space<vmem_shared>> -> memref<10240x128xf32, #tpu.memory_space<vmem_shared>>
          tpu.enqueue_indirect_dma source(%dma_start3A_96 : memref<128x128xf32, #tpu.memory_space<vmem>>) target(%dma_start3A_102 : memref<10240x128xf32, #tpu.memory_space<vmem_shared>>) offsets(%dma_start3A_99 : memref<128xi32, #tpu.memory_space<vmem>>) semaphore(%run_scoped3A_92 : memref<!tpu.dma_semaphore, #tpu.memory_space<semaphore_mem>>) {add = true}
          %dma_wait3A_103 = arith.constant 0 : i32
          %dma_wait3A_104 = arith.constant 0 : i32
          %dma_wait3A_105 = tpu.memref_slice %arg12[%run_scoped3A_84, %dma_wait3A_103, %dma_wait3A_104] : memref<2x128x128xf32, #tpu.memory_space<vmem>> -> memref<1x128x128xf32, #tpu.memory_space<vmem>>
          %dma_wait3A_106 = tpu.memref_squeeze %dma_wait3A_105 : memref<1x128x128xf32, #tpu.memory_space<vmem>> -> memref<128x128xf32, #tpu.memory_space<vmem>>
          %dma_wait3A_107 = arith.constant 0 : i32
          %dma_wait3A_108 = tpu.memref_slice %arg11[%add3A_69, %dma_wait3A_107] : memref<40x128xi32, #tpu.memory_space<vmem>> -> memref<1x128xi32, #tpu.memory_space<vmem>>
          %dma_wait3A_109 = tpu.memref_squeeze %dma_wait3A_108 : memref<1x128xi32, #tpu.memory_space<vmem>> -> memref<128xi32, #tpu.memory_space<vmem>>
          %dma_wait3A_110 = arith.constant 0 : i32
          %dma_wait3A_111 = arith.constant 0 : i32
          %dma_wait3A_112 = tpu.memref_slice %arg14[%dma_wait3A_110, %dma_wait3A_111] : memref<10240x128xf32, #tpu.memory_space<vmem_shared>> -> memref<10240x128xf32, #tpu.memory_space<vmem_shared>>
          tpu.wait_indirect_dma semaphore(%run_scoped3A_92 : memref<!tpu.dma_semaphore, #tpu.memory_space<semaphore_mem>>) src(%dma_wait3A_106 : memref<128x128xf32, #tpu.memory_space<vmem>>) dst(%dma_wait3A_112 : memref<10240x128xf32, #tpu.memory_space<vmem_shared>>)
          tpu.yield
        }) : () -> ()
        %add3A_85 = arith.constant 2 : i32
        %add3A_86 = arith.addi %add3A_69, %add3A_85 : i32
        %lt3A_87 = arith.constant 40 : i32
        %lt3A_88 = arith.cmpi slt, %add3A_86, %lt3A_87 : i32
        %convert_element_type3A_89 = arith.extui %lt3A_88 : i1 to i32
        %cond3A_90 = arith.constant 0 : i32
        %cond3A_91 = arith.cmpi ne, %convert_element_type3A_89, %cond3A_90 : i32
        scf.if %cond3A_91 {
          %dma_start3A_92 = arith.constant 1 : i32
          %dma_start3A_93 = arith.constant 1 : i32
          %dma_start3A_94 = arith.constant 0 : i32
          %dma_start3A_95 = arith.constant 0 : i32
          %dma_start3A_96 = tpu.memref_slice %arg12[%dma_start3A_92, %dma_start3A_94, %dma_start3A_95] : memref<2x128x128xf32, #tpu.memory_space<vmem>> -> memref<1x128x128xf32, #tpu.memory_space<vmem>>
          %dma_start3A_97 = tpu.memref_squeeze %dma_start3A_96 : memref<1x128x128xf32, #tpu.memory_space<vmem>> -> memref<128x128xf32, #tpu.memory_space<vmem>>
          %dma_start3A_98 = arith.constant 0 : i32
          %dma_start3A_99 = tpu.memref_slice %arg10[%add3A_86, %dma_start3A_98] : memref<40x128xi32, #tpu.memory_space<vmem>> -> memref<1x128xi32, #tpu.memory_space<vmem>>
          %dma_start3A_100 = tpu.memref_squeeze %dma_start3A_99 : memref<1x128xi32, #tpu.memory_space<vmem>> -> memref<128xi32, #tpu.memory_space<vmem>>
          %dma_start3A_101 = arith.constant 0 : i32
          %dma_start3A_102 = arith.constant 0 : i32
          %dma_start3A_103 = tpu.memref_slice %arg4[%dma_start3A_101, %dma_start3A_102] : memref<10240x128xf32, #tpu.memory_space<hbm>> -> memref<10240x128xf32, #tpu.memory_space<hbm>>
          %dma_start3A_104 = tpu.memref_slice %arg13[%dma_start3A_93] : memref<2x!tpu.dma_semaphore, #tpu.memory_space<semaphore_mem>> -> memref<1x!tpu.dma_semaphore, #tpu.memory_space<semaphore_mem>>
          %dma_start3A_105 = tpu.memref_squeeze %dma_start3A_104 : memref<1x!tpu.dma_semaphore, #tpu.memory_space<semaphore_mem>> -> memref<!tpu.dma_semaphore, #tpu.memory_space<semaphore_mem>>
          tpu.enqueue_indirect_dma source(%dma_start3A_103 : memref<10240x128xf32, #tpu.memory_space<hbm>>) target(%dma_start3A_97 : memref<128x128xf32, #tpu.memory_space<vmem>>) offsets(%dma_start3A_100 : memref<128xi32, #tpu.memory_space<vmem>>) semaphore(%dma_start3A_105 : memref<!tpu.dma_semaphore, #tpu.memory_space<semaphore_mem>>)
        } else {
        }
      }
      %scan3A_41 = arith.constant 20 : i32
      %barrier3A_42 = arith.constant 0 : index
      tpu.barrier barrier_id(%barrier3A_42)
      "tpu.region"() ({
        %run_scoped3A = tpu.sem_alloc : memref<!tpu.dma_semaphore, #tpu.memory_space<semaphore_mem>>
        %dma_start3A_43 = arith.constant 0 : i32
        %dma_start3A_44 = tpu.memref_slice %arg8[%mul3A_0, %dma_start3A_43] : memref<10240x128xf32, #tpu.memory_space<hbm>> -> memref<640x128xf32, #tpu.memory_space<hbm>>
        %dma_start3A_45 = arith.constant 0 : i32
        %dma_start3A_46 = tpu.memref_slice %arg14[%mul3A_0, %dma_start3A_45] : memref<10240x128xf32, #tpu.memory_space<vmem_shared>> -> memref<640x128xf32, #tpu.memory_space<vmem_shared>>
        tpu.enqueue_dma source(%dma_start3A_46 : memref<640x128xf32, #tpu.memory_space<vmem_shared>>) target(%dma_start3A_44 : memref<640x128xf32, #tpu.memory_space<hbm>>) target_semaphore(%run_scoped3A : memref<!tpu.dma_semaphore, #tpu.memory_space<semaphore_mem>>)
        %dma_wait3A = arith.constant 0 : i32
        %dma_wait3A_47 = tpu.memref_slice %arg8[%mul3A_0, %dma_wait3A] : memref<10240x128xf32, #tpu.memory_space<hbm>> -> memref<640x128xf32, #tpu.memory_space<hbm>>
        %dma_wait3A_48 = arith.constant 0 : i32
        %dma_wait3A_49 = tpu.memref_slice %arg14[%mul3A_0, %dma_wait3A_48] : memref<10240x128xf32, #tpu.memory_space<vmem_shared>> -> memref<640x128xf32, #tpu.memory_space<vmem_shared>>
        tpu.wait_dma2 semaphore(%run_scoped3A : memref<!tpu.dma_semaphore, #tpu.memory_space<semaphore_mem>>) src(%dma_wait3A_49 : memref<640x128xf32, #tpu.memory_space<vmem_shared>>) dst(%dma_wait3A_47 : memref<640x128xf32, #tpu.memory_space<hbm>>)
        tpu.yield
      }) : () -> ()
    } else {
    }
    %eq3A_3 = arith.constant 1 : i32
    %eq3A_4 = arith.cmpi eq, %arg0, %eq3A_3 : i32
    %convert_element_type3A_5 = arith.extui %eq3A_4 : i1 to i32
    %cond3A_6 = arith.constant 0 : i32
    %cond3A_7 = arith.cmpi ne, %convert_element_type3A_5, %cond3A_6 : i32
    scf.if %cond3A_7 {
      "tpu.region"() ({
        %run_scoped3A = tpu.sem_alloc : memref<!tpu.dma_semaphore, #tpu.memory_space<semaphore_mem>>
        %dma_start3A_43 = arith.constant 0 : i32
        %dma_start3A_44 = tpu.memref_slice %arg14[%mul3A_0, %dma_start3A_43] : memref<10240x128xf32, #tpu.memory_space<vmem_shared>> -> memref<640x128xf32, #tpu.memory_space<vmem_shared>>
        %dma_start3A_45 = arith.constant 0 : i32
        %dma_start3A_46 = tpu.memref_slice %arg3[%mul3A_0, %dma_start3A_45] : memref<10240x128xf32, #tpu.memory_space<hbm>> -> memref<640x128xf32, #tpu.memory_space<hbm>>
        tpu.enqueue_dma source(%dma_start3A_46 : memref<640x128xf32, #tpu.memory_space<hbm>>) target(%dma_start3A_44 : memref<640x128xf32, #tpu.memory_space<vmem_shared>>) target_semaphore(%run_scoped3A : memref<!tpu.dma_semaphore, #tpu.memory_space<semaphore_mem>>)
        %dma_wait3A = arith.constant 0 : i32
        %dma_wait3A_47 = tpu.memref_slice %arg14[%mul3A_0, %dma_wait3A] : memref<10240x128xf32, #tpu.memory_space<vmem_shared>> -> memref<640x128xf32, #tpu.memory_space<vmem_shared>>
        %dma_wait3A_48 = arith.constant 0 : i32
        %dma_wait3A_49 = tpu.memref_slice %arg3[%mul3A_0, %dma_wait3A_48] : memref<10240x128xf32, #tpu.memory_space<hbm>> -> memref<640x128xf32, #tpu.memory_space<hbm>>
        tpu.wait_dma2 semaphore(%run_scoped3A : memref<!tpu.dma_semaphore, #tpu.memory_space<semaphore_mem>>) src(%dma_wait3A_49 : memref<640x128xf32, #tpu.memory_space<hbm>>) dst(%dma_wait3A_47 : memref<640x128xf32, #tpu.memory_space<vmem_shared>>)
        tpu.yield
      }) : () -> ()
      %barrier3A = arith.constant 0 : index
      tpu.barrier barrier_id(%barrier3A)
      %dma_start3A = arith.constant 0 : i32
      %dma_start3A_8 = arith.constant 0 : i32
      %dma_start3A_9 = arith.constant 0 : i32
      %dma_start3A_10 = arith.constant 0 : i32
      %dma_start3A_11 = arith.constant 0 : i32
      %dma_start3A_12 = tpu.memref_slice %arg12[%dma_start3A_8, %dma_start3A_10, %dma_start3A_11] : memref<2x128x128xf32, #tpu.memory_space<vmem>> -> memref<1x128x128xf32, #tpu.memory_space<vmem>>
      %dma_start3A_13 = tpu.memref_squeeze %dma_start3A_12 : memref<1x128x128xf32, #tpu.memory_space<vmem>> -> memref<128x128xf32, #tpu.memory_space<vmem>>
      %dma_start3A_14 = arith.constant 0 : i32
      %dma_start3A_15 = tpu.memref_slice %arg10[%dma_start3A, %dma_start3A_14] : memref<40x128xi32, #tpu.memory_space<vmem>> -> memref<1x128xi32, #tpu.memory_space<vmem>>
      %dma_start3A_16 = tpu.memref_squeeze %dma_start3A_15 : memref<1x128xi32, #tpu.memory_space<vmem>> -> memref<128xi32, #tpu.memory_space<vmem>>
      %dma_start3A_17 = arith.constant 0 : i32
      %dma_start3A_18 = arith.constant 0 : i32
      %dma_start3A_19 = tpu.memref_slice %arg5[%dma_start3A_17, %dma_start3A_18] : memref<10240x128xf32, #tpu.memory_space<hbm>> -> memref<10240x128xf32, #tpu.memory_space<hbm>>
      %dma_start3A_20 = tpu.memref_slice %arg13[%dma_start3A_9] : memref<2x!tpu.dma_semaphore, #tpu.memory_space<semaphore_mem>> -> memref<1x!tpu.dma_semaphore, #tpu.memory_space<semaphore_mem>>
      %dma_start3A_21 = tpu.memref_squeeze %dma_start3A_20 : memref<1x!tpu.dma_semaphore, #tpu.memory_space<semaphore_mem>> -> memref<!tpu.dma_semaphore, #tpu.memory_space<semaphore_mem>>
      tpu.enqueue_indirect_dma source(%dma_start3A_19 : memref<10240x128xf32, #tpu.memory_space<hbm>>) target(%dma_start3A_13 : memref<128x128xf32, #tpu.memory_space<vmem>>) offsets(%dma_start3A_16 : memref<128xi32, #tpu.memory_space<vmem>>) semaphore(%dma_start3A_21 : memref<!tpu.dma_semaphore, #tpu.memory_space<semaphore_mem>>)
      %dma_start3A_22 = arith.constant 1 : i32
      %dma_start3A_23 = arith.constant 1 : i32
      %dma_start3A_24 = arith.constant 1 : i32
      %dma_start3A_25 = arith.constant 0 : i32
      %dma_start3A_26 = arith.constant 0 : i32
      %dma_start3A_27 = tpu.memref_slice %arg12[%dma_start3A_23, %dma_start3A_25, %dma_start3A_26] : memref<2x128x128xf32, #tpu.memory_space<vmem>> -> memref<1x128x128xf32, #tpu.memory_space<vmem>>
      %dma_start3A_28 = tpu.memref_squeeze %dma_start3A_27 : memref<1x128x128xf32, #tpu.memory_space<vmem>> -> memref<128x128xf32, #tpu.memory_space<vmem>>
      %dma_start3A_29 = arith.constant 0 : i32
      %dma_start3A_30 = tpu.memref_slice %arg10[%dma_start3A_22, %dma_start3A_29] : memref<40x128xi32, #tpu.memory_space<vmem>> -> memref<1x128xi32, #tpu.memory_space<vmem>>
      %dma_start3A_31 = tpu.memref_squeeze %dma_start3A_30 : memref<1x128xi32, #tpu.memory_space<vmem>> -> memref<128xi32, #tpu.memory_space<vmem>>
      %dma_start3A_32 = arith.constant 0 : i32
      %dma_start3A_33 = arith.constant 0 : i32
      %dma_start3A_34 = tpu.memref_slice %arg5[%dma_start3A_32, %dma_start3A_33] : memref<10240x128xf32, #tpu.memory_space<hbm>> -> memref<10240x128xf32, #tpu.memory_space<hbm>>
      %dma_start3A_35 = tpu.memref_slice %arg13[%dma_start3A_24] : memref<2x!tpu.dma_semaphore, #tpu.memory_space<semaphore_mem>> -> memref<1x!tpu.dma_semaphore, #tpu.memory_space<semaphore_mem>>
      %dma_start3A_36 = tpu.memref_squeeze %dma_start3A_35 : memref<1x!tpu.dma_semaphore, #tpu.memory_space<semaphore_mem>> -> memref<!tpu.dma_semaphore, #tpu.memory_space<semaphore_mem>>
      tpu.enqueue_indirect_dma source(%dma_start3A_34 : memref<10240x128xf32, #tpu.memory_space<hbm>>) target(%dma_start3A_28 : memref<128x128xf32, #tpu.memory_space<vmem>>) offsets(%dma_start3A_31 : memref<128xi32, #tpu.memory_space<vmem>>) semaphore(%dma_start3A_36 : memref<!tpu.dma_semaphore, #tpu.memory_space<semaphore_mem>>)
      %scan3A = arith.constant 0 : i32
      %scan3A_37 = arith.constant 0 : i32
      %scan3A_38 = arith.constant 20 : i32
      %scan3A_39 = arith.addi %scan3A_37, %scan3A_38 : i32
      %scan3A_40 = arith.constant 1 : i32
      scf.for %scan3A_43 = %scan3A_37 to %scan3A_39 step %scan3A_40  : i32 {
        %mul3A_44 = arith.constant 2 : i32
        %mul3A_45 = arith.muli %scan3A_43, %mul3A_44 : i32
        %add3A = arith.constant 0 : i32
        %add3A_46 = arith.addi %mul3A_45, %add3A : i32
        %dma_wait3A = arith.constant 0 : i32
        %dma_wait3A_47 = arith.constant 0 : i32
        %dma_wait3A_48 = arith.constant 0 : i32
        %dma_wait3A_49 = arith.constant 0 : i32
        %dma_wait3A_50 = tpu.memref_slice %arg12[%dma_wait3A, %dma_wait3A_48, %dma_wait3A_49] : memref<2x128x128xf32, #tpu.memory_space<vmem>> -> memref<1x128x128xf32, #tpu.memory_space<vmem>>
        %dma_wait3A_51 = tpu.memref_squeeze %dma_wait3A_50 : memref<1x128x128xf32, #tpu.memory_space<vmem>> -> memref<128x128xf32, #tpu.memory_space<vmem>>
        %dma_wait3A_52 = arith.constant 0 : i32
        %dma_wait3A_53 = tpu.memref_slice %arg10[%add3A_46, %dma_wait3A_52] : memref<40x128xi32, #tpu.memory_space<vmem>> -> memref<1x128xi32, #tpu.memory_space<vmem>>
        %dma_wait3A_54 = tpu.memref_squeeze %dma_wait3A_53 : memref<1x128xi32, #tpu.memory_space<vmem>> -> memref<128xi32, #tpu.memory_space<vmem>>
        %dma_wait3A_55 = arith.constant 0 : i32
        %dma_wait3A_56 = arith.constant 0 : i32
        %dma_wait3A_57 = tpu.memref_slice %arg5[%dma_wait3A_55, %dma_wait3A_56] : memref<10240x128xf32, #tpu.memory_space<hbm>> -> memref<10240x128xf32, #tpu.memory_space<hbm>>
        %dma_wait3A_58 = tpu.memref_slice %arg13[%dma_wait3A_47] : memref<2x!tpu.dma_semaphore, #tpu.memory_space<semaphore_mem>> -> memref<1x!tpu.dma_semaphore, #tpu.memory_space<semaphore_mem>>
        %dma_wait3A_59 = tpu.memref_squeeze %dma_wait3A_58 : memref<1x!tpu.dma_semaphore, #tpu.memory_space<semaphore_mem>> -> memref<!tpu.dma_semaphore, #tpu.memory_space<semaphore_mem>>
        tpu.wait_indirect_dma semaphore(%dma_wait3A_59 : memref<!tpu.dma_semaphore, #tpu.memory_space<semaphore_mem>>) src(%dma_wait3A_57 : memref<10240x128xf32, #tpu.memory_space<hbm>>) dst(%dma_wait3A_51 : memref<128x128xf32, #tpu.memory_space<vmem>>)
        %run_scoped3A = arith.constant 0 : i32
        "tpu.region"() ({
          %run_scoped3A_92 = tpu.sem_alloc : memref<!tpu.dma_semaphore, #tpu.memory_space<semaphore_mem>>
          %dma_start3A_93 = arith.constant 0 : i32
          %dma_start3A_94 = arith.constant 0 : i32
          %dma_start3A_95 = tpu.memref_slice %arg12[%run_scoped3A, %dma_start3A_93, %dma_start3A_94] : memref<2x128x128xf32, #tpu.memory_space<vmem>> -> memref<1x128x128xf32, #tpu.memory_space<vmem>>
          %dma_start3A_96 = tpu.memref_squeeze %dma_start3A_95 : memref<1x128x128xf32, #tpu.memory_space<vmem>> -> memref<128x128xf32, #tpu.memory_space<vmem>>
          %dma_start3A_97 = arith.constant 0 : i32
          %dma_start3A_98 = tpu.memref_slice %arg11[%add3A_46, %dma_start3A_97] : memref<40x128xi32, #tpu.memory_space<vmem>> -> memref<1x128xi32, #tpu.memory_space<vmem>>
          %dma_start3A_99 = tpu.memref_squeeze %dma_start3A_98 : memref<1x128xi32, #tpu.memory_space<vmem>> -> memref<128xi32, #tpu.memory_space<vmem>>
          %dma_start3A_100 = arith.constant 0 : i32
          %dma_start3A_101 = arith.constant 0 : i32
          %dma_start3A_102 = tpu.memref_slice %arg14[%dma_start3A_100, %dma_start3A_101] : memref<10240x128xf32, #tpu.memory_space<vmem_shared>> -> memref<10240x128xf32, #tpu.memory_space<vmem_shared>>
          tpu.enqueue_indirect_dma source(%dma_start3A_96 : memref<128x128xf32, #tpu.memory_space<vmem>>) target(%dma_start3A_102 : memref<10240x128xf32, #tpu.memory_space<vmem_shared>>) offsets(%dma_start3A_99 : memref<128xi32, #tpu.memory_space<vmem>>) semaphore(%run_scoped3A_92 : memref<!tpu.dma_semaphore, #tpu.memory_space<semaphore_mem>>) {add = true}
          %dma_wait3A_103 = arith.constant 0 : i32
          %dma_wait3A_104 = arith.constant 0 : i32
          %dma_wait3A_105 = tpu.memref_slice %arg12[%run_scoped3A, %dma_wait3A_103, %dma_wait3A_104] : memref<2x128x128xf32, #tpu.memory_space<vmem>> -> memref<1x128x128xf32, #tpu.memory_space<vmem>>
          %dma_wait3A_106 = tpu.memref_squeeze %dma_wait3A_105 : memref<1x128x128xf32, #tpu.memory_space<vmem>> -> memref<128x128xf32, #tpu.memory_space<vmem>>
          %dma_wait3A_107 = arith.constant 0 : i32
          %dma_wait3A_108 = tpu.memref_slice %arg11[%add3A_46, %dma_wait3A_107] : memref<40x128xi32, #tpu.memory_space<vmem>> -> memref<1x128xi32, #tpu.memory_space<vmem>>
          %dma_wait3A_109 = tpu.memref_squeeze %dma_wait3A_108 : memref<1x128xi32, #tpu.memory_space<vmem>> -> memref<128xi32, #tpu.memory_space<vmem>>
          %dma_wait3A_110 = arith.constant 0 : i32
          %dma_wait3A_111 = arith.constant 0 : i32
          %dma_wait3A_112 = tpu.memref_slice %arg14[%dma_wait3A_110, %dma_wait3A_111] : memref<10240x128xf32, #tpu.memory_space<vmem_shared>> -> memref<10240x128xf32, #tpu.memory_space<vmem_shared>>
          tpu.wait_indirect_dma semaphore(%run_scoped3A_92 : memref<!tpu.dma_semaphore, #tpu.memory_space<semaphore_mem>>) src(%dma_wait3A_106 : memref<128x128xf32, #tpu.memory_space<vmem>>) dst(%dma_wait3A_112 : memref<10240x128xf32, #tpu.memory_space<vmem_shared>>)
          tpu.yield
        }) : () -> ()
        %add3A_60 = arith.constant 2 : i32
        %add3A_61 = arith.addi %add3A_46, %add3A_60 : i32
        %lt3A = arith.constant 40 : i32
        %lt3A_62 = arith.cmpi slt, %add3A_61, %lt3A : i32
        %convert_element_type3A_63 = arith.extui %lt3A_62 : i1 to i32
        %cond3A_64 = arith.constant 0 : i32
        %cond3A_65 = arith.cmpi ne, %convert_element_type3A_63, %cond3A_64 : i32
        scf.if %cond3A_65 {
          %dma_start3A_92 = arith.constant 0 : i32
          %dma_start3A_93 = arith.constant 0 : i32
          %dma_start3A_94 = arith.constant 0 : i32
          %dma_start3A_95 = arith.constant 0 : i32
          %dma_start3A_96 = tpu.memref_slice %arg12[%dma_start3A_92, %dma_start3A_94, %dma_start3A_95] : memref<2x128x128xf32, #tpu.memory_space<vmem>> -> memref<1x128x128xf32, #tpu.memory_space<vmem>>
          %dma_start3A_97 = tpu.memref_squeeze %dma_start3A_96 : memref<1x128x128xf32, #tpu.memory_space<vmem>> -> memref<128x128xf32, #tpu.memory_space<vmem>>
          %dma_start3A_98 = arith.constant 0 : i32
          %dma_start3A_99 = tpu.memref_slice %arg10[%add3A_61, %dma_start3A_98] : memref<40x128xi32, #tpu.memory_space<vmem>> -> memref<1x128xi32, #tpu.memory_space<vmem>>
          %dma_start3A_100 = tpu.memref_squeeze %dma_start3A_99 : memref<1x128xi32, #tpu.memory_space<vmem>> -> memref<128xi32, #tpu.memory_space<vmem>>
          %dma_start3A_101 = arith.constant 0 : i32
          %dma_start3A_102 = arith.constant 0 : i32
          %dma_start3A_103 = tpu.memref_slice %arg5[%dma_start3A_101, %dma_start3A_102] : memref<10240x128xf32, #tpu.memory_space<hbm>> -> memref<10240x128xf32, #tpu.memory_space<hbm>>
          %dma_start3A_104 = tpu.memref_slice %arg13[%dma_start3A_93] : memref<2x!tpu.dma_semaphore, #tpu.memory_space<semaphore_mem>> -> memref<1x!tpu.dma_semaphore, #tpu.memory_space<semaphore_mem>>
          %dma_start3A_105 = tpu.memref_squeeze %dma_start3A_104 : memref<1x!tpu.dma_semaphore, #tpu.memory_space<semaphore_mem>> -> memref<!tpu.dma_semaphore, #tpu.memory_space<semaphore_mem>>
          tpu.enqueue_indirect_dma source(%dma_start3A_103 : memref<10240x128xf32, #tpu.memory_space<hbm>>) target(%dma_start3A_97 : memref<128x128xf32, #tpu.memory_space<vmem>>) offsets(%dma_start3A_100 : memref<128xi32, #tpu.memory_space<vmem>>) semaphore(%dma_start3A_105 : memref<!tpu.dma_semaphore, #tpu.memory_space<semaphore_mem>>)
        } else {
        }
        %mul3A_66 = arith.constant 2 : i32
        %mul3A_67 = arith.muli %scan3A_43, %mul3A_66 : i32
        %add3A_68 = arith.constant 1 : i32
        %add3A_69 = arith.addi %mul3A_67, %add3A_68 : i32
        %dma_wait3A_70 = arith.constant 1 : i32
        %dma_wait3A_71 = arith.constant 1 : i32
        %dma_wait3A_72 = arith.constant 0 : i32
        %dma_wait3A_73 = arith.constant 0 : i32
        %dma_wait3A_74 = tpu.memref_slice %arg12[%dma_wait3A_70, %dma_wait3A_72, %dma_wait3A_73] : memref<2x128x128xf32, #tpu.memory_space<vmem>> -> memref<1x128x128xf32, #tpu.memory_space<vmem>>
        %dma_wait3A_75 = tpu.memref_squeeze %dma_wait3A_74 : memref<1x128x128xf32, #tpu.memory_space<vmem>> -> memref<128x128xf32, #tpu.memory_space<vmem>>
        %dma_wait3A_76 = arith.constant 0 : i32
        %dma_wait3A_77 = tpu.memref_slice %arg10[%add3A_69, %dma_wait3A_76] : memref<40x128xi32, #tpu.memory_space<vmem>> -> memref<1x128xi32, #tpu.memory_space<vmem>>
        %dma_wait3A_78 = tpu.memref_squeeze %dma_wait3A_77 : memref<1x128xi32, #tpu.memory_space<vmem>> -> memref<128xi32, #tpu.memory_space<vmem>>
        %dma_wait3A_79 = arith.constant 0 : i32
        %dma_wait3A_80 = arith.constant 0 : i32
        %dma_wait3A_81 = tpu.memref_slice %arg5[%dma_wait3A_79, %dma_wait3A_80] : memref<10240x128xf32, #tpu.memory_space<hbm>> -> memref<10240x128xf32, #tpu.memory_space<hbm>>
        %dma_wait3A_82 = tpu.memref_slice %arg13[%dma_wait3A_71] : memref<2x!tpu.dma_semaphore, #tpu.memory_space<semaphore_mem>> -> memref<1x!tpu.dma_semaphore, #tpu.memory_space<semaphore_mem>>
        %dma_wait3A_83 = tpu.memref_squeeze %dma_wait3A_82 : memref<1x!tpu.dma_semaphore, #tpu.memory_space<semaphore_mem>> -> memref<!tpu.dma_semaphore, #tpu.memory_space<semaphore_mem>>
        tpu.wait_indirect_dma semaphore(%dma_wait3A_83 : memref<!tpu.dma_semaphore, #tpu.memory_space<semaphore_mem>>) src(%dma_wait3A_81 : memref<10240x128xf32, #tpu.memory_space<hbm>>) dst(%dma_wait3A_75 : memref<128x128xf32, #tpu.memory_space<vmem>>)
        %run_scoped3A_84 = arith.constant 1 : i32
        "tpu.region"() ({
          %run_scoped3A_92 = tpu.sem_alloc : memref<!tpu.dma_semaphore, #tpu.memory_space<semaphore_mem>>
          %dma_start3A_93 = arith.constant 0 : i32
          %dma_start3A_94 = arith.constant 0 : i32
          %dma_start3A_95 = tpu.memref_slice %arg12[%run_scoped3A_84, %dma_start3A_93, %dma_start3A_94] : memref<2x128x128xf32, #tpu.memory_space<vmem>> -> memref<1x128x128xf32, #tpu.memory_space<vmem>>
          %dma_start3A_96 = tpu.memref_squeeze %dma_start3A_95 : memref<1x128x128xf32, #tpu.memory_space<vmem>> -> memref<128x128xf32, #tpu.memory_space<vmem>>
          %dma_start3A_97 = arith.constant 0 : i32
          %dma_start3A_98 = tpu.memref_slice %arg11[%add3A_69, %dma_start3A_97] : memref<40x128xi32, #tpu.memory_space<vmem>> -> memref<1x128xi32, #tpu.memory_space<vmem>>
          %dma_start3A_99 = tpu.memref_squeeze %dma_start3A_98 : memref<1x128xi32, #tpu.memory_space<vmem>> -> memref<128xi32, #tpu.memory_space<vmem>>
          %dma_start3A_100 = arith.constant 0 : i32
          %dma_start3A_101 = arith.constant 0 : i32
          %dma_start3A_102 = tpu.memref_slice %arg14[%dma_start3A_100, %dma_start3A_101] : memref<10240x128xf32, #tpu.memory_space<vmem_shared>> -> memref<10240x128xf32, #tpu.memory_space<vmem_shared>>
          tpu.enqueue_indirect_dma source(%dma_start3A_96 : memref<128x128xf32, #tpu.memory_space<vmem>>) target(%dma_start3A_102 : memref<10240x128xf32, #tpu.memory_space<vmem_shared>>) offsets(%dma_start3A_99 : memref<128xi32, #tpu.memory_space<vmem>>) semaphore(%run_scoped3A_92 : memref<!tpu.dma_semaphore, #tpu.memory_space<semaphore_mem>>) {add = true}
          %dma_wait3A_103 = arith.constant 0 : i32
          %dma_wait3A_104 = arith.constant 0 : i32
          %dma_wait3A_105 = tpu.memref_slice %arg12[%run_scoped3A_84, %dma_wait3A_103, %dma_wait3A_104] : memref<2x128x128xf32, #tpu.memory_space<vmem>> -> memref<1x128x128xf32, #tpu.memory_space<vmem>>
          %dma_wait3A_106 = tpu.memref_squeeze %dma_wait3A_105 : memref<1x128x128xf32, #tpu.memory_space<vmem>> -> memref<128x128xf32, #tpu.memory_space<vmem>>
          %dma_wait3A_107 = arith.constant 0 : i32
          %dma_wait3A_108 = tpu.memref_slice %arg11[%add3A_69, %dma_wait3A_107] : memref<40x128xi32, #tpu.memory_space<vmem>> -> memref<1x128xi32, #tpu.memory_space<vmem>>
          %dma_wait3A_109 = tpu.memref_squeeze %dma_wait3A_108 : memref<1x128xi32, #tpu.memory_space<vmem>> -> memref<128xi32, #tpu.memory_space<vmem>>
          %dma_wait3A_110 = arith.constant 0 : i32
          %dma_wait3A_111 = arith.constant 0 : i32
          %dma_wait3A_112 = tpu.memref_slice %arg14[%dma_wait3A_110, %dma_wait3A_111] : memref<10240x128xf32, #tpu.memory_space<vmem_shared>> -> memref<10240x128xf32, #tpu.memory_space<vmem_shared>>
          tpu.wait_indirect_dma semaphore(%run_scoped3A_92 : memref<!tpu.dma_semaphore, #tpu.memory_space<semaphore_mem>>) src(%dma_wait3A_106 : memref<128x128xf32, #tpu.memory_space<vmem>>) dst(%dma_wait3A_112 : memref<10240x128xf32, #tpu.memory_space<vmem_shared>>)
          tpu.yield
        }) : () -> ()
        %add3A_85 = arith.constant 2 : i32
        %add3A_86 = arith.addi %add3A_69, %add3A_85 : i32
        %lt3A_87 = arith.constant 40 : i32
        %lt3A_88 = arith.cmpi slt, %add3A_86, %lt3A_87 : i32
        %convert_element_type3A_89 = arith.extui %lt3A_88 : i1 to i32
        %cond3A_90 = arith.constant 0 : i32
        %cond3A_91 = arith.cmpi ne, %convert_element_type3A_89, %cond3A_90 : i32
        scf.if %cond3A_91 {
          %dma_start3A_92 = arith.constant 1 : i32
          %dma_start3A_93 = arith.constant 1 : i32
          %dma_start3A_94 = arith.constant 0 : i32
          %dma_start3A_95 = arith.constant 0 : i32
          %dma_start3A_96 = tpu.memref_slice %arg12[%dma_start3A_92, %dma_start3A_94, %dma_start3A_95] : memref<2x128x128xf32, #tpu.memory_space<vmem>> -> memref<1x128x128xf32, #tpu.memory_space<vmem>>
          %dma_start3A_97 = tpu.memref_squeeze %dma_start3A_96 : memref<1x128x128xf32, #tpu.memory_space<vmem>> -> memref<128x128xf32, #tpu.memory_space<vmem>>
          %dma_start3A_98 = arith.constant 0 : i32
          %dma_start3A_99 = tpu.memref_slice %arg10[%add3A_86, %dma_start3A_98] : memref<40x128xi32, #tpu.memory_space<vmem>> -> memref<1x128xi32, #tpu.memory_space<vmem>>
          %dma_start3A_100 = tpu.memref_squeeze %dma_start3A_99 : memref<1x128xi32, #tpu.memory_space<vmem>> -> memref<128xi32, #tpu.memory_space<vmem>>
          %dma_start3A_101 = arith.constant 0 : i32
          %dma_start3A_102 = arith.constant 0 : i32
          %dma_start3A_103 = tpu.memref_slice %arg5[%dma_start3A_101, %dma_start3A_102] : memref<10240x128xf32, #tpu.memory_space<hbm>> -> memref<10240x128xf32, #tpu.memory_space<hbm>>
          %dma_start3A_104 = tpu.memref_slice %arg13[%dma_start3A_93] : memref<2x!tpu.dma_semaphore, #tpu.memory_space<semaphore_mem>> -> memref<1x!tpu.dma_semaphore, #tpu.memory_space<semaphore_mem>>
          %dma_start3A_105 = tpu.memref_squeeze %dma_start3A_104 : memref<1x!tpu.dma_semaphore, #tpu.memory_space<semaphore_mem>> -> memref<!tpu.dma_semaphore, #tpu.memory_space<semaphore_mem>>
          tpu.enqueue_indirect_dma source(%dma_start3A_103 : memref<10240x128xf32, #tpu.memory_space<hbm>>) target(%dma_start3A_97 : memref<128x128xf32, #tpu.memory_space<vmem>>) offsets(%dma_start3A_100 : memref<128xi32, #tpu.memory_space<vmem>>) semaphore(%dma_start3A_105 : memref<!tpu.dma_semaphore, #tpu.memory_space<semaphore_mem>>)
        } else {
        }
      }
      %scan3A_41 = arith.constant 20 : i32
      %barrier3A_42 = arith.constant 0 : index
      tpu.barrier barrier_id(%barrier3A_42)
      "tpu.region"() ({
        %run_scoped3A = tpu.sem_alloc : memref<!tpu.dma_semaphore, #tpu.memory_space<semaphore_mem>>
        %dma_start3A_43 = arith.constant 0 : i32
        %dma_start3A_44 = tpu.memref_slice %arg9[%mul3A_0, %dma_start3A_43] : memref<10240x128xf32, #tpu.memory_space<hbm>> -> memref<640x128xf32, #tpu.memory_space<hbm>>
        %dma_start3A_45 = arith.constant 0 : i32
        %dma_start3A_46 = tpu.memref_slice %arg14[%mul3A_0, %dma_start3A_45] : memref<10240x128xf32, #tpu.memory_space<vmem_shared>> -> memref<640x128xf32, #tpu.memory_space<vmem_shared>>
        tpu.enqueue_dma source(%dma_start3A_46 : memref<640x128xf32, #tpu.memory_space<vmem_shared>>) target(%dma_start3A_44 : memref<640x128xf32, #tpu.memory_space<hbm>>) target_semaphore(%run_scoped3A : memref<!tpu.dma_semaphore, #tpu.memory_space<semaphore_mem>>)
        %dma_wait3A = arith.constant 0 : i32
        %dma_wait3A_47 = tpu.memref_slice %arg9[%mul3A_0, %dma_wait3A] : memref<10240x128xf32, #tpu.memory_space<hbm>> -> memref<640x128xf32, #tpu.memory_space<hbm>>
        %dma_wait3A_48 = arith.constant 0 : i32
        %dma_wait3A_49 = tpu.memref_slice %arg14[%mul3A_0, %dma_wait3A_48] : memref<10240x128xf32, #tpu.memory_space<vmem_shared>> -> memref<640x128xf32, #tpu.memory_space<vmem_shared>>
        tpu.wait_dma2 semaphore(%run_scoped3A : memref<!tpu.dma_semaphore, #tpu.memory_space<semaphore_mem>>) src(%dma_wait3A_49 : memref<640x128xf32, #tpu.memory_space<vmem_shared>>) dst(%dma_wait3A_47 : memref<640x128xf32, #tpu.memory_space<hbm>>)
        tpu.yield
      }) : () -> ()
    } else {
    }
    return
  }
}

module attributes {stable_mosaic.version = 14 : i64} {
  func.func @body(%arg0: i32, %arg1: memref<512x256xf32, #tpu.memory_space<vmem>>, %arg2: memref<512x1xf32, #tpu.memory_space<vmem>>, %arg3: memref<256x256xf32, #tpu.memory_space<vmem>>, %arg4: memref<512x128xf32, #tpu.memory_space<vmem>>, %arg5: memref<512x128xf32, #tpu.memory_space<vmem>>) attributes {dimension_semantics = [#tpu.dimension_semantics<arbitrary>], iteration_bounds = array<i64: 20>, scalar_prefetch = 0 : i64, scratch_operands = 0 : i64, tpu.core_type = #tpu.core_type<tc>, window_params = [{transform_indices = @transform_0, window_bounds = array<i64: 512, 256>}, {transform_indices = @transform_1, window_bounds = array<i64: 512, 1>}, {pipeline_mode = #tpu.pipeline_mode<synchronous>, transform_indices = @transform_2, window_bounds = array<i64: 256, 256>}, {transform_indices = @transform_3, window_bounds = array<i64: 512, 128>}, {transform_indices = @transform_4, window_bounds = array<i64: 512, 128>}]} {
    %get3A = arith.constant 0 : index
    %get3A_0 = arith.constant 0 : index
    %get3A_1 = vector.load %arg2[%get3A, %get3A_0] : memref<512x1xf32, #tpu.memory_space<vmem>>, vector<512x1xf32>
    %add3A = arith.constant 1.000000e+00 : f32
    %add3A_2 = vector.broadcast %add3A : f32 to vector<512x1xf32>
    %add3A_3 = arith.addf %get3A_1, %add3A_2 : vector<512x1xf32>
    %rsqrt3A = math.rsqrt %add3A_3 : vector<512x1xf32>
    %get3A_4 = arith.constant 0 : index
    %get3A_5 = arith.constant 0 : index
    %get3A_6 = vector.load %arg1[%get3A_4, %get3A_5] : memref<512x256xf32, #tpu.memory_space<vmem>>, vector<512x256xf32>
    %get3A_7 = arith.constant 0 : index
    %get3A_8 = arith.constant 0 : index
    %get3A_9 = vector.load %arg3[%get3A_7, %get3A_8] : memref<256x256xf32, #tpu.memory_space<vmem>>, vector<256x256xf32>
    %dot_general3A = arith.constant dense<0.000000e+00> : vector<512x256xf32>
    %dot_general3A_10 = tpu.matmul %get3A_6, %get3A_9, %dot_general3A {dimension_numbers = #tpu.dot_dimension_numbers<[1], [0], [0], [1], [0, 0, 1, 1], [], []>, precision = #tpu.contract_precision<fp32>, transpose_lhs_hint = false} : vector<512x256xf32>, vector<256x256xf32>, vector<512x256xf32> -> vector<512x256xf32>
    %mul3A = vector.broadcast %rsqrt3A : vector<512x1xf32> to vector<512x256xf32>
    %mul3A_11 = arith.mulf %dot_general3A_10, %mul3A : vector<512x256xf32>
    %slice3A = vector.extract_strided_slice %mul3A_11 {offsets = [0, 0], sizes = [512, 128], strides = [1, 1]} : vector<512x256xf32> to vector<512x128xf32>
    %swap3A = arith.constant 0 : index
    %swap3A_12 = arith.constant 0 : index
    %swap3A_13 = vector.load %arg4[%swap3A, %swap3A_12] : memref<512x128xf32, #tpu.memory_space<vmem>>, vector<512x128xf32>
    tpu.vector_store %arg4[%swap3A, %swap3A_12], %slice3A {strides = array<i32>} : memref<512x128xf32, #tpu.memory_space<vmem>>, vector<512x128xf32>,
    %slice3A_14 = vector.extract_strided_slice %mul3A_11 {offsets = [0, 128], sizes = [512, 128], strides = [1, 1]} : vector<512x256xf32> to vector<512x128xf32>
    %swap3A_15 = arith.constant 0 : index
    %swap3A_16 = arith.constant 0 : index
    %swap3A_17 = vector.load %arg5[%swap3A_15, %swap3A_16] : memref<512x128xf32, #tpu.memory_space<vmem>>, vector<512x128xf32>
    tpu.vector_store %arg5[%swap3A_15, %swap3A_16], %slice3A_14 {strides = array<i32>} : memref<512x128xf32, #tpu.memory_space<vmem>>, vector<512x128xf32>,
    return
  }
  func.func @transform_0(%arg0: i32) -> (i32, i32) {
    %c0_i32 = arith.constant 0 : i32
    %c0_i32_0 = arith.constant 0 : i32
    return %arg0, %c0_i32 : i32, i32
  }
  func.func @transform_1(%arg0: i32) -> (i32, i32) {
    %c0_i32 = arith.constant 0 : i32
    %c0_i32_0 = arith.constant 0 : i32
    return %arg0, %c0_i32 : i32, i32
  }
  func.func @transform_2(%arg0: i32) -> (i32, i32) {
    %c0_i32 = arith.constant 0 : i32
    %c0_i32_0 = arith.constant 0 : i32
    %c0_i32_1 = arith.constant 0 : i32
    return %c0_i32, %c0_i32_0 : i32, i32
  }
  func.func @transform_3(%arg0: i32) -> (i32, i32) {
    %c0_i32 = arith.constant 0 : i32
    %c0_i32_0 = arith.constant 0 : i32
    return %arg0, %c0_i32 : i32, i32
  }
  func.func @transform_4(%arg0: i32) -> (i32, i32) {
    %c0_i32 = arith.constant 0 : i32
    %c0_i32_0 = arith.constant 0 : i32
    return %arg0, %c0_i32 : i32, i32
  }
}

module attributes {stable_mosaic.version = 14 : i64} {
  func.func @body(%arg0: i32, %arg1: memref<512x128xf32, #tpu.memory_space<vmem>>, %arg2: memref<512x128xf32, #tpu.memory_space<vmem>>, %arg3: memref<512x1xf32, #tpu.memory_space<vmem>>, %arg4: memref<1x256xf32, #tpu.memory_space<vmem>>, %arg5: memref<256x256xf32, #tpu.memory_space<vmem>>, %arg6: memref<512x128xf32, #tpu.memory_space<vmem>>, %arg7: memref<512x128xf32, #tpu.memory_space<vmem>>) attributes {dimension_semantics = [#tpu.dimension_semantics<arbitrary>], iteration_bounds = array<i64: 20>, scalar_prefetch = 0 : i64, scratch_operands = 0 : i64, tpu.core_type = #tpu.core_type<tc>, window_params = [{transform_indices = @transform_0, window_bounds = array<i64: 512, 128>}, {transform_indices = @transform_1, window_bounds = array<i64: 512, 128>}, {transform_indices = @transform_2, window_bounds = array<i64: 512, 1>}, {pipeline_mode = #tpu.pipeline_mode<synchronous>, transform_indices = @transform_3, window_bounds = array<i64: 1, 256>}, {pipeline_mode = #tpu.pipeline_mode<synchronous>, transform_indices = @transform_4, window_bounds = array<i64: 256, 256>}, {transform_indices = @transform_5, window_bounds = array<i64: 512, 128>}, {transform_indices = @transform_6, window_bounds = array<i64: 512, 128>}]} {
    %get3A = arith.constant 0 : index
    %get3A_0 = arith.constant 0 : index
    %get3A_1 = vector.load %arg3[%get3A, %get3A_0] : memref<512x1xf32, #tpu.memory_space<vmem>>, vector<512x1xf32>
    %add3A = arith.constant 1.000000e+00 : f32
    %add3A_2 = vector.broadcast %add3A : f32 to vector<512x1xf32>
    %add3A_3 = arith.addf %get3A_1, %add3A_2 : vector<512x1xf32>
    %rsqrt3A = math.rsqrt %add3A_3 : vector<512x1xf32>
    %get3A_4 = arith.constant 0 : index
    %get3A_5 = arith.constant 0 : index
    %get3A_6 = vector.load %arg1[%get3A_4, %get3A_5] : memref<512x128xf32, #tpu.memory_space<vmem>>, vector<512x128xf32>
    %get3A_7 = arith.constant 0 : index
    %get3A_8 = arith.constant 0 : index
    %get3A_9 = vector.load %arg2[%get3A_7, %get3A_8] : memref<512x128xf32, #tpu.memory_space<vmem>>, vector<512x128xf32>
    %concatenate3A = tpu.concatenate %get3A_6, %get3A_9 in 1 : vector<512x128xf32>, vector<512x128xf32> -> vector<512x256xf32>
    %mul3A = vector.broadcast %rsqrt3A : vector<512x1xf32> to vector<512x256xf32>
    %mul3A_10 = arith.mulf %concatenate3A, %mul3A : vector<512x256xf32>
    %get3A_11 = arith.constant 0 : index
    %get3A_12 = arith.constant 0 : index
    %get3A_13 = vector.load %arg4[%get3A_11, %get3A_12] : memref<1x256xf32, #tpu.memory_space<vmem>>, vector<1x256xf32>
    %add3A_14 = vector.broadcast %get3A_13 : vector<1x256xf32> to vector<512x256xf32>
    %add3A_15 = arith.addf %mul3A_10, %add3A_14 : vector<512x256xf32>
    %max3A = arith.constant 0.000000e+00 : f32
    %max3A_16 = vector.broadcast %max3A : f32 to vector<512x256xf32>
    %max3A_17 = arith.maximumf %add3A_15, %max3A_16 : vector<512x256xf32>
    %get3A_18 = arith.constant 0 : index
    %get3A_19 = arith.constant 0 : index
    %get3A_20 = vector.load %arg5[%get3A_18, %get3A_19] : memref<256x256xf32, #tpu.memory_space<vmem>>, vector<256x256xf32>
    %dot_general3A = arith.constant dense<0.000000e+00> : vector<512x256xf32>
    %dot_general3A_21 = tpu.matmul %max3A_17, %get3A_20, %dot_general3A {dimension_numbers = #tpu.dot_dimension_numbers<[1], [0], [0], [1], [0, 0, 1, 1], [], []>, precision = #tpu.contract_precision<fp32>, transpose_lhs_hint = false} : vector<512x256xf32>, vector<256x256xf32>, vector<512x256xf32> -> vector<512x256xf32>
    %mul3A_22 = vector.broadcast %rsqrt3A : vector<512x1xf32> to vector<512x256xf32>
    %mul3A_23 = arith.mulf %dot_general3A_21, %mul3A_22 : vector<512x256xf32>
    %slice3A = vector.extract_strided_slice %mul3A_23 {offsets = [0, 0], sizes = [512, 128], strides = [1, 1]} : vector<512x256xf32> to vector<512x128xf32>
    %swap3A = arith.constant 0 : index
    %swap3A_24 = arith.constant 0 : index
    %swap3A_25 = vector.load %arg6[%swap3A, %swap3A_24] : memref<512x128xf32, #tpu.memory_space<vmem>>, vector<512x128xf32>
    tpu.vector_store %arg6[%swap3A, %swap3A_24], %slice3A {strides = array<i32>} : memref<512x128xf32, #tpu.memory_space<vmem>>, vector<512x128xf32>,
    %slice3A_26 = vector.extract_strided_slice %mul3A_23 {offsets = [0, 128], sizes = [512, 128], strides = [1, 1]} : vector<512x256xf32> to vector<512x128xf32>
    %swap3A_27 = arith.constant 0 : index
    %swap3A_28 = arith.constant 0 : index
    %swap3A_29 = vector.load %arg7[%swap3A_27, %swap3A_28] : memref<512x128xf32, #tpu.memory_space<vmem>>, vector<512x128xf32>
    tpu.vector_store %arg7[%swap3A_27, %swap3A_28], %slice3A_26 {strides = array<i32>} : memref<512x128xf32, #tpu.memory_space<vmem>>, vector<512x128xf32>,
    return
  }
  func.func @transform_0(%arg0: i32) -> (i32, i32) {
    %c0_i32 = arith.constant 0 : i32
    %c0_i32_0 = arith.constant 0 : i32
    return %arg0, %c0_i32 : i32, i32
  }
  func.func @transform_1(%arg0: i32) -> (i32, i32) {
    %c0_i32 = arith.constant 0 : i32
    %c0_i32_0 = arith.constant 0 : i32
    return %arg0, %c0_i32 : i32, i32
  }
  func.func @transform_2(%arg0: i32) -> (i32, i32) {
    %c0_i32 = arith.constant 0 : i32
    %c0_i32_0 = arith.constant 0 : i32
    return %arg0, %c0_i32 : i32, i32
  }
  func.func @transform_3(%arg0: i32) -> (i32, i32) {
    %c0_i32 = arith.constant 0 : i32
    %c0_i32_0 = arith.constant 0 : i32
    %c0_i32_1 = arith.constant 0 : i32
    return %c0_i32, %c0_i32_0 : i32, i32
  }
  func.func @transform_4(%arg0: i32) -> (i32, i32) {
    %c0_i32 = arith.constant 0 : i32
    %c0_i32_0 = arith.constant 0 : i32
    %c0_i32_1 = arith.constant 0 : i32
    return %c0_i32, %c0_i32_0 : i32, i32
  }
  func.func @transform_5(%arg0: i32) -> (i32, i32) {
    %c0_i32 = arith.constant 0 : i32
    %c0_i32_0 = arith.constant 0 : i32
    return %arg0, %c0_i32 : i32, i32
  }
  func.func @transform_6(%arg0: i32) -> (i32, i32) {
    %c0_i32 = arith.constant 0 : i32
    %c0_i32_0 = arith.constant 0 : i32
    return %arg0, %c0_i32 : i32, i32
  }
}

module attributes {stable_mosaic.version = 14 : i64} {
  func.func @body(%arg0: i32, %arg1: memref<512x128xf32, #tpu.memory_space<vmem>>, %arg2: memref<512x128xf32, #tpu.memory_space<vmem>>, %arg3: memref<512x1xf32, #tpu.memory_space<vmem>>, %arg4: memref<1x256xf32, #tpu.memory_space<vmem>>, %arg5: memref<256x128xf32, #tpu.memory_space<vmem>>, %arg6: memref<512x128xf32, #tpu.memory_space<vmem>>, %arg7: memref<512x128xf32, #tpu.memory_space<vmem>>) attributes {dimension_semantics = [#tpu.dimension_semantics<arbitrary>], iteration_bounds = array<i64: 20>, scalar_prefetch = 0 : i64, scratch_operands = 0 : i64, tpu.core_type = #tpu.core_type<tc>, window_params = [{transform_indices = @transform_0, window_bounds = array<i64: 512, 128>}, {transform_indices = @transform_1, window_bounds = array<i64: 512, 128>}, {transform_indices = @transform_2, window_bounds = array<i64: 512, 1>}, {pipeline_mode = #tpu.pipeline_mode<synchronous>, transform_indices = @transform_3, window_bounds = array<i64: 1, 256>}, {pipeline_mode = #tpu.pipeline_mode<synchronous>, transform_indices = @transform_4, window_bounds = array<i64: 256, 128>}, {transform_indices = @transform_5, window_bounds = array<i64: 512, 128>}, {transform_indices = @transform_6, window_bounds = array<i64: 512, 128>}]} {
    %get3A = arith.constant 0 : index
    %get3A_0 = arith.constant 0 : index
    %get3A_1 = vector.load %arg3[%get3A, %get3A_0] : memref<512x1xf32, #tpu.memory_space<vmem>>, vector<512x1xf32>
    %add3A = arith.constant 1.000000e+00 : f32
    %add3A_2 = vector.broadcast %add3A : f32 to vector<512x1xf32>
    %add3A_3 = arith.addf %get3A_1, %add3A_2 : vector<512x1xf32>
    %rsqrt3A = math.rsqrt %add3A_3 : vector<512x1xf32>
    %get3A_4 = arith.constant 0 : index
    %get3A_5 = arith.constant 0 : index
    %get3A_6 = vector.load %arg1[%get3A_4, %get3A_5] : memref<512x128xf32, #tpu.memory_space<vmem>>, vector<512x128xf32>
    %get3A_7 = arith.constant 0 : index
    %get3A_8 = arith.constant 0 : index
    %get3A_9 = vector.load %arg2[%get3A_7, %get3A_8] : memref<512x128xf32, #tpu.memory_space<vmem>>, vector<512x128xf32>
    %concatenate3A = tpu.concatenate %get3A_6, %get3A_9 in 1 : vector<512x128xf32>, vector<512x128xf32> -> vector<512x256xf32>
    %mul3A = vector.broadcast %rsqrt3A : vector<512x1xf32> to vector<512x256xf32>
    %mul3A_10 = arith.mulf %concatenate3A, %mul3A : vector<512x256xf32>
    %get3A_11 = arith.constant 0 : index
    %get3A_12 = arith.constant 0 : index
    %get3A_13 = vector.load %arg4[%get3A_11, %get3A_12] : memref<1x256xf32, #tpu.memory_space<vmem>>, vector<1x256xf32>
    %add3A_14 = vector.broadcast %get3A_13 : vector<1x256xf32> to vector<512x256xf32>
    %add3A_15 = arith.addf %mul3A_10, %add3A_14 : vector<512x256xf32>
    %max3A = arith.constant 0.000000e+00 : f32
    %max3A_16 = vector.broadcast %max3A : f32 to vector<512x256xf32>
    %max3A_17 = arith.maximumf %add3A_15, %max3A_16 : vector<512x256xf32>
    %get3A_18 = arith.constant 0 : index
    %get3A_19 = arith.constant 0 : index
    %get3A_20 = vector.load %arg5[%get3A_18, %get3A_19] : memref<256x128xf32, #tpu.memory_space<vmem>>, vector<256x128xf32>
    %dot_general3A = arith.constant dense<0.000000e+00> : vector<512x128xf32>
    %dot_general3A_21 = tpu.matmul %max3A_17, %get3A_20, %dot_general3A {dimension_numbers = #tpu.dot_dimension_numbers<[1], [0], [0], [1], [0, 0, 1, 1], [], []>, precision = #tpu.contract_precision<fp32>, transpose_lhs_hint = false} : vector<512x256xf32>, vector<256x128xf32>, vector<512x128xf32> -> vector<512x128xf32>
    %mul3A_22 = vector.broadcast %rsqrt3A : vector<512x1xf32> to vector<512x128xf32>
    %mul3A_23 = arith.mulf %dot_general3A_21, %mul3A_22 : vector<512x128xf32>
    %broadcast_in_dim3A = arith.constant 0.000000e+00 : f32
    %broadcast_in_dim3A_24 = vector.broadcast %broadcast_in_dim3A : f32 to vector<512x64xf32>
    %slice3A = vector.extract_strided_slice %mul3A_23 {offsets = [0, 0], sizes = [512, 64], strides = [1, 1]} : vector<512x128xf32> to vector<512x64xf32>
    %concatenate3A_25 = tpu.concatenate %slice3A, %broadcast_in_dim3A_24 in 1 : vector<512x64xf32>, vector<512x64xf32> -> vector<512x128xf32>
    %swap3A = arith.constant 0 : index
    %swap3A_26 = arith.constant 0 : index
    %swap3A_27 = vector.load %arg6[%swap3A, %swap3A_26] : memref<512x128xf32, #tpu.memory_space<vmem>>, vector<512x128xf32>
    tpu.vector_store %arg6[%swap3A, %swap3A_26], %concatenate3A_25 {strides = array<i32>} : memref<512x128xf32, #tpu.memory_space<vmem>>, vector<512x128xf32>,
    %slice3A_28 = vector.extract_strided_slice %mul3A_23 {offsets = [0, 64], sizes = [512, 64], strides = [1, 1]} : vector<512x128xf32> to vector<512x64xf32>
    %concatenate3A_29 = tpu.concatenate %slice3A_28, %broadcast_in_dim3A_24 in 1 : vector<512x64xf32>, vector<512x64xf32> -> vector<512x128xf32>
    %swap3A_30 = arith.constant 0 : index
    %swap3A_31 = arith.constant 0 : index
    %swap3A_32 = vector.load %arg7[%swap3A_30, %swap3A_31] : memref<512x128xf32, #tpu.memory_space<vmem>>, vector<512x128xf32>
    tpu.vector_store %arg7[%swap3A_30, %swap3A_31], %concatenate3A_29 {strides = array<i32>} : memref<512x128xf32, #tpu.memory_space<vmem>>, vector<512x128xf32>,
    return
  }
  func.func @transform_0(%arg0: i32) -> (i32, i32) {
    %c0_i32 = arith.constant 0 : i32
    %c0_i32_0 = arith.constant 0 : i32
    return %arg0, %c0_i32 : i32, i32
  }
  func.func @transform_1(%arg0: i32) -> (i32, i32) {
    %c0_i32 = arith.constant 0 : i32
    %c0_i32_0 = arith.constant 0 : i32
    return %arg0, %c0_i32 : i32, i32
  }
  func.func @transform_2(%arg0: i32) -> (i32, i32) {
    %c0_i32 = arith.constant 0 : i32
    %c0_i32_0 = arith.constant 0 : i32
    return %arg0, %c0_i32 : i32, i32
  }
  func.func @transform_3(%arg0: i32) -> (i32, i32) {
    %c0_i32 = arith.constant 0 : i32
    %c0_i32_0 = arith.constant 0 : i32
    %c0_i32_1 = arith.constant 0 : i32
    return %c0_i32, %c0_i32_0 : i32, i32
  }
  func.func @transform_4(%arg0: i32) -> (i32, i32) {
    %c0_i32 = arith.constant 0 : i32
    %c0_i32_0 = arith.constant 0 : i32
    %c0_i32_1 = arith.constant 0 : i32
    return %c0_i32, %c0_i32_0 : i32, i32
  }
  func.func @transform_5(%arg0: i32) -> (i32, i32) {
    %c0_i32 = arith.constant 0 : i32
    %c0_i32_0 = arith.constant 0 : i32
    return %arg0, %c0_i32 : i32, i32
  }
  func.func @transform_6(%arg0: i32) -> (i32, i32) {
    %c0_i32 = arith.constant 0 : i32
    %c0_i32_0 = arith.constant 0 : i32
    return %arg0, %c0_i32 : i32, i32
  }
}

module attributes {stable_mosaic.version = 14 : i64} {
  func.func @body(%arg0: i32, %arg1: memref<512x128xf32, #tpu.memory_space<vmem>>, %arg2: memref<512x128xf32, #tpu.memory_space<vmem>>, %arg3: memref<512x1xf32, #tpu.memory_space<vmem>>, %arg4: memref<1x128xf32, #tpu.memory_space<vmem>>, %arg5: memref<512x128xf32, #tpu.memory_space<vmem>>) attributes {dimension_semantics = [#tpu.dimension_semantics<arbitrary>], iteration_bounds = array<i64: 20>, scalar_prefetch = 0 : i64, scratch_operands = 0 : i64, tpu.core_type = #tpu.core_type<tc>, window_params = [{transform_indices = @transform_0, window_bounds = array<i64: 512, 128>}, {transform_indices = @transform_1, window_bounds = array<i64: 512, 128>}, {transform_indices = @transform_2, window_bounds = array<i64: 512, 1>}, {pipeline_mode = #tpu.pipeline_mode<synchronous>, transform_indices = @transform_3, window_bounds = array<i64: 1, 128>}, {transform_indices = @transform_4, window_bounds = array<i64: 512, 128>}]} {
    %get3A = arith.constant 0 : index
    %get3A_0 = arith.constant 0 : index
    %get3A_1 = vector.load %arg3[%get3A, %get3A_0] : memref<512x1xf32, #tpu.memory_space<vmem>>, vector<512x1xf32>
    %add3A = arith.constant 1.000000e+00 : f32
    %add3A_2 = vector.broadcast %add3A : f32 to vector<512x1xf32>
    %add3A_3 = arith.addf %get3A_1, %add3A_2 : vector<512x1xf32>
    %rsqrt3A = math.rsqrt %add3A_3 : vector<512x1xf32>
    %get3A_4 = arith.constant 0 : index
    %get3A_5 = arith.constant 0 : index
    %get3A_6 = vector.load %arg1[%get3A_4, %get3A_5] : memref<512x128xf32, #tpu.memory_space<vmem>>, vector<512x128xf32>
    %slice3A = vector.extract_strided_slice %get3A_6 {offsets = [0, 0], sizes = [512, 64], strides = [1, 1]} : vector<512x128xf32> to vector<512x64xf32>
    %get3A_7 = arith.constant 0 : index
    %get3A_8 = arith.constant 0 : index
    %get3A_9 = vector.load %arg2[%get3A_7, %get3A_8] : memref<512x128xf32, #tpu.memory_space<vmem>>, vector<512x128xf32>
    %slice3A_10 = vector.extract_strided_slice %get3A_9 {offsets = [0, 0], sizes = [512, 64], strides = [1, 1]} : vector<512x128xf32> to vector<512x64xf32>
    %concatenate3A = tpu.concatenate %slice3A, %slice3A_10 in 1 : vector<512x64xf32>, vector<512x64xf32> -> vector<512x128xf32>
    %mul3A = vector.broadcast %rsqrt3A : vector<512x1xf32> to vector<512x128xf32>
    %mul3A_11 = arith.mulf %concatenate3A, %mul3A : vector<512x128xf32>
    %get3A_12 = arith.constant 0 : index
    %get3A_13 = arith.constant 0 : index
    %get3A_14 = vector.load %arg4[%get3A_12, %get3A_13] : memref<1x128xf32, #tpu.memory_space<vmem>>, vector<1x128xf32>
    %add3A_15 = vector.broadcast %get3A_14 : vector<1x128xf32> to vector<512x128xf32>
    %add3A_16 = arith.addf %mul3A_11, %add3A_15 : vector<512x128xf32>
    %reduce_max3A = arith.constant dense<0xFF800000> : vector<512xf32>
    %reduce_max3A_17 = vector.multi_reduction <maximumf>, %add3A_16, %reduce_max3A [1] : vector<512x128xf32> to vector<512xf32>
    %broadcast_in_dim3A = vector.shape_cast %reduce_max3A_17 : vector<512xf32> to vector<512x1xf32>
    %sub3A = vector.broadcast %broadcast_in_dim3A : vector<512x1xf32> to vector<512x128xf32>
    %sub3A_18 = arith.subf %add3A_16, %sub3A : vector<512x128xf32>
    %exp3A = math.exp %sub3A_18 : vector<512x128xf32>
    %reduce_sum3A = arith.constant dense<0.000000e+00> : vector<512xf32>
    %reduce_sum3A_19 = vector.multi_reduction <add>, %exp3A, %reduce_sum3A [1] : vector<512x128xf32> to vector<512xf32>
    %broadcast_in_dim3A_20 = vector.shape_cast %reduce_sum3A_19 : vector<512xf32> to vector<512x1xf32>
    %sub3A_21 = vector.broadcast %broadcast_in_dim3A : vector<512x1xf32> to vector<512x128xf32>
    %sub3A_22 = arith.subf %add3A_16, %sub3A_21 : vector<512x128xf32>
    %log3A = math.log %broadcast_in_dim3A_20 : vector<512x1xf32>
    %sub3A_23 = vector.broadcast %log3A : vector<512x1xf32> to vector<512x128xf32>
    %sub3A_24 = arith.subf %sub3A_22, %sub3A_23 : vector<512x128xf32>
    %swap3A = arith.constant 0 : index
    %swap3A_25 = arith.constant 0 : index
    %swap3A_26 = vector.load %arg5[%swap3A, %swap3A_25] : memref<512x128xf32, #tpu.memory_space<vmem>>, vector<512x128xf32>
    tpu.vector_store %arg5[%swap3A, %swap3A_25], %sub3A_24 {strides = array<i32>} : memref<512x128xf32, #tpu.memory_space<vmem>>, vector<512x128xf32>,
    return
  }
  func.func @transform_0(%arg0: i32) -> (i32, i32) {
    %c0_i32 = arith.constant 0 : i32
    %c0_i32_0 = arith.constant 0 : i32
    return %arg0, %c0_i32 : i32, i32
  }
  func.func @transform_1(%arg0: i32) -> (i32, i32) {
    %c0_i32 = arith.constant 0 : i32
    %c0_i32_0 = arith.constant 0 : i32
    return %arg0, %c0_i32 : i32, i32
  }
  func.func @transform_2(%arg0: i32) -> (i32, i32) {
    %c0_i32 = arith.constant 0 : i32
    %c0_i32_0 = arith.constant 0 : i32
    return %arg0, %c0_i32 : i32, i32
  }
  func.func @transform_3(%arg0: i32) -> (i32, i32) {
    %c0_i32 = arith.constant 0 : i32
    %c0_i32_0 = arith.constant 0 : i32
    %c0_i32_1 = arith.constant 0 : i32
    return %c0_i32, %c0_i32_0 : i32, i32
  }
  func.func @transform_4(%arg0: i32) -> (i32, i32) {
    %c0_i32 = arith.constant 0 : i32
    %c0_i32_0 = arith.constant 0 : i32
    return %arg0, %c0_i32 : i32, i32
  }
}

</mosaic_0001>

<sc_bundles>
// kernel: kernel.13.cloned.1.call-start
scs
__scs_entry_jumppad:
0x0: {  	(pc) =	sbr.rel $0x88, $3  }
0x1: {  	(tag) =	ssettag $0x0;
	lr =	simm.s32 $0x1  }
0x2: {  	[smem:$0x3F99] =	sst lr;
	_ =	strace $0xD0000000  }
0x3: {  	_ = 	snop  }
0x4: {  	_ = 	snop  }
0x5: {  	_ = 	snop  }
0x6: {  	_ = 	snop  }
0x7: {  	_ = 	snop  }
__scs_overlays_trampoline_lowered:
0x8: {  	[smem:$0x3FA8] =	sst s0  }
0x9: {  	[smem:$0x3FA9] =	sst s1  }
0xa: {  	[smem:$0x3FAA] =	sst s2  }
0xb: {  	[smem:$0x3FAB] =	sst s3  }
0xc: {  	[smem:$0x3FAC] =	sst s4  }
0xd: {  	[smem:$0x3FAD] =	sst s5  }
0xe: {  	[smem:$0x3FAE] =	sst s6  }
0xf: {  	[smem:$0x3FAF] =	sst s7  }
0x10: {  	[smem:$0x3FB0] =	sst s8  }
0x11: {  	[smem:$0x3FB1] =	sst s9;
	s0 =	simm.s32 @!p0 $0x0  }
0x12: {  	s1 =	sld [smem:$0x3F97];
	s0 =	simm.s32 @p0 $0x1  }
0x13: {  	[smem:$0x3FB2] =	sst s0;
	s0 =	simm.s32 @!p1 $0x0  }
0x14: {  	s2 =	sld [smem:$0x3F96];
	s0 =	simm.s32 @p1 $0x1  }
0x15: {  	[smem:$0x3FB3] =	sst s0;
	s0 =	simm.s32 @!p2 $0x0  }
0x16: {  	s3 =	sld [smem:$0x3FDB];
	s0 =	simm.s32 @p2 $0x1  }
0x17: {  	s4 =	simm.s32 $0x1BF5;
	[smem:$0x3FB5] =	sst s0  }
0x18: {  	s0 =	sld [smem:$0x3F98];
	_ =	swait.ge [sflag:s4], $0x0  }
0x19: {  	s7 =	sld [smem:$0x3F99]  }
0x1a: {  	s8 =	sadd.s32 $0xFFFFE003, lr  }
0x1b: {  	s9 =	sadd.s32 $0xFFFFFEF7, lr;
	s5 =	simm.s32 $0xFFFFFFFF;
	p2 =	slt.u32 s8, $0xFFFFF086  }
0x1c: {  	p1 =	slt.u32 s9, $0xF7A;
	s5 =	simm.s32 @!p2 $0x0  }
0x1d: {  	s5 =	simm.s32 @p1 $0x1;
	p0 =	seq.s32 s7, s2  }
0x1e: {  	s7 =	smul.u32 @!p0 $0xF7A, s2;
	p2 =	seq.s32 @!p0 s5, $0x0  }
0x1f: {  	s9 =	smul.u32 $0xF7A, s1;
	s8 =	simm.s32 @!p0 $0x1BF5;
	p2 =	por !p2, p0  }
0x20: {  	[sflag:s8] =	ssyncset.s32 @!p0 $0xFFFFF086;
	s6 =	sadd.s32 @!p0 s3, s7;
	s7 =	simm.s32 @!p0 $0x108  }
0x21: {  	s3 =	sadd.s32 s3, s9;
	s6 =	sadd.s32 @!p0 $0x88, s6;
	s7 =	simm.s32 @p2 $0x1082  }
0x22: {  	[simem:s7], [sflag:s8] =	dma.local @!p0 [hbm:s6], $0xF7A  }
0x23: {  	s9 =	sor.u32 $0xD0000000, s2;
	s6 =	simm.s32 $0x108;
	_ =	swait.ge @!p0 [sflag:s8], $0x0  }
0x24: {  	s3 =	sadd.s32 $0x88, s3;
	s6 =	simm.s32 @!p1 $0x1082;
	[sflag:s4] =	ssyncset.s32 $0xFFFFF086  }
0x25: {  	[simem:s6], [sflag:s4] =	dma.local [hbm:s3], $0xF7A  }
0x26: {  	[smem:$0x3F99] =	sst s1;
	(tag) =	ssettag s2;
	_ =	strace s9  }
0x27: {  	s1 =	sld [smem:$0x3FA9]  }
0x28: {  	s2 =	sld [smem:$0x3FAA]  }
0x29: {  	s4 =	sld [smem:$0x3FAC]  }
0x2a: {  	p0 =	seq.s32 s5, $0x0;
	s5 =	sld [smem:$0x3FAD]  }
0x2b: {  	s6 =	sld [smem:$0x3FAE]  }
0x2c: {  	s7 =	sld [smem:$0x3FAF]  }
0x2d: {  	s3 =	simm.s32 $0x108;
	s8 =	sld [smem:$0x3FB0]  }
0x2e: {  	s3 =	simm.s32 @!p0 $0x1082;
	s9 =	sld [smem:$0x3FB1]  }
0x2f: {  	lr =	sadd.s32 s0, s3;
	s0 =	sld [smem:$0x3FA8]  }
0x30: {  	s3 =	sld [smem:$0x3FAB]  }
0x31: {  	[smem:$0x3FB4] =	sst s10  }
0x32: {  	s10 =	sld [smem:$0x3FB2];
	_ =	sdelay $0x3  }
0x33: {  	p0 =	seq.s32 s10, $0x1;
	s10 =	sld [smem:$0x3FB4];
	_ =	sdelay $0x3  }
0x34: {  	[smem:$0x3FB4] =	sst s10  }
0x35: {  	s10 =	sld [smem:$0x3FB3];
	_ =	sdelay $0x3  }
0x36: {  	p1 =	seq.s32 s10, $0x1;
	s10 =	sld [smem:$0x3FB4];
	_ =	sdelay $0x3  }
0x37: {  	[smem:$0x3FB4] =	sst s10  }
0x38: {  	s10 =	sld [smem:$0x3FB5]  }
0x39: {  	_ = 	snop;
	(pc) =	sbr.ind lr, $3  }
0x3a: {  	_ = 	snop  }
0x3b: {  	_ = 	snop  }
0x3c: {  	p2 =	seq.s32 s10, $0x1;
	s10 =	sld [smem:$0x3FB4]  }
0x3d: {  	_ =	shalt  }
0x3e: {  	_ =	shalt  }
0x3f: {  	_ =	shalt  }
0x40: {  	_ =	shalt  }
0x41: {  	_ =	shalt  }
0x42: {  	_ =	shalt  }
0x43: {  	_ =	shalt  }
0x44: {  	_ =	shalt  }
0x45: {  	_ =	shalt  }
0x46: {  	_ =	shalt  }
0x47: {  	_ =	shalt  }
0x48: {  	_ =	shalt  }
0x49: {  	_ =	shalt  }
0x4a: {  	_ =	shalt  }
0x4b: {  	_ =	shalt  }
0x4c: {  	_ =	shalt  }
0x4d: {  	_ =	shalt  }
0x4e: {  	_ =	shalt  }
0x4f: {  	_ =	shalt  }
0x50: {  	_ =	shalt  }
0x51: {  	_ =	shalt  }
0x52: {  	_ =	shalt  }
0x53: {  	_ =	shalt  }
0x54: {  	_ =	shalt  }
0x55: {  	_ =	shalt  }
0x56: {  	_ =	shalt  }
0x57: {  	_ =	shalt  }
0x58: {  	_ =	shalt  }
0x59: {  	_ =	shalt  }
0x5a: {  	_ =	shalt  }
0x5b: {  	_ =	shalt  }
0x5c: {  	_ =	shalt  }
0x5d: {  	_ =	shalt  }
0x5e: {  	_ =	shalt  }
0x5f: {  	_ =	shalt  }
0x60: {  	_ =	shalt  }
0x61: {  	_ =	shalt  }
0x62: {  	_ =	shalt  }
0x63: {  	_ =	shalt  }
0x64: {  	_ =	shalt  }
0x65: {  	_ =	shalt  }
0x66: {  	_ =	shalt  }
0x67: {  	_ =	shalt  }
0x68: {  	_ =	shalt  }
0x69: {  	_ =	shalt  }
0x6a: {  	_ =	shalt  }
0x6b: {  	_ =	shalt  }
0x6c: {  	_ =	shalt  }
0x6d: {  	_ =	shalt  }
0x6e: {  	_ =	shalt  }
0x6f: {  	_ =	shalt  }
0x70: {  	_ =	shalt  }
0x71: {  	_ =	shalt  }
0x72: {  	_ =	shalt  }
0x73: {  	_ =	shalt  }
0x74: {  	_ =	shalt  }
0x75: {  	_ =	shalt  }
0x76: {  	_ =	shalt  }
0x77: {  	_ =	shalt  }
0x78: {  	_ =	shalt  }
0x79: {  	_ =	shalt  }
0x7a: {  	_ =	shalt  }
0x7b: {  	_ =	shalt  }
0x7c: {  	_ =	shalt  }
0x7d: {  	_ =	shalt  }
0x7e: {  	_ =	shalt  }
0x7f: {  	_ =	shalt  }
0x80: {  	_ =	shalt  }
0x81: {  	_ =	shalt  }
0x82: {  	_ =	shalt  }
0x83: {  	_ =	shalt  }
0x84: {  	_ =	shalt  }
0x85: {  	_ =	shalt  }
0x86: {  	_ =	shalt  }
0x87: {  	_ =	shalt  }
.Lfunc_end0:
.L_simem_size_0:
called_computation_lowered:
.L_overlay_start_0:
0x88: {  	s2 =	sld [smem:$0x3FD9]  }
0x89: {  	s3 =	sld [smem:$0x3FFE];
	_ =	sdelay $0x1  }
0x8a: {  	s1 =	srdreg.scid  }
0x8b: {  	s0 =	sand.u32 $0x1, s1  }
0x8c: {  	s17 =	sshll.u32 s0, $0xA;
	s2 =	sadd.s32 s3, s2  }
0x8d: {  	s2 =	sadd.s32 s2, s17  }
0x8e: {  	[smem:$0x3FC0] =	sst s2  }
0x8f: {  	_ = 	snop  }
0x90: {  	s2 =	sld [smem:$0x3FD0];
	(tm) =	ssettm $0x1  }
0x91: {  	s18 =	sld [smem:$0x3FFB];
	_ =	sdelay $0x3  }
0x92: {  	_ =	strace s18  }
0x93: {  	s3 =	sld [smem:$0x3FFC];
	_ =	sdelay $0x3  }
0x94: {  	_ =	strace s3  }
0x95: {  	s3 =	sld [smem:$0x3FFD];
	_ =	sdelay $0x3  }
0x96: {  	_ =	strace s3  }
0x97: {  	_ =	strace $0x8FFFFFFF  }
0x98: {  	s19 =	sld [smem:$0x3FDB];
	_ =	sdelay $0x1  }
0x99: {  	s4 =	simm.s32 $_scs_section_size  }
0x9a: {  	s5 =	simm.s32 $_size__tile_overlayer_lowered;
	s6 =	simm.s32 $_tile_overlayer_lowered  }
0x9b: {  	s22 =	simm.s32 $0x1BFF;
	s21 =	sshll.u32 s6, $0x1;
	s3 =	sadd.s32 s4, s19  }
0x9c: {  	s7 =	simm.s32 $0x0;
	s20 =	sshll.u32 s5, $0x1;
	s5 =	sadd.s32 s21, s3  }
0x9d: {  	[timem:s7], [sflag:s22] =	dma.local [hbm:s5], s20  }
0x9e: {  	_ =	swait.ge [sflag:s22], s20  }
0x9f: {  	s4 =	ssub.s32 $0x0, s20;
	[sflag:s22] =	ssyncset.done $0x0  }
0xa0: {  	[sflag:s22] =	ssyncadd.s32 s4;
	_ =	sdelay $0x1  }
0xa1: {  	s23 =	simm.s32 $0x1B8B  }
0xa2: {  	_ =	swait.ge [sflag:s23], $0x1  }
0xa3: {  	[sflag:s23] =	ssyncset.done $0x0  }
0xa4: {  	s25 =	simm.s32 $0x1B8E;
	s24 =	sld [smem:$0x3FFE];
	[sflag:s23] =	ssyncadd.s32 $0xFFFFFFFF  }
0xa5: {  	s26 =	simm.s32 $execute0_lowered;
	[smem:$0x3FD2] =	sst s25  }
0xa6: {  	s5 =	sshll.u32 s26, $0x1;
	_ =	strace $0x80000046;
	[dreg:$0x1] =	wrdreg $0xFFFFFFFF  }
0xa7: {  	s28 =	simm.s32 $_size_execute0_lowered;
	s3 =	sadd.s32 s3, s5;
	[dreg:$0x0] =	wrdreg $0x0  }
0xa8: {  	s5 =	sshll.u32 s28, $0x1;
	[dreg:$0x2] =	wrdreg s3  }
0xa9: {  	[dreg:$0x3] =	wrdreg s5  }
0xaa: {  	[dreg:$0x4] =	wrdreg $0xC0  }
0xab: {  	_ =	task [dreg:s7], $0x5FFFF  }
0xac: {  	[dreg:$0x1] =	wrdreg $0xFFFFFFFF  }
0xad: {  	[dreg:$0x0] =	wrdreg $0x60  }
0xae: {  	[dreg:$0x2] =	wrdreg s2  }
0xaf: {  	[dreg:$0x3] =	wrdreg s24  }
0xb0: {  	[dreg:$0x4] =	wrdreg $0x7A800  }
0xb1: {  	[dreg:$0x5] =	wrdreg $0x9  }
0xb2: {  	_ =	task.clear_ibuf [dreg:s7], $0x6FFFF;
	_ =	strace $0x90000046  }
0xb3: {  	s29 =	simm.s32 $0x9;
	_ =	strace $0x80000048  }
0xb4: {  	_ =	swait.ge [sflag:s29], $0x1  }
0xb5: {  	[sflag:s29] =	ssyncadd.s32 $0xFFFFFFFF  }
0xb6: {  	_ =	strace $0x90000048  }
0xb7: {  	_ =	sfence  }
0xb8: {  	s30 =	sld [smem:$0x0];
	_ =	sdelay $0x2  }
0xb9: {  	s31 =	sshll.u32 s1, $0xD;
	s1 =	sshrl.u32 s1, $0x2  }
0xba: {  	s3 =	sand.u32 $0x4000, s31;
	s1 =	sadd.s32 s1, s30  }
0xbb: {  	s0 =	sor.u32 s3, s0;
	s1 =	sshll.u32 s1, $0x11  }
0xbc: {  	s0 =	sor.u32 s1, s0  }
0xbd: {  	s0 =	sadd.s32 $0x8F2B, s0  }
0xbe: {  	[sflag:s0] =	ssyncadd.remote.s32 $0x1  }
0xbf: {  	_ =	sfence.sel $0xFFFF  }
0xc0: {  	[dreg:$0x0] =	wrdreg $0xFFFFFFFF;
	(pc) =	sbr.abs _section_cstart, $3  }
0xc1: {  	[dreg:$0x1] =	wrdreg $0xFFFFFFFF  }
0xc2: {  	_ =	task.clear_ibuf [dreg:s7], $0x2FFFF;
	_ =	strace $0x9FFFFFFF  }
0xc3: {  	(tm) =	ssettm $0x7FFFFFFF  }
tec
execute0_lowered:
.L_overlay_start_1:
0x0: {  	(tag) =	ssettag $0x1  }
0x1: {  	s4 =	rddreg [dreg:$0x0]  }
0x2: {  	s5 =	rddreg [dreg:$0x1]  }
0x3: {  	s6 =	rddreg [dreg:$0x2]  }
0x4: {  	s0 =	rddreg [dreg:$0x3];
	s2 =	simm.s32 $0x0  }
0x5: {  	s1 =	stileid.u32;
	s7 =	srdreg.scid;
	s12 =	simm.s32 $0x2800  }
0x6: {  	s13 =	simm.s32 $0x1400;
	s14 =	simm.s32 $0x14000;
	s15 =	simm.s32 $0x5000  }
0x7: {  	[smem:$0x7FF] =	sst s2;
	s3 =	sadd.s32 $0x6400, s5;
	s9 =	smul.u32 $0x50, s1  }
0x8: {  	s8 =	sshrl.u32 s1, $0x3;
	s16 =	sand.u32 $0x1, s7;
	s29 =	smul.u32 $0x5000, s1  }
0x9: {  	s28 =	sshll.u32 s1, $0x7;
	_ =	strace $0x80000047;
	s26 =	smul.u32 $0x14000, s8  }
0xa: {  	s10 =	ssub.s32 $0x2, s16;
	s8 =	sand.u32 $0x380, s28;
	p0 =	sne.s32 s16, $0x0  }
0xb: {  	s16 =	simm.s32 $0x0;
	s11 =	sshrl.u32 s10, $0x1;
	s9 =	sadd.s32 s9, s5  }
0xc: {  	s31 =	sshrl.u32 s29, $0x2;
	s7 =	sor.u32 s8, s26;
	s10 =	ssub.s32 s10, s11  }
0xd: {  	s11 =	simm.s32 $0x1;
	s30 =	sshrl.u32 s7, $0x3;
	s5 =	sadd.s32 s7, s6  }
0xe: {  	s6 =	sadd.s32 s31, s6;
	s7 =	sadd.s32 $0x6A00, s9;
	s8 =	smax.u32 s10, $0x1  }
0xf: {  	v0 =	vimm.f32 $1.000000000e+00;
	s9 =	simm.s32 $0x80;
	s10 =	simm.s32 $0x400;
	s4 =	sadd.s32 s4, s30  }
.LBB2_1:
0x10: {  	[tilespmem:s2], [sflag:$0x1] =	stream.strided.gather [hbm4b:s4+s9], $0x2800, s10, s9, $0x38;
	[tilespmem:$0xA280] =	vst v63  }
0x11: {  	_ =	swait.ge [sflag:s11], $0x2800  }
0x12: {  	[sflag:s11] =	ssyncset.done $0x0  }
0x13: {  	[sflag:s11] =	ssyncadd.s32 $0xFFFFD800  }
0x14: {  	[tilespmem:s12], [sflag:$0x1] =	stream.linear.gather [hbm4b:s3+s2], $0x2800, $0x38;
	[tilespmem:$0xA280] =	vst v63  }
0x15: {  	_ =	swait.ge [sflag:s11], $0x2800  }
0x16: {  	[sflag:s11] =	ssyncset.done $0x0  }
0x17: {  	s18 =	simm.s32 $0x0;
	s17 =	simm.s32 $0x40;
	[sflag:s11] =	ssyncadd.s32 $0xFFFFD800  }
.LBB2_2:
0x18: {  	p1 =	sne.s32 s17, $0x9FC0;
	v1 =	vld [tilespmem:s18+$0x0];
	_ =	sdelay $0x3  }
.Ltmp0:
0x19: {  	(pc) =	sbr.rel @p1 .LBB2_2-.Ltmp0, $2  }
0x1a: {  	_ =	sdelay $0x2  }
0x1b: {  	s18 =	sshra.s32 s17, $0x2;
	s17 =	sadd.s32 $0x40, s17;
	[tilespmem:v1+s12+$0x0] =	vst.idx.add.f32.msk $0xffff, v0  }
0x1c: {  	v1 =	vld [tilespmem:s18+$0x0];
	_ =	sdelay $0x7  }
0x1d: {  	[tilespmem:v1+s12+$0x0] =	vst.idx.add.f32.msk $0xffff, v0  }
0x1e: {  	[spmem:s5] =	stream.strided.scatter [tilespmem:s12], [sflag:$0x1], $0x2800, s10, s9, $0x38;
	[tilespmem:$0xA280] =	vst v63  }
0x1f: {  	_ =	swait.ge [sflag:s11], $0x2800  }
0x20: {  	[sflag:s11] =	ssyncset.done $0x0  }
0x21: {  	[sflag:s11] =	ssyncadd.s32 $0xFFFFD800  }
0x22: {  	[bflag:$0x0] =	sbarrier.arrive $0xFFFF  }
0x23: {  	[tilespmem:s15], [sflag:$0x1] =	stream.strided.gather [spmem:s6], $0x2800, s14, s13, $0x38;
	[tilespmem:$0xA280] =	vst v63  }
0x24: {  	s17 =	simm.s32 $0x0;
	_ =	swait.ge [sflag:s11], $0x2800  }
0x25: {  	s30 =	sand.u32 $0x70, s17;
	s17 =	sand.u32 $0x1C00, s17;
	[sflag:s11] =	ssyncset.done $0x0  }
0x26: {  	s17 =	sor.u32 s30, s17;
	[sflag:s11] =	ssyncadd.s32 $0xFFFFD800  }
0x27: {  	v1 =	vld [tilespmem:s17+$0x5080]  }
0x28: {  	v2 =	vld [tilespmem:s17+$0x5000];
	_ =	sdelay $0x1  }
0x29: {  	v3 =	vld [tilespmem:s17+$0x5100];
	_ =	sdelay $0x1  }
0x2a: {  	v4 =	vld [tilespmem:s17+$0x5180]  }
0x2b: {  	v1 =	vadd.f32 v1, v2  }
0x2c: {  	v2 =	vld [tilespmem:s17+$0x5200]  }
0x2d: {  	v1 =	vadd.f32 v3, v1  }
0x2e: {  	v3 =	vld [tilespmem:s17+$0x5280]  }
0x2f: {  	v1 =	vadd.f32 v4, v1  }
0x30: {  	v60 =	vld [tilespmem:s17+$0x5300]  }
0x31: {  	v1 =	vadd.f32 v2, v1  }
0x32: {  	v2 =	vld [tilespmem:s17+$0x5380]  }
0x33: {  	v1 =	vadd.f32 v3, v1  }
0x34: {  	v3 =	vld [tilespmem:s17+$0x6400]  }
0x35: {  	v1 =	vadd.f32 v60, v1  }
0x36: {  	v61 =	vld [tilespmem:s17+$0x6480]  }
0x37: {  	v1 =	vadd.f32 v2, v1  }
0x38: {  	v2 =	vld [tilespmem:s17+$0x6500]  }
0x39: {  	v1 =	vadd.f32 v3, v1  }
0x3a: {  	v3 =	vld [tilespmem:s17+$0x6580]  }
0x3b: {  	v1 =	vadd.f32 v61, v1  }
0x3c: {  	v62 =	vld [tilespmem:s17+$0x6600]  }
0x3d: {  	v1 =	vadd.f32 v2, v1  }
0x3e: {  	v2 =	vld [tilespmem:s17+$0x6680]  }
0x3f: {  	v1 =	vadd.f32 v3, v1  }
0x40: {  	v3 =	vld [tilespmem:s17+$0x6700]  }
0x41: {  	v1 =	vadd.f32 v62, v1  }
0x42: {  	v63 =	vld [tilespmem:s17+$0x6780]  }
0x43: {  	v1 =	vadd.f32 v2, v1;
	_ =	sdelay $0x1  }
0x44: {  	v1 =	vadd.f32 v3, v1;
	_ =	sdelay $0x1  }
0x45: {  	s31 =	simm.s32 $0x10;
	s19 =	simm.s32 $0x80;
	v1 =	vadd.f32 v63, v1  }
0x46: {  	s18 =	sand.u32 $0x70, s31;
	s20 =	sand.u32 $0x1C00, s19;
	s17 =	simm.s32 $0x7800  }
0x47: {  	s18 =	sor.u32 s18, s20;
	s20 =	simm.s32 $0x20;
	[tilespmem:s17+$0x0] =	vst v1  }
.LBB2_4:
0x48: {  	p1 =	sne.s32 s20, $0x270;
	v1 =	vld [tilespmem:s18+$0x5080]  }
0x49: {  	v2 =	vld [tilespmem:s18+$0x5000];
	_ =	sdelay $0x1  }
0x4a: {  	v3 =	vld [tilespmem:s18+$0x5100];
	_ =	sdelay $0x1  }
0x4b: {  	v4 =	vld [tilespmem:s18+$0x5180]  }
0x4c: {  	v1 =	vadd.f32 v1, v2  }
0x4d: {  	v2 =	vld [tilespmem:s18+$0x5200]  }
0x4e: {  	v1 =	vadd.f32 v3, v1  }
0x4f: {  	v3 =	vld [tilespmem:s18+$0x5280]  }
0x50: {  	v1 =	vadd.f32 v4, v1  }
0x51: {  	v4 =	vld [tilespmem:s18+$0x5300]  }
0x52: {  	v1 =	vadd.f32 v2, v1  }
0x53: {  	v2 =	vld [tilespmem:s18+$0x5380]  }
0x54: {  	v1 =	vadd.f32 v3, v1  }
0x55: {  	v3 =	vld [tilespmem:s18+$0x6400]  }
0x56: {  	v1 =	vadd.f32 v4, v1  }
0x57: {  	v4 =	vld [tilespmem:s18+$0x6480]  }
0x58: {  	v1 =	vadd.f32 v2, v1  }
0x59: {  	v2 =	vld [tilespmem:s18+$0x6500]  }
0x5a: {  	v1 =	vadd.f32 v3, v1  }
0x5b: {  	v3 =	vld [tilespmem:s18+$0x6580]  }
0x5c: {  	v1 =	vadd.f32 v4, v1  }
0x5d: {  	v4 =	vld [tilespmem:s18+$0x6600]  }
0x5e: {  	v1 =	vadd.f32 v2, v1  }
0x5f: {  	v2 =	vld [tilespmem:s18+$0x6680]  }
0x60: {  	v1 =	vadd.f32 v3, v1  }
0x61: {  	v3 =	vld [tilespmem:s18+$0x6700]  }
0x62: {  	v1 =	vadd.f32 v4, v1  }
0x63: {  	v4 =	vld [tilespmem:s18+$0x6780]  }
0x64: {  	v1 =	vadd.f32 v2, v1;
	_ =	sdelay $0x1  }
.Ltmp1:
0x65: {  	v1 =	vadd.f32 v3, v1;
	(pc) =	sbr.rel @p1 .LBB2_4-.Ltmp1, $4  }
0x66: {  	_ = 	snop  }
0x67: {  	s19 =	sadd.s32 $0x80, s19;
	v1 =	vadd.f32 v4, v1  }
0x68: {  	s17 =	sadd.s32 $0x10, s17;
	s21 =	sand.u32 $0x1C00, s19;
	s18 =	sand.u32 $0x70, s20  }
0x69: {  	s20 =	sadd.s32 $0x10, s20;
	s18 =	sor.u32 s18, s21;
	[tilespmem:s17+$0x0] =	vst v1  }
0x6a: {  	v1 =	vld [tilespmem:s18+$0x5080]  }
0x6b: {  	v2 =	vld [tilespmem:s18+$0x5000];
	_ =	sdelay $0x1  }
0x6c: {  	v3 =	vld [tilespmem:s18+$0x5100];
	_ =	sdelay $0x1  }
0x6d: {  	v4 =	vld [tilespmem:s18+$0x5180]  }
0x6e: {  	v1 =	vadd.f32 v1, v2  }
0x6f: {  	v2 =	vld [tilespmem:s18+$0x5200]  }
0x70: {  	v1 =	vadd.f32 v3, v1  }
0x71: {  	v3 =	vld [tilespmem:s18+$0x5280]  }
0x72: {  	v1 =	vadd.f32 v4, v1  }
0x73: {  	v60 =	vld [tilespmem:s18+$0x5300]  }
0x74: {  	v1 =	vadd.f32 v2, v1  }
0x75: {  	v2 =	vld [tilespmem:s18+$0x5380]  }
0x76: {  	v1 =	vadd.f32 v3, v1  }
0x77: {  	v3 =	vld [tilespmem:s18+$0x6400]  }
0x78: {  	v1 =	vadd.f32 v60, v1  }
0x79: {  	v61 =	vld [tilespmem:s18+$0x6480]  }
0x7a: {  	v1 =	vadd.f32 v2, v1  }
0x7b: {  	v2 =	vld [tilespmem:s18+$0x6500]  }
0x7c: {  	v1 =	vadd.f32 v3, v1  }
0x7d: {  	v3 =	vld [tilespmem:s18+$0x6580]  }
0x7e: {  	v1 =	vadd.f32 v61, v1  }
0x7f: {  	v62 =	vld [tilespmem:s18+$0x6600]  }
0x80: {  	v1 =	vadd.f32 v2, v1  }
0x81: {  	v2 =	vld [tilespmem:s18+$0x6680]  }
0x82: {  	v1 =	vadd.f32 v3, v1  }
0x83: {  	v3 =	vld [tilespmem:s18+$0x6700]  }
0x84: {  	v1 =	vadd.f32 v62, v1  }
0x85: {  	v63 =	vld [tilespmem:s18+$0x6780]  }
0x86: {  	v1 =	vadd.f32 v2, v1;
	_ =	sdelay $0x1  }
0x87: {  	v1 =	vadd.f32 v3, v1;
	_ =	sdelay $0x1  }
0x88: {  	v1 =	vadd.f32 v63, v1  }
0x89: {  	s17 =	sadd.s32 $0x10, s17;
	s16 =	sadd.s32 $0x1, s16  }
0x8a: {  	p1 =	sne.s32 s16, s8;
	s18 =	simm.s32 @!p0 $0x7800;
	[tilespmem:s17+$0x0] =	vst v1;
	s17 =	simm.s32 @!p0 $0x0  }
0x8b: {  	[hbm4b:s7+s17] =	stream.linear.scatter @!p0 [tilespmem:s18], [sflag:$0x1], $0x280, $0x38;
	[tilespmem:$0xA280] =	vst v63  }
.Ltmp2:
0x8c: {  	_ = 	snop;
	(pc) =	sbr.rel @p1 .LBB2_1-.Ltmp2, $4  }
0x8d: {  	s17 =	simm.s32 @!p0 $0x1  }
0x8e: {  	_ =	swait.ge @!p0 [sflag:s17], $0x280  }
0x8f: {  	[sflag:s17] =	ssyncset.done @!p0 $0x0  }
0x90: {  	[sflag:s17] =	ssyncadd.s32 @!p0 $0xFFFFFD80  }
0x91: {  	_ =	sfence.sel $0x180000  }
0x92: {  	[bflag:$0x0] =	sbarrier.arrive $0xFFFF  }
0x93: {  	p0 =	sne.s32 s1, $0x0;
	_ =	strace $0x90000047  }
0x94: {  	s0 =	sadd.s32 @!p0 $0x100000, s0;
	[bflag:$0x2] =	sbarrier.arrive $0xFFFF  }
0x95: {  	[sflag:s0] =	ssyncadd.tile.s32 @!p0 $0x1;
	_ =	shalt  }
.Lfunc_end2:
_tile_overlayer_lowered:
.L_overlay_start_2:
0x96: {  	(tag) =	ssettag $0x2  }
0x97: {  	s0 =	rddreg [dreg:$0x0];
	s2 =	stileid.u32  }
0x98: {  	s1 =	rddreg [dreg:$0x1];
	p0 =	sne.s32 s2, $0x0  }
0x99: {  	s3 =	rddreg [dreg:$0x2];
	[bflag:$0x3] =	sbarrier.arrive $0xFFFF;
	s2 =	simm.s32 @!p0 $0x1C01  }
0x9a: {  	[timem:s3], [sflag:s2] =	dma.local @!p0 [hbm:s0], s1  }
0x9b: {  	s0 =	simm.s32 @!p0 $0x1  }
0x9c: {  	_ =	swait.ge @!p0 [sflag:s0], s1  }
0x9d: {  	s1 =	ssub.s32 @!p0 $0x0, s1;
	[sflag:s0] =	ssyncset.done @!p0 $0x0  }
0x9e: {  	[sflag:s0] =	ssyncadd.s32 @!p0 s1  }
0x9f: {  	[bflag:$0x3] =	sbarrier.arrive $0xFFFF  }
0xa0: {  	_ =	shalt  }

// kernel: kernel.16.cloned.1.call-start
scs
__scs_entry_jumppad:
0x0: {  	(pc) =	sbr.rel $0x88, $3  }
0x1: {  	(tag) =	ssettag $0x0;
	lr =	simm.s32 $0x1  }
0x2: {  	[smem:$0x3F99] =	sst lr;
	_ =	strace $0xD0000000  }
0x3: {  	_ = 	snop  }
0x4: {  	_ = 	snop  }
0x5: {  	_ = 	snop  }
0x6: {  	_ = 	snop  }
0x7: {  	_ = 	snop  }
__scs_overlays_trampoline_lowered:
0x8: {  	[smem:$0x3FA8] =	sst s0  }
0x9: {  	[smem:$0x3FA9] =	sst s1  }
0xa: {  	[smem:$0x3FAA] =	sst s2  }
0xb: {  	[smem:$0x3FAB] =	sst s3  }
0xc: {  	[smem:$0x3FAC] =	sst s4  }
0xd: {  	[smem:$0x3FAD] =	sst s5  }
0xe: {  	[smem:$0x3FAE] =	sst s6  }
0xf: {  	[smem:$0x3FAF] =	sst s7  }
0x10: {  	[smem:$0x3FB0] =	sst s8  }
0x11: {  	[smem:$0x3FB1] =	sst s9;
	s0 =	simm.s32 @!p0 $0x0  }
0x12: {  	s1 =	sld [smem:$0x3F97];
	s0 =	simm.s32 @p0 $0x1  }
0x13: {  	[smem:$0x3FB2] =	sst s0;
	s0 =	simm.s32 @!p1 $0x0  }
0x14: {  	s2 =	sld [smem:$0x3F96];
	s0 =	simm.s32 @p1 $0x1  }
0x15: {  	[smem:$0x3FB3] =	sst s0;
	s0 =	simm.s32 @!p2 $0x0  }
0x16: {  	s3 =	sld [smem:$0x3FDB];
	s0 =	simm.s32 @p2 $0x1  }
0x17: {  	s4 =	simm.s32 $0x1BF5;
	[smem:$0x3FB5] =	sst s0  }
0x18: {  	s0 =	sld [smem:$0x3F98];
	_ =	swait.ge [sflag:s4], $0x0  }
0x19: {  	s7 =	sld [smem:$0x3F99]  }
0x1a: {  	s8 =	sadd.s32 $0xFFFFE003, lr  }
0x1b: {  	s9 =	sadd.s32 $0xFFFFFEF7, lr;
	s5 =	simm.s32 $0xFFFFFFFF;
	p2 =	slt.u32 s8, $0xFFFFF086  }
0x1c: {  	p1 =	slt.u32 s9, $0xF7A;
	s5 =	simm.s32 @!p2 $0x0  }
0x1d: {  	s5 =	simm.s32 @p1 $0x1;
	p0 =	seq.s32 s7, s2  }
0x1e: {  	s7 =	smul.u32 @!p0 $0xF7A, s2;
	p2 =	seq.s32 @!p0 s5, $0x0  }
0x1f: {  	s9 =	smul.u32 $0xF7A, s1;
	s8 =	simm.s32 @!p0 $0x1BF5;
	p2 =	por !p2, p0  }
0x20: {  	[sflag:s8] =	ssyncset.s32 @!p0 $0xFFFFF086;
	s6 =	sadd.s32 @!p0 s3, s7;
	s7 =	simm.s32 @!p0 $0x108  }
0x21: {  	s3 =	sadd.s32 s3, s9;
	s6 =	sadd.s32 @!p0 $0x88, s6;
	s7 =	simm.s32 @p2 $0x1082  }
0x22: {  	[simem:s7], [sflag:s8] =	dma.local @!p0 [hbm:s6], $0xF7A  }
0x23: {  	s9 =	sor.u32 $0xD0000000, s2;
	s6 =	simm.s32 $0x108;
	_ =	swait.ge @!p0 [sflag:s8], $0x0  }
0x24: {  	s3 =	sadd.s32 $0x88, s3;
	s6 =	simm.s32 @!p1 $0x1082;
	[sflag:s4] =	ssyncset.s32 $0xFFFFF086  }
0x25: {  	[simem:s6], [sflag:s4] =	dma.local [hbm:s3], $0xF7A  }
0x26: {  	[smem:$0x3F99] =	sst s1;
	(tag) =	ssettag s2;
	_ =	strace s9  }
0x27: {  	s1 =	sld [smem:$0x3FA9]  }
0x28: {  	s2 =	sld [smem:$0x3FAA]  }
0x29: {  	s4 =	sld [smem:$0x3FAC]  }
0x2a: {  	p0 =	seq.s32 s5, $0x0;
	s5 =	sld [smem:$0x3FAD]  }
0x2b: {  	s6 =	sld [smem:$0x3FAE]  }
0x2c: {  	s7 =	sld [smem:$0x3FAF]  }
0x2d: {  	s3 =	simm.s32 $0x108;
	s8 =	sld [smem:$0x3FB0]  }
0x2e: {  	s3 =	simm.s32 @!p0 $0x1082;
	s9 =	sld [smem:$0x3FB1]  }
0x2f: {  	lr =	sadd.s32 s0, s3;
	s0 =	sld [smem:$0x3FA8]  }
0x30: {  	s3 =	sld [smem:$0x3FAB]  }
0x31: {  	[smem:$0x3FB4] =	sst s10  }
0x32: {  	s10 =	sld [smem:$0x3FB2];
	_ =	sdelay $0x3  }
0x33: {  	p0 =	seq.s32 s10, $0x1;
	s10 =	sld [smem:$0x3FB4];
	_ =	sdelay $0x3  }
0x34: {  	[smem:$0x3FB4] =	sst s10  }
0x35: {  	s10 =	sld [smem:$0x3FB3];
	_ =	sdelay $0x3  }
0x36: {  	p1 =	seq.s32 s10, $0x1;
	s10 =	sld [smem:$0x3FB4];
	_ =	sdelay $0x3  }
0x37: {  	[smem:$0x3FB4] =	sst s10  }
0x38: {  	s10 =	sld [smem:$0x3FB5]  }
0x39: {  	_ = 	snop;
	(pc) =	sbr.ind lr, $3  }
0x3a: {  	_ = 	snop  }
0x3b: {  	_ = 	snop  }
0x3c: {  	p2 =	seq.s32 s10, $0x1;
	s10 =	sld [smem:$0x3FB4]  }
0x3d: {  	_ =	shalt  }
0x3e: {  	_ =	shalt  }
0x3f: {  	_ =	shalt  }
0x40: {  	_ =	shalt  }
0x41: {  	_ =	shalt  }
0x42: {  	_ =	shalt  }
0x43: {  	_ =	shalt  }
0x44: {  	_ =	shalt  }
0x45: {  	_ =	shalt  }
0x46: {  	_ =	shalt  }
0x47: {  	_ =	shalt  }
0x48: {  	_ =	shalt  }
0x49: {  	_ =	shalt  }
0x4a: {  	_ =	shalt  }
0x4b: {  	_ =	shalt  }
0x4c: {  	_ =	shalt  }
0x4d: {  	_ =	shalt  }
0x4e: {  	_ =	shalt  }
0x4f: {  	_ =	shalt  }
0x50: {  	_ =	shalt  }
0x51: {  	_ =	shalt  }
0x52: {  	_ =	shalt  }
0x53: {  	_ =	shalt  }
0x54: {  	_ =	shalt  }
0x55: {  	_ =	shalt  }
0x56: {  	_ =	shalt  }
0x57: {  	_ =	shalt  }
0x58: {  	_ =	shalt  }
0x59: {  	_ =	shalt  }
0x5a: {  	_ =	shalt  }
0x5b: {  	_ =	shalt  }
0x5c: {  	_ =	shalt  }
0x5d: {  	_ =	shalt  }
0x5e: {  	_ =	shalt  }
0x5f: {  	_ =	shalt  }
0x60: {  	_ =	shalt  }
0x61: {  	_ =	shalt  }
0x62: {  	_ =	shalt  }
0x63: {  	_ =	shalt  }
0x64: {  	_ =	shalt  }
0x65: {  	_ =	shalt  }
0x66: {  	_ =	shalt  }
0x67: {  	_ =	shalt  }
0x68: {  	_ =	shalt  }
0x69: {  	_ =	shalt  }
0x6a: {  	_ =	shalt  }
0x6b: {  	_ =	shalt  }
0x6c: {  	_ =	shalt  }
0x6d: {  	_ =	shalt  }
0x6e: {  	_ =	shalt  }
0x6f: {  	_ =	shalt  }
0x70: {  	_ =	shalt  }
0x71: {  	_ =	shalt  }
0x72: {  	_ =	shalt  }
0x73: {  	_ =	shalt  }
0x74: {  	_ =	shalt  }
0x75: {  	_ =	shalt  }
0x76: {  	_ =	shalt  }
0x77: {  	_ =	shalt  }
0x78: {  	_ =	shalt  }
0x79: {  	_ =	shalt  }
0x7a: {  	_ =	shalt  }
0x7b: {  	_ =	shalt  }
0x7c: {  	_ =	shalt  }
0x7d: {  	_ =	shalt  }
0x7e: {  	_ =	shalt  }
0x7f: {  	_ =	shalt  }
0x80: {  	_ =	shalt  }
0x81: {  	_ =	shalt  }
0x82: {  	_ =	shalt  }
0x83: {  	_ =	shalt  }
0x84: {  	_ =	shalt  }
0x85: {  	_ =	shalt  }
0x86: {  	_ =	shalt  }
0x87: {  	_ =	shalt  }
.Lfunc_end0:
.L_simem_size_0:
called_computation.1_lowered:
.L_overlay_start_0:
0x88: {  	s2 =	sld [smem:$0x3FD9]  }
0x89: {  	s3 =	sld [smem:$0x3FFE];
	_ =	sdelay $0x1  }
0x8a: {  	s1 =	srdreg.scid  }
0x8b: {  	s0 =	sand.u32 $0x1, s1  }
0x8c: {  	s16 =	sshll.u32 s0, $0xA;
	s2 =	sadd.s32 s3, s2  }
0x8d: {  	s2 =	sadd.s32 s2, s16  }
0x8e: {  	[smem:$0x3FC0] =	sst s2  }
0x8f: {  	_ = 	snop  }
0x90: {  	(tm) =	ssettm $0x1  }
0x91: {  	s17 =	sld [smem:$0x3FFB];
	_ =	sdelay $0x3  }
0x92: {  	_ =	strace s17  }
0x93: {  	s2 =	sld [smem:$0x3FFC];
	_ =	sdelay $0x3  }
0x94: {  	_ =	strace s2  }
0x95: {  	s2 =	sld [smem:$0x3FFD];
	_ =	sdelay $0x3  }
0x96: {  	_ =	strace s2  }
0x97: {  	_ =	strace $0x8FFFFFFF  }
0x98: {  	s18 =	sld [smem:$0x3FDB];
	_ =	sdelay $0x1  }
0x99: {  	s19 =	simm.s32 $_scs_section_size  }
0x9a: {  	s4 =	simm.s32 $_size__tile_overlayer_lowered;
	s5 =	simm.s32 $_tile_overlayer_lowered  }
0x9b: {  	s22 =	simm.s32 $0x1BFF;
	s21 =	sshll.u32 s5, $0x1;
	s2 =	sadd.s32 s19, s18  }
0x9c: {  	s6 =	simm.s32 $0x0;
	s20 =	sshll.u32 s4, $0x1;
	s4 =	sadd.s32 s21, s2  }
0x9d: {  	[timem:s6], [sflag:s22] =	dma.local [hbm:s4], s20  }
0x9e: {  	_ =	swait.ge [sflag:s22], s20  }
0x9f: {  	s3 =	ssub.s32 $0x0, s20;
	[sflag:s22] =	ssyncset.done $0x0  }
0xa0: {  	[sflag:s22] =	ssyncadd.s32 s3;
	_ =	sdelay $0x1  }
0xa1: {  	s23 =	simm.s32 $0x1B8B  }
0xa2: {  	_ =	swait.ge [sflag:s23], $0x1  }
0xa3: {  	[sflag:s23] =	ssyncset.done $0x0  }
0xa4: {  	s25 =	simm.s32 $0x1B8E;
	s24 =	sld [smem:$0x3FFE];
	[sflag:s23] =	ssyncadd.s32 $0xFFFFFFFF  }
0xa5: {  	s26 =	simm.s32 $execute0_lowered;
	[smem:$0x3FD2] =	sst s25  }
0xa6: {  	s4 =	sshll.u32 s26, $0x1;
	_ =	strace $0x80000049;
	[dreg:$0x1] =	wrdreg $0xFFFFFFFF  }
0xa7: {  	s28 =	simm.s32 $_size_execute0_lowered;
	s2 =	sadd.s32 s2, s4;
	[dreg:$0x0] =	wrdreg $0x0  }
0xa8: {  	s4 =	sshll.u32 s28, $0x1;
	[dreg:$0x2] =	wrdreg s2  }
0xa9: {  	[dreg:$0x3] =	wrdreg s4  }
0xaa: {  	[dreg:$0x4] =	wrdreg $0xC0  }
0xab: {  	_ =	task [dreg:s6], $0x5FFFF  }
0xac: {  	[dreg:$0x1] =	wrdreg $0xFFFFFFFF  }
0xad: {  	[dreg:$0x0] =	wrdreg $0x60  }
0xae: {  	[dreg:$0x2] =	wrdreg s24  }
0xaf: {  	[dreg:$0x3] =	wrdreg $0xA8000  }
0xb0: {  	[dreg:$0x4] =	wrdreg $0x9  }
0xb1: {  	_ =	task.clear_ibuf [dreg:s6], $0x5FFFF;
	_ =	strace $0x90000049  }
0xb2: {  	s29 =	simm.s32 $0x9;
	_ =	strace $0x8000004B  }
0xb3: {  	_ =	swait.ge [sflag:s29], $0x1  }
0xb4: {  	[sflag:s29] =	ssyncadd.s32 $0xFFFFFFFF  }
0xb5: {  	_ =	strace $0x9000004B  }
0xb6: {  	_ =	sfence  }
0xb7: {  	s30 =	sld [smem:$0x0];
	_ =	sdelay $0x2  }
0xb8: {  	s31 =	sshll.u32 s1, $0xD;
	s1 =	sshrl.u32 s1, $0x2  }
0xb9: {  	s3 =	sand.u32 $0x4000, s31;
	s1 =	sadd.s32 s1, s30  }
0xba: {  	s0 =	sor.u32 s3, s0;
	s1 =	sshll.u32 s1, $0x11  }
0xbb: {  	s0 =	sor.u32 s1, s0  }
0xbc: {  	s0 =	sadd.s32 $0x8F2B, s0  }
0xbd: {  	[sflag:s0] =	ssyncadd.remote.s32 $0x1  }
0xbe: {  	_ =	sfence.sel $0xFFFF  }
0xbf: {  	[dreg:$0x0] =	wrdreg $0xFFFFFFFF;
	(pc) =	sbr.abs _section_cstart, $3  }
0xc0: {  	[dreg:$0x1] =	wrdreg $0xFFFFFFFF  }
0xc1: {  	_ =	task.clear_ibuf [dreg:s6], $0x2FFFF;
	_ =	strace $0x9FFFFFFF  }
0xc2: {  	(tm) =	ssettm $0x7FFFFFFF  }
0xc3: {  	_ =	shalt  }
tec
execute0_lowered:
.L_overlay_start_1:
0x0: {  	(tag) =	ssettag $0x1  }
0x1: {  	s7 =	rddreg [dreg:$0x0]  }
0x2: {  	s2 =	rddreg [dreg:$0x1]  }
0x3: {  	s0 =	rddreg [dreg:$0x2]  }
0x4: {  	s3 =	simm.s32 $0x0;
	s1 =	stileid.u32;
	s5 =	srdreg.scid  }
0x5: {  	s14 =	simm.s32 $0x3;
	s15 =	simm.s32 $0x1400;
	s18 =	simm.s32 $0x80  }
0x6: {  	s19 =	simm.s32 $0x2800;
	s20 =	simm.s32 $0x6800;
	s21 =	simm.s32 $0x1  }
0x7: {  	s22 =	simm.s32 $0x2;
	s23 =	simm.s32 $0x2700;
	s24 =	simm.s32 $0x2780  }
0x8: {  	s25 =	simm.s32 $0x0;
	[smem:$0x7FF] =	sst s3;
	s6 =	smul.u32 $0x280, s1  }
0x9: {  	s4 =	sadd.s32 $0x6400, s7;
	s11 =	sand.u32 $0x1, s5;
	s5 =	sadd.s32 $0x2E400, s7  }
0xa: {  	s12 =	smul.u32 $0x50000, s1;
	s16 =	sshll.u32 s1, $0x6;
	_ =	strace $0x8000004A  }
0xb: {  	s8 =	ssub.s32 $0x2, s11;
	p0 =	seq.s32 s11, $0x1;
	s16 =	sor.u32 $0x1C03, s16  }
.Ltmp0:
0xc: {  	s10 =	sadd.s32 s6, s7;
	s6 =	sadd.s32 $0x89000, s7;
	(pc) =	sbr.rel .LBB2_1-.Ltmp0, $4  }
0xd: {  	s9 =	sshrl.u32 s8, $0x1;
	s7 =	sadd.s32 $0xB1000, s7;
	s12 =	sshrl.u32 s12, $0x2  }
0xe: {  	s13 =	ssub.s32 s8, s9;
	s8 =	smul.u32 $0x2800, s1;
	s9 =	sadd.s32 $0x59800, s10  }
0xf: {  	s10 =	sadd.s32 $0x57000, s10;
	s17 =	sadd.s32 s12, s2;
	s13 =	smax.u32 s13, $0x1  }
0x10: {  	s17 =	sshrl.u32 s17, $0x3;
	s11 =	sadd.s32 s4, s8;
	s12 =	sadd.s32 s5, s8  }
.LBB2_7:
0x11: {  	[tilespmem:s20], [sflag:$0x2] =	stream.indirect.gather [hbm4b:s5+s18], $0x80, s28, s18, $0xb8;
	[tilespmem:$0x1E800] =	vst v63  }
0x12: {  	s26 =	smov.u32 s7  }
.LBB2_8:
0x13: {  	_ =	swait.ge [sflag:s21], $0x4000  }
0x14: {  	[sflag:s21] =	ssyncset.done $0x0  }
0x15: {  	[sflag:s21] =	ssyncadd.s32 $0xFFFFC000  }
0x16: {  	[spmem:s2] =	stream.indirect.scatter.add.f32 [tilespmem:s19], [sflag:$0x3], $0x80, s23, s18, $0xb8;
	[tilespmem:$0x1E800] =	vst v63  }
0x17: {  	_ =	swait.ge [sflag:s14], $0x4000  }
0x18: {  	[sflag:s14] =	ssyncset.done $0x0  }
0x19: {  	[sflag:s14] =	ssyncadd.s32 $0xFFFFC000  }
0x1a: {  	_ =	swait.ge [sflag:s22], $0x4000  }
0x1b: {  	[sflag:s22] =	ssyncset.done $0x0  }
0x1c: {  	[sflag:s22] =	ssyncadd.s32 $0xFFFFC000  }
0x1d: {  	[spmem:s2] =	stream.indirect.scatter.add.f32 [tilespmem:s20], [sflag:$0x3], $0x80, s24, s18, $0xb8;
	[tilespmem:$0x1E800] =	vst v63  }
0x1e: {  	_ =	swait.ge [sflag:s14], $0x4000  }
0x1f: {  	s25 =	sadd.s32 $0x1, s25;
	[sflag:s14] =	ssyncset.done $0x0  }
0x20: {  	p1 =	sne.s32 s25, s13;
	[sflag:s14] =	ssyncadd.s32 $0xFFFFC000  }
.Ltmp1:
0x21: {  	s26 =	sadd.s32 s26, s8;
	[bflag:$0x0] =	sbarrier.arrive $0xFFFF;
	(pc) =	sbr.rel @!p1 .LBB2_9-.Ltmp1, $4  }
0x22: {  	[hbm:s26], [sflag:s16] =	dma.local [spmem:s17], $0x2800  }
0x23: {  	_ =	swait.ge [sflag:s14], $0x2800  }
0x24: {  	[sflag:s14] =	ssyncset.done $0x0  }
0x25: {  	[sflag:s14] =	ssyncadd.s32 $0xFFFFD800  }
.LBB2_1:
0x26: {  	[tilespmem:s3], [sflag:$0x3] =	stream.linear.gather [hbm4b:s9+s3], $0x1400, $0x38;
	[tilespmem:$0x1E800] =	vst v63  }
0x27: {  	_ =	swait.ge [sflag:s14], $0x1400  }
0x28: {  	[sflag:s14] =	ssyncset.done $0x0  }
.Ltmp2:
0x29: {  	[sflag:s14] =	ssyncadd.s32 $0xFFFFEC00;
	(pc) =	sbr.rel @!p0 .LBB2_2-.Ltmp2, $4  }
0x2a: {  	[tilespmem:s15], [sflag:$0x3] =	stream.linear.gather [hbm4b:s10+s3], $0x1400, $0x38;
	[tilespmem:$0x1E800] =	vst v63  }
0x2b: {  	_ =	swait.ge [sflag:s14], $0x1400  }
0x2c: {  	[sflag:s14] =	ssyncset.done $0x0  }
0x2d: {  	[sflag:s14] =	ssyncadd.s32 $0xFFFFEC00  }
0x2e: {  	[spmem:s17], [sflag:s16] =	dma.local [hbm:s12], $0x2800  }
0x2f: {  	_ =	swait.ge [sflag:s14], $0x2800  }
0x30: {  	[sflag:s14] =	ssyncset.done $0x0  }
0x31: {  	[sflag:s14] =	ssyncadd.s32 $0xFFFFD800  }
0x32: {  	s26 =	simm.s32 $0x0;
	[bflag:$0x0] =	sbarrier.arrive $0xFFFF  }
0x33: {  	[tilespmem:s19], [sflag:$0x1] =	stream.indirect.gather [hbm4b:s5+s18], $0x80, s26, s18, $0xb8;
	[tilespmem:$0x1E800] =	vst v63  }
0x34: {  	_ = 	snop  }
0x35: {  	[tilespmem:s20], [sflag:$0x2] =	stream.indirect.gather [hbm4b:s5+s18], $0x80, s18, s18, $0xb8;
	[tilespmem:$0x1E800] =	vst v63  }
0x36: {  	_ =	swait.ge [sflag:s21], $0x4000  }
0x37: {  	[sflag:s21] =	ssyncset.done $0x0  }
0x38: {  	s29 =	simm.s32 $0x1400;
	[sflag:s21] =	ssyncadd.s32 $0xFFFFC000  }
0x39: {  	[spmem:s2] =	stream.indirect.scatter.add.f32 [tilespmem:s19], [sflag:$0x3], $0x80, s29, s18, $0xb8;
	[tilespmem:$0x1E800] =	vst v63  }
0x3a: {  	_ =	swait.ge [sflag:s14], $0x4000  }
0x3b: {  	[sflag:s14] =	ssyncset.done $0x0  }
0x3c: {  	s30 =	simm.s32 $0x100;
	[sflag:s14] =	ssyncadd.s32 $0xFFFFC000  }
0x3d: {  	[tilespmem:s19], [sflag:$0x1] =	stream.indirect.gather [hbm4b:s5+s18], $0x80, s30, s18, $0xb8;
	[tilespmem:$0x1E800] =	vst v63  }
0x3e: {  	_ =	swait.ge [sflag:s22], $0x4000  }
0x3f: {  	[sflag:s22] =	ssyncset.done $0x0  }
0x40: {  	s31 =	simm.s32 $0x1480;
	[sflag:s22] =	ssyncadd.s32 $0xFFFFC000  }
0x41: {  	[spmem:s2] =	stream.indirect.scatter.add.f32 [tilespmem:s20], [sflag:$0x3], $0x80, s31, s18, $0xb8;
	[tilespmem:$0x1E800] =	vst v63  }
0x42: {  	_ =	swait.ge [sflag:s14], $0x4000  }
0x43: {  	[sflag:s14] =	ssyncset.done $0x0  }
0x44: {  	s28 =	simm.s32 $0x180;
	s26 =	simm.s32 $0x400;
	[sflag:s14] =	ssyncadd.s32 $0xFFFFC000  }
.LBB2_6:
0x45: {  	[tilespmem:s20], [sflag:$0x2] =	stream.indirect.gather [hbm4b:s5+s18], $0x80, s28, s18, $0xb8;
	[tilespmem:$0x1E800] =	vst v63  }
0x46: {  	s28 =	smov.u32 s26  }
0x47: {  	p1 =	sne.s32 s26, $0x4800;
	s26 =	sadd.s32 $0x400, s26;
	_ =	swait.ge [sflag:s21], $0x4000  }
0x48: {  	s28 =	sshra.s32 s28, $0x2;
	[sflag:s21] =	ssyncset.done $0x0  }
0x49: {  	s29 =	sadd.s32 $0x1400, s28;
	[sflag:s21] =	ssyncadd.s32 $0xFFFFC000  }
0x4a: {  	[spmem:s2] =	stream.indirect.scatter.add.f32 [tilespmem:s19], [sflag:$0x3], $0x80, s29, s18, $0xb8;
	[tilespmem:$0x1E800] =	vst v63  }
0x4b: {  	_ =	swait.ge [sflag:s14], $0x4000  }
0x4c: {  	[sflag:s14] =	ssyncset.done $0x0  }
0x4d: {  	s29 =	sadd.s32 $0x100, s28;
	[sflag:s14] =	ssyncadd.s32 $0xFFFFC000  }
0x4e: {  	[tilespmem:s19], [sflag:$0x1] =	stream.indirect.gather [hbm4b:s5+s18], $0x80, s29, s18, $0xb8;
	[tilespmem:$0x1E800] =	vst v63  }
0x4f: {  	_ =	swait.ge [sflag:s22], $0x4000  }
0x50: {  	[sflag:s22] =	ssyncset.done $0x0  }
.Ltmp3:
0x51: {  	s29 =	sadd.s32 $0x1480, s28;
	[sflag:s22] =	ssyncadd.s32 $0xFFFFC000;
	(pc) =	sbr.rel @p1 .LBB2_6-.Ltmp3, $4  }
0x52: {  	[spmem:s2] =	stream.indirect.scatter.add.f32 [tilespmem:s20], [sflag:$0x3], $0x80, s29, s18, $0xb8;
	[tilespmem:$0x1E800] =	vst v63  }
0x53: {  	_ =	swait.ge [sflag:s14], $0x4000  }
0x54: {  	[sflag:s14] =	ssyncset.done $0x0  }
0x55: {  	s28 =	sadd.s32 $0x180, s28;
	[sflag:s14] =	ssyncadd.s32 $0xFFFFC000  }
.Ltmp4:
0x56: {  	_ = 	snop;
	(pc) =	sbr.rel .LBB2_7-.Ltmp4, $1  }
0x57: {  	_ =	sdelay $0x3  }
.LBB2_2:
0x58: {  	[spmem:s17], [sflag:s16] =	dma.local [hbm:s11], $0x2800  }
0x59: {  	_ =	swait.ge [sflag:s14], $0x2800  }
0x5a: {  	[sflag:s14] =	ssyncset.done $0x0  }
0x5b: {  	[sflag:s14] =	ssyncadd.s32 $0xFFFFD800  }
0x5c: {  	s26 =	simm.s32 $0x0;
	[bflag:$0x0] =	sbarrier.arrive $0xFFFF  }
0x5d: {  	[tilespmem:s19], [sflag:$0x1] =	stream.indirect.gather [hbm4b:s4+s18], $0x80, s26, s18, $0xb8;
	[tilespmem:$0x1E800] =	vst v63  }
0x5e: {  	_ = 	snop  }
0x5f: {  	[tilespmem:s20], [sflag:$0x2] =	stream.indirect.gather [hbm4b:s4+s18], $0x80, s18, s18, $0xb8;
	[tilespmem:$0x1E800] =	vst v63  }
0x60: {  	_ =	swait.ge [sflag:s21], $0x4000  }
0x61: {  	[sflag:s21] =	ssyncset.done $0x0  }
0x62: {  	s29 =	simm.s32 $0x1400;
	[sflag:s21] =	ssyncadd.s32 $0xFFFFC000  }
0x63: {  	[spmem:s2] =	stream.indirect.scatter.add.f32 [tilespmem:s19], [sflag:$0x3], $0x80, s29, s18, $0xb8;
	[tilespmem:$0x1E800] =	vst v63  }
0x64: {  	_ =	swait.ge [sflag:s14], $0x4000  }
0x65: {  	[sflag:s14] =	ssyncset.done $0x0  }
0x66: {  	s30 =	simm.s32 $0x100;
	[sflag:s14] =	ssyncadd.s32 $0xFFFFC000  }
0x67: {  	[tilespmem:s19], [sflag:$0x1] =	stream.indirect.gather [hbm4b:s4+s18], $0x80, s30, s18, $0xb8;
	[tilespmem:$0x1E800] =	vst v63  }
0x68: {  	_ =	swait.ge [sflag:s22], $0x4000  }
0x69: {  	[sflag:s22] =	ssyncset.done $0x0  }
0x6a: {  	s31 =	simm.s32 $0x1480;
	[sflag:s22] =	ssyncadd.s32 $0xFFFFC000  }
0x6b: {  	[spmem:s2] =	stream.indirect.scatter.add.f32 [tilespmem:s20], [sflag:$0x3], $0x80, s31, s18, $0xb8;
	[tilespmem:$0x1E800] =	vst v63  }
0x6c: {  	_ =	swait.ge [sflag:s14], $0x4000  }
0x6d: {  	[sflag:s14] =	ssyncset.done $0x0  }
0x6e: {  	s28 =	simm.s32 $0x180;
	s26 =	simm.s32 $0x400;
	[sflag:s14] =	ssyncadd.s32 $0xFFFFC000  }
.LBB2_3:
0x6f: {  	[tilespmem:s20], [sflag:$0x2] =	stream.indirect.gather [hbm4b:s4+s18], $0x80, s28, s18, $0xb8;
	[tilespmem:$0x1E800] =	vst v63  }
0x70: {  	s28 =	smov.u32 s26  }
0x71: {  	p1 =	seq.s32 s26, $0x4800;
	s26 =	sadd.s32 $0x400, s26;
	_ =	swait.ge [sflag:s21], $0x4000  }
0x72: {  	s28 =	sshra.s32 s28, $0x2;
	[sflag:s21] =	ssyncset.done $0x0  }
0x73: {  	s29 =	sadd.s32 $0x1400, s28;
	[sflag:s21] =	ssyncadd.s32 $0xFFFFC000  }
0x74: {  	[spmem:s2] =	stream.indirect.scatter.add.f32 [tilespmem:s19], [sflag:$0x3], $0x80, s29, s18, $0xb8;
	[tilespmem:$0x1E800] =	vst v63  }
0x75: {  	_ =	swait.ge [sflag:s14], $0x4000  }
0x76: {  	[sflag:s14] =	ssyncset.done $0x0  }
0x77: {  	s29 =	sadd.s32 $0x100, s28;
	[sflag:s14] =	ssyncadd.s32 $0xFFFFC000  }
0x78: {  	[tilespmem:s19], [sflag:$0x1] =	stream.indirect.gather [hbm4b:s4+s18], $0x80, s29, s18, $0xb8;
	[tilespmem:$0x1E800] =	vst v63  }
0x79: {  	_ =	swait.ge [sflag:s22], $0x4000  }
0x7a: {  	[sflag:s22] =	ssyncset.done $0x0  }
.Ltmp5:
0x7b: {  	s29 =	sadd.s32 $0x1480, s28;
	[sflag:s22] =	ssyncadd.s32 $0xFFFFC000;
	(pc) =	sbr.rel @!p1 .LBB2_3-.Ltmp5, $4  }
0x7c: {  	[spmem:s2] =	stream.indirect.scatter.add.f32 [tilespmem:s20], [sflag:$0x3], $0x80, s29, s18, $0xb8;
	[tilespmem:$0x1E800] =	vst v63  }
0x7d: {  	_ =	swait.ge [sflag:s14], $0x4000  }
0x7e: {  	[sflag:s14] =	ssyncset.done $0x0  }
0x7f: {  	s28 =	sadd.s32 $0x180, s28;
	[sflag:s14] =	ssyncadd.s32 $0xFFFFC000  }
.Ltmp6:
0x80: {  	(pc) =	sbr.rel .LBB2_8-.Ltmp6, $3  }
0x81: {  	_ =	sdelay $0x1  }
0x82: {  	[tilespmem:s20], [sflag:$0x2] =	stream.indirect.gather [hbm4b:s4+s18], $0x80, s28, s18, $0xb8;
	[tilespmem:$0x1E800] =	vst v63  }
0x83: {  	s26 =	smov.u32 s6  }
.LBB2_9:
0x84: {  	_ =	sfence.sel $0x180000  }
0x85: {  	[bflag:$0x0] =	sbarrier.arrive $0xFFFF  }
0x86: {  	p0 =	sne.s32 s1, $0x0;
	_ =	strace $0x9000004A  }
0x87: {  	s0 =	sadd.s32 @!p0 $0x100000, s0;
	[bflag:$0x2] =	sbarrier.arrive $0xFFFF  }
0x88: {  	[sflag:s0] =	ssyncadd.tile.s32 @!p0 $0x1;
	_ =	shalt  }
.Lfunc_end2:
_tile_overlayer_lowered:
.L_overlay_start_2:
0x89: {  	(tag) =	ssettag $0x2  }
0x8a: {  	s0 =	rddreg [dreg:$0x0];
	s2 =	stileid.u32  }
0x8b: {  	s1 =	rddreg [dreg:$0x1];
	p0 =	sne.s32 s2, $0x0  }
0x8c: {  	s3 =	rddreg [dreg:$0x2];
	[bflag:$0x3] =	sbarrier.arrive $0xFFFF;
	s2 =	simm.s32 @!p0 $0x1C03  }
0x8d: {  	[timem:s3], [sflag:s2] =	dma.local @!p0 [hbm:s0], s1  }
0x8e: {  	s0 =	simm.s32 @!p0 $0x3  }
0x8f: {  	_ =	swait.ge @!p0 [sflag:s0], s1  }
0x90: {  	s1 =	ssub.s32 @!p0 $0x0, s1;
	[sflag:s0] =	ssyncset.done @!p0 $0x0  }
0x91: {  	[sflag:s0] =	ssyncadd.s32 @!p0 s1  }
0x92: {  	[bflag:$0x3] =	sbarrier.arrive $0xFFFF  }
0x93: {  	_ =	shalt  }

// kernel: kernel.19.cloned.1.call-start
scs
__scs_entry_jumppad:
0x0: {  	(pc) =	sbr.rel $0x88, $3  }
0x1: {  	(tag) =	ssettag $0x0;
	lr =	simm.s32 $0x1  }
0x2: {  	[smem:$0x3F99] =	sst lr;
	_ =	strace $0xD0000000  }
0x3: {  	_ = 	snop  }
0x4: {  	_ = 	snop  }
0x5: {  	_ = 	snop  }
0x6: {  	_ = 	snop  }
0x7: {  	_ = 	snop  }
__scs_overlays_trampoline_lowered:
0x8: {  	[smem:$0x3FA8] =	sst s0  }
0x9: {  	[smem:$0x3FA9] =	sst s1  }
0xa: {  	[smem:$0x3FAA] =	sst s2  }
0xb: {  	[smem:$0x3FAB] =	sst s3  }
0xc: {  	[smem:$0x3FAC] =	sst s4  }
0xd: {  	[smem:$0x3FAD] =	sst s5  }
0xe: {  	[smem:$0x3FAE] =	sst s6  }
0xf: {  	[smem:$0x3FAF] =	sst s7  }
0x10: {  	[smem:$0x3FB0] =	sst s8  }
0x11: {  	[smem:$0x3FB1] =	sst s9;
	s0 =	simm.s32 @!p0 $0x0  }
0x12: {  	s1 =	sld [smem:$0x3F97];
	s0 =	simm.s32 @p0 $0x1  }
0x13: {  	[smem:$0x3FB2] =	sst s0;
	s0 =	simm.s32 @!p1 $0x0  }
0x14: {  	s2 =	sld [smem:$0x3F96];
	s0 =	simm.s32 @p1 $0x1  }
0x15: {  	[smem:$0x3FB3] =	sst s0;
	s0 =	simm.s32 @!p2 $0x0  }
0x16: {  	s3 =	sld [smem:$0x3FDB];
	s0 =	simm.s32 @p2 $0x1  }
0x17: {  	s4 =	simm.s32 $0x1BF5;
	[smem:$0x3FB5] =	sst s0  }
0x18: {  	s0 =	sld [smem:$0x3F98];
	_ =	swait.ge [sflag:s4], $0x0  }
0x19: {  	s7 =	sld [smem:$0x3F99]  }
0x1a: {  	s8 =	sadd.s32 $0xFFFFE003, lr  }
0x1b: {  	s9 =	sadd.s32 $0xFFFFFEF7, lr;
	s5 =	simm.s32 $0xFFFFFFFF;
	p2 =	slt.u32 s8, $0xFFFFF086  }
0x1c: {  	p1 =	slt.u32 s9, $0xF7A;
	s5 =	simm.s32 @!p2 $0x0  }
0x1d: {  	s5 =	simm.s32 @p1 $0x1;
	p0 =	seq.s32 s7, s2  }
0x1e: {  	s7 =	smul.u32 @!p0 $0xF7A, s2;
	p2 =	seq.s32 @!p0 s5, $0x0  }
0x1f: {  	s9 =	smul.u32 $0xF7A, s1;
	s8 =	simm.s32 @!p0 $0x1BF5;
	p2 =	por !p2, p0  }
0x20: {  	[sflag:s8] =	ssyncset.s32 @!p0 $0xFFFFF086;
	s6 =	sadd.s32 @!p0 s3, s7;
	s7 =	simm.s32 @!p0 $0x108  }
0x21: {  	s3 =	sadd.s32 s3, s9;
	s6 =	sadd.s32 @!p0 $0x88, s6;
	s7 =	simm.s32 @p2 $0x1082  }
0x22: {  	[simem:s7], [sflag:s8] =	dma.local @!p0 [hbm:s6], $0xF7A  }
0x23: {  	s9 =	sor.u32 $0xD0000000, s2;
	s6 =	simm.s32 $0x108;
	_ =	swait.ge @!p0 [sflag:s8], $0x0  }
0x24: {  	s3 =	sadd.s32 $0x88, s3;
	s6 =	simm.s32 @!p1 $0x1082;
	[sflag:s4] =	ssyncset.s32 $0xFFFFF086  }
0x25: {  	[simem:s6], [sflag:s4] =	dma.local [hbm:s3], $0xF7A  }
0x26: {  	[smem:$0x3F99] =	sst s1;
	(tag) =	ssettag s2;
	_ =	strace s9  }
0x27: {  	s1 =	sld [smem:$0x3FA9]  }
0x28: {  	s2 =	sld [smem:$0x3FAA]  }
0x29: {  	s4 =	sld [smem:$0x3FAC]  }
0x2a: {  	p0 =	seq.s32 s5, $0x0;
	s5 =	sld [smem:$0x3FAD]  }
0x2b: {  	s6 =	sld [smem:$0x3FAE]  }
0x2c: {  	s7 =	sld [smem:$0x3FAF]  }
0x2d: {  	s3 =	simm.s32 $0x108;
	s8 =	sld [smem:$0x3FB0]  }
0x2e: {  	s3 =	simm.s32 @!p0 $0x1082;
	s9 =	sld [smem:$0x3FB1]  }
0x2f: {  	lr =	sadd.s32 s0, s3;
	s0 =	sld [smem:$0x3FA8]  }
0x30: {  	s3 =	sld [smem:$0x3FAB]  }
0x31: {  	[smem:$0x3FB4] =	sst s10  }
0x32: {  	s10 =	sld [smem:$0x3FB2];
	_ =	sdelay $0x3  }
0x33: {  	p0 =	seq.s32 s10, $0x1;
	s10 =	sld [smem:$0x3FB4];
	_ =	sdelay $0x3  }
0x34: {  	[smem:$0x3FB4] =	sst s10  }
0x35: {  	s10 =	sld [smem:$0x3FB3];
	_ =	sdelay $0x3  }
0x36: {  	p1 =	seq.s32 s10, $0x1;
	s10 =	sld [smem:$0x3FB4];
	_ =	sdelay $0x3  }
0x37: {  	[smem:$0x3FB4] =	sst s10  }
0x38: {  	s10 =	sld [smem:$0x3FB5]  }
0x39: {  	_ = 	snop;
	(pc) =	sbr.ind lr, $3  }
0x3a: {  	_ = 	snop  }
0x3b: {  	_ = 	snop  }
0x3c: {  	p2 =	seq.s32 s10, $0x1;
	s10 =	sld [smem:$0x3FB4]  }
0x3d: {  	_ =	shalt  }
0x3e: {  	_ =	shalt  }
0x3f: {  	_ =	shalt  }
0x40: {  	_ =	shalt  }
0x41: {  	_ =	shalt  }
0x42: {  	_ =	shalt  }
0x43: {  	_ =	shalt  }
0x44: {  	_ =	shalt  }
0x45: {  	_ =	shalt  }
0x46: {  	_ =	shalt  }
0x47: {  	_ =	shalt  }
0x48: {  	_ =	shalt  }
0x49: {  	_ =	shalt  }
0x4a: {  	_ =	shalt  }
0x4b: {  	_ =	shalt  }
0x4c: {  	_ =	shalt  }
0x4d: {  	_ =	shalt  }
0x4e: {  	_ =	shalt  }
0x4f: {  	_ =	shalt  }
0x50: {  	_ =	shalt  }
0x51: {  	_ =	shalt  }
0x52: {  	_ =	shalt  }
0x53: {  	_ =	shalt  }
0x54: {  	_ =	shalt  }
0x55: {  	_ =	shalt  }
0x56: {  	_ =	shalt  }
0x57: {  	_ =	shalt  }
0x58: {  	_ =	shalt  }
0x59: {  	_ =	shalt  }
0x5a: {  	_ =	shalt  }
0x5b: {  	_ =	shalt  }
0x5c: {  	_ =	shalt  }
0x5d: {  	_ =	shalt  }
0x5e: {  	_ =	shalt  }
0x5f: {  	_ =	shalt  }
0x60: {  	_ =	shalt  }
0x61: {  	_ =	shalt  }
0x62: {  	_ =	shalt  }
0x63: {  	_ =	shalt  }
0x64: {  	_ =	shalt  }
0x65: {  	_ =	shalt  }
0x66: {  	_ =	shalt  }
0x67: {  	_ =	shalt  }
0x68: {  	_ =	shalt  }
0x69: {  	_ =	shalt  }
0x6a: {  	_ =	shalt  }
0x6b: {  	_ =	shalt  }
0x6c: {  	_ =	shalt  }
0x6d: {  	_ =	shalt  }
0x6e: {  	_ =	shalt  }
0x6f: {  	_ =	shalt  }
0x70: {  	_ =	shalt  }
0x71: {  	_ =	shalt  }
0x72: {  	_ =	shalt  }
0x73: {  	_ =	shalt  }
0x74: {  	_ =	shalt  }
0x75: {  	_ =	shalt  }
0x76: {  	_ =	shalt  }
0x77: {  	_ =	shalt  }
0x78: {  	_ =	shalt  }
0x79: {  	_ =	shalt  }
0x7a: {  	_ =	shalt  }
0x7b: {  	_ =	shalt  }
0x7c: {  	_ =	shalt  }
0x7d: {  	_ =	shalt  }
0x7e: {  	_ =	shalt  }
0x7f: {  	_ =	shalt  }
0x80: {  	_ =	shalt  }
0x81: {  	_ =	shalt  }
0x82: {  	_ =	shalt  }
0x83: {  	_ =	shalt  }
0x84: {  	_ =	shalt  }
0x85: {  	_ =	shalt  }
0x86: {  	_ =	shalt  }
0x87: {  	_ =	shalt  }
.Lfunc_end0:
.L_simem_size_0:
called_computation.2_lowered:
.L_overlay_start_0:
0x88: {  	s2 =	sld [smem:$0x3FD9]  }
0x89: {  	s3 =	sld [smem:$0x3FFE];
	_ =	sdelay $0x1  }
0x8a: {  	s1 =	srdreg.scid  }
0x8b: {  	s0 =	sand.u32 $0x1, s1  }
0x8c: {  	s16 =	sshll.u32 s0, $0xA;
	s2 =	sadd.s32 s3, s2  }
0x8d: {  	s2 =	sadd.s32 s2, s16  }
0x8e: {  	[smem:$0x3FC0] =	sst s2  }
0x8f: {  	_ = 	snop  }
0x90: {  	(tm) =	ssettm $0x1  }
0x91: {  	s17 =	sld [smem:$0x3FFB];
	_ =	sdelay $0x3  }
0x92: {  	_ =	strace s17  }
0x93: {  	s2 =	sld [smem:$0x3FFC];
	_ =	sdelay $0x3  }
0x94: {  	_ =	strace s2  }
0x95: {  	s2 =	sld [smem:$0x3FFD];
	_ =	sdelay $0x3  }
0x96: {  	_ =	strace s2  }
0x97: {  	_ =	strace $0x8FFFFFFF  }
0x98: {  	s18 =	sld [smem:$0x3FDB];
	_ =	sdelay $0x1  }
0x99: {  	s19 =	simm.s32 $_scs_section_size  }
0x9a: {  	s4 =	simm.s32 $_size__tile_overlayer_lowered;
	s5 =	simm.s32 $_tile_overlayer_lowered  }
0x9b: {  	s22 =	simm.s32 $0x1BFF;
	s21 =	sshll.u32 s5, $0x1;
	s2 =	sadd.s32 s19, s18  }
0x9c: {  	s6 =	simm.s32 $0x0;
	s20 =	sshll.u32 s4, $0x1;
	s4 =	sadd.s32 s21, s2  }
0x9d: {  	[timem:s6], [sflag:s22] =	dma.local [hbm:s4], s20  }
0x9e: {  	_ =	swait.ge [sflag:s22], s20  }
0x9f: {  	s3 =	ssub.s32 $0x0, s20;
	[sflag:s22] =	ssyncset.done $0x0  }
0xa0: {  	[sflag:s22] =	ssyncadd.s32 s3;
	_ =	sdelay $0x1  }
0xa1: {  	s23 =	simm.s32 $0x1B8B  }
0xa2: {  	_ =	swait.ge [sflag:s23], $0x1  }
0xa3: {  	[sflag:s23] =	ssyncset.done $0x0  }
0xa4: {  	s25 =	simm.s32 $0x1B8E;
	s24 =	sld [smem:$0x3FFE];
	[sflag:s23] =	ssyncadd.s32 $0xFFFFFFFF  }
0xa5: {  	s26 =	simm.s32 $execute0_lowered;
	[smem:$0x3FD2] =	sst s25  }
0xa6: {  	s4 =	sshll.u32 s26, $0x1;
	_ =	strace $0x8000004C;
	[dreg:$0x1] =	wrdreg $0xFFFFFFFF  }
0xa7: {  	s28 =	simm.s32 $_size_execute0_lowered;
	s2 =	sadd.s32 s2, s4;
	[dreg:$0x0] =	wrdreg $0x0  }
0xa8: {  	s4 =	sshll.u32 s28, $0x1;
	[dreg:$0x2] =	wrdreg s2  }
0xa9: {  	[dreg:$0x3] =	wrdreg s4  }
0xaa: {  	[dreg:$0x4] =	wrdreg $0xC0  }
0xab: {  	_ =	task [dreg:s6], $0x5FFFF  }
0xac: {  	[dreg:$0x1] =	wrdreg $0xFFFFFFFF  }
0xad: {  	[dreg:$0x0] =	wrdreg $0x60  }
0xae: {  	[dreg:$0x2] =	wrdreg s24  }
0xaf: {  	[dreg:$0x3] =	wrdreg $0xA8000  }
0xb0: {  	[dreg:$0x4] =	wrdreg $0x9  }
0xb1: {  	_ =	task.clear_ibuf [dreg:s6], $0x5FFFF;
	_ =	strace $0x9000004C  }
0xb2: {  	s29 =	simm.s32 $0x9;
	_ =	strace $0x8000004E  }
0xb3: {  	_ =	swait.ge [sflag:s29], $0x1  }
0xb4: {  	[sflag:s29] =	ssyncadd.s32 $0xFFFFFFFF  }
0xb5: {  	_ =	strace $0x9000004E  }
0xb6: {  	_ =	sfence  }
0xb7: {  	s30 =	sld [smem:$0x0];
	_ =	sdelay $0x2  }
0xb8: {  	s31 =	sshll.u32 s1, $0xD;
	s1 =	sshrl.u32 s1, $0x2  }
0xb9: {  	s3 =	sand.u32 $0x4000, s31;
	s1 =	sadd.s32 s1, s30  }
0xba: {  	s0 =	sor.u32 s3, s0;
	s1 =	sshll.u32 s1, $0x11  }
0xbb: {  	s0 =	sor.u32 s1, s0  }
0xbc: {  	s0 =	sadd.s32 $0x8F2B, s0  }
0xbd: {  	[sflag:s0] =	ssyncadd.remote.s32 $0x1  }
0xbe: {  	_ =	sfence.sel $0xFFFF  }
0xbf: {  	[dreg:$0x0] =	wrdreg $0xFFFFFFFF;
	(pc) =	sbr.abs _section_cstart, $3  }
0xc0: {  	[dreg:$0x1] =	wrdreg $0xFFFFFFFF  }
0xc1: {  	_ =	task.clear_ibuf [dreg:s6], $0x2FFFF;
	_ =	strace $0x9FFFFFFF  }
0xc2: {  	(tm) =	ssettm $0x7FFFFFFF  }
0xc3: {  	_ =	shalt  }
tec
execute0_lowered:
.L_overlay_start_1:
0x0: {  	(tag) =	ssettag $0x1  }
0x1: {  	s8 =	rddreg [dreg:$0x0]  }
0x2: {  	s2 =	rddreg [dreg:$0x1]  }
0x3: {  	s0 =	rddreg [dreg:$0x2];
	s3 =	simm.s32 $0x0  }
0x4: {  	s1 =	stileid.u32;
	s5 =	srdreg.scid;
	s15 =	simm.s32 $0x3  }
0x5: {  	s16 =	simm.s32 $0x1400;
	s19 =	simm.s32 $0x80;
	s20 =	simm.s32 $0x2800  }
0x6: {  	s21 =	simm.s32 $0x6800;
	s22 =	simm.s32 $0x1;
	s23 =	simm.s32 $0x2  }
0x7: {  	s24 =	simm.s32 $0x2700;
	s25 =	simm.s32 $0x2780;
	s4 =	smul.u32 $0x2800, s1  }
0x8: {  	s26 =	simm.s32 $0x0;
	[smem:$0x7FF] =	sst s3;
	s7 =	smul.u32 $0x280, s1  }
0x9: {  	s11 =	sand.u32 $0x1, s5;
	s5 =	sadd.s32 $0x6400, s8;
	s6 =	sadd.s32 $0x2E400, s8  }
0xa: {  	s14 =	smul.u32 $0x50000, s1;
	_ =	strace $0x8000004D;
	s9 =	ssub.s32 $0x2, s11  }
0xb: {  	p0 =	seq.s32 s11, $0x1;
	s12 =	sadd.s32 s4, s8;
	s10 =	sadd.s32 s7, s8  }
.Ltmp0:
0xc: {  	s13 =	sshrl.u32 s9, $0x1;
	s7 =	sadd.s32 $0xD9000, s8;
	(pc) =	sbr.rel .LBB2_1-.Ltmp0, $4  }
0xd: {  	s8 =	sadd.s32 $0x101000, s8;
	s14 =	sshrl.u32 s14, $0x2;
	s13 =	ssub.s32 s9, s13  }
0xe: {  	s9 =	sadd.s32 $0x5E800, s10;
	s10 =	sadd.s32 $0x5C000, s10;
	s18 =	sadd.s32 s14, s2  }
0xf: {  	s11 =	sadd.s32 $0x89000, s12;
	s12 =	sadd.s32 $0xB1000, s12;
	s14 =	sshll.u32 s1, $0x6  }
0x10: {  	s13 =	smax.u32 s13, $0x1;
	s17 =	sor.u32 $0x1C03, s14;
	s18 =	sshrl.u32 s18, $0x3  }
.LBB2_7:
0x11: {  	[tilespmem:s21], [sflag:$0x2] =	stream.indirect.gather [hbm4b:s6+s19], $0x80, s29, s19, $0xb8;
	[tilespmem:$0x1E800] =	vst v63  }
0x12: {  	s29 =	smov.u32 s8;
	s28 =	smov.u32 s17  }
.LBB2_8:
0x13: {  	_ =	swait.ge [sflag:s22], $0x4000  }
0x14: {  	[sflag:s22] =	ssyncset.done $0x0  }
0x15: {  	[sflag:s22] =	ssyncadd.s32 $0xFFFFC000  }
0x16: {  	[spmem:s2] =	stream.indirect.scatter.add.f32 [tilespmem:s20], [sflag:$0x3], $0x80, s24, s19, $0xb8;
	[tilespmem:$0x1E800] =	vst v63  }
0x17: {  	_ =	swait.ge [sflag:s15], $0x4000  }
0x18: {  	[sflag:s15] =	ssyncset.done $0x0  }
0x19: {  	[sflag:s15] =	ssyncadd.s32 $0xFFFFC000  }
0x1a: {  	_ =	swait.ge [sflag:s23], $0x4000  }
0x1b: {  	[sflag:s23] =	ssyncset.done $0x0  }
0x1c: {  	[sflag:s23] =	ssyncadd.s32 $0xFFFFC000  }
0x1d: {  	[spmem:s2] =	stream.indirect.scatter.add.f32 [tilespmem:s21], [sflag:$0x3], $0x80, s25, s19, $0xb8;
	[tilespmem:$0x1E800] =	vst v63  }
0x1e: {  	_ =	swait.ge [sflag:s15], $0x4000  }
0x1f: {  	s26 =	sadd.s32 $0x1, s26;
	[sflag:s15] =	ssyncset.done $0x0  }
0x20: {  	p1 =	sne.s32 s26, s13;
	[sflag:s15] =	ssyncadd.s32 $0xFFFFC000  }
.Ltmp1:
0x21: {  	s29 =	sadd.s32 s29, s4;
	[bflag:$0x0] =	sbarrier.arrive $0xFFFF;
	(pc) =	sbr.rel @!p1 .LBB2_9-.Ltmp1, $4  }
0x22: {  	[hbm:s29], [sflag:s28] =	dma.local [spmem:s18], $0x2800  }
0x23: {  	_ =	swait.ge [sflag:s15], $0x2800  }
0x24: {  	[sflag:s15] =	ssyncset.done $0x0  }
0x25: {  	[sflag:s15] =	ssyncadd.s32 $0xFFFFD800  }
.LBB2_1:
0x26: {  	[tilespmem:s3], [sflag:$0x3] =	stream.linear.gather [hbm4b:s9+s3], $0x1400, $0x38;
	[tilespmem:$0x1E800] =	vst v63  }
0x27: {  	_ =	swait.ge [sflag:s15], $0x1400  }
0x28: {  	[sflag:s15] =	ssyncset.done $0x0  }
.Ltmp2:
0x29: {  	[sflag:s15] =	ssyncadd.s32 $0xFFFFEC00;
	(pc) =	sbr.rel @!p0 .LBB2_2-.Ltmp2, $4  }
0x2a: {  	[tilespmem:s16], [sflag:$0x3] =	stream.linear.gather [hbm4b:s10+s3], $0x1400, $0x38;
	[tilespmem:$0x1E800] =	vst v63  }
0x2b: {  	_ =	swait.ge [sflag:s15], $0x1400  }
0x2c: {  	[sflag:s15] =	ssyncset.done $0x0  }
0x2d: {  	[sflag:s15] =	ssyncadd.s32 $0xFFFFEC00  }
0x2e: {  	[spmem:s18], [sflag:s17] =	dma.local [hbm:s12], $0x2800  }
0x2f: {  	_ =	swait.ge [sflag:s15], $0x2800  }
0x30: {  	[sflag:s15] =	ssyncset.done $0x0  }
0x31: {  	[sflag:s15] =	ssyncadd.s32 $0xFFFFD800  }
0x32: {  	s28 =	simm.s32 $0x0;
	[bflag:$0x0] =	sbarrier.arrive $0xFFFF  }
0x33: {  	[tilespmem:s20], [sflag:$0x1] =	stream.indirect.gather [hbm4b:s6+s19], $0x80, s28, s19, $0xb8;
	[tilespmem:$0x1E800] =	vst v63  }
0x34: {  	_ = 	snop  }
0x35: {  	[tilespmem:s21], [sflag:$0x2] =	stream.indirect.gather [hbm4b:s6+s19], $0x80, s19, s19, $0xb8;
	[tilespmem:$0x1E800] =	vst v63  }
0x36: {  	_ =	swait.ge [sflag:s22], $0x4000  }
0x37: {  	[sflag:s22] =	ssyncset.done $0x0  }
0x38: {  	s28 =	simm.s32 $0x1400;
	[sflag:s22] =	ssyncadd.s32 $0xFFFFC000  }
0x39: {  	[spmem:s2] =	stream.indirect.scatter.add.f32 [tilespmem:s20], [sflag:$0x3], $0x80, s28, s19, $0xb8;
	[tilespmem:$0x1E800] =	vst v63  }
0x3a: {  	_ =	swait.ge [sflag:s15], $0x4000  }
0x3b: {  	[sflag:s15] =	ssyncset.done $0x0  }
0x3c: {  	s28 =	simm.s32 $0x100;
	[sflag:s15] =	ssyncadd.s32 $0xFFFFC000  }
0x3d: {  	[tilespmem:s20], [sflag:$0x1] =	stream.indirect.gather [hbm4b:s6+s19], $0x80, s28, s19, $0xb8;
	[tilespmem:$0x1E800] =	vst v63  }
0x3e: {  	_ =	swait.ge [sflag:s23], $0x4000  }
0x3f: {  	[sflag:s23] =	ssyncset.done $0x0  }
0x40: {  	s28 =	simm.s32 $0x1480;
	[sflag:s23] =	ssyncadd.s32 $0xFFFFC000  }
0x41: {  	[spmem:s2] =	stream.indirect.scatter.add.f32 [tilespmem:s21], [sflag:$0x3], $0x80, s28, s19, $0xb8;
	[tilespmem:$0x1E800] =	vst v63  }
0x42: {  	_ =	swait.ge [sflag:s15], $0x4000  }
0x43: {  	[sflag:s15] =	ssyncset.done $0x0  }
0x44: {  	s29 =	simm.s32 $0x180;
	s28 =	simm.s32 $0x400;
	[sflag:s15] =	ssyncadd.s32 $0xFFFFC000  }
.LBB2_6:
0x45: {  	[tilespmem:s21], [sflag:$0x2] =	stream.indirect.gather [hbm4b:s6+s19], $0x80, s29, s19, $0xb8;
	[tilespmem:$0x1E800] =	vst v63  }
0x46: {  	s29 =	smov.u32 s28  }
0x47: {  	p1 =	sne.s32 s28, $0x4800;
	s28 =	sadd.s32 $0x400, s28;
	_ =	swait.ge [sflag:s22], $0x4000  }
0x48: {  	s29 =	sshra.s32 s29, $0x2;
	[sflag:s22] =	ssyncset.done $0x0  }
0x49: {  	s30 =	sadd.s32 $0x1400, s29;
	[sflag:s22] =	ssyncadd.s32 $0xFFFFC000  }
0x4a: {  	[spmem:s2] =	stream.indirect.scatter.add.f32 [tilespmem:s20], [sflag:$0x3], $0x80, s30, s19, $0xb8;
	[tilespmem:$0x1E800] =	vst v63  }
0x4b: {  	_ =	swait.ge [sflag:s15], $0x4000  }
0x4c: {  	[sflag:s15] =	ssyncset.done $0x0  }
0x4d: {  	s30 =	sadd.s32 $0x100, s29;
	[sflag:s15] =	ssyncadd.s32 $0xFFFFC000  }
0x4e: {  	[tilespmem:s20], [sflag:$0x1] =	stream.indirect.gather [hbm4b:s6+s19], $0x80, s30, s19, $0xb8;
	[tilespmem:$0x1E800] =	vst v63  }
0x4f: {  	_ =	swait.ge [sflag:s23], $0x4000  }
0x50: {  	[sflag:s23] =	ssyncset.done $0x0  }
.Ltmp3:
0x51: {  	s30 =	sadd.s32 $0x1480, s29;
	[sflag:s23] =	ssyncadd.s32 $0xFFFFC000;
	(pc) =	sbr.rel @p1 .LBB2_6-.Ltmp3, $4  }
0x52: {  	[spmem:s2] =	stream.indirect.scatter.add.f32 [tilespmem:s21], [sflag:$0x3], $0x80, s30, s19, $0xb8;
	[tilespmem:$0x1E800] =	vst v63  }
0x53: {  	_ =	swait.ge [sflag:s15], $0x4000  }
0x54: {  	[sflag:s15] =	ssyncset.done $0x0  }
0x55: {  	s29 =	sadd.s32 $0x180, s29;
	[sflag:s15] =	ssyncadd.s32 $0xFFFFC000  }
.Ltmp4:
0x56: {  	_ = 	snop;
	(pc) =	sbr.rel .LBB2_7-.Ltmp4, $1  }
0x57: {  	_ =	sdelay $0x3  }
.LBB2_2:
0x58: {  	s28 =	sor.u32 $0x1C03, s14  }
0x59: {  	[spmem:s18], [sflag:s28] =	dma.local [hbm:s11], $0x2800  }
0x5a: {  	_ =	swait.ge [sflag:s15], $0x2800  }
0x5b: {  	[sflag:s15] =	ssyncset.done $0x0  }
0x5c: {  	[sflag:s15] =	ssyncadd.s32 $0xFFFFD800  }
0x5d: {  	s29 =	simm.s32 $0x0;
	[bflag:$0x0] =	sbarrier.arrive $0xFFFF  }
0x5e: {  	[tilespmem:s20], [sflag:$0x1] =	stream.indirect.gather [hbm4b:s5+s19], $0x80, s29, s19, $0xb8;
	[tilespmem:$0x1E800] =	vst v63  }
0x5f: {  	_ = 	snop  }
0x60: {  	[tilespmem:s21], [sflag:$0x2] =	stream.indirect.gather [hbm4b:s5+s19], $0x80, s19, s19, $0xb8;
	[tilespmem:$0x1E800] =	vst v63  }
0x61: {  	_ =	swait.ge [sflag:s22], $0x4000  }
0x62: {  	[sflag:s22] =	ssyncset.done $0x0  }
0x63: {  	s29 =	simm.s32 $0x1400;
	[sflag:s22] =	ssyncadd.s32 $0xFFFFC000  }
0x64: {  	[spmem:s2] =	stream.indirect.scatter.add.f32 [tilespmem:s20], [sflag:$0x3], $0x80, s29, s19, $0xb8;
	[tilespmem:$0x1E800] =	vst v63  }
0x65: {  	_ =	swait.ge [sflag:s15], $0x4000  }
0x66: {  	[sflag:s15] =	ssyncset.done $0x0  }
0x67: {  	s29 =	simm.s32 $0x100;
	[sflag:s15] =	ssyncadd.s32 $0xFFFFC000  }
0x68: {  	[tilespmem:s20], [sflag:$0x1] =	stream.indirect.gather [hbm4b:s5+s19], $0x80, s29, s19, $0xb8;
	[tilespmem:$0x1E800] =	vst v63  }
0x69: {  	_ =	swait.ge [sflag:s23], $0x4000  }
0x6a: {  	[sflag:s23] =	ssyncset.done $0x0  }
0x6b: {  	s29 =	simm.s32 $0x1480;
	[sflag:s23] =	ssyncadd.s32 $0xFFFFC000  }
0x6c: {  	[spmem:s2] =	stream.indirect.scatter.add.f32 [tilespmem:s21], [sflag:$0x3], $0x80, s29, s19, $0xb8;
	[tilespmem:$0x1E800] =	vst v63  }
0x6d: {  	_ =	swait.ge [sflag:s15], $0x4000  }
0x6e: {  	[sflag:s15] =	ssyncset.done $0x0  }
0x6f: {  	s30 =	simm.s32 $0x180;
	s29 =	simm.s32 $0x400;
	[sflag:s15] =	ssyncadd.s32 $0xFFFFC000  }
.LBB2_3:
0x70: {  	[tilespmem:s21], [sflag:$0x2] =	stream.indirect.gather [hbm4b:s5+s19], $0x80, s30, s19, $0xb8;
	[tilespmem:$0x1E800] =	vst v63  }
0x71: {  	s30 =	smov.u32 s29  }
0x72: {  	p1 =	seq.s32 s29, $0x4800;
	s29 =	sadd.s32 $0x400, s29;
	_ =	swait.ge [sflag:s22], $0x4000  }
0x73: {  	s30 =	sshra.s32 s30, $0x2;
	[sflag:s22] =	ssyncset.done $0x0  }
0x74: {  	s31 =	sadd.s32 $0x1400, s30;
	[sflag:s22] =	ssyncadd.s32 $0xFFFFC000  }
0x75: {  	[spmem:s2] =	stream.indirect.scatter.add.f32 [tilespmem:s20], [sflag:$0x3], $0x80, s31, s19, $0xb8;
	[tilespmem:$0x1E800] =	vst v63  }
0x76: {  	_ =	swait.ge [sflag:s15], $0x4000  }
0x77: {  	[sflag:s15] =	ssyncset.done $0x0  }
0x78: {  	s31 =	sadd.s32 $0x100, s30;
	[sflag:s15] =	ssyncadd.s32 $0xFFFFC000  }
0x79: {  	[tilespmem:s20], [sflag:$0x1] =	stream.indirect.gather [hbm4b:s5+s19], $0x80, s31, s19, $0xb8;
	[tilespmem:$0x1E800] =	vst v63  }
0x7a: {  	_ =	swait.ge [sflag:s23], $0x4000  }
0x7b: {  	[sflag:s23] =	ssyncset.done $0x0  }
.Ltmp5:
0x7c: {  	s31 =	sadd.s32 $0x1480, s30;
	[sflag:s23] =	ssyncadd.s32 $0xFFFFC000;
	(pc) =	sbr.rel @!p1 .LBB2_3-.Ltmp5, $4  }
0x7d: {  	[spmem:s2] =	stream.indirect.scatter.add.f32 [tilespmem:s21], [sflag:$0x3], $0x80, s31, s19, $0xb8;
	[tilespmem:$0x1E800] =	vst v63  }
0x7e: {  	_ =	swait.ge [sflag:s15], $0x4000  }
0x7f: {  	[sflag:s15] =	ssyncset.done $0x0  }
0x80: {  	s30 =	sadd.s32 $0x180, s30;
	[sflag:s15] =	ssyncadd.s32 $0xFFFFC000  }
.Ltmp6:
0x81: {  	(pc) =	sbr.rel .LBB2_8-.Ltmp6, $3  }
0x82: {  	_ =	sdelay $0x1  }
0x83: {  	[tilespmem:s21], [sflag:$0x2] =	stream.indirect.gather [hbm4b:s5+s19], $0x80, s30, s19, $0xb8;
	[tilespmem:$0x1E800] =	vst v63  }
0x84: {  	s29 =	smov.u32 s7  }
.LBB2_9:
0x85: {  	_ =	sfence.sel $0x180000  }
0x86: {  	[bflag:$0x0] =	sbarrier.arrive $0xFFFF  }
0x87: {  	p0 =	sne.s32 s1, $0x0;
	_ =	strace $0x9000004D  }
0x88: {  	s0 =	sadd.s32 @!p0 $0x100000, s0;
	[bflag:$0x2] =	sbarrier.arrive $0xFFFF  }
0x89: {  	[sflag:s0] =	ssyncadd.tile.s32 @!p0 $0x1;
	_ =	shalt  }
.Lfunc_end2:
_tile_overlayer_lowered:
.L_overlay_start_2:
0x8a: {  	(tag) =	ssettag $0x2  }
0x8b: {  	s0 =	rddreg [dreg:$0x0];
	s2 =	stileid.u32  }
0x8c: {  	s1 =	rddreg [dreg:$0x1];
	p0 =	sne.s32 s2, $0x0  }
0x8d: {  	s3 =	rddreg [dreg:$0x2];
	[bflag:$0x3] =	sbarrier.arrive $0xFFFF;
	s2 =	simm.s32 @!p0 $0x1C03  }
0x8e: {  	[timem:s3], [sflag:s2] =	dma.local @!p0 [hbm:s0], s1  }
0x8f: {  	s0 =	simm.s32 @!p0 $0x3  }
0x90: {  	_ =	swait.ge @!p0 [sflag:s0], s1  }
0x91: {  	s1 =	ssub.s32 @!p0 $0x0, s1;
	[sflag:s0] =	ssyncset.done @!p0 $0x0  }
0x92: {  	[sflag:s0] =	ssyncadd.s32 @!p0 s1  }
0x93: {  	[bflag:$0x3] =	sbarrier.arrive $0xFFFF  }
0x94: {  	_ =	shalt  }

// kernel: kernel.22.cloned.1.call-start
scs
__scs_entry_jumppad:
0x0: {  	(pc) =	sbr.rel $0x88, $3  }
0x1: {  	(tag) =	ssettag $0x0;
	lr =	simm.s32 $0x1  }
0x2: {  	[smem:$0x3F99] =	sst lr;
	_ =	strace $0xD0000000  }
0x3: {  	_ = 	snop  }
0x4: {  	_ = 	snop  }
0x5: {  	_ = 	snop  }
0x6: {  	_ = 	snop  }
0x7: {  	_ = 	snop  }
__scs_overlays_trampoline_lowered:
0x8: {  	[smem:$0x3FA8] =	sst s0  }
0x9: {  	[smem:$0x3FA9] =	sst s1  }
0xa: {  	[smem:$0x3FAA] =	sst s2  }
0xb: {  	[smem:$0x3FAB] =	sst s3  }
0xc: {  	[smem:$0x3FAC] =	sst s4  }
0xd: {  	[smem:$0x3FAD] =	sst s5  }
0xe: {  	[smem:$0x3FAE] =	sst s6  }
0xf: {  	[smem:$0x3FAF] =	sst s7  }
0x10: {  	[smem:$0x3FB0] =	sst s8  }
0x11: {  	[smem:$0x3FB1] =	sst s9;
	s0 =	simm.s32 @!p0 $0x0  }
0x12: {  	s1 =	sld [smem:$0x3F97];
	s0 =	simm.s32 @p0 $0x1  }
0x13: {  	[smem:$0x3FB2] =	sst s0;
	s0 =	simm.s32 @!p1 $0x0  }
0x14: {  	s2 =	sld [smem:$0x3F96];
	s0 =	simm.s32 @p1 $0x1  }
0x15: {  	[smem:$0x3FB3] =	sst s0;
	s0 =	simm.s32 @!p2 $0x0  }
0x16: {  	s3 =	sld [smem:$0x3FDB];
	s0 =	simm.s32 @p2 $0x1  }
0x17: {  	s4 =	simm.s32 $0x1BF5;
	[smem:$0x3FB5] =	sst s0  }
0x18: {  	s0 =	sld [smem:$0x3F98];
	_ =	swait.ge [sflag:s4], $0x0  }
0x19: {  	s7 =	sld [smem:$0x3F99]  }
0x1a: {  	s8 =	sadd.s32 $0xFFFFE003, lr  }
0x1b: {  	s9 =	sadd.s32 $0xFFFFFEF7, lr;
	s5 =	simm.s32 $0xFFFFFFFF;
	p2 =	slt.u32 s8, $0xFFFFF086  }
0x1c: {  	p1 =	slt.u32 s9, $0xF7A;
	s5 =	simm.s32 @!p2 $0x0  }
0x1d: {  	s5 =	simm.s32 @p1 $0x1;
	p0 =	seq.s32 s7, s2  }
0x1e: {  	s7 =	smul.u32 @!p0 $0xF7A, s2;
	p2 =	seq.s32 @!p0 s5, $0x0  }
0x1f: {  	s9 =	smul.u32 $0xF7A, s1;
	s8 =	simm.s32 @!p0 $0x1BF5;
	p2 =	por !p2, p0  }
0x20: {  	[sflag:s8] =	ssyncset.s32 @!p0 $0xFFFFF086;
	s6 =	sadd.s32 @!p0 s3, s7;
	s7 =	simm.s32 @!p0 $0x108  }
0x21: {  	s3 =	sadd.s32 s3, s9;
	s6 =	sadd.s32 @!p0 $0x88, s6;
	s7 =	simm.s32 @p2 $0x1082  }
0x22: {  	[simem:s7], [sflag:s8] =	dma.local @!p0 [hbm:s6], $0xF7A  }
0x23: {  	s9 =	sor.u32 $0xD0000000, s2;
	s6 =	simm.s32 $0x108;
	_ =	swait.ge @!p0 [sflag:s8], $0x0  }
0x24: {  	s3 =	sadd.s32 $0x88, s3;
	s6 =	simm.s32 @!p1 $0x1082;
	[sflag:s4] =	ssyncset.s32 $0xFFFFF086  }
0x25: {  	[simem:s6], [sflag:s4] =	dma.local [hbm:s3], $0xF7A  }
0x26: {  	[smem:$0x3F99] =	sst s1;
	(tag) =	ssettag s2;
	_ =	strace s9  }
0x27: {  	s1 =	sld [smem:$0x3FA9]  }
0x28: {  	s2 =	sld [smem:$0x3FAA]  }
0x29: {  	s4 =	sld [smem:$0x3FAC]  }
0x2a: {  	p0 =	seq.s32 s5, $0x0;
	s5 =	sld [smem:$0x3FAD]  }
0x2b: {  	s6 =	sld [smem:$0x3FAE]  }
0x2c: {  	s7 =	sld [smem:$0x3FAF]  }
0x2d: {  	s3 =	simm.s32 $0x108;
	s8 =	sld [smem:$0x3FB0]  }
0x2e: {  	s3 =	simm.s32 @!p0 $0x1082;
	s9 =	sld [smem:$0x3FB1]  }
0x2f: {  	lr =	sadd.s32 s0, s3;
	s0 =	sld [smem:$0x3FA8]  }
0x30: {  	s3 =	sld [smem:$0x3FAB]  }
0x31: {  	[smem:$0x3FB4] =	sst s10  }
0x32: {  	s10 =	sld [smem:$0x3FB2];
	_ =	sdelay $0x3  }
0x33: {  	p0 =	seq.s32 s10, $0x1;
	s10 =	sld [smem:$0x3FB4];
	_ =	sdelay $0x3  }
0x34: {  	[smem:$0x3FB4] =	sst s10  }
0x35: {  	s10 =	sld [smem:$0x3FB3];
	_ =	sdelay $0x3  }
0x36: {  	p1 =	seq.s32 s10, $0x1;
	s10 =	sld [smem:$0x3FB4];
	_ =	sdelay $0x3  }
0x37: {  	[smem:$0x3FB4] =	sst s10  }
0x38: {  	s10 =	sld [smem:$0x3FB5]  }
0x39: {  	_ = 	snop;
	(pc) =	sbr.ind lr, $3  }
0x3a: {  	_ = 	snop  }
0x3b: {  	_ = 	snop  }
0x3c: {  	p2 =	seq.s32 s10, $0x1;
	s10 =	sld [smem:$0x3FB4]  }
0x3d: {  	_ =	shalt  }
0x3e: {  	_ =	shalt  }
0x3f: {  	_ =	shalt  }
0x40: {  	_ =	shalt  }
0x41: {  	_ =	shalt  }
0x42: {  	_ =	shalt  }
0x43: {  	_ =	shalt  }
0x44: {  	_ =	shalt  }
0x45: {  	_ =	shalt  }
0x46: {  	_ =	shalt  }
0x47: {  	_ =	shalt  }
0x48: {  	_ =	shalt  }
0x49: {  	_ =	shalt  }
0x4a: {  	_ =	shalt  }
0x4b: {  	_ =	shalt  }
0x4c: {  	_ =	shalt  }
0x4d: {  	_ =	shalt  }
0x4e: {  	_ =	shalt  }
0x4f: {  	_ =	shalt  }
0x50: {  	_ =	shalt  }
0x51: {  	_ =	shalt  }
0x52: {  	_ =	shalt  }
0x53: {  	_ =	shalt  }
0x54: {  	_ =	shalt  }
0x55: {  	_ =	shalt  }
0x56: {  	_ =	shalt  }
0x57: {  	_ =	shalt  }
0x58: {  	_ =	shalt  }
0x59: {  	_ =	shalt  }
0x5a: {  	_ =	shalt  }
0x5b: {  	_ =	shalt  }
0x5c: {  	_ =	shalt  }
0x5d: {  	_ =	shalt  }
0x5e: {  	_ =	shalt  }
0x5f: {  	_ =	shalt  }
0x60: {  	_ =	shalt  }
0x61: {  	_ =	shalt  }
0x62: {  	_ =	shalt  }
0x63: {  	_ =	shalt  }
0x64: {  	_ =	shalt  }
0x65: {  	_ =	shalt  }
0x66: {  	_ =	shalt  }
0x67: {  	_ =	shalt  }
0x68: {  	_ =	shalt  }
0x69: {  	_ =	shalt  }
0x6a: {  	_ =	shalt  }
0x6b: {  	_ =	shalt  }
0x6c: {  	_ =	shalt  }
0x6d: {  	_ =	shalt  }
0x6e: {  	_ =	shalt  }
0x6f: {  	_ =	shalt  }
0x70: {  	_ =	shalt  }
0x71: {  	_ =	shalt  }
0x72: {  	_ =	shalt  }
0x73: {  	_ =	shalt  }
0x74: {  	_ =	shalt  }
0x75: {  	_ =	shalt  }
0x76: {  	_ =	shalt  }
0x77: {  	_ =	shalt  }
0x78: {  	_ =	shalt  }
0x79: {  	_ =	shalt  }
0x7a: {  	_ =	shalt  }
0x7b: {  	_ =	shalt  }
0x7c: {  	_ =	shalt  }
0x7d: {  	_ =	shalt  }
0x7e: {  	_ =	shalt  }
0x7f: {  	_ =	shalt  }
0x80: {  	_ =	shalt  }
0x81: {  	_ =	shalt  }
0x82: {  	_ =	shalt  }
0x83: {  	_ =	shalt  }
0x84: {  	_ =	shalt  }
0x85: {  	_ =	shalt  }
0x86: {  	_ =	shalt  }
0x87: {  	_ =	shalt  }
.Lfunc_end0:
.L_simem_size_0:
called_computation.3_lowered:
.L_overlay_start_0:
0x88: {  	s2 =	sld [smem:$0x3FD9]  }
0x89: {  	s3 =	sld [smem:$0x3FFE];
	_ =	sdelay $0x1  }
0x8a: {  	s1 =	srdreg.scid  }
0x8b: {  	s0 =	sand.u32 $0x1, s1  }
0x8c: {  	s16 =	sshll.u32 s0, $0xA;
	s2 =	sadd.s32 s3, s2  }
0x8d: {  	s2 =	sadd.s32 s2, s16  }
0x8e: {  	[smem:$0x3FC0] =	sst s2  }
0x8f: {  	_ = 	snop  }
0x90: {  	(tm) =	ssettm $0x1  }
0x91: {  	s17 =	sld [smem:$0x3FFB];
	_ =	sdelay $0x3  }
0x92: {  	_ =	strace s17  }
0x93: {  	s2 =	sld [smem:$0x3FFC];
	_ =	sdelay $0x3  }
0x94: {  	_ =	strace s2  }
0x95: {  	s2 =	sld [smem:$0x3FFD];
	_ =	sdelay $0x3  }
0x96: {  	_ =	strace s2  }
0x97: {  	_ =	strace $0x8FFFFFFF  }
0x98: {  	s18 =	sld [smem:$0x3FDB];
	_ =	sdelay $0x1  }
0x99: {  	s19 =	simm.s32 $_scs_section_size  }
0x9a: {  	s4 =	simm.s32 $_size__tile_overlayer_lowered;
	s5 =	simm.s32 $_tile_overlayer_lowered  }
0x9b: {  	s22 =	simm.s32 $0x1BFF;
	s21 =	sshll.u32 s5, $0x1;
	s2 =	sadd.s32 s19, s18  }
0x9c: {  	s6 =	simm.s32 $0x0;
	s20 =	sshll.u32 s4, $0x1;
	s4 =	sadd.s32 s21, s2  }
0x9d: {  	[timem:s6], [sflag:s22] =	dma.local [hbm:s4], s20  }
0x9e: {  	_ =	swait.ge [sflag:s22], s20  }
0x9f: {  	s3 =	ssub.s32 $0x0, s20;
	[sflag:s22] =	ssyncset.done $0x0  }
0xa0: {  	[sflag:s22] =	ssyncadd.s32 s3;
	_ =	sdelay $0x1  }
0xa1: {  	s23 =	simm.s32 $0x1B8B  }
0xa2: {  	_ =	swait.ge [sflag:s23], $0x1  }
0xa3: {  	[sflag:s23] =	ssyncset.done $0x0  }
0xa4: {  	s25 =	simm.s32 $0x1B8E;
	s24 =	sld [smem:$0x3FFE];
	[sflag:s23] =	ssyncadd.s32 $0xFFFFFFFF  }
0xa5: {  	s26 =	simm.s32 $execute0_lowered;
	[smem:$0x3FD2] =	sst s25  }
0xa6: {  	s4 =	sshll.u32 s26, $0x1;
	_ =	strace $0x8000004F;
	[dreg:$0x1] =	wrdreg $0xFFFFFFFF  }
0xa7: {  	s28 =	simm.s32 $_size_execute0_lowered;
	s2 =	sadd.s32 s2, s4;
	[dreg:$0x0] =	wrdreg $0x0  }
0xa8: {  	s4 =	sshll.u32 s28, $0x1;
	[dreg:$0x2] =	wrdreg s2  }
0xa9: {  	[dreg:$0x3] =	wrdreg s4  }
0xaa: {  	[dreg:$0x4] =	wrdreg $0xC0  }
0xab: {  	_ =	task [dreg:s6], $0x5FFFF  }
0xac: {  	[dreg:$0x1] =	wrdreg $0xFFFFFFFF  }
0xad: {  	[dreg:$0x0] =	wrdreg $0x60  }
0xae: {  	[dreg:$0x2] =	wrdreg s24  }
0xaf: {  	[dreg:$0x3] =	wrdreg $0xA8000  }
0xb0: {  	[dreg:$0x4] =	wrdreg $0x9  }
0xb1: {  	_ =	task.clear_ibuf [dreg:s6], $0x5FFFF;
	_ =	strace $0x9000004F  }
0xb2: {  	s29 =	simm.s32 $0x9;
	_ =	strace $0x80000051  }
0xb3: {  	_ =	swait.ge [sflag:s29], $0x1  }
0xb4: {  	[sflag:s29] =	ssyncadd.s32 $0xFFFFFFFF  }
0xb5: {  	_ =	strace $0x90000051  }
0xb6: {  	_ =	sfence  }
0xb7: {  	s30 =	sld [smem:$0x0];
	_ =	sdelay $0x2  }
0xb8: {  	s31 =	sshll.u32 s1, $0xD;
	s1 =	sshrl.u32 s1, $0x2  }
0xb9: {  	s3 =	sand.u32 $0x4000, s31;
	s1 =	sadd.s32 s1, s30  }
0xba: {  	s0 =	sor.u32 s3, s0;
	s1 =	sshll.u32 s1, $0x11  }
0xbb: {  	s0 =	sor.u32 s1, s0  }
0xbc: {  	s0 =	sadd.s32 $0x8F2B, s0  }
0xbd: {  	[sflag:s0] =	ssyncadd.remote.s32 $0x1  }
0xbe: {  	_ =	sfence.sel $0xFFFF  }
0xbf: {  	[dreg:$0x0] =	wrdreg $0xFFFFFFFF;
	(pc) =	sbr.abs _section_cstart, $3  }
0xc0: {  	[dreg:$0x1] =	wrdreg $0xFFFFFFFF  }
0xc1: {  	_ =	task.clear_ibuf [dreg:s6], $0x2FFFF;
	_ =	strace $0x9FFFFFFF  }
0xc2: {  	(tm) =	ssettm $0x7FFFFFFF  }
0xc3: {  	_ =	shalt  }
tec
execute0_lowered:
.L_overlay_start_1:
0x0: {  	(tag) =	ssettag $0x1  }
0x1: {  	s7 =	rddreg [dreg:$0x0]  }
0x2: {  	s2 =	rddreg [dreg:$0x1]  }
0x3: {  	s0 =	rddreg [dreg:$0x2]  }
0x4: {  	s3 =	simm.s32 $0x0;
	s1 =	stileid.u32;
	s5 =	srdreg.scid  }
0x5: {  	s14 =	simm.s32 $0x3;
	s15 =	simm.s32 $0x1400;
	s18 =	simm.s32 $0x80  }
0x6: {  	s19 =	simm.s32 $0x2800;
	s20 =	simm.s32 $0x6800;
	s21 =	simm.s32 $0x1  }
0x7: {  	s22 =	simm.s32 $0x2;
	s23 =	simm.s32 $0x2700;
	s24 =	simm.s32 $0x2780  }
0x8: {  	s25 =	simm.s32 $0x0;
	[smem:$0x7FF] =	sst s3;
	s6 =	smul.u32 $0x280, s1  }
0x9: {  	s4 =	sadd.s32 $0x6400, s7;
	s11 =	sand.u32 $0x1, s5;
	s5 =	sadd.s32 $0x2E400, s7  }
0xa: {  	s12 =	smul.u32 $0x50000, s1;
	s16 =	sshll.u32 s1, $0x6;
	_ =	strace $0x80000050  }
0xb: {  	s8 =	ssub.s32 $0x2, s11;
	p0 =	seq.s32 s11, $0x1;
	s16 =	sor.u32 $0x1C03, s16  }
.Ltmp0:
0xc: {  	s10 =	sadd.s32 s6, s7;
	s6 =	sadd.s32 $0x89000, s7;
	(pc) =	sbr.rel .LBB2_1-.Ltmp0, $4  }
0xd: {  	s9 =	sshrl.u32 s8, $0x1;
	s7 =	sadd.s32 $0xB1000, s7;
	s12 =	sshrl.u32 s12, $0x2  }
0xe: {  	s13 =	ssub.s32 s8, s9;
	s8 =	smul.u32 $0x2800, s1;
	s9 =	sadd.s32 $0x59800, s10  }
0xf: {  	s10 =	sadd.s32 $0x57000, s10;
	s17 =	sadd.s32 s12, s2;
	s13 =	smax.u32 s13, $0x1  }
0x10: {  	s17 =	sshrl.u32 s17, $0x3;
	s11 =	sadd.s32 s4, s8;
	s12 =	sadd.s32 s5, s8  }
.LBB2_7:
0x11: {  	[tilespmem:s20], [sflag:$0x2] =	stream.indirect.gather [hbm4b:s5+s18], $0x80, s28, s18, $0xb8;
	[tilespmem:$0x1E800] =	vst v63  }
0x12: {  	s26 =	smov.u32 s7  }
.LBB2_8:
0x13: {  	_ =	swait.ge [sflag:s21], $0x4000  }
0x14: {  	[sflag:s21] =	ssyncset.done $0x0  }
0x15: {  	[sflag:s21] =	ssyncadd.s32 $0xFFFFC000  }
0x16: {  	[spmem:s2] =	stream.indirect.scatter.add.f32 [tilespmem:s19], [sflag:$0x3], $0x80, s23, s18, $0xb8;
	[tilespmem:$0x1E800] =	vst v63  }
0x17: {  	_ =	swait.ge [sflag:s14], $0x4000  }
0x18: {  	[sflag:s14] =	ssyncset.done $0x0  }
0x19: {  	[sflag:s14] =	ssyncadd.s32 $0xFFFFC000  }
0x1a: {  	_ =	swait.ge [sflag:s22], $0x4000  }
0x1b: {  	[sflag:s22] =	ssyncset.done $0x0  }
0x1c: {  	[sflag:s22] =	ssyncadd.s32 $0xFFFFC000  }
0x1d: {  	[spmem:s2] =	stream.indirect.scatter.add.f32 [tilespmem:s20], [sflag:$0x3], $0x80, s24, s18, $0xb8;
	[tilespmem:$0x1E800] =	vst v63  }
0x1e: {  	_ =	swait.ge [sflag:s14], $0x4000  }
0x1f: {  	s25 =	sadd.s32 $0x1, s25;
	[sflag:s14] =	ssyncset.done $0x0  }
0x20: {  	p1 =	sne.s32 s25, s13;
	[sflag:s14] =	ssyncadd.s32 $0xFFFFC000  }
.Ltmp1:
0x21: {  	s26 =	sadd.s32 s26, s8;
	[bflag:$0x0] =	sbarrier.arrive $0xFFFF;
	(pc) =	sbr.rel @!p1 .LBB2_9-.Ltmp1, $4  }
0x22: {  	[hbm:s26], [sflag:s16] =	dma.local [spmem:s17], $0x2800  }
0x23: {  	_ =	swait.ge [sflag:s14], $0x2800  }
0x24: {  	[sflag:s14] =	ssyncset.done $0x0  }
0x25: {  	[sflag:s14] =	ssyncadd.s32 $0xFFFFD800  }
.LBB2_1:
0x26: {  	[tilespmem:s3], [sflag:$0x3] =	stream.linear.gather [hbm4b:s9+s3], $0x1400, $0x38;
	[tilespmem:$0x1E800] =	vst v63  }
0x27: {  	_ =	swait.ge [sflag:s14], $0x1400  }
0x28: {  	[sflag:s14] =	ssyncset.done $0x0  }
.Ltmp2:
0x29: {  	[sflag:s14] =	ssyncadd.s32 $0xFFFFEC00;
	(pc) =	sbr.rel @!p0 .LBB2_2-.Ltmp2, $4  }
0x2a: {  	[tilespmem:s15], [sflag:$0x3] =	stream.linear.gather [hbm4b:s10+s3], $0x1400, $0x38;
	[tilespmem:$0x1E800] =	vst v63  }
0x2b: {  	_ =	swait.ge [sflag:s14], $0x1400  }
0x2c: {  	[sflag:s14] =	ssyncset.done $0x0  }
0x2d: {  	[sflag:s14] =	ssyncadd.s32 $0xFFFFEC00  }
0x2e: {  	[spmem:s17], [sflag:s16] =	dma.local [hbm:s12], $0x2800  }
0x2f: {  	_ =	swait.ge [sflag:s14], $0x2800  }
0x30: {  	[sflag:s14] =	ssyncset.done $0x0  }
0x31: {  	[sflag:s14] =	ssyncadd.s32 $0xFFFFD800  }
0x32: {  	s26 =	simm.s32 $0x0;
	[bflag:$0x0] =	sbarrier.arrive $0xFFFF  }
0x33: {  	[tilespmem:s19], [sflag:$0x1] =	stream.indirect.gather [hbm4b:s5+s18], $0x80, s26, s18, $0xb8;
	[tilespmem:$0x1E800] =	vst v63  }
0x34: {  	_ = 	snop  }
0x35: {  	[tilespmem:s20], [sflag:$0x2] =	stream.indirect.gather [hbm4b:s5+s18], $0x80, s18, s18, $0xb8;
	[tilespmem:$0x1E800] =	vst v63  }
0x36: {  	_ =	swait.ge [sflag:s21], $0x4000  }
0x37: {  	[sflag:s21] =	ssyncset.done $0x0  }
0x38: {  	s29 =	simm.s32 $0x1400;
	[sflag:s21] =	ssyncadd.s32 $0xFFFFC000  }
0x39: {  	[spmem:s2] =	stream.indirect.scatter.add.f32 [tilespmem:s19], [sflag:$0x3], $0x80, s29, s18, $0xb8;
	[tilespmem:$0x1E800] =	vst v63  }
0x3a: {  	_ =	swait.ge [sflag:s14], $0x4000  }
0x3b: {  	[sflag:s14] =	ssyncset.done $0x0  }
0x3c: {  	s30 =	simm.s32 $0x100;
	[sflag:s14] =	ssyncadd.s32 $0xFFFFC000  }
0x3d: {  	[tilespmem:s19], [sflag:$0x1] =	stream.indirect.gather [hbm4b:s5+s18], $0x80, s30, s18, $0xb8;
	[tilespmem:$0x1E800] =	vst v63  }
0x3e: {  	_ =	swait.ge [sflag:s22], $0x4000  }
0x3f: {  	[sflag:s22] =	ssyncset.done $0x0  }
0x40: {  	s31 =	simm.s32 $0x1480;
	[sflag:s22] =	ssyncadd.s32 $0xFFFFC000  }
0x41: {  	[spmem:s2] =	stream.indirect.scatter.add.f32 [tilespmem:s20], [sflag:$0x3], $0x80, s31, s18, $0xb8;
	[tilespmem:$0x1E800] =	vst v63  }
0x42: {  	_ =	swait.ge [sflag:s14], $0x4000  }
0x43: {  	[sflag:s14] =	ssyncset.done $0x0  }
0x44: {  	s28 =	simm.s32 $0x180;
	s26 =	simm.s32 $0x400;
	[sflag:s14] =	ssyncadd.s32 $0xFFFFC000  }
.LBB2_6:
0x45: {  	[tilespmem:s20], [sflag:$0x2] =	stream.indirect.gather [hbm4b:s5+s18], $0x80, s28, s18, $0xb8;
	[tilespmem:$0x1E800] =	vst v63  }
0x46: {  	s28 =	smov.u32 s26  }
0x47: {  	p1 =	sne.s32 s26, $0x4800;
	s26 =	sadd.s32 $0x400, s26;
	_ =	swait.ge [sflag:s21], $0x4000  }
0x48: {  	s28 =	sshra.s32 s28, $0x2;
	[sflag:s21] =	ssyncset.done $0x0  }
0x49: {  	s29 =	sadd.s32 $0x1400, s28;
	[sflag:s21] =	ssyncadd.s32 $0xFFFFC000  }
0x4a: {  	[spmem:s2] =	stream.indirect.scatter.add.f32 [tilespmem:s19], [sflag:$0x3], $0x80, s29, s18, $0xb8;
	[tilespmem:$0x1E800] =	vst v63  }
0x4b: {  	_ =	swait.ge [sflag:s14], $0x4000  }
0x4c: {  	[sflag:s14] =	ssyncset.done $0x0  }
0x4d: {  	s29 =	sadd.s32 $0x100, s28;
	[sflag:s14] =	ssyncadd.s32 $0xFFFFC000  }
0x4e: {  	[tilespmem:s19], [sflag:$0x1] =	stream.indirect.gather [hbm4b:s5+s18], $0x80, s29, s18, $0xb8;
	[tilespmem:$0x1E800] =	vst v63  }
0x4f: {  	_ =	swait.ge [sflag:s22], $0x4000  }
0x50: {  	[sflag:s22] =	ssyncset.done $0x0  }
.Ltmp3:
0x51: {  	s29 =	sadd.s32 $0x1480, s28;
	[sflag:s22] =	ssyncadd.s32 $0xFFFFC000;
	(pc) =	sbr.rel @p1 .LBB2_6-.Ltmp3, $4  }
0x52: {  	[spmem:s2] =	stream.indirect.scatter.add.f32 [tilespmem:s20], [sflag:$0x3], $0x80, s29, s18, $0xb8;
	[tilespmem:$0x1E800] =	vst v63  }
0x53: {  	_ =	swait.ge [sflag:s14], $0x4000  }
0x54: {  	[sflag:s14] =	ssyncset.done $0x0  }
0x55: {  	s28 =	sadd.s32 $0x180, s28;
	[sflag:s14] =	ssyncadd.s32 $0xFFFFC000  }
.Ltmp4:
0x56: {  	_ = 	snop;
	(pc) =	sbr.rel .LBB2_7-.Ltmp4, $1  }
0x57: {  	_ =	sdelay $0x3  }
.LBB2_2:
0x58: {  	[spmem:s17], [sflag:s16] =	dma.local [hbm:s11], $0x2800  }
0x59: {  	_ =	swait.ge [sflag:s14], $0x2800  }
0x5a: {  	[sflag:s14] =	ssyncset.done $0x0  }
0x5b: {  	[sflag:s14] =	ssyncadd.s32 $0xFFFFD800  }
0x5c: {  	s26 =	simm.s32 $0x0;
	[bflag:$0x0] =	sbarrier.arrive $0xFFFF  }
0x5d: {  	[tilespmem:s19], [sflag:$0x1] =	stream.indirect.gather [hbm4b:s4+s18], $0x80, s26, s18, $0xb8;
	[tilespmem:$0x1E800] =	vst v63  }
0x5e: {  	_ = 	snop  }
0x5f: {  	[tilespmem:s20], [sflag:$0x2] =	stream.indirect.gather [hbm4b:s4+s18], $0x80, s18, s18, $0xb8;
	[tilespmem:$0x1E800] =	vst v63  }
0x60: {  	_ =	swait.ge [sflag:s21], $0x4000  }
0x61: {  	[sflag:s21] =	ssyncset.done $0x0  }
0x62: {  	s29 =	simm.s32 $0x1400;
	[sflag:s21] =	ssyncadd.s32 $0xFFFFC000  }
0x63: {  	[spmem:s2] =	stream.indirect.scatter.add.f32 [tilespmem:s19], [sflag:$0x3], $0x80, s29, s18, $0xb8;
	[tilespmem:$0x1E800] =	vst v63  }
0x64: {  	_ =	swait.ge [sflag:s14], $0x4000  }
0x65: {  	[sflag:s14] =	ssyncset.done $0x0  }
0x66: {  	s30 =	simm.s32 $0x100;
	[sflag:s14] =	ssyncadd.s32 $0xFFFFC000  }
0x67: {  	[tilespmem:s19], [sflag:$0x1] =	stream.indirect.gather [hbm4b:s4+s18], $0x80, s30, s18, $0xb8;
	[tilespmem:$0x1E800] =	vst v63  }
0x68: {  	_ =	swait.ge [sflag:s22], $0x4000  }
0x69: {  	[sflag:s22] =	ssyncset.done $0x0  }
0x6a: {  	s31 =	simm.s32 $0x1480;
	[sflag:s22] =	ssyncadd.s32 $0xFFFFC000  }
0x6b: {  	[spmem:s2] =	stream.indirect.scatter.add.f32 [tilespmem:s20], [sflag:$0x3], $0x80, s31, s18, $0xb8;
	[tilespmem:$0x1E800] =	vst v63  }
0x6c: {  	_ =	swait.ge [sflag:s14], $0x4000  }
0x6d: {  	[sflag:s14] =	ssyncset.done $0x0  }
0x6e: {  	s28 =	simm.s32 $0x180;
	s26 =	simm.s32 $0x400;
	[sflag:s14] =	ssyncadd.s32 $0xFFFFC000  }
.LBB2_3:
0x6f: {  	[tilespmem:s20], [sflag:$0x2] =	stream.indirect.gather [hbm4b:s4+s18], $0x80, s28, s18, $0xb8;
	[tilespmem:$0x1E800] =	vst v63  }
0x70: {  	s28 =	smov.u32 s26  }
0x71: {  	p1 =	seq.s32 s26, $0x4800;
	s26 =	sadd.s32 $0x400, s26;
	_ =	swait.ge [sflag:s21], $0x4000  }
0x72: {  	s28 =	sshra.s32 s28, $0x2;
	[sflag:s21] =	ssyncset.done $0x0  }
0x73: {  	s29 =	sadd.s32 $0x1400, s28;
	[sflag:s21] =	ssyncadd.s32 $0xFFFFC000  }
0x74: {  	[spmem:s2] =	stream.indirect.scatter.add.f32 [tilespmem:s19], [sflag:$0x3], $0x80, s29, s18, $0xb8;
	[tilespmem:$0x1E800] =	vst v63  }
0x75: {  	_ =	swait.ge [sflag:s14], $0x4000  }
0x76: {  	[sflag:s14] =	ssyncset.done $0x0  }
0x77: {  	s29 =	sadd.s32 $0x100, s28;
	[sflag:s14] =	ssyncadd.s32 $0xFFFFC000  }
0x78: {  	[tilespmem:s19], [sflag:$0x1] =	stream.indirect.gather [hbm4b:s4+s18], $0x80, s29, s18, $0xb8;
	[tilespmem:$0x1E800] =	vst v63  }
0x79: {  	_ =	swait.ge [sflag:s22], $0x4000  }
0x7a: {  	[sflag:s22] =	ssyncset.done $0x0  }
.Ltmp5:
0x7b: {  	s29 =	sadd.s32 $0x1480, s28;
	[sflag:s22] =	ssyncadd.s32 $0xFFFFC000;
	(pc) =	sbr.rel @!p1 .LBB2_3-.Ltmp5, $4  }
0x7c: {  	[spmem:s2] =	stream.indirect.scatter.add.f32 [tilespmem:s20], [sflag:$0x3], $0x80, s29, s18, $0xb8;
	[tilespmem:$0x1E800] =	vst v63  }
0x7d: {  	_ =	swait.ge [sflag:s14], $0x4000  }
0x7e: {  	[sflag:s14] =	ssyncset.done $0x0  }
0x7f: {  	s28 =	sadd.s32 $0x180, s28;
	[sflag:s14] =	ssyncadd.s32 $0xFFFFC000  }
.Ltmp6:
0x80: {  	(pc) =	sbr.rel .LBB2_8-.Ltmp6, $3  }
0x81: {  	_ =	sdelay $0x1  }
0x82: {  	[tilespmem:s20], [sflag:$0x2] =	stream.indirect.gather [hbm4b:s4+s18], $0x80, s28, s18, $0xb8;
	[tilespmem:$0x1E800] =	vst v63  }
0x83: {  	s26 =	smov.u32 s6  }
.LBB2_9:
0x84: {  	_ =	sfence.sel $0x180000  }
0x85: {  	[bflag:$0x0] =	sbarrier.arrive $0xFFFF  }
0x86: {  	p0 =	sne.s32 s1, $0x0;
	_ =	strace $0x90000050  }
0x87: {  	s0 =	sadd.s32 @!p0 $0x100000, s0;
	[bflag:$0x2] =	sbarrier.arrive $0xFFFF  }
0x88: {  	[sflag:s0] =	ssyncadd.tile.s32 @!p0 $0x1;
	_ =	shalt  }
.Lfunc_end2:
_tile_overlayer_lowered:
.L_overlay_start_2:
0x89: {  	(tag) =	ssettag $0x2  }
0x8a: {  	s0 =	rddreg [dreg:$0x0];
	s2 =	stileid.u32  }
0x8b: {  	s1 =	rddreg [dreg:$0x1];
	p0 =	sne.s32 s2, $0x0  }
0x8c: {  	s3 =	rddreg [dreg:$0x2];
	[bflag:$0x3] =	sbarrier.arrive $0xFFFF;
	s2 =	simm.s32 @!p0 $0x1C03  }
0x8d: {  	[timem:s3], [sflag:s2] =	dma.local @!p0 [hbm:s0], s1  }
0x8e: {  	s0 =	simm.s32 @!p0 $0x3  }
0x8f: {  	_ =	swait.ge @!p0 [sflag:s0], s1  }
0x90: {  	s1 =	ssub.s32 @!p0 $0x0, s1;
	[sflag:s0] =	ssyncset.done @!p0 $0x0  }
0x91: {  	[sflag:s0] =	ssyncadd.s32 @!p0 s1  }
0x92: {  	[bflag:$0x3] =	sbarrier.arrive $0xFFFF  }
0x93: {  	_ =	shalt  }

// kernel: kernel.25.cloned.1.call-start
scs
__scs_entry_jumppad:
0x0: {  	(pc) =	sbr.rel $0x88, $3  }
0x1: {  	(tag) =	ssettag $0x0;
	lr =	simm.s32 $0x1  }
0x2: {  	[smem:$0x3F99] =	sst lr;
	_ =	strace $0xD0000000  }
0x3: {  	_ = 	snop  }
0x4: {  	_ = 	snop  }
0x5: {  	_ = 	snop  }
0x6: {  	_ = 	snop  }
0x7: {  	_ = 	snop  }
__scs_overlays_trampoline_lowered:
0x8: {  	[smem:$0x3FA8] =	sst s0  }
0x9: {  	[smem:$0x3FA9] =	sst s1  }
0xa: {  	[smem:$0x3FAA] =	sst s2  }
0xb: {  	[smem:$0x3FAB] =	sst s3  }
0xc: {  	[smem:$0x3FAC] =	sst s4  }
0xd: {  	[smem:$0x3FAD] =	sst s5  }
0xe: {  	[smem:$0x3FAE] =	sst s6  }
0xf: {  	[smem:$0x3FAF] =	sst s7  }
0x10: {  	[smem:$0x3FB0] =	sst s8  }
0x11: {  	[smem:$0x3FB1] =	sst s9;
	s0 =	simm.s32 @!p0 $0x0  }
0x12: {  	s1 =	sld [smem:$0x3F97];
	s0 =	simm.s32 @p0 $0x1  }
0x13: {  	[smem:$0x3FB2] =	sst s0;
	s0 =	simm.s32 @!p1 $0x0  }
0x14: {  	s2 =	sld [smem:$0x3F96];
	s0 =	simm.s32 @p1 $0x1  }
0x15: {  	[smem:$0x3FB3] =	sst s0;
	s0 =	simm.s32 @!p2 $0x0  }
0x16: {  	s3 =	sld [smem:$0x3FDB];
	s0 =	simm.s32 @p2 $0x1  }
0x17: {  	s4 =	simm.s32 $0x1BF5;
	[smem:$0x3FB5] =	sst s0  }
0x18: {  	s0 =	sld [smem:$0x3F98];
	_ =	swait.ge [sflag:s4], $0x0  }
0x19: {  	s7 =	sld [smem:$0x3F99]  }
0x1a: {  	s8 =	sadd.s32 $0xFFFFE003, lr  }
0x1b: {  	s9 =	sadd.s32 $0xFFFFFEF7, lr;
	s5 =	simm.s32 $0xFFFFFFFF;
	p2 =	slt.u32 s8, $0xFFFFF086  }
0x1c: {  	p1 =	slt.u32 s9, $0xF7A;
	s5 =	simm.s32 @!p2 $0x0  }
0x1d: {  	s5 =	simm.s32 @p1 $0x1;
	p0 =	seq.s32 s7, s2  }
0x1e: {  	s7 =	smul.u32 @!p0 $0xF7A, s2;
	p2 =	seq.s32 @!p0 s5, $0x0  }
0x1f: {  	s9 =	smul.u32 $0xF7A, s1;
	s8 =	simm.s32 @!p0 $0x1BF5;
	p2 =	por !p2, p0  }
0x20: {  	[sflag:s8] =	ssyncset.s32 @!p0 $0xFFFFF086;
	s6 =	sadd.s32 @!p0 s3, s7;
	s7 =	simm.s32 @!p0 $0x108  }
0x21: {  	s3 =	sadd.s32 s3, s9;
	s6 =	sadd.s32 @!p0 $0x88, s6;
	s7 =	simm.s32 @p2 $0x1082  }
0x22: {  	[simem:s7], [sflag:s8] =	dma.local @!p0 [hbm:s6], $0xF7A  }
0x23: {  	s9 =	sor.u32 $0xD0000000, s2;
	s6 =	simm.s32 $0x108;
	_ =	swait.ge @!p0 [sflag:s8], $0x0  }
0x24: {  	s3 =	sadd.s32 $0x88, s3;
	s6 =	simm.s32 @!p1 $0x1082;
	[sflag:s4] =	ssyncset.s32 $0xFFFFF086  }
0x25: {  	[simem:s6], [sflag:s4] =	dma.local [hbm:s3], $0xF7A  }
0x26: {  	[smem:$0x3F99] =	sst s1;
	(tag) =	ssettag s2;
	_ =	strace s9  }
0x27: {  	s1 =	sld [smem:$0x3FA9]  }
0x28: {  	s2 =	sld [smem:$0x3FAA]  }
0x29: {  	s4 =	sld [smem:$0x3FAC]  }
0x2a: {  	p0 =	seq.s32 s5, $0x0;
	s5 =	sld [smem:$0x3FAD]  }
0x2b: {  	s6 =	sld [smem:$0x3FAE]  }
0x2c: {  	s7 =	sld [smem:$0x3FAF]  }
0x2d: {  	s3 =	simm.s32 $0x108;
	s8 =	sld [smem:$0x3FB0]  }
0x2e: {  	s3 =	simm.s32 @!p0 $0x1082;
	s9 =	sld [smem:$0x3FB1]  }
0x2f: {  	lr =	sadd.s32 s0, s3;
	s0 =	sld [smem:$0x3FA8]  }
0x30: {  	s3 =	sld [smem:$0x3FAB]  }
0x31: {  	[smem:$0x3FB4] =	sst s10  }
0x32: {  	s10 =	sld [smem:$0x3FB2];
	_ =	sdelay $0x3  }
0x33: {  	p0 =	seq.s32 s10, $0x1;
	s10 =	sld [smem:$0x3FB4];
	_ =	sdelay $0x3  }
0x34: {  	[smem:$0x3FB4] =	sst s10  }
0x35: {  	s10 =	sld [smem:$0x3FB3];
	_ =	sdelay $0x3  }
0x36: {  	p1 =	seq.s32 s10, $0x1;
	s10 =	sld [smem:$0x3FB4];
	_ =	sdelay $0x3  }
0x37: {  	[smem:$0x3FB4] =	sst s10  }
0x38: {  	s10 =	sld [smem:$0x3FB5]  }
0x39: {  	_ = 	snop;
	(pc) =	sbr.ind lr, $3  }
0x3a: {  	_ = 	snop  }
0x3b: {  	_ = 	snop  }
0x3c: {  	p2 =	seq.s32 s10, $0x1;
	s10 =	sld [smem:$0x3FB4]  }
0x3d: {  	_ =	shalt  }
0x3e: {  	_ =	shalt  }
0x3f: {  	_ =	shalt  }
0x40: {  	_ =	shalt  }
0x41: {  	_ =	shalt  }
0x42: {  	_ =	shalt  }
0x43: {  	_ =	shalt  }
0x44: {  	_ =	shalt  }
0x45: {  	_ =	shalt  }
0x46: {  	_ =	shalt  }
0x47: {  	_ =	shalt  }
0x48: {  	_ =	shalt  }
0x49: {  	_ =	shalt  }
0x4a: {  	_ =	shalt  }
0x4b: {  	_ =	shalt  }
0x4c: {  	_ =	shalt  }
0x4d: {  	_ =	shalt  }
0x4e: {  	_ =	shalt  }
0x4f: {  	_ =	shalt  }
0x50: {  	_ =	shalt  }
0x51: {  	_ =	shalt  }
0x52: {  	_ =	shalt  }
0x53: {  	_ =	shalt  }
0x54: {  	_ =	shalt  }
0x55: {  	_ =	shalt  }
0x56: {  	_ =	shalt  }
0x57: {  	_ =	shalt  }
0x58: {  	_ =	shalt  }
0x59: {  	_ =	shalt  }
0x5a: {  	_ =	shalt  }
0x5b: {  	_ =	shalt  }
0x5c: {  	_ =	shalt  }
0x5d: {  	_ =	shalt  }
0x5e: {  	_ =	shalt  }
0x5f: {  	_ =	shalt  }
0x60: {  	_ =	shalt  }
0x61: {  	_ =	shalt  }
0x62: {  	_ =	shalt  }
0x63: {  	_ =	shalt  }
0x64: {  	_ =	shalt  }
0x65: {  	_ =	shalt  }
0x66: {  	_ =	shalt  }
0x67: {  	_ =	shalt  }
0x68: {  	_ =	shalt  }
0x69: {  	_ =	shalt  }
0x6a: {  	_ =	shalt  }
0x6b: {  	_ =	shalt  }
0x6c: {  	_ =	shalt  }
0x6d: {  	_ =	shalt  }
0x6e: {  	_ =	shalt  }
0x6f: {  	_ =	shalt  }
0x70: {  	_ =	shalt  }
0x71: {  	_ =	shalt  }
0x72: {  	_ =	shalt  }
0x73: {  	_ =	shalt  }
0x74: {  	_ =	shalt  }
0x75: {  	_ =	shalt  }
0x76: {  	_ =	shalt  }
0x77: {  	_ =	shalt  }
0x78: {  	_ =	shalt  }
0x79: {  	_ =	shalt  }
0x7a: {  	_ =	shalt  }
0x7b: {  	_ =	shalt  }
0x7c: {  	_ =	shalt  }
0x7d: {  	_ =	shalt  }
0x7e: {  	_ =	shalt  }
0x7f: {  	_ =	shalt  }
0x80: {  	_ =	shalt  }
0x81: {  	_ =	shalt  }
0x82: {  	_ =	shalt  }
0x83: {  	_ =	shalt  }
0x84: {  	_ =	shalt  }
0x85: {  	_ =	shalt  }
0x86: {  	_ =	shalt  }
0x87: {  	_ =	shalt  }
.Lfunc_end0:
.L_simem_size_0:
called_computation.4_lowered:
.L_overlay_start_0:
0x88: {  	s2 =	sld [smem:$0x3FD9]  }
0x89: {  	s3 =	sld [smem:$0x3FFE];
	_ =	sdelay $0x1  }
0x8a: {  	s1 =	srdreg.scid  }
0x8b: {  	s0 =	sand.u32 $0x1, s1  }
0x8c: {  	s16 =	sshll.u32 s0, $0xA;
	s2 =	sadd.s32 s3, s2  }
0x8d: {  	s2 =	sadd.s32 s2, s16  }
0x8e: {  	[smem:$0x3FC0] =	sst s2  }
0x8f: {  	_ = 	snop  }
0x90: {  	(tm) =	ssettm $0x1  }
0x91: {  	s17 =	sld [smem:$0x3FFB];
	_ =	sdelay $0x3  }
0x92: {  	_ =	strace s17  }
0x93: {  	s2 =	sld [smem:$0x3FFC];
	_ =	sdelay $0x3  }
0x94: {  	_ =	strace s2  }
0x95: {  	s2 =	sld [smem:$0x3FFD];
	_ =	sdelay $0x3  }
0x96: {  	_ =	strace s2  }
0x97: {  	_ =	strace $0x8FFFFFFF  }
0x98: {  	s18 =	sld [smem:$0x3FDB];
	_ =	sdelay $0x1  }
0x99: {  	s19 =	simm.s32 $_scs_section_size  }
0x9a: {  	s4 =	simm.s32 $_size__tile_overlayer_lowered;
	s5 =	simm.s32 $_tile_overlayer_lowered  }
0x9b: {  	s22 =	simm.s32 $0x1BFF;
	s21 =	sshll.u32 s5, $0x1;
	s2 =	sadd.s32 s19, s18  }
0x9c: {  	s6 =	simm.s32 $0x0;
	s20 =	sshll.u32 s4, $0x1;
	s4 =	sadd.s32 s21, s2  }
0x9d: {  	[timem:s6], [sflag:s22] =	dma.local [hbm:s4], s20  }
0x9e: {  	_ =	swait.ge [sflag:s22], s20  }
0x9f: {  	s3 =	ssub.s32 $0x0, s20;
	[sflag:s22] =	ssyncset.done $0x0  }
0xa0: {  	[sflag:s22] =	ssyncadd.s32 s3;
	_ =	sdelay $0x1  }
0xa1: {  	s23 =	simm.s32 $0x1B8B  }
0xa2: {  	_ =	swait.ge [sflag:s23], $0x1  }
0xa3: {  	[sflag:s23] =	ssyncset.done $0x0  }
0xa4: {  	s25 =	simm.s32 $0x1B8E;
	s24 =	sld [smem:$0x3FFE];
	[sflag:s23] =	ssyncadd.s32 $0xFFFFFFFF  }
0xa5: {  	s26 =	simm.s32 $execute0_lowered;
	[smem:$0x3FD2] =	sst s25  }
0xa6: {  	s4 =	sshll.u32 s26, $0x1;
	_ =	strace $0x80000052;
	[dreg:$0x1] =	wrdreg $0xFFFFFFFF  }
0xa7: {  	s28 =	simm.s32 $_size_execute0_lowered;
	s2 =	sadd.s32 s2, s4;
	[dreg:$0x0] =	wrdreg $0x0  }
0xa8: {  	s4 =	sshll.u32 s28, $0x1;
	[dreg:$0x2] =	wrdreg s2  }
0xa9: {  	[dreg:$0x3] =	wrdreg s4  }
0xaa: {  	[dreg:$0x4] =	wrdreg $0xC0  }
0xab: {  	_ =	task [dreg:s6], $0x5FFFF  }
0xac: {  	[dreg:$0x1] =	wrdreg $0xFFFFFFFF  }
0xad: {  	[dreg:$0x0] =	wrdreg $0x60  }
0xae: {  	[dreg:$0x2] =	wrdreg s24  }
0xaf: {  	[dreg:$0x3] =	wrdreg $0xA8000  }
0xb0: {  	[dreg:$0x4] =	wrdreg $0x9  }
0xb1: {  	_ =	task.clear_ibuf [dreg:s6], $0x5FFFF;
	_ =	strace $0x90000052  }
0xb2: {  	s29 =	simm.s32 $0x9;
	_ =	strace $0x80000054  }
0xb3: {  	_ =	swait.ge [sflag:s29], $0x1  }
0xb4: {  	[sflag:s29] =	ssyncadd.s32 $0xFFFFFFFF  }
0xb5: {  	_ =	strace $0x90000054  }
0xb6: {  	_ =	sfence  }
0xb7: {  	s30 =	sld [smem:$0x0];
	_ =	sdelay $0x2  }
0xb8: {  	s31 =	sshll.u32 s1, $0xD;
	s1 =	sshrl.u32 s1, $0x2  }
0xb9: {  	s3 =	sand.u32 $0x4000, s31;
	s1 =	sadd.s32 s1, s30  }
0xba: {  	s0 =	sor.u32 s3, s0;
	s1 =	sshll.u32 s1, $0x11  }
0xbb: {  	s0 =	sor.u32 s1, s0  }
0xbc: {  	s0 =	sadd.s32 $0x8F2B, s0  }
0xbd: {  	[sflag:s0] =	ssyncadd.remote.s32 $0x1  }
0xbe: {  	_ =	sfence.sel $0xFFFF  }
0xbf: {  	[dreg:$0x0] =	wrdreg $0xFFFFFFFF;
	(pc) =	sbr.abs _section_cstart, $3  }
0xc0: {  	[dreg:$0x1] =	wrdreg $0xFFFFFFFF  }
0xc1: {  	_ =	task.clear_ibuf [dreg:s6], $0x2FFFF;
	_ =	strace $0x9FFFFFFF  }
0xc2: {  	(tm) =	ssettm $0x7FFFFFFF  }
0xc3: {  	_ =	shalt  }
tec
execute0_lowered:
.L_overlay_start_1:
0x0: {  	(tag) =	ssettag $0x1  }
0x1: {  	s8 =	rddreg [dreg:$0x0]  }
0x2: {  	s2 =	rddreg [dreg:$0x1]  }
0x3: {  	s0 =	rddreg [dreg:$0x2];
	s3 =	simm.s32 $0x0  }
0x4: {  	s1 =	stileid.u32;
	s5 =	srdreg.scid;
	s15 =	simm.s32 $0x3  }
0x5: {  	s16 =	simm.s32 $0x1400;
	s19 =	simm.s32 $0x80;
	s20 =	simm.s32 $0x2800  }
0x6: {  	s21 =	simm.s32 $0x6800;
	s22 =	simm.s32 $0x1;
	s23 =	simm.s32 $0x2  }
0x7: {  	s24 =	simm.s32 $0x2700;
	s25 =	simm.s32 $0x2780;
	s4 =	smul.u32 $0x2800, s1  }
0x8: {  	s26 =	simm.s32 $0x0;
	[smem:$0x7FF] =	sst s3;
	s7 =	smul.u32 $0x280, s1  }
0x9: {  	s11 =	sand.u32 $0x1, s5;
	s5 =	sadd.s32 $0x6400, s8;
	s6 =	sadd.s32 $0x2E400, s8  }
0xa: {  	s14 =	smul.u32 $0x50000, s1;
	_ =	strace $0x80000053;
	s9 =	ssub.s32 $0x2, s11  }
0xb: {  	p0 =	seq.s32 s11, $0x1;
	s12 =	sadd.s32 s4, s8;
	s10 =	sadd.s32 s7, s8  }
.Ltmp0:
0xc: {  	s13 =	sshrl.u32 s9, $0x1;
	s7 =	sadd.s32 $0xD9000, s8;
	(pc) =	sbr.rel .LBB2_1-.Ltmp0, $4  }
0xd: {  	s8 =	sadd.s32 $0x101000, s8;
	s14 =	sshrl.u32 s14, $0x2;
	s13 =	ssub.s32 s9, s13  }
0xe: {  	s9 =	sadd.s32 $0x5E800, s10;
	s10 =	sadd.s32 $0x5C000, s10;
	s18 =	sadd.s32 s14, s2  }
0xf: {  	s11 =	sadd.s32 $0x89000, s12;
	s12 =	sadd.s32 $0xB1000, s12;
	s14 =	sshll.u32 s1, $0x6  }
0x10: {  	s13 =	smax.u32 s13, $0x1;
	s17 =	sor.u32 $0x1C03, s14;
	s18 =	sshrl.u32 s18, $0x3  }
.LBB2_7:
0x11: {  	[tilespmem:s21], [sflag:$0x2] =	stream.indirect.gather [hbm4b:s6+s19], $0x80, s29, s19, $0xb8;
	[tilespmem:$0x1E800] =	vst v63  }
0x12: {  	s29 =	smov.u32 s8;
	s28 =	smov.u32 s17  }
.LBB2_8:
0x13: {  	_ =	swait.ge [sflag:s22], $0x4000  }
0x14: {  	[sflag:s22] =	ssyncset.done $0x0  }
0x15: {  	[sflag:s22] =	ssyncadd.s32 $0xFFFFC000  }
0x16: {  	[spmem:s2] =	stream.indirect.scatter.add.f32 [tilespmem:s20], [sflag:$0x3], $0x80, s24, s19, $0xb8;
	[tilespmem:$0x1E800] =	vst v63  }
0x17: {  	_ =	swait.ge [sflag:s15], $0x4000  }
0x18: {  	[sflag:s15] =	ssyncset.done $0x0  }
0x19: {  	[sflag:s15] =	ssyncadd.s32 $0xFFFFC000  }
0x1a: {  	_ =	swait.ge [sflag:s23], $0x4000  }
0x1b: {  	[sflag:s23] =	ssyncset.done $0x0  }
0x1c: {  	[sflag:s23] =	ssyncadd.s32 $0xFFFFC000  }
0x1d: {  	[spmem:s2] =	stream.indirect.scatter.add.f32 [tilespmem:s21], [sflag:$0x3], $0x80, s25, s19, $0xb8;
	[tilespmem:$0x1E800] =	vst v63  }
0x1e: {  	_ =	swait.ge [sflag:s15], $0x4000  }
0x1f: {  	s26 =	sadd.s32 $0x1, s26;
	[sflag:s15] =	ssyncset.done $0x0  }
0x20: {  	p1 =	sne.s32 s26, s13;
	[sflag:s15] =	ssyncadd.s32 $0xFFFFC000  }
.Ltmp1:
0x21: {  	s29 =	sadd.s32 s29, s4;
	[bflag:$0x0] =	sbarrier.arrive $0xFFFF;
	(pc) =	sbr.rel @!p1 .LBB2_9-.Ltmp1, $4  }
0x22: {  	[hbm:s29], [sflag:s28] =	dma.local [spmem:s18], $0x2800  }
0x23: {  	_ =	swait.ge [sflag:s15], $0x2800  }
0x24: {  	[sflag:s15] =	ssyncset.done $0x0  }
0x25: {  	[sflag:s15] =	ssyncadd.s32 $0xFFFFD800  }
.LBB2_1:
0x26: {  	[tilespmem:s3], [sflag:$0x3] =	stream.linear.gather [hbm4b:s9+s3], $0x1400, $0x38;
	[tilespmem:$0x1E800] =	vst v63  }
0x27: {  	_ =	swait.ge [sflag:s15], $0x1400  }
0x28: {  	[sflag:s15] =	ssyncset.done $0x0  }
.Ltmp2:
0x29: {  	[sflag:s15] =	ssyncadd.s32 $0xFFFFEC00;
	(pc) =	sbr.rel @!p0 .LBB2_2-.Ltmp2, $4  }
0x2a: {  	[tilespmem:s16], [sflag:$0x3] =	stream.linear.gather [hbm4b:s10+s3], $0x1400, $0x38;
	[tilespmem:$0x1E800] =	vst v63  }
0x2b: {  	_ =	swait.ge [sflag:s15], $0x1400  }
0x2c: {  	[sflag:s15] =	ssyncset.done $0x0  }
0x2d: {  	[sflag:s15] =	ssyncadd.s32 $0xFFFFEC00  }
0x2e: {  	[spmem:s18], [sflag:s17] =	dma.local [hbm:s12], $0x2800  }
0x2f: {  	_ =	swait.ge [sflag:s15], $0x2800  }
0x30: {  	[sflag:s15] =	ssyncset.done $0x0  }
0x31: {  	[sflag:s15] =	ssyncadd.s32 $0xFFFFD800  }
0x32: {  	s28 =	simm.s32 $0x0;
	[bflag:$0x0] =	sbarrier.arrive $0xFFFF  }
0x33: {  	[tilespmem:s20], [sflag:$0x1] =	stream.indirect.gather [hbm4b:s6+s19], $0x80, s28, s19, $0xb8;
	[tilespmem:$0x1E800] =	vst v63  }
0x34: {  	_ = 	snop  }
0x35: {  	[tilespmem:s21], [sflag:$0x2] =	stream.indirect.gather [hbm4b:s6+s19], $0x80, s19, s19, $0xb8;
	[tilespmem:$0x1E800] =	vst v63  }
0x36: {  	_ =	swait.ge [sflag:s22], $0x4000  }
0x37: {  	[sflag:s22] =	ssyncset.done $0x0  }
0x38: {  	s28 =	simm.s32 $0x1400;
	[sflag:s22] =	ssyncadd.s32 $0xFFFFC000  }
0x39: {  	[spmem:s2] =	stream.indirect.scatter.add.f32 [tilespmem:s20], [sflag:$0x3], $0x80, s28, s19, $0xb8;
	[tilespmem:$0x1E800] =	vst v63  }
0x3a: {  	_ =	swait.ge [sflag:s15], $0x4000  }
0x3b: {  	[sflag:s15] =	ssyncset.done $0x0  }
0x3c: {  	s28 =	simm.s32 $0x100;
	[sflag:s15] =	ssyncadd.s32 $0xFFFFC000  }
0x3d: {  	[tilespmem:s20], [sflag:$0x1] =	stream.indirect.gather [hbm4b:s6+s19], $0x80, s28, s19, $0xb8;
	[tilespmem:$0x1E800] =	vst v63  }
0x3e: {  	_ =	swait.ge [sflag:s23], $0x4000  }
0x3f: {  	[sflag:s23] =	ssyncset.done $0x0  }
0x40: {  	s28 =	simm.s32 $0x1480;
	[sflag:s23] =	ssyncadd.s32 $0xFFFFC000  }
0x41: {  	[spmem:s2] =	stream.indirect.scatter.add.f32 [tilespmem:s21], [sflag:$0x3], $0x80, s28, s19, $0xb8;
	[tilespmem:$0x1E800] =	vst v63  }
0x42: {  	_ =	swait.ge [sflag:s15], $0x4000  }
0x43: {  	[sflag:s15] =	ssyncset.done $0x0  }
0x44: {  	s29 =	simm.s32 $0x180;
	s28 =	simm.s32 $0x400;
	[sflag:s15] =	ssyncadd.s32 $0xFFFFC000  }
.LBB2_6:
0x45: {  	[tilespmem:s21], [sflag:$0x2] =	stream.indirect.gather [hbm4b:s6+s19], $0x80, s29, s19, $0xb8;
	[tilespmem:$0x1E800] =	vst v63  }
0x46: {  	s29 =	smov.u32 s28  }
0x47: {  	p1 =	sne.s32 s28, $0x4800;
	s28 =	sadd.s32 $0x400, s28;
	_ =	swait.ge [sflag:s22], $0x4000  }
0x48: {  	s29 =	sshra.s32 s29, $0x2;
	[sflag:s22] =	ssyncset.done $0x0  }
0x49: {  	s30 =	sadd.s32 $0x1400, s29;
	[sflag:s22] =	ssyncadd.s32 $0xFFFFC000  }
0x4a: {  	[spmem:s2] =	stream.indirect.scatter.add.f32 [tilespmem:s20], [sflag:$0x3], $0x80, s30, s19, $0xb8;
	[tilespmem:$0x1E800] =	vst v63  }
0x4b: {  	_ =	swait.ge [sflag:s15], $0x4000  }
0x4c: {  	[sflag:s15] =	ssyncset.done $0x0  }
0x4d: {  	s30 =	sadd.s32 $0x100, s29;
	[sflag:s15] =	ssyncadd.s32 $0xFFFFC000  }
0x4e: {  	[tilespmem:s20], [sflag:$0x1] =	stream.indirect.gather [hbm4b:s6+s19], $0x80, s30, s19, $0xb8;
	[tilespmem:$0x1E800] =	vst v63  }
0x4f: {  	_ =	swait.ge [sflag:s23], $0x4000  }
0x50: {  	[sflag:s23] =	ssyncset.done $0x0  }
.Ltmp3:
0x51: {  	s30 =	sadd.s32 $0x1480, s29;
	[sflag:s23] =	ssyncadd.s32 $0xFFFFC000;
	(pc) =	sbr.rel @p1 .LBB2_6-.Ltmp3, $4  }
0x52: {  	[spmem:s2] =	stream.indirect.scatter.add.f32 [tilespmem:s21], [sflag:$0x3], $0x80, s30, s19, $0xb8;
	[tilespmem:$0x1E800] =	vst v63  }
0x53: {  	_ =	swait.ge [sflag:s15], $0x4000  }
0x54: {  	[sflag:s15] =	ssyncset.done $0x0  }
0x55: {  	s29 =	sadd.s32 $0x180, s29;
	[sflag:s15] =	ssyncadd.s32 $0xFFFFC000  }
.Ltmp4:
0x56: {  	_ = 	snop;
	(pc) =	sbr.rel .LBB2_7-.Ltmp4, $1  }
0x57: {  	_ =	sdelay $0x3  }
.LBB2_2:
0x58: {  	s28 =	sor.u32 $0x1C03, s14  }
0x59: {  	[spmem:s18], [sflag:s28] =	dma.local [hbm:s11], $0x2800  }
0x5a: {  	_ =	swait.ge [sflag:s15], $0x2800  }
0x5b: {  	[sflag:s15] =	ssyncset.done $0x0  }
0x5c: {  	[sflag:s15] =	ssyncadd.s32 $0xFFFFD800  }
0x5d: {  	s29 =	simm.s32 $0x0;
	[bflag:$0x0] =	sbarrier.arrive $0xFFFF  }
0x5e: {  	[tilespmem:s20], [sflag:$0x1] =	stream.indirect.gather [hbm4b:s5+s19], $0x80, s29, s19, $0xb8;
	[tilespmem:$0x1E800] =	vst v63  }
0x5f: {  	_ = 	snop  }
0x60: {  	[tilespmem:s21], [sflag:$0x2] =	stream.indirect.gather [hbm4b:s5+s19], $0x80, s19, s19, $0xb8;
	[tilespmem:$0x1E800] =	vst v63  }
0x61: {  	_ =	swait.ge [sflag:s22], $0x4000  }
0x62: {  	[sflag:s22] =	ssyncset.done $0x0  }
0x63: {  	s29 =	simm.s32 $0x1400;
	[sflag:s22] =	ssyncadd.s32 $0xFFFFC000  }
0x64: {  	[spmem:s2] =	stream.indirect.scatter.add.f32 [tilespmem:s20], [sflag:$0x3], $0x80, s29, s19, $0xb8;
	[tilespmem:$0x1E800] =	vst v63  }
0x65: {  	_ =	swait.ge [sflag:s15], $0x4000  }
0x66: {  	[sflag:s15] =	ssyncset.done $0x0  }
0x67: {  	s29 =	simm.s32 $0x100;
	[sflag:s15] =	ssyncadd.s32 $0xFFFFC000  }
0x68: {  	[tilespmem:s20], [sflag:$0x1] =	stream.indirect.gather [hbm4b:s5+s19], $0x80, s29, s19, $0xb8;
	[tilespmem:$0x1E800] =	vst v63  }
0x69: {  	_ =	swait.ge [sflag:s23], $0x4000  }
0x6a: {  	[sflag:s23] =	ssyncset.done $0x0  }
0x6b: {  	s29 =	simm.s32 $0x1480;
	[sflag:s23] =	ssyncadd.s32 $0xFFFFC000  }
0x6c: {  	[spmem:s2] =	stream.indirect.scatter.add.f32 [tilespmem:s21], [sflag:$0x3], $0x80, s29, s19, $0xb8;
	[tilespmem:$0x1E800] =	vst v63  }
0x6d: {  	_ =	swait.ge [sflag:s15], $0x4000  }
0x6e: {  	[sflag:s15] =	ssyncset.done $0x0  }
0x6f: {  	s30 =	simm.s32 $0x180;
	s29 =	simm.s32 $0x400;
	[sflag:s15] =	ssyncadd.s32 $0xFFFFC000  }
.LBB2_3:
0x70: {  	[tilespmem:s21], [sflag:$0x2] =	stream.indirect.gather [hbm4b:s5+s19], $0x80, s30, s19, $0xb8;
	[tilespmem:$0x1E800] =	vst v63  }
0x71: {  	s30 =	smov.u32 s29  }
0x72: {  	p1 =	seq.s32 s29, $0x4800;
	s29 =	sadd.s32 $0x400, s29;
	_ =	swait.ge [sflag:s22], $0x4000  }
0x73: {  	s30 =	sshra.s32 s30, $0x2;
	[sflag:s22] =	ssyncset.done $0x0  }
0x74: {  	s31 =	sadd.s32 $0x1400, s30;
	[sflag:s22] =	ssyncadd.s32 $0xFFFFC000  }
0x75: {  	[spmem:s2] =	stream.indirect.scatter.add.f32 [tilespmem:s20], [sflag:$0x3], $0x80, s31, s19, $0xb8;
	[tilespmem:$0x1E800] =	vst v63  }
0x76: {  	_ =	swait.ge [sflag:s15], $0x4000  }
0x77: {  	[sflag:s15] =	ssyncset.done $0x0  }
0x78: {  	s31 =	sadd.s32 $0x100, s30;
	[sflag:s15] =	ssyncadd.s32 $0xFFFFC000  }
0x79: {  	[tilespmem:s20], [sflag:$0x1] =	stream.indirect.gather [hbm4b:s5+s19], $0x80, s31, s19, $0xb8;
	[tilespmem:$0x1E800] =	vst v63  }
0x7a: {  	_ =	swait.ge [sflag:s23], $0x4000  }
0x7b: {  	[sflag:s23] =	ssyncset.done $0x0  }
.Ltmp5:
0x7c: {  	s31 =	sadd.s32 $0x1480, s30;
	[sflag:s23] =	ssyncadd.s32 $0xFFFFC000;
	(pc) =	sbr.rel @!p1 .LBB2_3-.Ltmp5, $4  }
0x7d: {  	[spmem:s2] =	stream.indirect.scatter.add.f32 [tilespmem:s21], [sflag:$0x3], $0x80, s31, s19, $0xb8;
	[tilespmem:$0x1E800] =	vst v63  }
0x7e: {  	_ =	swait.ge [sflag:s15], $0x4000  }
0x7f: {  	[sflag:s15] =	ssyncset.done $0x0  }
0x80: {  	s30 =	sadd.s32 $0x180, s30;
	[sflag:s15] =	ssyncadd.s32 $0xFFFFC000  }
.Ltmp6:
0x81: {  	(pc) =	sbr.rel .LBB2_8-.Ltmp6, $3  }
0x82: {  	_ =	sdelay $0x1  }
0x83: {  	[tilespmem:s21], [sflag:$0x2] =	stream.indirect.gather [hbm4b:s5+s19], $0x80, s30, s19, $0xb8;
	[tilespmem:$0x1E800] =	vst v63  }
0x84: {  	s29 =	smov.u32 s7  }
.LBB2_9:
0x85: {  	_ =	sfence.sel $0x180000  }
0x86: {  	[bflag:$0x0] =	sbarrier.arrive $0xFFFF  }
0x87: {  	p0 =	sne.s32 s1, $0x0;
	_ =	strace $0x90000053  }
0x88: {  	s0 =	sadd.s32 @!p0 $0x100000, s0;
	[bflag:$0x2] =	sbarrier.arrive $0xFFFF  }
0x89: {  	[sflag:s0] =	ssyncadd.tile.s32 @!p0 $0x1;
	_ =	shalt  }
.Lfunc_end2:
_tile_overlayer_lowered:
.L_overlay_start_2:
0x8a: {  	(tag) =	ssettag $0x2  }
0x8b: {  	s0 =	rddreg [dreg:$0x0];
	s2 =	stileid.u32  }
0x8c: {  	s1 =	rddreg [dreg:$0x1];
	p0 =	sne.s32 s2, $0x0  }
0x8d: {  	s3 =	rddreg [dreg:$0x2];
	[bflag:$0x3] =	sbarrier.arrive $0xFFFF;
	s2 =	simm.s32 @!p0 $0x1C03  }
0x8e: {  	[timem:s3], [sflag:s2] =	dma.local @!p0 [hbm:s0], s1  }
0x8f: {  	s0 =	simm.s32 @!p0 $0x3  }
0x90: {  	_ =	swait.ge @!p0 [sflag:s0], s1  }
0x91: {  	s1 =	ssub.s32 @!p0 $0x0, s1;
	[sflag:s0] =	ssyncset.done @!p0 $0x0  }
0x92: {  	[sflag:s0] =	ssyncadd.s32 @!p0 s1  }
0x93: {  	[bflag:$0x3] =	sbarrier.arrive $0xFFFF  }
0x94: {  	_ =	shalt  }

// kernel: kernel.28.cloned.1.call-start
scs
__scs_entry_jumppad:
0x0: {  	(pc) =	sbr.rel $0x88, $3  }
0x1: {  	(tag) =	ssettag $0x0;
	lr =	simm.s32 $0x1  }
0x2: {  	[smem:$0x3F99] =	sst lr;
	_ =	strace $0xD0000000  }
0x3: {  	_ = 	snop  }
0x4: {  	_ = 	snop  }
0x5: {  	_ = 	snop  }
0x6: {  	_ = 	snop  }
0x7: {  	_ = 	snop  }
__scs_overlays_trampoline_lowered:
0x8: {  	[smem:$0x3FA8] =	sst s0  }
0x9: {  	[smem:$0x3FA9] =	sst s1  }
0xa: {  	[smem:$0x3FAA] =	sst s2  }
0xb: {  	[smem:$0x3FAB] =	sst s3  }
0xc: {  	[smem:$0x3FAC] =	sst s4  }
0xd: {  	[smem:$0x3FAD] =	sst s5  }
0xe: {  	[smem:$0x3FAE] =	sst s6  }
0xf: {  	[smem:$0x3FAF] =	sst s7  }
0x10: {  	[smem:$0x3FB0] =	sst s8  }
0x11: {  	[smem:$0x3FB1] =	sst s9;
	s0 =	simm.s32 @!p0 $0x0  }
0x12: {  	s1 =	sld [smem:$0x3F97];
	s0 =	simm.s32 @p0 $0x1  }
0x13: {  	[smem:$0x3FB2] =	sst s0;
	s0 =	simm.s32 @!p1 $0x0  }
0x14: {  	s2 =	sld [smem:$0x3F96];
	s0 =	simm.s32 @p1 $0x1  }
0x15: {  	[smem:$0x3FB3] =	sst s0;
	s0 =	simm.s32 @!p2 $0x0  }
0x16: {  	s3 =	sld [smem:$0x3FDB];
	s0 =	simm.s32 @p2 $0x1  }
0x17: {  	s4 =	simm.s32 $0x1BF5;
	[smem:$0x3FB5] =	sst s0  }
0x18: {  	s0 =	sld [smem:$0x3F98];
	_ =	swait.ge [sflag:s4], $0x0  }
0x19: {  	s7 =	sld [smem:$0x3F99]  }
0x1a: {  	s8 =	sadd.s32 $0xFFFFE003, lr  }
0x1b: {  	s9 =	sadd.s32 $0xFFFFFEF7, lr;
	s5 =	simm.s32 $0xFFFFFFFF;
	p2 =	slt.u32 s8, $0xFFFFF086  }
0x1c: {  	p1 =	slt.u32 s9, $0xF7A;
	s5 =	simm.s32 @!p2 $0x0  }
0x1d: {  	s5 =	simm.s32 @p1 $0x1;
	p0 =	seq.s32 s7, s2  }
0x1e: {  	s7 =	smul.u32 @!p0 $0xF7A, s2;
	p2 =	seq.s32 @!p0 s5, $0x0  }
0x1f: {  	s9 =	smul.u32 $0xF7A, s1;
	s8 =	simm.s32 @!p0 $0x1BF5;
	p2 =	por !p2, p0  }
0x20: {  	[sflag:s8] =	ssyncset.s32 @!p0 $0xFFFFF086;
	s6 =	sadd.s32 @!p0 s3, s7;
	s7 =	simm.s32 @!p0 $0x108  }
0x21: {  	s3 =	sadd.s32 s3, s9;
	s6 =	sadd.s32 @!p0 $0x88, s6;
	s7 =	simm.s32 @p2 $0x1082  }
0x22: {  	[simem:s7], [sflag:s8] =	dma.local @!p0 [hbm:s6], $0xF7A  }
0x23: {  	s9 =	sor.u32 $0xD0000000, s2;
	s6 =	simm.s32 $0x108;
	_ =	swait.ge @!p0 [sflag:s8], $0x0  }
0x24: {  	s3 =	sadd.s32 $0x88, s3;
	s6 =	simm.s32 @!p1 $0x1082;
	[sflag:s4] =	ssyncset.s32 $0xFFFFF086  }
0x25: {  	[simem:s6], [sflag:s4] =	dma.local [hbm:s3], $0xF7A  }
0x26: {  	[smem:$0x3F99] =	sst s1;
	(tag) =	ssettag s2;
	_ =	strace s9  }
0x27: {  	s1 =	sld [smem:$0x3FA9]  }
0x28: {  	s2 =	sld [smem:$0x3FAA]  }
0x29: {  	s4 =	sld [smem:$0x3FAC]  }
0x2a: {  	p0 =	seq.s32 s5, $0x0;
	s5 =	sld [smem:$0x3FAD]  }
0x2b: {  	s6 =	sld [smem:$0x3FAE]  }
0x2c: {  	s7 =	sld [smem:$0x3FAF]  }
0x2d: {  	s3 =	simm.s32 $0x108;
	s8 =	sld [smem:$0x3FB0]  }
0x2e: {  	s3 =	simm.s32 @!p0 $0x1082;
	s9 =	sld [smem:$0x3FB1]  }
0x2f: {  	lr =	sadd.s32 s0, s3;
	s0 =	sld [smem:$0x3FA8]  }
0x30: {  	s3 =	sld [smem:$0x3FAB]  }
0x31: {  	[smem:$0x3FB4] =	sst s10  }
0x32: {  	s10 =	sld [smem:$0x3FB2];
	_ =	sdelay $0x3  }
0x33: {  	p0 =	seq.s32 s10, $0x1;
	s10 =	sld [smem:$0x3FB4];
	_ =	sdelay $0x3  }
0x34: {  	[smem:$0x3FB4] =	sst s10  }
0x35: {  	s10 =	sld [smem:$0x3FB3];
	_ =	sdelay $0x3  }
0x36: {  	p1 =	seq.s32 s10, $0x1;
	s10 =	sld [smem:$0x3FB4];
	_ =	sdelay $0x3  }
0x37: {  	[smem:$0x3FB4] =	sst s10  }
0x38: {  	s10 =	sld [smem:$0x3FB5]  }
0x39: {  	_ = 	snop;
	(pc) =	sbr.ind lr, $3  }
0x3a: {  	_ = 	snop  }
0x3b: {  	_ = 	snop  }
0x3c: {  	p2 =	seq.s32 s10, $0x1;
	s10 =	sld [smem:$0x3FB4]  }
0x3d: {  	_ =	shalt  }
0x3e: {  	_ =	shalt  }
0x3f: {  	_ =	shalt  }
0x40: {  	_ =	shalt  }
0x41: {  	_ =	shalt  }
0x42: {  	_ =	shalt  }
0x43: {  	_ =	shalt  }
0x44: {  	_ =	shalt  }
0x45: {  	_ =	shalt  }
0x46: {  	_ =	shalt  }
0x47: {  	_ =	shalt  }
0x48: {  	_ =	shalt  }
0x49: {  	_ =	shalt  }
0x4a: {  	_ =	shalt  }
0x4b: {  	_ =	shalt  }
0x4c: {  	_ =	shalt  }
0x4d: {  	_ =	shalt  }
0x4e: {  	_ =	shalt  }
0x4f: {  	_ =	shalt  }
0x50: {  	_ =	shalt  }
0x51: {  	_ =	shalt  }
0x52: {  	_ =	shalt  }
0x53: {  	_ =	shalt  }
0x54: {  	_ =	shalt  }
0x55: {  	_ =	shalt  }
0x56: {  	_ =	shalt  }
0x57: {  	_ =	shalt  }
0x58: {  	_ =	shalt  }
0x59: {  	_ =	shalt  }
0x5a: {  	_ =	shalt  }
0x5b: {  	_ =	shalt  }
0x5c: {  	_ =	shalt  }
0x5d: {  	_ =	shalt  }
0x5e: {  	_ =	shalt  }
0x5f: {  	_ =	shalt  }
0x60: {  	_ =	shalt  }
0x61: {  	_ =	shalt  }
0x62: {  	_ =	shalt  }
0x63: {  	_ =	shalt  }
0x64: {  	_ =	shalt  }
0x65: {  	_ =	shalt  }
0x66: {  	_ =	shalt  }
0x67: {  	_ =	shalt  }
0x68: {  	_ =	shalt  }
0x69: {  	_ =	shalt  }
0x6a: {  	_ =	shalt  }
0x6b: {  	_ =	shalt  }
0x6c: {  	_ =	shalt  }
0x6d: {  	_ =	shalt  }
0x6e: {  	_ =	shalt  }
0x6f: {  	_ =	shalt  }
0x70: {  	_ =	shalt  }
0x71: {  	_ =	shalt  }
0x72: {  	_ =	shalt  }
0x73: {  	_ =	shalt  }
0x74: {  	_ =	shalt  }
0x75: {  	_ =	shalt  }
0x76: {  	_ =	shalt  }
0x77: {  	_ =	shalt  }
0x78: {  	_ =	shalt  }
0x79: {  	_ =	shalt  }
0x7a: {  	_ =	shalt  }
0x7b: {  	_ =	shalt  }
0x7c: {  	_ =	shalt  }
0x7d: {  	_ =	shalt  }
0x7e: {  	_ =	shalt  }
0x7f: {  	_ =	shalt  }
0x80: {  	_ =	shalt  }
0x81: {  	_ =	shalt  }
0x82: {  	_ =	shalt  }
0x83: {  	_ =	shalt  }
0x84: {  	_ =	shalt  }
0x85: {  	_ =	shalt  }
0x86: {  	_ =	shalt  }
0x87: {  	_ =	shalt  }
.Lfunc_end0:
.L_simem_size_0:
called_computation.5_lowered:
.L_overlay_start_0:
0x88: {  	s2 =	sld [smem:$0x3FD9]  }
0x89: {  	s3 =	sld [smem:$0x3FFE];
	_ =	sdelay $0x1  }
0x8a: {  	s1 =	srdreg.scid  }
0x8b: {  	s0 =	sand.u32 $0x1, s1  }
0x8c: {  	s16 =	sshll.u32 s0, $0xA;
	s2 =	sadd.s32 s3, s2  }
0x8d: {  	s2 =	sadd.s32 s2, s16  }
0x8e: {  	[smem:$0x3FC0] =	sst s2  }
0x8f: {  	_ = 	snop  }
0x90: {  	(tm) =	ssettm $0x1  }
0x91: {  	s17 =	sld [smem:$0x3FFB];
	_ =	sdelay $0x3  }
0x92: {  	_ =	strace s17  }
0x93: {  	s2 =	sld [smem:$0x3FFC];
	_ =	sdelay $0x3  }
0x94: {  	_ =	strace s2  }
0x95: {  	s2 =	sld [smem:$0x3FFD];
	_ =	sdelay $0x3  }
0x96: {  	_ =	strace s2  }
0x97: {  	_ =	strace $0x8FFFFFFF  }
0x98: {  	s18 =	sld [smem:$0x3FDB];
	_ =	sdelay $0x1  }
0x99: {  	s19 =	simm.s32 $_scs_section_size  }
0x9a: {  	s4 =	simm.s32 $_size__tile_overlayer_lowered;
	s5 =	simm.s32 $_tile_overlayer_lowered  }
0x9b: {  	s22 =	simm.s32 $0x1BFF;
	s21 =	sshll.u32 s5, $0x1;
	s2 =	sadd.s32 s19, s18  }
0x9c: {  	s6 =	simm.s32 $0x0;
	s20 =	sshll.u32 s4, $0x1;
	s4 =	sadd.s32 s21, s2  }
0x9d: {  	[timem:s6], [sflag:s22] =	dma.local [hbm:s4], s20  }
0x9e: {  	_ =	swait.ge [sflag:s22], s20  }
0x9f: {  	s3 =	ssub.s32 $0x0, s20;
	[sflag:s22] =	ssyncset.done $0x0  }
0xa0: {  	[sflag:s22] =	ssyncadd.s32 s3;
	_ =	sdelay $0x1  }
0xa1: {  	s23 =	simm.s32 $0x1B8B  }
0xa2: {  	_ =	swait.ge [sflag:s23], $0x1  }
0xa3: {  	[sflag:s23] =	ssyncset.done $0x0  }
0xa4: {  	s25 =	simm.s32 $0x1B8E;
	s24 =	sld [smem:$0x3FFE];
	[sflag:s23] =	ssyncadd.s32 $0xFFFFFFFF  }
0xa5: {  	s26 =	simm.s32 $execute0_lowered;
	[smem:$0x3FD2] =	sst s25  }
0xa6: {  	s4 =	sshll.u32 s26, $0x1;
	_ =	strace $0x80000055;
	[dreg:$0x1] =	wrdreg $0xFFFFFFFF  }
0xa7: {  	s28 =	simm.s32 $_size_execute0_lowered;
	s2 =	sadd.s32 s2, s4;
	[dreg:$0x0] =	wrdreg $0x0  }
0xa8: {  	s4 =	sshll.u32 s28, $0x1;
	[dreg:$0x2] =	wrdreg s2  }
0xa9: {  	[dreg:$0x3] =	wrdreg s4  }
0xaa: {  	[dreg:$0x4] =	wrdreg $0xC0  }
0xab: {  	_ =	task [dreg:s6], $0x5FFFF  }
0xac: {  	[dreg:$0x1] =	wrdreg $0xFFFFFFFF  }
0xad: {  	[dreg:$0x0] =	wrdreg $0x60  }
0xae: {  	[dreg:$0x2] =	wrdreg s24  }
0xaf: {  	[dreg:$0x3] =	wrdreg $0xA8000  }
0xb0: {  	[dreg:$0x4] =	wrdreg $0x9  }
0xb1: {  	_ =	task.clear_ibuf [dreg:s6], $0x5FFFF;
	_ =	strace $0x90000055  }
0xb2: {  	s29 =	simm.s32 $0x9;
	_ =	strace $0x80000057  }
0xb3: {  	_ =	swait.ge [sflag:s29], $0x1  }
0xb4: {  	[sflag:s29] =	ssyncadd.s32 $0xFFFFFFFF  }
0xb5: {  	_ =	strace $0x90000057  }
0xb6: {  	_ =	sfence  }
0xb7: {  	s30 =	sld [smem:$0x0];
	_ =	sdelay $0x2  }
0xb8: {  	s31 =	sshll.u32 s1, $0xD;
	s1 =	sshrl.u32 s1, $0x2  }
0xb9: {  	s3 =	sand.u32 $0x4000, s31;
	s1 =	sadd.s32 s1, s30  }
0xba: {  	s0 =	sor.u32 s3, s0;
	s1 =	sshll.u32 s1, $0x11  }
0xbb: {  	s0 =	sor.u32 s1, s0  }
0xbc: {  	s0 =	sadd.s32 $0x8F2B, s0  }
0xbd: {  	[sflag:s0] =	ssyncadd.remote.s32 $0x1  }
0xbe: {  	_ =	sfence.sel $0xFFFF  }
0xbf: {  	[dreg:$0x0] =	wrdreg $0xFFFFFFFF;
	(pc) =	sbr.abs _section_cstart, $3  }
0xc0: {  	[dreg:$0x1] =	wrdreg $0xFFFFFFFF  }
0xc1: {  	_ =	task.clear_ibuf [dreg:s6], $0x2FFFF;
	_ =	strace $0x9FFFFFFF  }
0xc2: {  	(tm) =	ssettm $0x7FFFFFFF  }
0xc3: {  	_ =	shalt  }
tec
execute0_lowered:
.L_overlay_start_1:
0x0: {  	(tag) =	ssettag $0x1  }
0x1: {  	s7 =	rddreg [dreg:$0x0]  }
0x2: {  	s2 =	rddreg [dreg:$0x1]  }
0x3: {  	s0 =	rddreg [dreg:$0x2]  }
0x4: {  	s3 =	simm.s32 $0x0;
	s1 =	stileid.u32;
	s5 =	srdreg.scid  }
0x5: {  	s14 =	simm.s32 $0x3;
	s15 =	simm.s32 $0x1400;
	s18 =	simm.s32 $0x80  }
0x6: {  	s19 =	simm.s32 $0x2800;
	s20 =	simm.s32 $0x6800;
	s21 =	simm.s32 $0x1  }
0x7: {  	s22 =	simm.s32 $0x2;
	s23 =	simm.s32 $0x2700;
	s24 =	simm.s32 $0x2780  }
0x8: {  	s25 =	simm.s32 $0x0;
	[smem:$0x7FF] =	sst s3;
	s6 =	smul.u32 $0x280, s1  }
0x9: {  	s4 =	sadd.s32 $0x6400, s7;
	s11 =	sand.u32 $0x1, s5;
	s5 =	sadd.s32 $0x2E400, s7  }
0xa: {  	s12 =	smul.u32 $0x50000, s1;
	s16 =	sshll.u32 s1, $0x6;
	_ =	strace $0x80000056  }
0xb: {  	s8 =	ssub.s32 $0x2, s11;
	p0 =	seq.s32 s11, $0x1;
	s16 =	sor.u32 $0x1C03, s16  }
.Ltmp0:
0xc: {  	s10 =	sadd.s32 s6, s7;
	s6 =	sadd.s32 $0x89000, s7;
	(pc) =	sbr.rel .LBB2_1-.Ltmp0, $4  }
0xd: {  	s9 =	sshrl.u32 s8, $0x1;
	s7 =	sadd.s32 $0xB1000, s7;
	s12 =	sshrl.u32 s12, $0x2  }
0xe: {  	s13 =	ssub.s32 s8, s9;
	s8 =	smul.u32 $0x2800, s1;
	s9 =	sadd.s32 $0x59800, s10  }
0xf: {  	s10 =	sadd.s32 $0x57000, s10;
	s17 =	sadd.s32 s12, s2;
	s13 =	smax.u32 s13, $0x1  }
0x10: {  	s17 =	sshrl.u32 s17, $0x3;
	s11 =	sadd.s32 s4, s8;
	s12 =	sadd.s32 s5, s8  }
.LBB2_7:
0x11: {  	[tilespmem:s20], [sflag:$0x2] =	stream.indirect.gather [hbm4b:s5+s18], $0x80, s28, s18, $0xb8;
	[tilespmem:$0x1E800] =	vst v63  }
0x12: {  	s26 =	smov.u32 s7  }
.LBB2_8:
0x13: {  	_ =	swait.ge [sflag:s21], $0x4000  }
0x14: {  	[sflag:s21] =	ssyncset.done $0x0  }
0x15: {  	[sflag:s21] =	ssyncadd.s32 $0xFFFFC000  }
0x16: {  	[spmem:s2] =	stream.indirect.scatter.add.f32 [tilespmem:s19], [sflag:$0x3], $0x80, s23, s18, $0xb8;
	[tilespmem:$0x1E800] =	vst v63  }
0x17: {  	_ =	swait.ge [sflag:s14], $0x4000  }
0x18: {  	[sflag:s14] =	ssyncset.done $0x0  }
0x19: {  	[sflag:s14] =	ssyncadd.s32 $0xFFFFC000  }
0x1a: {  	_ =	swait.ge [sflag:s22], $0x4000  }
0x1b: {  	[sflag:s22] =	ssyncset.done $0x0  }
0x1c: {  	[sflag:s22] =	ssyncadd.s32 $0xFFFFC000  }
0x1d: {  	[spmem:s2] =	stream.indirect.scatter.add.f32 [tilespmem:s20], [sflag:$0x3], $0x80, s24, s18, $0xb8;
	[tilespmem:$0x1E800] =	vst v63  }
0x1e: {  	_ =	swait.ge [sflag:s14], $0x4000  }
0x1f: {  	s25 =	sadd.s32 $0x1, s25;
	[sflag:s14] =	ssyncset.done $0x0  }
0x20: {  	p1 =	sne.s32 s25, s13;
	[sflag:s14] =	ssyncadd.s32 $0xFFFFC000  }
.Ltmp1:
0x21: {  	s26 =	sadd.s32 s26, s8;
	[bflag:$0x0] =	sbarrier.arrive $0xFFFF;
	(pc) =	sbr.rel @!p1 .LBB2_9-.Ltmp1, $4  }
0x22: {  	[hbm:s26], [sflag:s16] =	dma.local [spmem:s17], $0x2800  }
0x23: {  	_ =	swait.ge [sflag:s14], $0x2800  }
0x24: {  	[sflag:s14] =	ssyncset.done $0x0  }
0x25: {  	[sflag:s14] =	ssyncadd.s32 $0xFFFFD800  }
.LBB2_1:
0x26: {  	[tilespmem:s3], [sflag:$0x3] =	stream.linear.gather [hbm4b:s9+s3], $0x1400, $0x38;
	[tilespmem:$0x1E800] =	vst v63  }
0x27: {  	_ =	swait.ge [sflag:s14], $0x1400  }
0x28: {  	[sflag:s14] =	ssyncset.done $0x0  }
.Ltmp2:
0x29: {  	[sflag:s14] =	ssyncadd.s32 $0xFFFFEC00;
	(pc) =	sbr.rel @!p0 .LBB2_2-.Ltmp2, $4  }
0x2a: {  	[tilespmem:s15], [sflag:$0x3] =	stream.linear.gather [hbm4b:s10+s3], $0x1400, $0x38;
	[tilespmem:$0x1E800] =	vst v63  }
0x2b: {  	_ =	swait.ge [sflag:s14], $0x1400  }
0x2c: {  	[sflag:s14] =	ssyncset.done $0x0  }
0x2d: {  	[sflag:s14] =	ssyncadd.s32 $0xFFFFEC00  }
0x2e: {  	[spmem:s17], [sflag:s16] =	dma.local [hbm:s12], $0x2800  }
0x2f: {  	_ =	swait.ge [sflag:s14], $0x2800  }
0x30: {  	[sflag:s14] =	ssyncset.done $0x0  }
0x31: {  	[sflag:s14] =	ssyncadd.s32 $0xFFFFD800  }
0x32: {  	s26 =	simm.s32 $0x0;
	[bflag:$0x0] =	sbarrier.arrive $0xFFFF  }
0x33: {  	[tilespmem:s19], [sflag:$0x1] =	stream.indirect.gather [hbm4b:s5+s18], $0x80, s26, s18, $0xb8;
	[tilespmem:$0x1E800] =	vst v63  }
0x34: {  	_ = 	snop  }
0x35: {  	[tilespmem:s20], [sflag:$0x2] =	stream.indirect.gather [hbm4b:s5+s18], $0x80, s18, s18, $0xb8;
	[tilespmem:$0x1E800] =	vst v63  }
0x36: {  	_ =	swait.ge [sflag:s21], $0x4000  }
0x37: {  	[sflag:s21] =	ssyncset.done $0x0  }
0x38: {  	s29 =	simm.s32 $0x1400;
	[sflag:s21] =	ssyncadd.s32 $0xFFFFC000  }
0x39: {  	[spmem:s2] =	stream.indirect.scatter.add.f32 [tilespmem:s19], [sflag:$0x3], $0x80, s29, s18, $0xb8;
	[tilespmem:$0x1E800] =	vst v63  }
0x3a: {  	_ =	swait.ge [sflag:s14], $0x4000  }
0x3b: {  	[sflag:s14] =	ssyncset.done $0x0  }
0x3c: {  	s30 =	simm.s32 $0x100;
	[sflag:s14] =	ssyncadd.s32 $0xFFFFC000  }
0x3d: {  	[tilespmem:s19], [sflag:$0x1] =	stream.indirect.gather [hbm4b:s5+s18], $0x80, s30, s18, $0xb8;
	[tilespmem:$0x1E800] =	vst v63  }
0x3e: {  	_ =	swait.ge [sflag:s22], $0x4000  }
0x3f: {  	[sflag:s22] =	ssyncset.done $0x0  }
0x40: {  	s31 =	simm.s32 $0x1480;
	[sflag:s22] =	ssyncadd.s32 $0xFFFFC000  }
0x41: {  	[spmem:s2] =	stream.indirect.scatter.add.f32 [tilespmem:s20], [sflag:$0x3], $0x80, s31, s18, $0xb8;
	[tilespmem:$0x1E800] =	vst v63  }
0x42: {  	_ =	swait.ge [sflag:s14], $0x4000  }
0x43: {  	[sflag:s14] =	ssyncset.done $0x0  }
0x44: {  	s28 =	simm.s32 $0x180;
	s26 =	simm.s32 $0x400;
	[sflag:s14] =	ssyncadd.s32 $0xFFFFC000  }
.LBB2_6:
0x45: {  	[tilespmem:s20], [sflag:$0x2] =	stream.indirect.gather [hbm4b:s5+s18], $0x80, s28, s18, $0xb8;
	[tilespmem:$0x1E800] =	vst v63  }
0x46: {  	s28 =	smov.u32 s26  }
0x47: {  	p1 =	sne.s32 s26, $0x4800;
	s26 =	sadd.s32 $0x400, s26;
	_ =	swait.ge [sflag:s21], $0x4000  }
0x48: {  	s28 =	sshra.s32 s28, $0x2;
	[sflag:s21] =	ssyncset.done $0x0  }
0x49: {  	s29 =	sadd.s32 $0x1400, s28;
	[sflag:s21] =	ssyncadd.s32 $0xFFFFC000  }
0x4a: {  	[spmem:s2] =	stream.indirect.scatter.add.f32 [tilespmem:s19], [sflag:$0x3], $0x80, s29, s18, $0xb8;
	[tilespmem:$0x1E800] =	vst v63  }
0x4b: {  	_ =	swait.ge [sflag:s14], $0x4000  }
0x4c: {  	[sflag:s14] =	ssyncset.done $0x0  }
0x4d: {  	s29 =	sadd.s32 $0x100, s28;
	[sflag:s14] =	ssyncadd.s32 $0xFFFFC000  }
0x4e: {  	[tilespmem:s19], [sflag:$0x1] =	stream.indirect.gather [hbm4b:s5+s18], $0x80, s29, s18, $0xb8;
	[tilespmem:$0x1E800] =	vst v63  }
0x4f: {  	_ =	swait.ge [sflag:s22], $0x4000  }
0x50: {  	[sflag:s22] =	ssyncset.done $0x0  }
.Ltmp3:
0x51: {  	s29 =	sadd.s32 $0x1480, s28;
	[sflag:s22] =	ssyncadd.s32 $0xFFFFC000;
	(pc) =	sbr.rel @p1 .LBB2_6-.Ltmp3, $4  }
0x52: {  	[spmem:s2] =	stream.indirect.scatter.add.f32 [tilespmem:s20], [sflag:$0x3], $0x80, s29, s18, $0xb8;
	[tilespmem:$0x1E800] =	vst v63  }
0x53: {  	_ =	swait.ge [sflag:s14], $0x4000  }
0x54: {  	[sflag:s14] =	ssyncset.done $0x0  }
0x55: {  	s28 =	sadd.s32 $0x180, s28;
	[sflag:s14] =	ssyncadd.s32 $0xFFFFC000  }
.Ltmp4:
0x56: {  	_ = 	snop;
	(pc) =	sbr.rel .LBB2_7-.Ltmp4, $1  }
0x57: {  	_ =	sdelay $0x3  }
.LBB2_2:
0x58: {  	[spmem:s17], [sflag:s16] =	dma.local [hbm:s11], $0x2800  }
0x59: {  	_ =	swait.ge [sflag:s14], $0x2800  }
0x5a: {  	[sflag:s14] =	ssyncset.done $0x0  }
0x5b: {  	[sflag:s14] =	ssyncadd.s32 $0xFFFFD800  }
0x5c: {  	s26 =	simm.s32 $0x0;
	[bflag:$0x0] =	sbarrier.arrive $0xFFFF  }
0x5d: {  	[tilespmem:s19], [sflag:$0x1] =	stream.indirect.gather [hbm4b:s4+s18], $0x80, s26, s18, $0xb8;
	[tilespmem:$0x1E800] =	vst v63  }
0x5e: {  	_ = 	snop  }
0x5f: {  	[tilespmem:s20], [sflag:$0x2] =	stream.indirect.gather [hbm4b:s4+s18], $0x80, s18, s18, $0xb8;
	[tilespmem:$0x1E800] =	vst v63  }
0x60: {  	_ =	swait.ge [sflag:s21], $0x4000  }
0x61: {  	[sflag:s21] =	ssyncset.done $0x0  }
0x62: {  	s29 =	simm.s32 $0x1400;
	[sflag:s21] =	ssyncadd.s32 $0xFFFFC000  }
0x63: {  	[spmem:s2] =	stream.indirect.scatter.add.f32 [tilespmem:s19], [sflag:$0x3], $0x80, s29, s18, $0xb8;
	[tilespmem:$0x1E800] =	vst v63  }
0x64: {  	_ =	swait.ge [sflag:s14], $0x4000  }
0x65: {  	[sflag:s14] =	ssyncset.done $0x0  }
0x66: {  	s30 =	simm.s32 $0x100;
	[sflag:s14] =	ssyncadd.s32 $0xFFFFC000  }
0x67: {  	[tilespmem:s19], [sflag:$0x1] =	stream.indirect.gather [hbm4b:s4+s18], $0x80, s30, s18, $0xb8;
	[tilespmem:$0x1E800] =	vst v63  }
0x68: {  	_ =	swait.ge [sflag:s22], $0x4000  }
0x69: {  	[sflag:s22] =	ssyncset.done $0x0  }
0x6a: {  	s31 =	simm.s32 $0x1480;
	[sflag:s22] =	ssyncadd.s32 $0xFFFFC000  }
0x6b: {  	[spmem:s2] =	stream.indirect.scatter.add.f32 [tilespmem:s20], [sflag:$0x3], $0x80, s31, s18, $0xb8;
	[tilespmem:$0x1E800] =	vst v63  }
0x6c: {  	_ =	swait.ge [sflag:s14], $0x4000  }
0x6d: {  	[sflag:s14] =	ssyncset.done $0x0  }
0x6e: {  	s28 =	simm.s32 $0x180;
	s26 =	simm.s32 $0x400;
	[sflag:s14] =	ssyncadd.s32 $0xFFFFC000  }
.LBB2_3:
0x6f: {  	[tilespmem:s20], [sflag:$0x2] =	stream.indirect.gather [hbm4b:s4+s18], $0x80, s28, s18, $0xb8;
	[tilespmem:$0x1E800] =	vst v63  }
0x70: {  	s28 =	smov.u32 s26  }
0x71: {  	p1 =	seq.s32 s26, $0x4800;
	s26 =	sadd.s32 $0x400, s26;
	_ =	swait.ge [sflag:s21], $0x4000  }
0x72: {  	s28 =	sshra.s32 s28, $0x2;
	[sflag:s21] =	ssyncset.done $0x0  }
0x73: {  	s29 =	sadd.s32 $0x1400, s28;
	[sflag:s21] =	ssyncadd.s32 $0xFFFFC000  }
0x74: {  	[spmem:s2] =	stream.indirect.scatter.add.f32 [tilespmem:s19], [sflag:$0x3], $0x80, s29, s18, $0xb8;
	[tilespmem:$0x1E800] =	vst v63  }
0x75: {  	_ =	swait.ge [sflag:s14], $0x4000  }
0x76: {  	[sflag:s14] =	ssyncset.done $0x0  }
0x77: {  	s29 =	sadd.s32 $0x100, s28;
	[sflag:s14] =	ssyncadd.s32 $0xFFFFC000  }
0x78: {  	[tilespmem:s19], [sflag:$0x1] =	stream.indirect.gather [hbm4b:s4+s18], $0x80, s29, s18, $0xb8;
	[tilespmem:$0x1E800] =	vst v63  }
0x79: {  	_ =	swait.ge [sflag:s22], $0x4000  }
0x7a: {  	[sflag:s22] =	ssyncset.done $0x0  }
.Ltmp5:
0x7b: {  	s29 =	sadd.s32 $0x1480, s28;
	[sflag:s22] =	ssyncadd.s32 $0xFFFFC000;
	(pc) =	sbr.rel @!p1 .LBB2_3-.Ltmp5, $4  }
0x7c: {  	[spmem:s2] =	stream.indirect.scatter.add.f32 [tilespmem:s20], [sflag:$0x3], $0x80, s29, s18, $0xb8;
	[tilespmem:$0x1E800] =	vst v63  }
0x7d: {  	_ =	swait.ge [sflag:s14], $0x4000  }
0x7e: {  	[sflag:s14] =	ssyncset.done $0x0  }
0x7f: {  	s28 =	sadd.s32 $0x180, s28;
	[sflag:s14] =	ssyncadd.s32 $0xFFFFC000  }
.Ltmp6:
0x80: {  	(pc) =	sbr.rel .LBB2_8-.Ltmp6, $3  }
0x81: {  	_ =	sdelay $0x1  }
0x82: {  	[tilespmem:s20], [sflag:$0x2] =	stream.indirect.gather [hbm4b:s4+s18], $0x80, s28, s18, $0xb8;
	[tilespmem:$0x1E800] =	vst v63  }
0x83: {  	s26 =	smov.u32 s6  }
.LBB2_9:
0x84: {  	_ =	sfence.sel $0x180000  }
0x85: {  	[bflag:$0x0] =	sbarrier.arrive $0xFFFF  }
0x86: {  	p0 =	sne.s32 s1, $0x0;
	_ =	strace $0x90000056  }
0x87: {  	s0 =	sadd.s32 @!p0 $0x100000, s0;
	[bflag:$0x2] =	sbarrier.arrive $0xFFFF  }
0x88: {  	[sflag:s0] =	ssyncadd.tile.s32 @!p0 $0x1;
	_ =	shalt  }
.Lfunc_end2:
_tile_overlayer_lowered:
.L_overlay_start_2:
0x89: {  	(tag) =	ssettag $0x2  }
0x8a: {  	s0 =	rddreg [dreg:$0x0];
	s2 =	stileid.u32  }
0x8b: {  	s1 =	rddreg [dreg:$0x1];
	p0 =	sne.s32 s2, $0x0  }
0x8c: {  	s3 =	rddreg [dreg:$0x2];
	[bflag:$0x3] =	sbarrier.arrive $0xFFFF;
	s2 =	simm.s32 @!p0 $0x1C03  }
0x8d: {  	[timem:s3], [sflag:s2] =	dma.local @!p0 [hbm:s0], s1  }
0x8e: {  	s0 =	simm.s32 @!p0 $0x3  }
0x8f: {  	_ =	swait.ge @!p0 [sflag:s0], s1  }
0x90: {  	s1 =	ssub.s32 @!p0 $0x0, s1;
	[sflag:s0] =	ssyncset.done @!p0 $0x0  }
0x91: {  	[sflag:s0] =	ssyncadd.s32 @!p0 s1  }
0x92: {  	[bflag:$0x3] =	sbarrier.arrive $0xFFFF  }
0x93: {  	_ =	shalt  }

// kernel: kernel.31.cloned.1.call-start
scs
__scs_entry_jumppad:
0x0: {  	(pc) =	sbr.rel $0x88, $3  }
0x1: {  	(tag) =	ssettag $0x0;
	lr =	simm.s32 $0x1  }
0x2: {  	[smem:$0x3F99] =	sst lr;
	_ =	strace $0xD0000000  }
0x3: {  	_ = 	snop  }
0x4: {  	_ = 	snop  }
0x5: {  	_ = 	snop  }
0x6: {  	_ = 	snop  }
0x7: {  	_ = 	snop  }
__scs_overlays_trampoline_lowered:
0x8: {  	[smem:$0x3FA8] =	sst s0  }
0x9: {  	[smem:$0x3FA9] =	sst s1  }
0xa: {  	[smem:$0x3FAA] =	sst s2  }
0xb: {  	[smem:$0x3FAB] =	sst s3  }
0xc: {  	[smem:$0x3FAC] =	sst s4  }
0xd: {  	[smem:$0x3FAD] =	sst s5  }
0xe: {  	[smem:$0x3FAE] =	sst s6  }
0xf: {  	[smem:$0x3FAF] =	sst s7  }
0x10: {  	[smem:$0x3FB0] =	sst s8  }
0x11: {  	[smem:$0x3FB1] =	sst s9;
	s0 =	simm.s32 @!p0 $0x0  }
0x12: {  	s1 =	sld [smem:$0x3F97];
	s0 =	simm.s32 @p0 $0x1  }
0x13: {  	[smem:$0x3FB2] =	sst s0;
	s0 =	simm.s32 @!p1 $0x0  }
0x14: {  	s2 =	sld [smem:$0x3F96];
	s0 =	simm.s32 @p1 $0x1  }
0x15: {  	[smem:$0x3FB3] =	sst s0;
	s0 =	simm.s32 @!p2 $0x0  }
0x16: {  	s3 =	sld [smem:$0x3FDB];
	s0 =	simm.s32 @p2 $0x1  }
0x17: {  	s4 =	simm.s32 $0x1BF5;
	[smem:$0x3FB5] =	sst s0  }
0x18: {  	s0 =	sld [smem:$0x3F98];
	_ =	swait.ge [sflag:s4], $0x0  }
0x19: {  	s7 =	sld [smem:$0x3F99]  }
0x1a: {  	s8 =	sadd.s32 $0xFFFFE003, lr  }
0x1b: {  	s9 =	sadd.s32 $0xFFFFFEF7, lr;
	s5 =	simm.s32 $0xFFFFFFFF;
	p2 =	slt.u32 s8, $0xFFFFF086  }
0x1c: {  	p1 =	slt.u32 s9, $0xF7A;
	s5 =	simm.s32 @!p2 $0x0  }
0x1d: {  	s5 =	simm.s32 @p1 $0x1;
	p0 =	seq.s32 s7, s2  }
0x1e: {  	s7 =	smul.u32 @!p0 $0xF7A, s2;
	p2 =	seq.s32 @!p0 s5, $0x0  }
0x1f: {  	s9 =	smul.u32 $0xF7A, s1;
	s8 =	simm.s32 @!p0 $0x1BF5;
	p2 =	por !p2, p0  }
0x20: {  	[sflag:s8] =	ssyncset.s32 @!p0 $0xFFFFF086;
	s6 =	sadd.s32 @!p0 s3, s7;
	s7 =	simm.s32 @!p0 $0x108  }
0x21: {  	s3 =	sadd.s32 s3, s9;
	s6 =	sadd.s32 @!p0 $0x88, s6;
	s7 =	simm.s32 @p2 $0x1082  }
0x22: {  	[simem:s7], [sflag:s8] =	dma.local @!p0 [hbm:s6], $0xF7A  }
0x23: {  	s9 =	sor.u32 $0xD0000000, s2;
	s6 =	simm.s32 $0x108;
	_ =	swait.ge @!p0 [sflag:s8], $0x0  }
0x24: {  	s3 =	sadd.s32 $0x88, s3;
	s6 =	simm.s32 @!p1 $0x1082;
	[sflag:s4] =	ssyncset.s32 $0xFFFFF086  }
0x25: {  	[simem:s6], [sflag:s4] =	dma.local [hbm:s3], $0xF7A  }
0x26: {  	[smem:$0x3F99] =	sst s1;
	(tag) =	ssettag s2;
	_ =	strace s9  }
0x27: {  	s1 =	sld [smem:$0x3FA9]  }
0x28: {  	s2 =	sld [smem:$0x3FAA]  }
0x29: {  	s4 =	sld [smem:$0x3FAC]  }
0x2a: {  	p0 =	seq.s32 s5, $0x0;
	s5 =	sld [smem:$0x3FAD]  }
0x2b: {  	s6 =	sld [smem:$0x3FAE]  }
0x2c: {  	s7 =	sld [smem:$0x3FAF]  }
0x2d: {  	s3 =	simm.s32 $0x108;
	s8 =	sld [smem:$0x3FB0]  }
0x2e: {  	s3 =	simm.s32 @!p0 $0x1082;
	s9 =	sld [smem:$0x3FB1]  }
0x2f: {  	lr =	sadd.s32 s0, s3;
	s0 =	sld [smem:$0x3FA8]  }
0x30: {  	s3 =	sld [smem:$0x3FAB]  }
0x31: {  	[smem:$0x3FB4] =	sst s10  }
0x32: {  	s10 =	sld [smem:$0x3FB2];
	_ =	sdelay $0x3  }
0x33: {  	p0 =	seq.s32 s10, $0x1;
	s10 =	sld [smem:$0x3FB4];
	_ =	sdelay $0x3  }
0x34: {  	[smem:$0x3FB4] =	sst s10  }
0x35: {  	s10 =	sld [smem:$0x3FB3];
	_ =	sdelay $0x3  }
0x36: {  	p1 =	seq.s32 s10, $0x1;
	s10 =	sld [smem:$0x3FB4];
	_ =	sdelay $0x3  }
0x37: {  	[smem:$0x3FB4] =	sst s10  }
0x38: {  	s10 =	sld [smem:$0x3FB5]  }
0x39: {  	_ = 	snop;
	(pc) =	sbr.ind lr, $3  }
0x3a: {  	_ = 	snop  }
0x3b: {  	_ = 	snop  }
0x3c: {  	p2 =	seq.s32 s10, $0x1;
	s10 =	sld [smem:$0x3FB4]  }
0x3d: {  	_ =	shalt  }
0x3e: {  	_ =	shalt  }
0x3f: {  	_ =	shalt  }
0x40: {  	_ =	shalt  }
0x41: {  	_ =	shalt  }
0x42: {  	_ =	shalt  }
0x43: {  	_ =	shalt  }
0x44: {  	_ =	shalt  }
0x45: {  	_ =	shalt  }
0x46: {  	_ =	shalt  }
0x47: {  	_ =	shalt  }
0x48: {  	_ =	shalt  }
0x49: {  	_ =	shalt  }
0x4a: {  	_ =	shalt  }
0x4b: {  	_ =	shalt  }
0x4c: {  	_ =	shalt  }
0x4d: {  	_ =	shalt  }
0x4e: {  	_ =	shalt  }
0x4f: {  	_ =	shalt  }
0x50: {  	_ =	shalt  }
0x51: {  	_ =	shalt  }
0x52: {  	_ =	shalt  }
0x53: {  	_ =	shalt  }
0x54: {  	_ =	shalt  }
0x55: {  	_ =	shalt  }
0x56: {  	_ =	shalt  }
0x57: {  	_ =	shalt  }
0x58: {  	_ =	shalt  }
0x59: {  	_ =	shalt  }
0x5a: {  	_ =	shalt  }
0x5b: {  	_ =	shalt  }
0x5c: {  	_ =	shalt  }
0x5d: {  	_ =	shalt  }
0x5e: {  	_ =	shalt  }
0x5f: {  	_ =	shalt  }
0x60: {  	_ =	shalt  }
0x61: {  	_ =	shalt  }
0x62: {  	_ =	shalt  }
0x63: {  	_ =	shalt  }
0x64: {  	_ =	shalt  }
0x65: {  	_ =	shalt  }
0x66: {  	_ =	shalt  }
0x67: {  	_ =	shalt  }
0x68: {  	_ =	shalt  }
0x69: {  	_ =	shalt  }
0x6a: {  	_ =	shalt  }
0x6b: {  	_ =	shalt  }
0x6c: {  	_ =	shalt  }
0x6d: {  	_ =	shalt  }
0x6e: {  	_ =	shalt  }
0x6f: {  	_ =	shalt  }
0x70: {  	_ =	shalt  }
0x71: {  	_ =	shalt  }
0x72: {  	_ =	shalt  }
0x73: {  	_ =	shalt  }
0x74: {  	_ =	shalt  }
0x75: {  	_ =	shalt  }
0x76: {  	_ =	shalt  }
0x77: {  	_ =	shalt  }
0x78: {  	_ =	shalt  }
0x79: {  	_ =	shalt  }
0x7a: {  	_ =	shalt  }
0x7b: {  	_ =	shalt  }
0x7c: {  	_ =	shalt  }
0x7d: {  	_ =	shalt  }
0x7e: {  	_ =	shalt  }
0x7f: {  	_ =	shalt  }
0x80: {  	_ =	shalt  }
0x81: {  	_ =	shalt  }
0x82: {  	_ =	shalt  }
0x83: {  	_ =	shalt  }
0x84: {  	_ =	shalt  }
0x85: {  	_ =	shalt  }
0x86: {  	_ =	shalt  }
0x87: {  	_ =	shalt  }
.Lfunc_end0:
.L_simem_size_0:
called_computation.6_lowered:
.L_overlay_start_0:
0x88: {  	s2 =	sld [smem:$0x3FD9]  }
0x89: {  	s3 =	sld [smem:$0x3FFE];
	_ =	sdelay $0x1  }
0x8a: {  	s1 =	srdreg.scid  }
0x8b: {  	s0 =	sand.u32 $0x1, s1  }
0x8c: {  	s16 =	sshll.u32 s0, $0xA;
	s2 =	sadd.s32 s3, s2  }
0x8d: {  	s2 =	sadd.s32 s2, s16  }
0x8e: {  	[smem:$0x3FC0] =	sst s2  }
0x8f: {  	_ = 	snop  }
0x90: {  	(tm) =	ssettm $0x1  }
0x91: {  	s17 =	sld [smem:$0x3FFB];
	_ =	sdelay $0x3  }
0x92: {  	_ =	strace s17  }
0x93: {  	s2 =	sld [smem:$0x3FFC];
	_ =	sdelay $0x3  }
0x94: {  	_ =	strace s2  }
0x95: {  	s2 =	sld [smem:$0x3FFD];
	_ =	sdelay $0x3  }
0x96: {  	_ =	strace s2  }
0x97: {  	_ =	strace $0x8FFFFFFF  }
0x98: {  	s18 =	sld [smem:$0x3FDB];
	_ =	sdelay $0x1  }
0x99: {  	s19 =	simm.s32 $_scs_section_size  }
0x9a: {  	s4 =	simm.s32 $_size__tile_overlayer_lowered;
	s5 =	simm.s32 $_tile_overlayer_lowered  }
0x9b: {  	s22 =	simm.s32 $0x1BFF;
	s21 =	sshll.u32 s5, $0x1;
	s2 =	sadd.s32 s19, s18  }
0x9c: {  	s6 =	simm.s32 $0x0;
	s20 =	sshll.u32 s4, $0x1;
	s4 =	sadd.s32 s21, s2  }
0x9d: {  	[timem:s6], [sflag:s22] =	dma.local [hbm:s4], s20  }
0x9e: {  	_ =	swait.ge [sflag:s22], s20  }
0x9f: {  	s3 =	ssub.s32 $0x0, s20;
	[sflag:s22] =	ssyncset.done $0x0  }
0xa0: {  	[sflag:s22] =	ssyncadd.s32 s3;
	_ =	sdelay $0x1  }
0xa1: {  	s23 =	simm.s32 $0x1B8B  }
0xa2: {  	_ =	swait.ge [sflag:s23], $0x1  }
0xa3: {  	[sflag:s23] =	ssyncset.done $0x0  }
0xa4: {  	s25 =	simm.s32 $0x1B8E;
	s24 =	sld [smem:$0x3FFE];
	[sflag:s23] =	ssyncadd.s32 $0xFFFFFFFF  }
0xa5: {  	s26 =	simm.s32 $execute0_lowered;
	[smem:$0x3FD2] =	sst s25  }
0xa6: {  	s4 =	sshll.u32 s26, $0x1;
	_ =	strace $0x80000058;
	[dreg:$0x1] =	wrdreg $0xFFFFFFFF  }
0xa7: {  	s28 =	simm.s32 $_size_execute0_lowered;
	s2 =	sadd.s32 s2, s4;
	[dreg:$0x0] =	wrdreg $0x0  }
0xa8: {  	s4 =	sshll.u32 s28, $0x1;
	[dreg:$0x2] =	wrdreg s2  }
0xa9: {  	[dreg:$0x3] =	wrdreg s4  }
0xaa: {  	[dreg:$0x4] =	wrdreg $0xC0  }
0xab: {  	_ =	task [dreg:s6], $0x5FFFF  }
0xac: {  	[dreg:$0x1] =	wrdreg $0xFFFFFFFF  }
0xad: {  	[dreg:$0x0] =	wrdreg $0x60  }
0xae: {  	[dreg:$0x2] =	wrdreg s24  }
0xaf: {  	[dreg:$0x3] =	wrdreg $0xA8000  }
0xb0: {  	[dreg:$0x4] =	wrdreg $0x9  }
0xb1: {  	_ =	task.clear_ibuf [dreg:s6], $0x5FFFF;
	_ =	strace $0x90000058  }
0xb2: {  	s29 =	simm.s32 $0x9;
	_ =	strace $0x8000005A  }
0xb3: {  	_ =	swait.ge [sflag:s29], $0x1  }
0xb4: {  	[sflag:s29] =	ssyncadd.s32 $0xFFFFFFFF  }
0xb5: {  	_ =	strace $0x9000005A  }
0xb6: {  	_ =	sfence  }
0xb7: {  	s30 =	sld [smem:$0x0];
	_ =	sdelay $0x2  }
0xb8: {  	s31 =	sshll.u32 s1, $0xD;
	s1 =	sshrl.u32 s1, $0x2  }
0xb9: {  	s3 =	sand.u32 $0x4000, s31;
	s1 =	sadd.s32 s1, s30  }
0xba: {  	s0 =	sor.u32 s3, s0;
	s1 =	sshll.u32 s1, $0x11  }
0xbb: {  	s0 =	sor.u32 s1, s0  }
0xbc: {  	s0 =	sadd.s32 $0x8F2B, s0  }
0xbd: {  	[sflag:s0] =	ssyncadd.remote.s32 $0x1  }
0xbe: {  	_ =	sfence.sel $0xFFFF  }
0xbf: {  	[dreg:$0x0] =	wrdreg $0xFFFFFFFF;
	(pc) =	sbr.abs _section_cstart, $3  }
0xc0: {  	[dreg:$0x1] =	wrdreg $0xFFFFFFFF  }
0xc1: {  	_ =	task.clear_ibuf [dreg:s6], $0x2FFFF;
	_ =	strace $0x9FFFFFFF  }
0xc2: {  	(tm) =	ssettm $0x7FFFFFFF  }
0xc3: {  	_ =	shalt  }
tec
execute0_lowered:
.L_overlay_start_1:
0x0: {  	(tag) =	ssettag $0x1  }
0x1: {  	s8 =	rddreg [dreg:$0x0]  }
0x2: {  	s2 =	rddreg [dreg:$0x1]  }
0x3: {  	s0 =	rddreg [dreg:$0x2];
	s3 =	simm.s32 $0x0  }
0x4: {  	s1 =	stileid.u32;
	s5 =	srdreg.scid;
	s15 =	simm.s32 $0x3  }
0x5: {  	s16 =	simm.s32 $0x1400;
	s19 =	simm.s32 $0x80;
	s20 =	simm.s32 $0x2800  }
0x6: {  	s21 =	simm.s32 $0x6800;
	s22 =	simm.s32 $0x1;
	s23 =	simm.s32 $0x2  }
0x7: {  	s24 =	simm.s32 $0x2700;
	s25 =	simm.s32 $0x2780;
	s4 =	smul.u32 $0x2800, s1  }
0x8: {  	s26 =	simm.s32 $0x0;
	[smem:$0x7FF] =	sst s3;
	s7 =	smul.u32 $0x280, s1  }
0x9: {  	s11 =	sand.u32 $0x1, s5;
	s5 =	sadd.s32 $0x6400, s8;
	s6 =	sadd.s32 $0x2E400, s8  }
0xa: {  	s14 =	smul.u32 $0x50000, s1;
	_ =	strace $0x80000059;
	s9 =	ssub.s32 $0x2, s11  }
0xb: {  	p0 =	seq.s32 s11, $0x1;
	s12 =	sadd.s32 s4, s8;
	s10 =	sadd.s32 s7, s8  }
.Ltmp0:
0xc: {  	s13 =	sshrl.u32 s9, $0x1;
	s7 =	sadd.s32 $0xD9000, s8;
	(pc) =	sbr.rel .LBB2_1-.Ltmp0, $4  }
0xd: {  	s8 =	sadd.s32 $0x101000, s8;
	s14 =	sshrl.u32 s14, $0x2;
	s13 =	ssub.s32 s9, s13  }
0xe: {  	s9 =	sadd.s32 $0x5E800, s10;
	s10 =	sadd.s32 $0x5C000, s10;
	s18 =	sadd.s32 s14, s2  }
0xf: {  	s11 =	sadd.s32 $0x89000, s12;
	s12 =	sadd.s32 $0xB1000, s12;
	s14 =	sshll.u32 s1, $0x6  }
0x10: {  	s13 =	smax.u32 s13, $0x1;
	s17 =	sor.u32 $0x1C03, s14;
	s18 =	sshrl.u32 s18, $0x3  }
.LBB2_7:
0x11: {  	[tilespmem:s21], [sflag:$0x2] =	stream.indirect.gather [hbm4b:s6+s19], $0x80, s29, s19, $0xb8;
	[tilespmem:$0x1E800] =	vst v63  }
0x12: {  	s29 =	smov.u32 s8;
	s28 =	smov.u32 s17  }
.LBB2_8:
0x13: {  	_ =	swait.ge [sflag:s22], $0x4000  }
0x14: {  	[sflag:s22] =	ssyncset.done $0x0  }
0x15: {  	[sflag:s22] =	ssyncadd.s32 $0xFFFFC000  }
0x16: {  	[spmem:s2] =	stream.indirect.scatter.add.f32 [tilespmem:s20], [sflag:$0x3], $0x80, s24, s19, $0xb8;
	[tilespmem:$0x1E800] =	vst v63  }
0x17: {  	_ =	swait.ge [sflag:s15], $0x4000  }
0x18: {  	[sflag:s15] =	ssyncset.done $0x0  }
0x19: {  	[sflag:s15] =	ssyncadd.s32 $0xFFFFC000  }
0x1a: {  	_ =	swait.ge [sflag:s23], $0x4000  }
0x1b: {  	[sflag:s23] =	ssyncset.done $0x0  }
0x1c: {  	[sflag:s23] =	ssyncadd.s32 $0xFFFFC000  }
0x1d: {  	[spmem:s2] =	stream.indirect.scatter.add.f32 [tilespmem:s21], [sflag:$0x3], $0x80, s25, s19, $0xb8;
	[tilespmem:$0x1E800] =	vst v63  }
0x1e: {  	_ =	swait.ge [sflag:s15], $0x4000  }
0x1f: {  	s26 =	sadd.s32 $0x1, s26;
	[sflag:s15] =	ssyncset.done $0x0  }
0x20: {  	p1 =	sne.s32 s26, s13;
	[sflag:s15] =	ssyncadd.s32 $0xFFFFC000  }
.Ltmp1:
0x21: {  	s29 =	sadd.s32 s29, s4;
	[bflag:$0x0] =	sbarrier.arrive $0xFFFF;
	(pc) =	sbr.rel @!p1 .LBB2_9-.Ltmp1, $4  }
0x22: {  	[hbm:s29], [sflag:s28] =	dma.local [spmem:s18], $0x2800  }
0x23: {  	_ =	swait.ge [sflag:s15], $0x2800  }
0x24: {  	[sflag:s15] =	ssyncset.done $0x0  }
0x25: {  	[sflag:s15] =	ssyncadd.s32 $0xFFFFD800  }
.LBB2_1:
0x26: {  	[tilespmem:s3], [sflag:$0x3] =	stream.linear.gather [hbm4b:s9+s3], $0x1400, $0x38;
	[tilespmem:$0x1E800] =	vst v63  }
0x27: {  	_ =	swait.ge [sflag:s15], $0x1400  }
0x28: {  	[sflag:s15] =	ssyncset.done $0x0  }
.Ltmp2:
0x29: {  	[sflag:s15] =	ssyncadd.s32 $0xFFFFEC00;
	(pc) =	sbr.rel @!p0 .LBB2_2-.Ltmp2, $4  }
0x2a: {  	[tilespmem:s16], [sflag:$0x3] =	stream.linear.gather [hbm4b:s10+s3], $0x1400, $0x38;
	[tilespmem:$0x1E800] =	vst v63  }
0x2b: {  	_ =	swait.ge [sflag:s15], $0x1400  }
0x2c: {  	[sflag:s15] =	ssyncset.done $0x0  }
0x2d: {  	[sflag:s15] =	ssyncadd.s32 $0xFFFFEC00  }
0x2e: {  	[spmem:s18], [sflag:s17] =	dma.local [hbm:s12], $0x2800  }
0x2f: {  	_ =	swait.ge [sflag:s15], $0x2800  }
0x30: {  	[sflag:s15] =	ssyncset.done $0x0  }
0x31: {  	[sflag:s15] =	ssyncadd.s32 $0xFFFFD800  }
0x32: {  	s28 =	simm.s32 $0x0;
	[bflag:$0x0] =	sbarrier.arrive $0xFFFF  }
0x33: {  	[tilespmem:s20], [sflag:$0x1] =	stream.indirect.gather [hbm4b:s6+s19], $0x80, s28, s19, $0xb8;
	[tilespmem:$0x1E800] =	vst v63  }
0x34: {  	_ = 	snop  }
0x35: {  	[tilespmem:s21], [sflag:$0x2] =	stream.indirect.gather [hbm4b:s6+s19], $0x80, s19, s19, $0xb8;
	[tilespmem:$0x1E800] =	vst v63  }
0x36: {  	_ =	swait.ge [sflag:s22], $0x4000  }
0x37: {  	[sflag:s22] =	ssyncset.done $0x0  }
0x38: {  	s28 =	simm.s32 $0x1400;
	[sflag:s22] =	ssyncadd.s32 $0xFFFFC000  }
0x39: {  	[spmem:s2] =	stream.indirect.scatter.add.f32 [tilespmem:s20], [sflag:$0x3], $0x80, s28, s19, $0xb8;
	[tilespmem:$0x1E800] =	vst v63  }
0x3a: {  	_ =	swait.ge [sflag:s15], $0x4000  }
0x3b: {  	[sflag:s15] =	ssyncset.done $0x0  }
0x3c: {  	s28 =	simm.s32 $0x100;
	[sflag:s15] =	ssyncadd.s32 $0xFFFFC000  }
0x3d: {  	[tilespmem:s20], [sflag:$0x1] =	stream.indirect.gather [hbm4b:s6+s19], $0x80, s28, s19, $0xb8;
	[tilespmem:$0x1E800] =	vst v63  }
0x3e: {  	_ =	swait.ge [sflag:s23], $0x4000  }
0x3f: {  	[sflag:s23] =	ssyncset.done $0x0  }
0x40: {  	s28 =	simm.s32 $0x1480;
	[sflag:s23] =	ssyncadd.s32 $0xFFFFC000  }
0x41: {  	[spmem:s2] =	stream.indirect.scatter.add.f32 [tilespmem:s21], [sflag:$0x3], $0x80, s28, s19, $0xb8;
	[tilespmem:$0x1E800] =	vst v63  }
0x42: {  	_ =	swait.ge [sflag:s15], $0x4000  }
0x43: {  	[sflag:s15] =	ssyncset.done $0x0  }
0x44: {  	s29 =	simm.s32 $0x180;
	s28 =	simm.s32 $0x400;
	[sflag:s15] =	ssyncadd.s32 $0xFFFFC000  }
.LBB2_6:
0x45: {  	[tilespmem:s21], [sflag:$0x2] =	stream.indirect.gather [hbm4b:s6+s19], $0x80, s29, s19, $0xb8;
	[tilespmem:$0x1E800] =	vst v63  }
0x46: {  	s29 =	smov.u32 s28  }
0x47: {  	p1 =	sne.s32 s28, $0x4800;
	s28 =	sadd.s32 $0x400, s28;
	_ =	swait.ge [sflag:s22], $0x4000  }
0x48: {  	s29 =	sshra.s32 s29, $0x2;
	[sflag:s22] =	ssyncset.done $0x0  }
0x49: {  	s30 =	sadd.s32 $0x1400, s29;
	[sflag:s22] =	ssyncadd.s32 $0xFFFFC000  }
0x4a: {  	[spmem:s2] =	stream.indirect.scatter.add.f32 [tilespmem:s20], [sflag:$0x3], $0x80, s30, s19, $0xb8;
	[tilespmem:$0x1E800] =	vst v63  }
0x4b: {  	_ =	swait.ge [sflag:s15], $0x4000  }
0x4c: {  	[sflag:s15] =	ssyncset.done $0x0  }
0x4d: {  	s30 =	sadd.s32 $0x100, s29;
	[sflag:s15] =	ssyncadd.s32 $0xFFFFC000  }
0x4e: {  	[tilespmem:s20], [sflag:$0x1] =	stream.indirect.gather [hbm4b:s6+s19], $0x80, s30, s19, $0xb8;
	[tilespmem:$0x1E800] =	vst v63  }
0x4f: {  	_ =	swait.ge [sflag:s23], $0x4000  }
0x50: {  	[sflag:s23] =	ssyncset.done $0x0  }
.Ltmp3:
0x51: {  	s30 =	sadd.s32 $0x1480, s29;
	[sflag:s23] =	ssyncadd.s32 $0xFFFFC000;
	(pc) =	sbr.rel @p1 .LBB2_6-.Ltmp3, $4  }
0x52: {  	[spmem:s2] =	stream.indirect.scatter.add.f32 [tilespmem:s21], [sflag:$0x3], $0x80, s30, s19, $0xb8;
	[tilespmem:$0x1E800] =	vst v63  }
0x53: {  	_ =	swait.ge [sflag:s15], $0x4000  }
0x54: {  	[sflag:s15] =	ssyncset.done $0x0  }
0x55: {  	s29 =	sadd.s32 $0x180, s29;
	[sflag:s15] =	ssyncadd.s32 $0xFFFFC000  }
.Ltmp4:
0x56: {  	_ = 	snop;
	(pc) =	sbr.rel .LBB2_7-.Ltmp4, $1  }
0x57: {  	_ =	sdelay $0x3  }
.LBB2_2:
0x58: {  	s28 =	sor.u32 $0x1C03, s14  }
0x59: {  	[spmem:s18], [sflag:s28] =	dma.local [hbm:s11], $0x2800  }
0x5a: {  	_ =	swait.ge [sflag:s15], $0x2800  }
0x5b: {  	[sflag:s15] =	ssyncset.done $0x0  }
0x5c: {  	[sflag:s15] =	ssyncadd.s32 $0xFFFFD800  }
0x5d: {  	s29 =	simm.s32 $0x0;
	[bflag:$0x0] =	sbarrier.arrive $0xFFFF  }
0x5e: {  	[tilespmem:s20], [sflag:$0x1] =	stream.indirect.gather [hbm4b:s5+s19], $0x80, s29, s19, $0xb8;
	[tilespmem:$0x1E800] =	vst v63  }
0x5f: {  	_ = 	snop  }
0x60: {  	[tilespmem:s21], [sflag:$0x2] =	stream.indirect.gather [hbm4b:s5+s19], $0x80, s19, s19, $0xb8;
	[tilespmem:$0x1E800] =	vst v63  }
0x61: {  	_ =	swait.ge [sflag:s22], $0x4000  }
0x62: {  	[sflag:s22] =	ssyncset.done $0x0  }
0x63: {  	s29 =	simm.s32 $0x1400;
	[sflag:s22] =	ssyncadd.s32 $0xFFFFC000  }
0x64: {  	[spmem:s2] =	stream.indirect.scatter.add.f32 [tilespmem:s20], [sflag:$0x3], $0x80, s29, s19, $0xb8;
	[tilespmem:$0x1E800] =	vst v63  }
0x65: {  	_ =	swait.ge [sflag:s15], $0x4000  }
0x66: {  	[sflag:s15] =	ssyncset.done $0x0  }
0x67: {  	s29 =	simm.s32 $0x100;
	[sflag:s15] =	ssyncadd.s32 $0xFFFFC000  }
0x68: {  	[tilespmem:s20], [sflag:$0x1] =	stream.indirect.gather [hbm4b:s5+s19], $0x80, s29, s19, $0xb8;
	[tilespmem:$0x1E800] =	vst v63  }
0x69: {  	_ =	swait.ge [sflag:s23], $0x4000  }
0x6a: {  	[sflag:s23] =	ssyncset.done $0x0  }
0x6b: {  	s29 =	simm.s32 $0x1480;
	[sflag:s23] =	ssyncadd.s32 $0xFFFFC000  }
0x6c: {  	[spmem:s2] =	stream.indirect.scatter.add.f32 [tilespmem:s21], [sflag:$0x3], $0x80, s29, s19, $0xb8;
	[tilespmem:$0x1E800] =	vst v63  }
0x6d: {  	_ =	swait.ge [sflag:s15], $0x4000  }
0x6e: {  	[sflag:s15] =	ssyncset.done $0x0  }
0x6f: {  	s30 =	simm.s32 $0x180;
	s29 =	simm.s32 $0x400;
	[sflag:s15] =	ssyncadd.s32 $0xFFFFC000  }
.LBB2_3:
0x70: {  	[tilespmem:s21], [sflag:$0x2] =	stream.indirect.gather [hbm4b:s5+s19], $0x80, s30, s19, $0xb8;
	[tilespmem:$0x1E800] =	vst v63  }
0x71: {  	s30 =	smov.u32 s29  }
0x72: {  	p1 =	seq.s32 s29, $0x4800;
	s29 =	sadd.s32 $0x400, s29;
	_ =	swait.ge [sflag:s22], $0x4000  }
0x73: {  	s30 =	sshra.s32 s30, $0x2;
	[sflag:s22] =	ssyncset.done $0x0  }
0x74: {  	s31 =	sadd.s32 $0x1400, s30;
	[sflag:s22] =	ssyncadd.s32 $0xFFFFC000  }
0x75: {  	[spmem:s2] =	stream.indirect.scatter.add.f32 [tilespmem:s20], [sflag:$0x3], $0x80, s31, s19, $0xb8;
	[tilespmem:$0x1E800] =	vst v63  }
0x76: {  	_ =	swait.ge [sflag:s15], $0x4000  }
0x77: {  	[sflag:s15] =	ssyncset.done $0x0  }
0x78: {  	s31 =	sadd.s32 $0x100, s30;
	[sflag:s15] =	ssyncadd.s32 $0xFFFFC000  }
0x79: {  	[tilespmem:s20], [sflag:$0x1] =	stream.indirect.gather [hbm4b:s5+s19], $0x80, s31, s19, $0xb8;
	[tilespmem:$0x1E800] =	vst v63  }
0x7a: {  	_ =	swait.ge [sflag:s23], $0x4000  }
0x7b: {  	[sflag:s23] =	ssyncset.done $0x0  }
.Ltmp5:
0x7c: {  	s31 =	sadd.s32 $0x1480, s30;
	[sflag:s23] =	ssyncadd.s32 $0xFFFFC000;
	(pc) =	sbr.rel @!p1 .LBB2_3-.Ltmp5, $4  }
0x7d: {  	[spmem:s2] =	stream.indirect.scatter.add.f32 [tilespmem:s21], [sflag:$0x3], $0x80, s31, s19, $0xb8;
	[tilespmem:$0x1E800] =	vst v63  }
0x7e: {  	_ =	swait.ge [sflag:s15], $0x4000  }
0x7f: {  	[sflag:s15] =	ssyncset.done $0x0  }
0x80: {  	s30 =	sadd.s32 $0x180, s30;
	[sflag:s15] =	ssyncadd.s32 $0xFFFFC000  }
.Ltmp6:
0x81: {  	(pc) =	sbr.rel .LBB2_8-.Ltmp6, $3  }
0x82: {  	_ =	sdelay $0x1  }
0x83: {  	[tilespmem:s21], [sflag:$0x2] =	stream.indirect.gather [hbm4b:s5+s19], $0x80, s30, s19, $0xb8;
	[tilespmem:$0x1E800] =	vst v63  }
0x84: {  	s29 =	smov.u32 s7  }
.LBB2_9:
0x85: {  	_ =	sfence.sel $0x180000  }
0x86: {  	[bflag:$0x0] =	sbarrier.arrive $0xFFFF  }
0x87: {  	p0 =	sne.s32 s1, $0x0;
	_ =	strace $0x90000059  }
0x88: {  	s0 =	sadd.s32 @!p0 $0x100000, s0;
	[bflag:$0x2] =	sbarrier.arrive $0xFFFF  }
0x89: {  	[sflag:s0] =	ssyncadd.tile.s32 @!p0 $0x1;
	_ =	shalt  }
.Lfunc_end2:
_tile_overlayer_lowered:
.L_overlay_start_2:
0x8a: {  	(tag) =	ssettag $0x2  }
0x8b: {  	s0 =	rddreg [dreg:$0x0];
	s2 =	stileid.u32  }
0x8c: {  	s1 =	rddreg [dreg:$0x1];
	p0 =	sne.s32 s2, $0x0  }
0x8d: {  	s3 =	rddreg [dreg:$0x2];
	[bflag:$0x3] =	sbarrier.arrive $0xFFFF;
	s2 =	simm.s32 @!p0 $0x1C03  }
0x8e: {  	[timem:s3], [sflag:s2] =	dma.local @!p0 [hbm:s0], s1  }
0x8f: {  	s0 =	simm.s32 @!p0 $0x3  }
0x90: {  	_ =	swait.ge @!p0 [sflag:s0], s1  }
0x91: {  	s1 =	ssub.s32 @!p0 $0x0, s1;
	[sflag:s0] =	ssyncset.done @!p0 $0x0  }
0x92: {  	[sflag:s0] =	ssyncadd.s32 @!p0 s1  }
0x93: {  	[bflag:$0x3] =	sbarrier.arrive $0xFFFF  }
0x94: {  	_ =	shalt  }

</sc_bundles>
